<compile_context>
chip_gen: v7x
topology: tpu7x:2x2x1
jax: 0.10.2.dev20260603
libtpu: 0.0.44.dev20260713+nightly
codegen_flags: <defaults>
</compile_context>

<pallas_src>
import functools

import jax
import jax.numpy as jnp
from jax import lax
from jax.experimental import pallas as pl
from jax.experimental.pallas import tpu as pltpu
from jax.experimental.pallas import tpu_sc as plsc

N = 10000
NP = 10240
E = 320000
D = 128
H = 128
OUT = 40

NC = 2
NS = 16
NW = NC * NS
K = 128
C = 80
EP = NW * C * K
T = C // 2
RS = NP // NS
BN = 2048
GRID = NP // BN

_SC_MESH = plsc.VectorSubcoreMesh(core_axis_name="c", subcore_axis_name="s")

_BN_SCALE = 1.0 / (1.0 + 1e-5) ** 0.5


@functools.partial(
    pl.kernel,
    out_type=jax.ShapeDtypeStruct((NC, NP, 16), jnp.float32),
    mesh=_SC_MESH,
    scratch_types=[
        pltpu.VMEM((C, K), jnp.int32),
        pltpu.VMEM((K, 16), jnp.float32),
        pltpu.VMEM_SHARED((NP, 16), jnp.float32),
        pltpu.SemaphoreType.DMA,
    ],
)
def _deg_kernel(row_hbm, out_hbm, rowv, onev, deg_sh, sem):
    c = lax.axis_index("c")
    s = lax.axis_index("s")
    w = c * NS + s
    pltpu.sync_copy(row_hbm.at[w], rowv)

    zero = jnp.zeros((16,), jnp.float32)

    def _zb(i, carry):
        onev[i, :] = zero
        return carry

    lax.fori_loop(0, K, _zb, 0)
    for q in range(RS // K):
        pltpu.sync_copy(onev, deg_sh.at[pl.ds(s * RS + q * K, K)])

    one = jnp.full((16,), 1.0, jnp.float32)

    def _ob(i, carry):
        onev[i, :] = one
        return carry

    lax.fori_loop(0, K, _ob, 0)
    plsc.subcore_barrier()

    def _fire(j):
        pltpu.async_copy(onev, deg_sh.at[rowv.at[j]], sem, add=True)

    for j in range(8):
        _fire(j)

    def _body(j, carry):
        @pl.when(j + 8 < C)
        def _():
            _fire(j + 8)

        pltpu.make_async_copy(onev, deg_sh.at[rowv.at[0]], sem).wait()
        return carry

    lax.fori_loop(0, C, _body, 0)
    plsc.subcore_barrier()
    pltpu.sync_copy(deg_sh.at[pl.ds(s * RS, RS)],
                    out_hbm.at[c, pl.ds(s * RS, RS)])


@functools.partial(
    pl.kernel,
    out_type=jax.ShapeDtypeStruct((NC, NP, H), jnp.float32),
    mesh=_SC_MESH,
    scratch_types=[
        pltpu.VMEM((C, K), jnp.int32),
        pltpu.VMEM((4, K // 2), jnp.int32),
        pltpu.VMEM((4, K // 2), jnp.int32),
        pltpu.VMEM((2 * K, H), jnp.float32),
        pltpu.VMEM_SHARED((NP, H), jnp.float32),
        pltpu.SemaphoreType.DMA,
        pltpu.SemaphoreType.DMA,
    ],
)
def _agg_kernel(hs_hbm, pk_hbm, out_hbm, pkv, colb, rowb, buf, agg_sh,
                gsem, ssem):
    c = lax.axis_index("c")
    s = lax.axis_index("s")
    w = c * NS + s
    pltpu.sync_copy(pk_hbm.at[w], pkv)

    rs = s * RS

    @pl.when(c == 0)
    def _():
        pltpu.sync_copy(hs_hbm.at[pl.ds(rs, RS)], agg_sh.at[pl.ds(rs, RS)])

    @pl.when(c == 1)
    def _():
        zero = jnp.zeros((16,), jnp.float32)

        def _zb(i, carry):
            r = i // (H // 16)
            l = i % (H // 16)
            buf[r, pl.ds(l * 16, 16)] = zero
            return carry

        lax.fori_loop(0, 2 * K * (H // 16), _zb, 0)
        pltpu.sync_copy(buf, agg_sh.at[pl.ds(rs, 2 * K)])
        pltpu.sync_copy(buf, agg_sh.at[pl.ds(rs + 2 * K, 2 * K)])
        pltpu.sync_copy(buf.at[pl.ds(0, K)],
                        agg_sh.at[pl.ds(rs + 4 * K, K)])

    SUB = K // 2

    def _unpack(j, p):
        for u in range(2):
            for t in range(SUB // 16):
                v = pkv[j, pl.ds(u * SUB + t * 16, 16)]
                colb[2 * p + u, pl.ds(t * 16, 16)] = \
                    jnp.bitwise_and(v, 16383)
                rowb[2 * p + u, pl.ds(t * 16, 16)] = \
                    lax.shift_right_logical(v, 14)

    def _fire_gather(slot):
        pltpu.async_copy(hs_hbm.at[colb.at[slot]],
                         buf.at[pl.ds(slot * SUB, SUB)], gsem)

    def _fire_scatter(slot):
        pltpu.async_copy(buf.at[pl.ds(slot * SUB, SUB)],
                         agg_sh.at[rowb.at[slot]], ssem, add=True)

    def _wait_gather():
        pltpu.make_async_copy(hs_hbm.at[colb.at[0]],
                              buf.at[pl.ds(0, SUB)], gsem).wait()

    def _wait_scatter():
        pltpu.make_async_copy(buf.at[pl.ds(0, SUB)],
                              agg_sh.at[rowb.at[0]], ssem).wait()

    _unpack(0, 0)
    plsc.subcore_barrier()
    _fire_gather(0)
    _fire_gather(1)

    def _body(t, carry):
        j0 = 2 * t
        _wait_gather()
        _fire_scatter(0)
        _wait_gather()
        _fire_scatter(1)

        @pl.when(t >= 1)
        def _():
            _wait_scatter()
            _wait_scatter()

        _unpack(j0 + 1, 1)
        _fire_gather(2)
        _fire_gather(3)

        _wait_gather()
        _fire_scatter(2)
        _wait_gather()
        _fire_scatter(3)

        @pl.when(t + 1 < T)
        def _():
            _wait_scatter()
            _wait_scatter()
            _unpack(j0 + 2, 0)
            _fire_gather(0)
            _fire_gather(1)

        return carry

    lax.fori_loop(0, T, _body, 0)

    for _ in range(4):
        _wait_scatter()

    plsc.subcore_barrier()
    pltpu.sync_copy(agg_sh.at[pl.ds(rs, RS)], out_hbm.at[c, pl.ds(rs, RS)])


def _mm_body(x_ref, w_ref, h_ref):
    h_ref[...] = jnp.dot(x_ref[...], w_ref[...],
                         preferred_element_type=jnp.float32)


def _scale_body(h_ref, deg_ref, hs_ref):
    d = deg_ref[0, :, 0:1] + deg_ref[1, :, 0:1]
    dis = lax.rsqrt(1.0 + d)
    hs_ref[...] = h_ref[...] * dis


def _layer_body(p_ref, h_ref, deg_ref, u_ref, g_ref, b_ref, h2_ref, hs2_ref):
    d = deg_ref[0, :, 0:1] + deg_ref[1, :, 0:1]
    dis = lax.rsqrt(1.0 + d)
    agg = (p_ref[0] + p_ref[1]) * dis
    z = jnp.dot(agg, u_ref[...], preferred_element_type=jnp.float32)
    z = jnp.maximum(z, 0.0)
    z = z * (g_ref[...] * _BN_SCALE) + b_ref[...]
    z = jnp.tanh(z)
    h2 = z + h_ref[...]
    h2_ref[...] = h2
    hs2_ref[...] = h2 * dis


def _final_body(p_ref, h_ref, deg_ref, u_ref, g_ref, b_ref,
                w0, b0, w1, b1, w2, b2, w3, b3, y_ref):
    d = deg_ref[0, :, 0:1] + deg_ref[1, :, 0:1]
    dis = lax.rsqrt(1.0 + d)
    agg = (p_ref[0] + p_ref[1]) * dis
    z = jnp.dot(agg, u_ref[...], preferred_element_type=jnp.float32)
    z = jnp.maximum(z, 0.0)
    z = z * (g_ref[...] * _BN_SCALE) + b_ref[...]
    y = jnp.tanh(z) + h_ref[...]
    for wr, br in ((w0, b0), (w1, b1), (w2, b2)):
        y = jnp.dot(y, wr[...], preferred_element_type=jnp.float32) + br[...]
        y = jnp.maximum(y, 0.0)
    y_ref[...] = jnp.dot(y, w3[...], preferred_element_type=jnp.float32) \
        + b3[...]


def _full(shape):
    return pl.BlockSpec(shape, lambda i: (0,) * len(shape))


def _rows(shape):
    return pl.BlockSpec(shape, lambda i: (i,) + (0,) * (len(shape) - 1))


_mm_call = pl.pallas_call(
    _mm_body,
    grid=(GRID,),
    in_specs=[_rows((BN, D)), _full((D, H))],
    out_specs=_rows((BN, H)),
    out_shape=jax.ShapeDtypeStruct((NP, H), jnp.float32),
)

_scale_call = pl.pallas_call(
    _scale_body,
    grid=(GRID,),
    in_specs=[_rows((BN, H)), _rows((NC, BN, 16))],
    out_specs=_rows((BN, H)),
    out_shape=jax.ShapeDtypeStruct((NP, H), jnp.float32),
)

_layer_call = pl.pallas_call(
    _layer_body,
    grid=(GRID,),
    in_specs=[_rows((NC, BN, H)), _rows((BN, H)), _rows((NC, BN, 16)),
              _full((H, H)), _full((1, H)), _full((1, H))],
    out_specs=[_rows((BN, H)), _rows((BN, H))],
    out_shape=[jax.ShapeDtypeStruct((NP, H), jnp.float32),
               jax.ShapeDtypeStruct((NP, H), jnp.float32)],
)

_final_call = pl.pallas_call(
    _final_body,
    grid=(GRID,),
    in_specs=[_rows((NC, BN, H)), _rows((BN, H)), _rows((NC, BN, 16)),
              _full((H, H)), _full((1, H)), _full((1, H)),
              _full((H, H)), _full((1, H)), _full((H, H)),
              _full((1, H)), _full((H, H)), _full((1, H)), _full((H, OUT)),
              _full((1, OUT))],
    out_specs=_rows((BN, OUT)),
    out_shape=jax.ShapeDtypeStruct((NP, OUT), jnp.float32),
)


def kernel(x, edge_index, W0, U1_W, bn1_g, bn1_b, U2_W, bn2_g, bn2_b,
           U3_W, bn3_g, bn3_b, ro_W0, ro_b0, ro_W1, ro_b1, ro_W2, ro_b2,
           ro_W3, ro_b3):
    pad_idx = N + (jnp.arange(EP - E, dtype=jnp.int32) % (NP - N))
    rowp = jnp.concatenate([edge_index[0], pad_idx])
    colp = jnp.concatenate([edge_index[1], pad_idx])
    row4 = rowp.reshape(NW, C, K)
    pk4 = (rowp * 16384 + colp).reshape(NW, C, K)
    xp = jnp.pad(x, ((0, NP - N), (0, 0)))

    deg = _deg_kernel(row4)
    h = _mm_call(xp, W0)
    hs = _scale_call(h, deg)
    for u_w, g, b in ((U1_W, bn1_g, bn1_b), (U2_W, bn2_g, bn2_b)):
        p = _agg_kernel(hs, pk4)
        h, hs = _layer_call(p, h, deg, u_w, g.reshape(1, H), b.reshape(1, H))

    p = _agg_kernel(hs, pk4)
    y = _final_call(p, h, deg, U3_W, bn3_g.reshape(1, H), bn3_b.reshape(1, H),
                    ro_W0, ro_b0.reshape(1, H), ro_W1, ro_b1.reshape(1, H),
                    ro_W2, ro_b2.reshape(1, H), ro_W3, ro_b3.reshape(1, OUT))
    return y[:N]

# --- scband reference (transcript-rebuilt; emitter-appended) ---
"""Pipeline reference for scband-gcn-reg-class-51994874085710 (READ-ONLY COPY).

The authoritative reference and input builder live on the scoring server;
editing this copy changes nothing except your own understanding.
"""

import jax, jax.numpy as jnp
import numpy as np

N = 10000
E = 320000
D = 128
H = 128
OUT = 40


def setup_inputs(seed: int = 0) -> dict:
    key = jax.random.key(seed)
    ks = jax.random.split(key, 32)
    inp = {}
    inp["x"] = jax.random.normal(ks[0], (N, D), dtype=jnp.float32)
    inp["edge_index"] = jax.random.randint(ks[1], (2, E), 0, N, dtype=jnp.int32)
    # U0: Linear(input_dim, node_dim, bias=False) stored as (in, out)
    inp["W0"] = jax.random.normal(ks[2], (D, H), dtype=jnp.float32) * 0.05
    # 3 conv layers: U (node_dim->node_dim, no bias), batchnorm affine (gamma, beta)
    for i in range(1, 4):
        inp[f"U{i}_W"] = jax.random.normal(ks[2 + i], (H, H), dtype=jnp.float32) * 0.05
        inp[f"bn{i}_g"] = jnp.ones((H,), dtype=jnp.float32)
        inp[f"bn{i}_b"] = jnp.zeros((H,), dtype=jnp.float32)
    # MLPReadout: Linear(H,H), Linear(H,H), Linear(H,H), Linear(H,OUT), all with bias
    dims = [(H, H), (H, H), (H, H), (H, OUT)]
    for j, (di, do) in enumerate(dims):
        inp[f"ro_W{j}"] = jax.random.normal(ks[10 + 2 * j], (di, do), dtype=jnp.float32) * 0.05
        inp[f"ro_b{j}"] = jax.random.normal(ks[11 + 2 * j], (do,), dtype=jnp.float32) * 0.05
    return inp


def _gcn_forward(x, edge_index, W0, U1_W, bn1_g, bn1_b, U2_W, bn2_g, bn2_b,
                 U3_W, bn3_g, bn3_b, ro_W0, ro_b0, ro_W1, ro_b1, ro_W2, ro_b2, ro_W3, ro_b3):
    n = x.shape[0]
    self_loops = jnp.arange(n, dtype=edge_index.dtype)
    row = jnp.concatenate([edge_index[0], self_loops])
    col = jnp.concatenate([edge_index[1], self_loops])
    # degree = row-sum of (coalesced) adjacency with self loops; duplicates sum
    deg = jnp.zeros((n,), dtype=jnp.float32).at[row].add(1.0)
    deg_inv_sqrt = jnp.where(deg > 0, jnp.power(jnp.maximum(deg, 1e-12), -0.5), 0.0)
    vals = deg_inv_sqrt[row] * deg_inv_sqrt[col]

    h = x @ W0  # U0, no bias
    conv_params = [(U1_W, bn1_g, bn1_b), (U2_W, bn2_g, bn2_b), (U3_W, bn3_g, bn3_b)]
    for (Uw, g, b) in conv_params:
        h_in = h
        # diffusion @ h  == scatter-add of normalized neighbor features
        agg = jnp.zeros_like(h).at[row].add(vals[:, None] * h[col])
        z = agg @ Uw
        z = jax.nn.relu(z)
        # BatchNorm1d in eval mode: running_mean=0, running_var=1, eps=1e-5, affine gamma/beta
        z = z / jnp.sqrt(1.0 + 1e-5) * g + b
        z = jnp.tanh(z)
        h = z + h_in  # residual; dropout is identity in eval mode

    # node_classification: readout applied per node
    y = h
    for (Ww, bb) in [(ro_W0, ro_b0), (ro_W1, ro_b1), (ro_W2, ro_b2)]:
        y = jax.nn.relu(y @ Ww + bb)
    y = y @ ro_W3 + ro_b3
    return jnp.squeeze(y)


def reference(x, edge_index, W0, U1_W, bn1_g, bn1_b, U2_W, bn2_g, bn2_b,
              U3_W, bn3_g, bn3_b, ro_W0, ro_b0, ro_W1, ro_b1, ro_W2, ro_b2, ro_W3, ro_b3):
    return _gcn_forward(x, edge_index, W0, U1_W, bn1_g, bn1_b, U2_W, bn2_g, bn2_b,
                        U3_W, bn3_g, bn3_b, ro_W0, ro_b0, ro_W1, ro_b1, ro_W2, ro_b2, ro_W3, ro_b3)

if __name__ == "__main__":
    import jax
    _d = setup_inputs()
    print(jax.jit(kernel)(*tuple(_d.values())))

</pallas_src>

<mosaic_0001>
#map = affine_map<(d0, d1) -> (0, 0, 0)>
module attributes {stable_mosaic.version = 14 : i64} {
  func.func @_deg_kernel(%arg0: i32, %arg1: i32, %arg2: memref<32x80x128xi32, #tpu.memory_space<hbm>>, %arg3: memref<2x10240x16xf32, #tpu.memory_space<hbm>>, %arg4: memref<80x128xi32, #tpu.memory_space<vmem>>, %arg5: memref<128x16xf32, #tpu.memory_space<vmem>>, %arg6: memref<10240x16xf32, #tpu.memory_space<vmem_shared>>, %arg7: memref<!tpu.dma_semaphore, #tpu.memory_space<semaphore_mem>>) attributes {dimension_semantics = [#tpu.dimension_semantics<core_parallel>, #tpu.dimension_semantics<subcore_parallel>], iteration_bounds = array<i64: 2, 16>, scalar_prefetch = 0 : i64, scratch_operands = 4 : i64, tpu.core_type = #tpu.core_type<sc_vector_subcore>, window_params = [{transform_indices = #map}, {transform_indices = #map}]} {
    %mul3A = arith.constant 16 : i32
    %mul3A_0 = arith.muli %arg0, %mul3A : i32
    %add3A = arith.addi %mul3A_0, %arg1 : i32
    "tpu.region"() ({
      %run_scoped3A = tpu.sem_alloc : memref<!tpu.dma_semaphore, #tpu.memory_space<semaphore_mem>>
      %dma_start3A_101 = arith.constant 0 : i32
      %dma_start3A_102 = arith.constant 0 : i32
      %dma_start3A_103 = tpu.memref_slice %arg2[%add3A, %dma_start3A_101, %dma_start3A_102] : memref<32x80x128xi32, #tpu.memory_space<hbm>> -> memref<1x80x128xi32, #tpu.memory_space<hbm>>
      %dma_start3A_104 = tpu.memref_squeeze %dma_start3A_103 : memref<1x80x128xi32, #tpu.memory_space<hbm>> -> memref<80x128xi32, #tpu.memory_space<hbm>>
      %dma_start3A_105 = arith.constant 0 : i32
      %dma_start3A_106 = arith.constant 0 : i32
      %dma_start3A_107 = tpu.memref_slice %arg2[%add3A, %dma_start3A_105, %dma_start3A_106] : memref<32x80x128xi32, #tpu.memory_space<hbm>> -> memref<1x80x128xi32, #tpu.memory_space<hbm>>
      %dma_start3A_108 = tpu.memref_squeeze %dma_start3A_107 : memref<1x80x128xi32, #tpu.memory_space<hbm>> -> memref<80x128xi32, #tpu.memory_space<hbm>>
      tpu.enqueue_dma source(%dma_start3A_108 : memref<80x128xi32, #tpu.memory_space<hbm>>) target(%arg4 : memref<80x128xi32, #tpu.memory_space<vmem>>) target_semaphore(%run_scoped3A : memref<!tpu.dma_semaphore, #tpu.memory_space<semaphore_mem>>)
      %dma_wait3A = arith.constant 0 : i32
      %dma_wait3A_109 = arith.constant 0 : i32
      %dma_wait3A_110 = tpu.memref_slice %arg2[%add3A, %dma_wait3A, %dma_wait3A_109] : memref<32x80x128xi32, #tpu.memory_space<hbm>> -> memref<1x80x128xi32, #tpu.memory_space<hbm>>
      %dma_wait3A_111 = tpu.memref_squeeze %dma_wait3A_110 : memref<1x80x128xi32, #tpu.memory_space<hbm>> -> memref<80x128xi32, #tpu.memory_space<hbm>>
      %dma_wait3A_112 = arith.constant 0 : i32
      %dma_wait3A_113 = arith.constant 0 : i32
      %dma_wait3A_114 = tpu.memref_slice %arg2[%add3A, %dma_wait3A_112, %dma_wait3A_113] : memref<32x80x128xi32, #tpu.memory_space<hbm>> -> memref<1x80x128xi32, #tpu.memory_space<hbm>>
      %dma_wait3A_115 = tpu.memref_squeeze %dma_wait3A_114 : memref<1x80x128xi32, #tpu.memory_space<hbm>> -> memref<80x128xi32, #tpu.memory_space<hbm>>
      tpu.wait_dma2 semaphore(%run_scoped3A : memref<!tpu.dma_semaphore, #tpu.memory_space<semaphore_mem>>) src(%dma_wait3A_115 : memref<80x128xi32, #tpu.memory_space<hbm>>) dst(%arg4 : memref<80x128xi32, #tpu.memory_space<vmem>>)
      tpu.yield
    }) : () -> ()
    %broadcast_in_dim3A = arith.constant 0.000000e+00 : f32
    %broadcast_in_dim3A_1 = vector.broadcast %broadcast_in_dim3A : f32 to vector<16xf32>
    %scan3A = arith.constant 0 : i32
    %scan3A_2 = arith.constant 0 : i32
    %scan3A_3 = arith.constant 128 : i32
    %scan3A_4 = arith.addi %scan3A_2, %scan3A_3 : i32
    %scan3A_5 = arith.constant 1 : i32
    scf.for %scan3A_101 = %scan3A_2 to %scan3A_4 step %scan3A_5  : i32 {
      %swap3A = arith.index_cast %scan3A_101 : i32 to index
      %swap3A_102 = arith.constant 0 : index
      %swap3A_103 = tpu.vector_load %arg5[%swap3A, %swap3A_102] {strides = array<i32>} : memref<128x16xf32, #tpu.memory_space<vmem>>, vector<1x16xf32>,
      %swap3A_104 = vector.shape_cast %swap3A_103 : vector<1x16xf32> to vector<16xf32>
      %swap3A_105 = vector.shape_cast %broadcast_in_dim3A_1 : vector<16xf32> to vector<1x16xf32>
      tpu.vector_store %arg5[%swap3A, %swap3A_102], %swap3A_105 {strides = array<i32>} : memref<128x16xf32, #tpu.memory_space<vmem>>, vector<1x16xf32>,
    }
    %scan3A_6 = arith.constant 128 : i32
    %mul3A_7 = arith.constant 640 : i32
    %mul3A_8 = arith.muli %arg1, %mul3A_7 : i32
    %add3A_9 = arith.constant 0 : i32
    %add3A_10 = arith.addi %mul3A_8, %add3A_9 : i32
    "tpu.region"() ({
      %run_scoped3A = tpu.sem_alloc : memref<!tpu.dma_semaphore, #tpu.memory_space<semaphore_mem>>
      %dma_start3A_101 = arith.constant 0 : i32
      %dma_start3A_102 = tpu.memref_slice %arg6[%add3A_10, %dma_start3A_101] : memref<10240x16xf32, #tpu.memory_space<vmem_shared>> -> memref<128x16xf32, #tpu.memory_space<vmem_shared>>
      %dma_start3A_103 = arith.constant 0 : i32
      %dma_start3A_104 = tpu.memref_slice %arg6[%add3A_10, %dma_start3A_103] : memref<10240x16xf32, #tpu.memory_space<vmem_shared>> -> memref<128x16xf32, #tpu.memory_space<vmem_shared>>
      tpu.enqueue_dma source(%arg5 : memref<128x16xf32, #tpu.memory_space<vmem>>) target(%dma_start3A_104 : memref<128x16xf32, #tpu.memory_space<vmem_shared>>) target_semaphore(%run_scoped3A : memref<!tpu.dma_semaphore, #tpu.memory_space<semaphore_mem>>)
      %dma_wait3A = arith.constant 0 : i32
      %dma_wait3A_105 = tpu.memref_slice %arg6[%add3A_10, %dma_wait3A] : memref<10240x16xf32, #tpu.memory_space<vmem_shared>> -> memref<128x16xf32, #tpu.memory_space<vmem_shared>>
      %dma_wait3A_106 = arith.constant 0 : i32
      %dma_wait3A_107 = tpu.memref_slice %arg6[%add3A_10, %dma_wait3A_106] : memref<10240x16xf32, #tpu.memory_space<vmem_shared>> -> memref<128x16xf32, #tpu.memory_space<vmem_shared>>
      tpu.wait_dma2 semaphore(%run_scoped3A : memref<!tpu.dma_semaphore, #tpu.memory_space<semaphore_mem>>) src(%arg5 : memref<128x16xf32, #tpu.memory_space<vmem>>) dst(%dma_wait3A_107 : memref<128x16xf32, #tpu.memory_space<vmem_shared>>)
      tpu.yield
    }) : () -> ()
    %mul3A_11 = arith.constant 640 : i32
    %mul3A_12 = arith.muli %arg1, %mul3A_11 : i32
    %add3A_13 = arith.constant 128 : i32
    %add3A_14 = arith.addi %mul3A_12, %add3A_13 : i32
    "tpu.region"() ({
      %run_scoped3A = tpu.sem_alloc : memref<!tpu.dma_semaphore, #tpu.memory_space<semaphore_mem>>
      %dma_start3A_101 = arith.constant 0 : i32
      %dma_start3A_102 = tpu.memref_slice %arg6[%add3A_14, %dma_start3A_101] : memref<10240x16xf32, #tpu.memory_space<vmem_shared>> -> memref<128x16xf32, #tpu.memory_space<vmem_shared>>
      %dma_start3A_103 = arith.constant 0 : i32
      %dma_start3A_104 = tpu.memref_slice %arg6[%add3A_14, %dma_start3A_103] : memref<10240x16xf32, #tpu.memory_space<vmem_shared>> -> memref<128x16xf32, #tpu.memory_space<vmem_shared>>
      tpu.enqueue_dma source(%arg5 : memref<128x16xf32, #tpu.memory_space<vmem>>) target(%dma_start3A_104 : memref<128x16xf32, #tpu.memory_space<vmem_shared>>) target_semaphore(%run_scoped3A : memref<!tpu.dma_semaphore, #tpu.memory_space<semaphore_mem>>)
      %dma_wait3A = arith.constant 0 : i32
      %dma_wait3A_105 = tpu.memref_slice %arg6[%add3A_14, %dma_wait3A] : memref<10240x16xf32, #tpu.memory_space<vmem_shared>> -> memref<128x16xf32, #tpu.memory_space<vmem_shared>>
      %dma_wait3A_106 = arith.constant 0 : i32
      %dma_wait3A_107 = tpu.memref_slice %arg6[%add3A_14, %dma_wait3A_106] : memref<10240x16xf32, #tpu.memory_space<vmem_shared>> -> memref<128x16xf32, #tpu.memory_space<vmem_shared>>
      tpu.wait_dma2 semaphore(%run_scoped3A : memref<!tpu.dma_semaphore, #tpu.memory_space<semaphore_mem>>) src(%arg5 : memref<128x16xf32, #tpu.memory_space<vmem>>) dst(%dma_wait3A_107 : memref<128x16xf32, #tpu.memory_space<vmem_shared>>)
      tpu.yield
    }) : () -> ()
    %mul3A_15 = arith.constant 640 : i32
    %mul3A_16 = arith.muli %arg1, %mul3A_15 : i32
    %add3A_17 = arith.constant 256 : i32
    %add3A_18 = arith.addi %mul3A_16, %add3A_17 : i32
    "tpu.region"() ({
      %run_scoped3A = tpu.sem_alloc : memref<!tpu.dma_semaphore, #tpu.memory_space<semaphore_mem>>
      %dma_start3A_101 = arith.constant 0 : i32
      %dma_start3A_102 = tpu.memref_slice %arg6[%add3A_18, %dma_start3A_101] : memref<10240x16xf32, #tpu.memory_space<vmem_shared>> -> memref<128x16xf32, #tpu.memory_space<vmem_shared>>
      %dma_start3A_103 = arith.constant 0 : i32
      %dma_start3A_104 = tpu.memref_slice %arg6[%add3A_18, %dma_start3A_103] : memref<10240x16xf32, #tpu.memory_space<vmem_shared>> -> memref<128x16xf32, #tpu.memory_space<vmem_shared>>
      tpu.enqueue_dma source(%arg5 : memref<128x16xf32, #tpu.memory_space<vmem>>) target(%dma_start3A_104 : memref<128x16xf32, #tpu.memory_space<vmem_shared>>) target_semaphore(%run_scoped3A : memref<!tpu.dma_semaphore, #tpu.memory_space<semaphore_mem>>)
      %dma_wait3A = arith.constant 0 : i32
      %dma_wait3A_105 = tpu.memref_slice %arg6[%add3A_18, %dma_wait3A] : memref<10240x16xf32, #tpu.memory_space<vmem_shared>> -> memref<128x16xf32, #tpu.memory_space<vmem_shared>>
      %dma_wait3A_106 = arith.constant 0 : i32
      %dma_wait3A_107 = tpu.memref_slice %arg6[%add3A_18, %dma_wait3A_106] : memref<10240x16xf32, #tpu.memory_space<vmem_shared>> -> memref<128x16xf32, #tpu.memory_space<vmem_shared>>
      tpu.wait_dma2 semaphore(%run_scoped3A : memref<!tpu.dma_semaphore, #tpu.memory_space<semaphore_mem>>) src(%arg5 : memref<128x16xf32, #tpu.memory_space<vmem>>) dst(%dma_wait3A_107 : memref<128x16xf32, #tpu.memory_space<vmem_shared>>)
      tpu.yield
    }) : () -> ()
    %mul3A_19 = arith.constant 640 : i32
    %mul3A_20 = arith.muli %arg1, %mul3A_19 : i32
    %add3A_21 = arith.constant 384 : i32
    %add3A_22 = arith.addi %mul3A_20, %add3A_21 : i32
    "tpu.region"() ({
      %run_scoped3A = tpu.sem_alloc : memref<!tpu.dma_semaphore, #tpu.memory_space<semaphore_mem>>
      %dma_start3A_101 = arith.constant 0 : i32
      %dma_start3A_102 = tpu.memref_slice %arg6[%add3A_22, %dma_start3A_101] : memref<10240x16xf32, #tpu.memory_space<vmem_shared>> -> memref<128x16xf32, #tpu.memory_space<vmem_shared>>
      %dma_start3A_103 = arith.constant 0 : i32
      %dma_start3A_104 = tpu.memref_slice %arg6[%add3A_22, %dma_start3A_103] : memref<10240x16xf32, #tpu.memory_space<vmem_shared>> -> memref<128x16xf32, #tpu.memory_space<vmem_shared>>
      tpu.enqueue_dma source(%arg5 : memref<128x16xf32, #tpu.memory_space<vmem>>) target(%dma_start3A_104 : memref<128x16xf32, #tpu.memory_space<vmem_shared>>) target_semaphore(%run_scoped3A : memref<!tpu.dma_semaphore, #tpu.memory_space<semaphore_mem>>)
      %dma_wait3A = arith.constant 0 : i32
      %dma_wait3A_105 = tpu.memref_slice %arg6[%add3A_22, %dma_wait3A] : memref<10240x16xf32, #tpu.memory_space<vmem_shared>> -> memref<128x16xf32, #tpu.memory_space<vmem_shared>>
      %dma_wait3A_106 = arith.constant 0 : i32
      %dma_wait3A_107 = tpu.memref_slice %arg6[%add3A_22, %dma_wait3A_106] : memref<10240x16xf32, #tpu.memory_space<vmem_shared>> -> memref<128x16xf32, #tpu.memory_space<vmem_shared>>
      tpu.wait_dma2 semaphore(%run_scoped3A : memref<!tpu.dma_semaphore, #tpu.memory_space<semaphore_mem>>) src(%arg5 : memref<128x16xf32, #tpu.memory_space<vmem>>) dst(%dma_wait3A_107 : memref<128x16xf32, #tpu.memory_space<vmem_shared>>)
      tpu.yield
    }) : () -> ()
    %mul3A_23 = arith.constant 640 : i32
    %mul3A_24 = arith.muli %arg1, %mul3A_23 : i32
    %add3A_25 = arith.constant 512 : i32
    %add3A_26 = arith.addi %mul3A_24, %add3A_25 : i32
    "tpu.region"() ({
      %run_scoped3A = tpu.sem_alloc : memref<!tpu.dma_semaphore, #tpu.memory_space<semaphore_mem>>
      %dma_start3A_101 = arith.constant 0 : i32
      %dma_start3A_102 = tpu.memref_slice %arg6[%add3A_26, %dma_start3A_101] : memref<10240x16xf32, #tpu.memory_space<vmem_shared>> -> memref<128x16xf32, #tpu.memory_space<vmem_shared>>
      %dma_start3A_103 = arith.constant 0 : i32
      %dma_start3A_104 = tpu.memref_slice %arg6[%add3A_26, %dma_start3A_103] : memref<10240x16xf32, #tpu.memory_space<vmem_shared>> -> memref<128x16xf32, #tpu.memory_space<vmem_shared>>
      tpu.enqueue_dma source(%arg5 : memref<128x16xf32, #tpu.memory_space<vmem>>) target(%dma_start3A_104 : memref<128x16xf32, #tpu.memory_space<vmem_shared>>) target_semaphore(%run_scoped3A : memref<!tpu.dma_semaphore, #tpu.memory_space<semaphore_mem>>)
      %dma_wait3A = arith.constant 0 : i32
      %dma_wait3A_105 = tpu.memref_slice %arg6[%add3A_26, %dma_wait3A] : memref<10240x16xf32, #tpu.memory_space<vmem_shared>> -> memref<128x16xf32, #tpu.memory_space<vmem_shared>>
      %dma_wait3A_106 = arith.constant 0 : i32
      %dma_wait3A_107 = tpu.memref_slice %arg6[%add3A_26, %dma_wait3A_106] : memref<10240x16xf32, #tpu.memory_space<vmem_shared>> -> memref<128x16xf32, #tpu.memory_space<vmem_shared>>
      tpu.wait_dma2 semaphore(%run_scoped3A : memref<!tpu.dma_semaphore, #tpu.memory_space<semaphore_mem>>) src(%arg5 : memref<128x16xf32, #tpu.memory_space<vmem>>) dst(%dma_wait3A_107 : memref<128x16xf32, #tpu.memory_space<vmem_shared>>)
      tpu.yield
    }) : () -> ()
    %broadcast_in_dim3A_27 = arith.constant 1.000000e+00 : f32
    %broadcast_in_dim3A_28 = vector.broadcast %broadcast_in_dim3A_27 : f32 to vector<16xf32>
    %scan3A_29 = arith.constant 0 : i32
    %scan3A_30 = arith.constant 0 : i32
    %scan3A_31 = arith.constant 128 : i32
    %scan3A_32 = arith.addi %scan3A_30, %scan3A_31 : i32
    %scan3A_33 = arith.constant 1 : i32
    scf.for %scan3A_101 = %scan3A_30 to %scan3A_32 step %scan3A_33  : i32 {
      %swap3A = arith.index_cast %scan3A_101 : i32 to index
      %swap3A_102 = arith.constant 0 : index
      %swap3A_103 = tpu.vector_load %arg5[%swap3A, %swap3A_102] {strides = array<i32>} : memref<128x16xf32, #tpu.memory_space<vmem>>, vector<1x16xf32>,
      %swap3A_104 = vector.shape_cast %swap3A_103 : vector<1x16xf32> to vector<16xf32>
      %swap3A_105 = vector.shape_cast %broadcast_in_dim3A_28 : vector<16xf32> to vector<1x16xf32>
      tpu.vector_store %arg5[%swap3A, %swap3A_102], %swap3A_105 {strides = array<i32>} : memref<128x16xf32, #tpu.memory_space<vmem>>, vector<1x16xf32>,
    }
    %scan3A_34 = arith.constant 128 : i32
    %barrier3A = arith.constant 0 : index
    tpu.barrier barrier_id(%barrier3A)
    %dma_start3A = arith.constant 0 : i32
    %dma_start3A_35 = arith.constant 0 : i32
    %dma_start3A_36 = tpu.memref_slice %arg4[%dma_start3A, %dma_start3A_35] : memref<80x128xi32, #tpu.memory_space<vmem>> -> memref<1x128xi32, #tpu.memory_space<vmem>>
    %dma_start3A_37 = tpu.memref_squeeze %dma_start3A_36 : memref<1x128xi32, #tpu.memory_space<vmem>> -> memref<128xi32, #tpu.memory_space<vmem>>
    %dma_start3A_38 = arith.constant 0 : i32
    %dma_start3A_39 = arith.constant 0 : i32
    %dma_start3A_40 = tpu.memref_slice %arg6[%dma_start3A_38, %dma_start3A_39] : memref<10240x16xf32, #tpu.memory_space<vmem_shared>> -> memref<10240x16xf32, #tpu.memory_space<vmem_shared>>
    tpu.enqueue_indirect_dma source(%arg5 : memref<128x16xf32, #tpu.memory_space<vmem>>) target(%dma_start3A_40 : memref<10240x16xf32, #tpu.memory_space<vmem_shared>>) offsets(%dma_start3A_37 : memref<128xi32, #tpu.memory_space<vmem>>) semaphore(%arg7 : memref<!tpu.dma_semaphore, #tpu.memory_space<semaphore_mem>>) {add = true}
    %dma_start3A_41 = arith.constant 1 : i32
    %dma_start3A_42 = arith.constant 0 : i32
    %dma_start3A_43 = tpu.memref_slice %arg4[%dma_start3A_41, %dma_start3A_42] : memref<80x128xi32, #tpu.memory_space<vmem>> -> memref<1x128xi32, #tpu.memory_space<vmem>>
    %dma_start3A_44 = tpu.memref_squeeze %dma_start3A_43 : memref<1x128xi32, #tpu.memory_space<vmem>> -> memref<128xi32, #tpu.memory_space<vmem>>
    %dma_start3A_45 = arith.constant 0 : i32
    %dma_start3A_46 = arith.constant 0 : i32
    %dma_start3A_47 = tpu.memref_slice %arg6[%dma_start3A_45, %dma_start3A_46] : memref<10240x16xf32, #tpu.memory_space<vmem_shared>> -> memref<10240x16xf32, #tpu.memory_space<vmem_shared>>
    tpu.enqueue_indirect_dma source(%arg5 : memref<128x16xf32, #tpu.memory_space<vmem>>) target(%dma_start3A_47 : memref<10240x16xf32, #tpu.memory_space<vmem_shared>>) offsets(%dma_start3A_44 : memref<128xi32, #tpu.memory_space<vmem>>) semaphore(%arg7 : memref<!tpu.dma_semaphore, #tpu.memory_space<semaphore_mem>>) {add = true}
    %dma_start3A_48 = arith.constant 2 : i32
    %dma_start3A_49 = arith.constant 0 : i32
    %dma_start3A_50 = tpu.memref_slice %arg4[%dma_start3A_48, %dma_start3A_49] : memref<80x128xi32, #tpu.memory_space<vmem>> -> memref<1x128xi32, #tpu.memory_space<vmem>>
    %dma_start3A_51 = tpu.memref_squeeze %dma_start3A_50 : memref<1x128xi32, #tpu.memory_space<vmem>> -> memref<128xi32, #tpu.memory_space<vmem>>
    %dma_start3A_52 = arith.constant 0 : i32
    %dma_start3A_53 = arith.constant 0 : i32
    %dma_start3A_54 = tpu.memref_slice %arg6[%dma_start3A_52, %dma_start3A_53] : memref<10240x16xf32, #tpu.memory_space<vmem_shared>> -> memref<10240x16xf32, #tpu.memory_space<vmem_shared>>
    tpu.enqueue_indirect_dma source(%arg5 : memref<128x16xf32, #tpu.memory_space<vmem>>) target(%dma_start3A_54 : memref<10240x16xf32, #tpu.memory_space<vmem_shared>>) offsets(%dma_start3A_51 : memref<128xi32, #tpu.memory_space<vmem>>) semaphore(%arg7 : memref<!tpu.dma_semaphore, #tpu.memory_space<semaphore_mem>>) {add = true}
    %dma_start3A_55 = arith.constant 3 : i32
    %dma_start3A_56 = arith.constant 0 : i32
    %dma_start3A_57 = tpu.memref_slice %arg4[%dma_start3A_55, %dma_start3A_56] : memref<80x128xi32, #tpu.memory_space<vmem>> -> memref<1x128xi32, #tpu.memory_space<vmem>>
    %dma_start3A_58 = tpu.memref_squeeze %dma_start3A_57 : memref<1x128xi32, #tpu.memory_space<vmem>> -> memref<128xi32, #tpu.memory_space<vmem>>
    %dma_start3A_59 = arith.constant 0 : i32
    %dma_start3A_60 = arith.constant 0 : i32
    %dma_start3A_61 = tpu.memref_slice %arg6[%dma_start3A_59, %dma_start3A_60] : memref<10240x16xf32, #tpu.memory_space<vmem_shared>> -> memref<10240x16xf32, #tpu.memory_space<vmem_shared>>
    tpu.enqueue_indirect_dma source(%arg5 : memref<128x16xf32, #tpu.memory_space<vmem>>) target(%dma_start3A_61 : memref<10240x16xf32, #tpu.memory_space<vmem_shared>>) offsets(%dma_start3A_58 : memref<128xi32, #tpu.memory_space<vmem>>) semaphore(%arg7 : memref<!tpu.dma_semaphore, #tpu.memory_space<semaphore_mem>>) {add = true}
    %dma_start3A_62 = arith.constant 4 : i32
    %dma_start3A_63 = arith.constant 0 : i32
    %dma_start3A_64 = tpu.memref_slice %arg4[%dma_start3A_62, %dma_start3A_63] : memref<80x128xi32, #tpu.memory_space<vmem>> -> memref<1x128xi32, #tpu.memory_space<vmem>>
    %dma_start3A_65 = tpu.memref_squeeze %dma_start3A_64 : memref<1x128xi32, #tpu.memory_space<vmem>> -> memref<128xi32, #tpu.memory_space<vmem>>
    %dma_start3A_66 = arith.constant 0 : i32
    %dma_start3A_67 = arith.constant 0 : i32
    %dma_start3A_68 = tpu.memref_slice %arg6[%dma_start3A_66, %dma_start3A_67] : memref<10240x16xf32, #tpu.memory_space<vmem_shared>> -> memref<10240x16xf32, #tpu.memory_space<vmem_shared>>
    tpu.enqueue_indirect_dma source(%arg5 : memref<128x16xf32, #tpu.memory_space<vmem>>) target(%dma_start3A_68 : memref<10240x16xf32, #tpu.memory_space<vmem_shared>>) offsets(%dma_start3A_65 : memref<128xi32, #tpu.memory_space<vmem>>) semaphore(%arg7 : memref<!tpu.dma_semaphore, #tpu.memory_space<semaphore_mem>>) {add = true}
    %dma_start3A_69 = arith.constant 5 : i32
    %dma_start3A_70 = arith.constant 0 : i32
    %dma_start3A_71 = tpu.memref_slice %arg4[%dma_start3A_69, %dma_start3A_70] : memref<80x128xi32, #tpu.memory_space<vmem>> -> memref<1x128xi32, #tpu.memory_space<vmem>>
    %dma_start3A_72 = tpu.memref_squeeze %dma_start3A_71 : memref<1x128xi32, #tpu.memory_space<vmem>> -> memref<128xi32, #tpu.memory_space<vmem>>
    %dma_start3A_73 = arith.constant 0 : i32
    %dma_start3A_74 = arith.constant 0 : i32
    %dma_start3A_75 = tpu.memref_slice %arg6[%dma_start3A_73, %dma_start3A_74] : memref<10240x16xf32, #tpu.memory_space<vmem_shared>> -> memref<10240x16xf32, #tpu.memory_space<vmem_shared>>
    tpu.enqueue_indirect_dma source(%arg5 : memref<128x16xf32, #tpu.memory_space<vmem>>) target(%dma_start3A_75 : memref<10240x16xf32, #tpu.memory_space<vmem_shared>>) offsets(%dma_start3A_72 : memref<128xi32, #tpu.memory_space<vmem>>) semaphore(%arg7 : memref<!tpu.dma_semaphore, #tpu.memory_space<semaphore_mem>>) {add = true}
    %dma_start3A_76 = arith.constant 6 : i32
    %dma_start3A_77 = arith.constant 0 : i32
    %dma_start3A_78 = tpu.memref_slice %arg4[%dma_start3A_76, %dma_start3A_77] : memref<80x128xi32, #tpu.memory_space<vmem>> -> memref<1x128xi32, #tpu.memory_space<vmem>>
    %dma_start3A_79 = tpu.memref_squeeze %dma_start3A_78 : memref<1x128xi32, #tpu.memory_space<vmem>> -> memref<128xi32, #tpu.memory_space<vmem>>
    %dma_start3A_80 = arith.constant 0 : i32
    %dma_start3A_81 = arith.constant 0 : i32
    %dma_start3A_82 = tpu.memref_slice %arg6[%dma_start3A_80, %dma_start3A_81] : memref<10240x16xf32, #tpu.memory_space<vmem_shared>> -> memref<10240x16xf32, #tpu.memory_space<vmem_shared>>
    tpu.enqueue_indirect_dma source(%arg5 : memref<128x16xf32, #tpu.memory_space<vmem>>) target(%dma_start3A_82 : memref<10240x16xf32, #tpu.memory_space<vmem_shared>>) offsets(%dma_start3A_79 : memref<128xi32, #tpu.memory_space<vmem>>) semaphore(%arg7 : memref<!tpu.dma_semaphore, #tpu.memory_space<semaphore_mem>>) {add = true}
    %dma_start3A_83 = arith.constant 7 : i32
    %dma_start3A_84 = arith.constant 0 : i32
    %dma_start3A_85 = tpu.memref_slice %arg4[%dma_start3A_83, %dma_start3A_84] : memref<80x128xi32, #tpu.memory_space<vmem>> -> memref<1x128xi32, #tpu.memory_space<vmem>>
    %dma_start3A_86 = tpu.memref_squeeze %dma_start3A_85 : memref<1x128xi32, #tpu.memory_space<vmem>> -> memref<128xi32, #tpu.memory_space<vmem>>
    %dma_start3A_87 = arith.constant 0 : i32
    %dma_start3A_88 = arith.constant 0 : i32
    %dma_start3A_89 = tpu.memref_slice %arg6[%dma_start3A_87, %dma_start3A_88] : memref<10240x16xf32, #tpu.memory_space<vmem_shared>> -> memref<10240x16xf32, #tpu.memory_space<vmem_shared>>
    tpu.enqueue_indirect_dma source(%arg5 : memref<128x16xf32, #tpu.memory_space<vmem>>) target(%dma_start3A_89 : memref<10240x16xf32, #tpu.memory_space<vmem_shared>>) offsets(%dma_start3A_86 : memref<128xi32, #tpu.memory_space<vmem>>) semaphore(%arg7 : memref<!tpu.dma_semaphore, #tpu.memory_space<semaphore_mem>>) {add = true}
    %scan3A_90 = arith.constant 0 : i32
    %scan3A_91 = arith.constant 0 : i32
    %scan3A_92 = arith.constant 80 : i32
    %scan3A_93 = arith.addi %scan3A_91, %scan3A_92 : i32
    %scan3A_94 = arith.constant 1 : i32
    scf.for %scan3A_101 = %scan3A_91 to %scan3A_93 step %scan3A_94  : i32 {
      %add3A_102 = arith.constant 8 : i32
      %add3A_103 = arith.addi %scan3A_101, %add3A_102 : i32
      %lt3A = arith.constant 80 : i32
      %lt3A_104 = arith.cmpi slt, %add3A_103, %lt3A : i32
      %convert_element_type3A = arith.extui %lt3A_104 : i1 to i32
      %cond3A = arith.constant 0 : i32
      %cond3A_105 = arith.cmpi ne, %convert_element_type3A, %cond3A : i32
      scf.if %cond3A_105 {
        %add3A_112 = arith.constant 8 : i32
        %add3A_113 = arith.addi %scan3A_101, %add3A_112 : i32
        %dma_start3A_114 = arith.constant 0 : i32
        %dma_start3A_115 = tpu.memref_slice %arg4[%add3A_113, %dma_start3A_114] : memref<80x128xi32, #tpu.memory_space<vmem>> -> memref<1x128xi32, #tpu.memory_space<vmem>>
        %dma_start3A_116 = tpu.memref_squeeze %dma_start3A_115 : memref<1x128xi32, #tpu.memory_space<vmem>> -> memref<128xi32, #tpu.memory_space<vmem>>
        %dma_start3A_117 = arith.constant 0 : i32
        %dma_start3A_118 = arith.constant 0 : i32
        %dma_start3A_119 = tpu.memref_slice %arg6[%dma_start3A_117, %dma_start3A_118] : memref<10240x16xf32, #tpu.memory_space<vmem_shared>> -> memref<10240x16xf32, #tpu.memory_space<vmem_shared>>
        tpu.enqueue_indirect_dma source(%arg5 : memref<128x16xf32, #tpu.memory_space<vmem>>) target(%dma_start3A_119 : memref<10240x16xf32, #tpu.memory_space<vmem_shared>>) offsets(%dma_start3A_116 : memref<128xi32, #tpu.memory_space<vmem>>) semaphore(%arg7 : memref<!tpu.dma_semaphore, #tpu.memory_space<semaphore_mem>>) {add = true}
      } else {
      }
      %dma_wait3A = arith.constant 0 : i32
      %dma_wait3A_106 = arith.constant 0 : i32
      %dma_wait3A_107 = tpu.memref_slice %arg4[%dma_wait3A, %dma_wait3A_106] : memref<80x128xi32, #tpu.memory_space<vmem>> -> memref<1x128xi32, #tpu.memory_space<vmem>>
      %dma_wait3A_108 = tpu.memref_squeeze %dma_wait3A_107 : memref<1x128xi32, #tpu.memory_space<vmem>> -> memref<128xi32, #tpu.memory_space<vmem>>
      %dma_wait3A_109 = arith.constant 0 : i32
      %dma_wait3A_110 = arith.constant 0 : i32
      %dma_wait3A_111 = tpu.memref_slice %arg6[%dma_wait3A_109, %dma_wait3A_110] : memref<10240x16xf32, #tpu.memory_space<vmem_shared>> -> memref<10240x16xf32, #tpu.memory_space<vmem_shared>>
      tpu.wait_indirect_dma semaphore(%arg7 : memref<!tpu.dma_semaphore, #tpu.memory_space<semaphore_mem>>) src(%arg5 : memref<128x16xf32, #tpu.memory_space<vmem>>) dst(%dma_wait3A_111 : memref<10240x16xf32, #tpu.memory_space<vmem_shared>>)
    }
    %scan3A_95 = arith.constant 80 : i32
    %barrier3A_96 = arith.constant 0 : index
    tpu.barrier barrier_id(%barrier3A_96)
    %mul3A_97 = arith.constant 640 : i32
    %mul3A_98 = arith.muli %arg1, %mul3A_97 : i32
    %mul3A_99 = arith.constant 640 : i32
    %mul3A_100 = arith.muli %arg1, %mul3A_99 : i32
    "tpu.region"() ({
      %run_scoped3A = tpu.sem_alloc : memref<!tpu.dma_semaphore, #tpu.memory_space<semaphore_mem>>
      %dma_start3A_101 = arith.constant 0 : i32
      %dma_start3A_102 = tpu.memref_slice %arg3[%arg0, %mul3A_100, %dma_start3A_101] : memref<2x10240x16xf32, #tpu.memory_space<hbm>> -> memref<1x640x16xf32, #tpu.memory_space<hbm>>
      %dma_start3A_103 = tpu.memref_squeeze %dma_start3A_102 : memref<1x640x16xf32, #tpu.memory_space<hbm>> -> memref<640x16xf32, #tpu.memory_space<hbm>>
      %dma_start3A_104 = arith.constant 0 : i32
      %dma_start3A_105 = tpu.memref_slice %arg6[%mul3A_98, %dma_start3A_104] : memref<10240x16xf32, #tpu.memory_space<vmem_shared>> -> memref<640x16xf32, #tpu.memory_space<vmem_shared>>
      tpu.enqueue_dma source(%dma_start3A_105 : memref<640x16xf32, #tpu.memory_space<vmem_shared>>) target(%dma_start3A_103 : memref<640x16xf32, #tpu.memory_space<hbm>>) target_semaphore(%run_scoped3A : memref<!tpu.dma_semaphore, #tpu.memory_space<semaphore_mem>>)
      %dma_wait3A = arith.constant 0 : i32
      %dma_wait3A_106 = tpu.memref_slice %arg3[%arg0, %mul3A_100, %dma_wait3A] : memref<2x10240x16xf32, #tpu.memory_space<hbm>> -> memref<1x640x16xf32, #tpu.memory_space<hbm>>
      %dma_wait3A_107 = tpu.memref_squeeze %dma_wait3A_106 : memref<1x640x16xf32, #tpu.memory_space<hbm>> -> memref<640x16xf32, #tpu.memory_space<hbm>>
      %dma_wait3A_108 = arith.constant 0 : i32
      %dma_wait3A_109 = tpu.memref_slice %arg6[%mul3A_98, %dma_wait3A_108] : memref<10240x16xf32, #tpu.memory_space<vmem_shared>> -> memref<640x16xf32, #tpu.memory_space<vmem_shared>>
      tpu.wait_dma2 semaphore(%run_scoped3A : memref<!tpu.dma_semaphore, #tpu.memory_space<semaphore_mem>>) src(%dma_wait3A_109 : memref<640x16xf32, #tpu.memory_space<vmem_shared>>) dst(%dma_wait3A_107 : memref<640x16xf32, #tpu.memory_space<hbm>>)
      tpu.yield
    }) : () -> ()
    return
  }
}

#map = affine_map<(d0, d1) -> (0, 0)>
#map1 = affine_map<(d0, d1) -> (0, 0, 0)>
module attributes {stable_mosaic.version = 14 : i64} {
  func.func @_agg_kernel(%arg0: i32, %arg1: i32, %arg2: memref<10240x128xf32, #tpu.memory_space<hbm>>, %arg3: memref<32x80x128xi32, #tpu.memory_space<hbm>>, %arg4: memref<2x10240x128xf32, #tpu.memory_space<hbm>>, %arg5: memref<80x128xi32, #tpu.memory_space<vmem>>, %arg6: memref<4x64xi32, #tpu.memory_space<vmem>>, %arg7: memref<4x64xi32, #tpu.memory_space<vmem>>, %arg8: memref<256x128xf32, #tpu.memory_space<vmem>>, %arg9: memref<10240x128xf32, #tpu.memory_space<vmem_shared>>, %arg10: memref<!tpu.dma_semaphore, #tpu.memory_space<semaphore_mem>>, %arg11: memref<!tpu.dma_semaphore, #tpu.memory_space<semaphore_mem>>) attributes {dimension_semantics = [#tpu.dimension_semantics<core_parallel>, #tpu.dimension_semantics<subcore_parallel>], iteration_bounds = array<i64: 2, 16>, scalar_prefetch = 0 : i64, scratch_operands = 7 : i64, tpu.core_type = #tpu.core_type<sc_vector_subcore>, window_params = [{transform_indices = #map}, {transform_indices = #map1}, {transform_indices = #map1}]} {
    %mul3A = arith.constant 16 : i32
    %mul3A_0 = arith.muli %arg0, %mul3A : i32
    %add3A = arith.addi %mul3A_0, %arg1 : i32
    "tpu.region"() ({
      %run_scoped3A = tpu.sem_alloc : memref<!tpu.dma_semaphore, #tpu.memory_space<semaphore_mem>>
      %dma_start3A_254 = arith.constant 0 : i32
      %dma_start3A_255 = arith.constant 0 : i32
      %dma_start3A_256 = tpu.memref_slice %arg3[%add3A, %dma_start3A_254, %dma_start3A_255] : memref<32x80x128xi32, #tpu.memory_space<hbm>> -> memref<1x80x128xi32, #tpu.memory_space<hbm>>
      %dma_start3A_257 = tpu.memref_squeeze %dma_start3A_256 : memref<1x80x128xi32, #tpu.memory_space<hbm>> -> memref<80x128xi32, #tpu.memory_space<hbm>>
      %dma_start3A_258 = arith.constant 0 : i32
      %dma_start3A_259 = arith.constant 0 : i32
      %dma_start3A_260 = tpu.memref_slice %arg3[%add3A, %dma_start3A_258, %dma_start3A_259] : memref<32x80x128xi32, #tpu.memory_space<hbm>> -> memref<1x80x128xi32, #tpu.memory_space<hbm>>
      %dma_start3A_261 = tpu.memref_squeeze %dma_start3A_260 : memref<1x80x128xi32, #tpu.memory_space<hbm>> -> memref<80x128xi32, #tpu.memory_space<hbm>>
      tpu.enqueue_dma source(%dma_start3A_261 : memref<80x128xi32, #tpu.memory_space<hbm>>) target(%arg5 : memref<80x128xi32, #tpu.memory_space<vmem>>) target_semaphore(%run_scoped3A : memref<!tpu.dma_semaphore, #tpu.memory_space<semaphore_mem>>)
      %dma_wait3A_262 = arith.constant 0 : i32
      %dma_wait3A_263 = arith.constant 0 : i32
      %dma_wait3A_264 = tpu.memref_slice %arg3[%add3A, %dma_wait3A_262, %dma_wait3A_263] : memref<32x80x128xi32, #tpu.memory_space<hbm>> -> memref<1x80x128xi32, #tpu.memory_space<hbm>>
      %dma_wait3A_265 = tpu.memref_squeeze %dma_wait3A_264 : memref<1x80x128xi32, #tpu.memory_space<hbm>> -> memref<80x128xi32, #tpu.memory_space<hbm>>
      %dma_wait3A_266 = arith.constant 0 : i32
      %dma_wait3A_267 = arith.constant 0 : i32
      %dma_wait3A_268 = tpu.memref_slice %arg3[%add3A, %dma_wait3A_266, %dma_wait3A_267] : memref<32x80x128xi32, #tpu.memory_space<hbm>> -> memref<1x80x128xi32, #tpu.memory_space<hbm>>
      %dma_wait3A_269 = tpu.memref_squeeze %dma_wait3A_268 : memref<1x80x128xi32, #tpu.memory_space<hbm>> -> memref<80x128xi32, #tpu.memory_space<hbm>>
      tpu.wait_dma2 semaphore(%run_scoped3A : memref<!tpu.dma_semaphore, #tpu.memory_space<semaphore_mem>>) src(%dma_wait3A_269 : memref<80x128xi32, #tpu.memory_space<hbm>>) dst(%arg5 : memref<80x128xi32, #tpu.memory_space<vmem>>)
      tpu.yield
    }) : () -> ()
    %mul3A_1 = arith.constant 640 : i32
    %mul3A_2 = arith.muli %arg1, %mul3A_1 : i32
    %eq3A = arith.constant 0 : i32
    %eq3A_3 = arith.cmpi eq, %arg0, %eq3A : i32
    %convert_element_type3A = arith.extui %eq3A_3 : i1 to i32
    %cond3A = arith.constant 0 : i32
    %cond3A_4 = arith.cmpi ne, %convert_element_type3A, %cond3A : i32
    scf.if %cond3A_4 {
      "tpu.region"() ({
        %run_scoped3A = tpu.sem_alloc : memref<!tpu.dma_semaphore, #tpu.memory_space<semaphore_mem>>
        %dma_start3A_254 = arith.constant 0 : i32
        %dma_start3A_255 = tpu.memref_slice %arg9[%mul3A_2, %dma_start3A_254] : memref<10240x128xf32, #tpu.memory_space<vmem_shared>> -> memref<640x128xf32, #tpu.memory_space<vmem_shared>>
        %dma_start3A_256 = arith.constant 0 : i32
        %dma_start3A_257 = tpu.memref_slice %arg2[%mul3A_2, %dma_start3A_256] : memref<10240x128xf32, #tpu.memory_space<hbm>> -> memref<640x128xf32, #tpu.memory_space<hbm>>
        tpu.enqueue_dma source(%dma_start3A_257 : memref<640x128xf32, #tpu.memory_space<hbm>>) target(%dma_start3A_255 : memref<640x128xf32, #tpu.memory_space<vmem_shared>>) target_semaphore(%run_scoped3A : memref<!tpu.dma_semaphore, #tpu.memory_space<semaphore_mem>>)
        %dma_wait3A_258 = arith.constant 0 : i32
        %dma_wait3A_259 = tpu.memref_slice %arg9[%mul3A_2, %dma_wait3A_258] : memref<10240x128xf32, #tpu.memory_space<vmem_shared>> -> memref<640x128xf32, #tpu.memory_space<vmem_shared>>
        %dma_wait3A_260 = arith.constant 0 : i32
        %dma_wait3A_261 = tpu.memref_slice %arg2[%mul3A_2, %dma_wait3A_260] : memref<10240x128xf32, #tpu.memory_space<hbm>> -> memref<640x128xf32, #tpu.memory_space<hbm>>
        tpu.wait_dma2 semaphore(%run_scoped3A : memref<!tpu.dma_semaphore, #tpu.memory_space<semaphore_mem>>) src(%dma_wait3A_261 : memref<640x128xf32, #tpu.memory_space<hbm>>) dst(%dma_wait3A_259 : memref<640x128xf32, #tpu.memory_space<vmem_shared>>)
        tpu.yield
      }) : () -> ()
    } else {
    }
    %eq3A_5 = arith.constant 1 : i32
    %eq3A_6 = arith.cmpi eq, %arg0, %eq3A_5 : i32
    %convert_element_type3A_7 = arith.extui %eq3A_6 : i1 to i32
    %cond3A_8 = arith.constant 0 : i32
    %cond3A_9 = arith.cmpi ne, %convert_element_type3A_7, %cond3A_8 : i32
    scf.if %cond3A_9 {
      %broadcast_in_dim3A = arith.constant 0.000000e+00 : f32
      %broadcast_in_dim3A_254 = vector.broadcast %broadcast_in_dim3A : f32 to vector<16xf32>
      %scan3A_255 = arith.constant 0 : i32
      %scan3A_256 = arith.constant 0 : i32
      %scan3A_257 = arith.constant 2048 : i32
      %scan3A_258 = arith.addi %scan3A_256, %scan3A_257 : i32
      %scan3A_259 = arith.constant 1 : i32
      scf.for %scan3A_265 = %scan3A_256 to %scan3A_258 step %scan3A_259  : i32 {
        %jit3A = arith.constant 8 : i32
        %div3A = arith.divsi %scan3A_265, %jit3A : i32
        %sign3A = arith.constant 0 : i32
        %sign3A_266 = arith.cmpi sgt, %scan3A_265, %sign3A : i32
        %sign3A_267 = arith.extui %sign3A_266 : i1 to i32
        %sign3A_268 = arith.constant 0 : i32
        %sign3A_269 = arith.cmpi slt, %scan3A_265, %sign3A_268 : i32
        %sign3A_270 = arith.extui %sign3A_269 : i1 to i32
        %sign3A_271 = arith.subi %sign3A_267, %sign3A_270 : i32
        %sign3A_272 = arith.constant 0 : i32
        %sign3A_273 = arith.cmpi sgt, %jit3A, %sign3A_272 : i32
        %sign3A_274 = arith.extui %sign3A_273 : i1 to i32
        %sign3A_275 = arith.constant 0 : i32
        %sign3A_276 = arith.cmpi slt, %jit3A, %sign3A_275 : i32
        %sign3A_277 = arith.extui %sign3A_276 : i1 to i32
        %sign3A_278 = arith.subi %sign3A_274, %sign3A_277 : i32
        %ne3A = arith.cmpi ne, %sign3A_271, %sign3A_278 : i32
        %rem3A = arith.remsi %scan3A_265, %jit3A : i32
        %ne3A_279 = arith.constant 0 : i32
        %ne3A_280 = arith.cmpi ne, %rem3A, %ne3A_279 : i32
        %and3A_281 = arith.andi %ne3A, %ne3A_280 : i1
        %sub3A = arith.constant 1 : i32
        %sub3A_282 = arith.subi %div3A, %sub3A : i32
        %select_n3A = arith.select %and3A_281, %sub3A_282, %div3A : i32
        %jit3A_283 = arith.constant 8 : i32
        %eq3A_284 = arith.constant 0 : i32
        %eq3A_285 = arith.cmpi eq, %jit3A_283, %eq3A_284 : i32
        %jit3A_286 = arith.constant 1 : i32
        %select_n3A_287 = arith.select %eq3A_285, %jit3A_286, %jit3A_283 : i32
        %rem3A_288 = arith.remsi %scan3A_265, %select_n3A_287 : i32
        %ne3A_289 = arith.constant 0 : i32
        %ne3A_290 = arith.cmpi ne, %rem3A_288, %ne3A_289 : i32
        %lt3A = arith.constant 0 : i32
        %lt3A_291 = arith.cmpi slt, %rem3A_288, %lt3A : i32
        %lt3A_292 = arith.constant 0 : i32
        %lt3A_293 = arith.cmpi slt, %select_n3A_287, %lt3A_292 : i32
        %ne3A_294 = arith.xori %lt3A_291, %lt3A_293 : i1
        %and3A_295 = arith.andi %ne3A_294, %ne3A_290 : i1
        %add3A_296 = arith.addi %rem3A_288, %select_n3A_287 : i32
        %select_n3A_297 = arith.select %and3A_295, %add3A_296, %rem3A_288 : i32
        %mul3A_298 = arith.constant 16 : i32
        %mul3A_299 = arith.muli %select_n3A_297, %mul3A_298 : i32
        %swap3A_300 = arith.index_cast %select_n3A : i32 to index
        %swap3A_301 = arith.index_cast %mul3A_299 : i32 to index
        %swap3A_302 = tpu.vector_load %arg8[%swap3A_300, %swap3A_301] {strides = array<i32>} : memref<256x128xf32, #tpu.memory_space<vmem>>, vector<1x16xf32>,
        %swap3A_303 = vector.shape_cast %swap3A_302 : vector<1x16xf32> to vector<16xf32>
        %swap3A_304 = vector.shape_cast %broadcast_in_dim3A_254 : vector<16xf32> to vector<1x16xf32>
        tpu.vector_store %arg8[%swap3A_300, %swap3A_301], %swap3A_304 {strides = array<i32>} : memref<256x128xf32, #tpu.memory_space<vmem>>, vector<1x16xf32>,
      }
      %scan3A_260 = arith.constant 2048 : i32
      "tpu.region"() ({
        %run_scoped3A = tpu.sem_alloc : memref<!tpu.dma_semaphore, #tpu.memory_space<semaphore_mem>>
        %dma_start3A_265 = arith.constant 0 : i32
        %dma_start3A_266 = tpu.memref_slice %arg9[%mul3A_2, %dma_start3A_265] : memref<10240x128xf32, #tpu.memory_space<vmem_shared>> -> memref<256x128xf32, #tpu.memory_space<vmem_shared>>
        %dma_start3A_267 = arith.constant 0 : i32
        %dma_start3A_268 = tpu.memref_slice %arg9[%mul3A_2, %dma_start3A_267] : memref<10240x128xf32, #tpu.memory_space<vmem_shared>> -> memref<256x128xf32, #tpu.memory_space<vmem_shared>>
        tpu.enqueue_dma source(%arg8 : memref<256x128xf32, #tpu.memory_space<vmem>>) target(%dma_start3A_268 : memref<256x128xf32, #tpu.memory_space<vmem_shared>>) target_semaphore(%run_scoped3A : memref<!tpu.dma_semaphore, #tpu.memory_space<semaphore_mem>>)
        %dma_wait3A_269 = arith.constant 0 : i32
        %dma_wait3A_270 = tpu.memref_slice %arg9[%mul3A_2, %dma_wait3A_269] : memref<10240x128xf32, #tpu.memory_space<vmem_shared>> -> memref<256x128xf32, #tpu.memory_space<vmem_shared>>
        %dma_wait3A_271 = arith.constant 0 : i32
        %dma_wait3A_272 = tpu.memref_slice %arg9[%mul3A_2, %dma_wait3A_271] : memref<10240x128xf32, #tpu.memory_space<vmem_shared>> -> memref<256x128xf32, #tpu.memory_space<vmem_shared>>
        tpu.wait_dma2 semaphore(%run_scoped3A : memref<!tpu.dma_semaphore, #tpu.memory_space<semaphore_mem>>) src(%arg8 : memref<256x128xf32, #tpu.memory_space<vmem>>) dst(%dma_wait3A_272 : memref<256x128xf32, #tpu.memory_space<vmem_shared>>)
        tpu.yield
      }) : () -> ()
      %add3A_261 = arith.constant 256 : i32
      %add3A_262 = arith.addi %mul3A_2, %add3A_261 : i32
      "tpu.region"() ({
        %run_scoped3A = tpu.sem_alloc : memref<!tpu.dma_semaphore, #tpu.memory_space<semaphore_mem>>
        %dma_start3A_265 = arith.constant 0 : i32
        %dma_start3A_266 = tpu.memref_slice %arg9[%add3A_262, %dma_start3A_265] : memref<10240x128xf32, #tpu.memory_space<vmem_shared>> -> memref<256x128xf32, #tpu.memory_space<vmem_shared>>
        %dma_start3A_267 = arith.constant 0 : i32
        %dma_start3A_268 = tpu.memref_slice %arg9[%add3A_262, %dma_start3A_267] : memref<10240x128xf32, #tpu.memory_space<vmem_shared>> -> memref<256x128xf32, #tpu.memory_space<vmem_shared>>
        tpu.enqueue_dma source(%arg8 : memref<256x128xf32, #tpu.memory_space<vmem>>) target(%dma_start3A_268 : memref<256x128xf32, #tpu.memory_space<vmem_shared>>) target_semaphore(%run_scoped3A : memref<!tpu.dma_semaphore, #tpu.memory_space<semaphore_mem>>)
        %dma_wait3A_269 = arith.constant 0 : i32
        %dma_wait3A_270 = tpu.memref_slice %arg9[%add3A_262, %dma_wait3A_269] : memref<10240x128xf32, #tpu.memory_space<vmem_shared>> -> memref<256x128xf32, #tpu.memory_space<vmem_shared>>
        %dma_wait3A_271 = arith.constant 0 : i32
        %dma_wait3A_272 = tpu.memref_slice %arg9[%add3A_262, %dma_wait3A_271] : memref<10240x128xf32, #tpu.memory_space<vmem_shared>> -> memref<256x128xf32, #tpu.memory_space<vmem_shared>>
        tpu.wait_dma2 semaphore(%run_scoped3A : memref<!tpu.dma_semaphore, #tpu.memory_space<semaphore_mem>>) src(%arg8 : memref<256x128xf32, #tpu.memory_space<vmem>>) dst(%dma_wait3A_272 : memref<256x128xf32, #tpu.memory_space<vmem_shared>>)
        tpu.yield
      }) : () -> ()
      %add3A_263 = arith.constant 512 : i32
      %add3A_264 = arith.addi %mul3A_2, %add3A_263 : i32
      "tpu.region"() ({
        %run_scoped3A = tpu.sem_alloc : memref<!tpu.dma_semaphore, #tpu.memory_space<semaphore_mem>>
        %dma_start3A_265 = arith.constant 0 : i32
        %dma_start3A_266 = arith.constant 0 : i32
        %dma_start3A_267 = tpu.memref_slice %arg8[%dma_start3A_265, %dma_start3A_266] : memref<256x128xf32, #tpu.memory_space<vmem>> -> memref<128x128xf32, #tpu.memory_space<vmem>>
        %dma_start3A_268 = arith.constant 0 : i32
        %dma_start3A_269 = tpu.memref_slice %arg9[%add3A_264, %dma_start3A_268] : memref<10240x128xf32, #tpu.memory_space<vmem_shared>> -> memref<128x128xf32, #tpu.memory_space<vmem_shared>>
        %dma_start3A_270 = arith.constant 0 : i32
        %dma_start3A_271 = tpu.memref_slice %arg9[%add3A_264, %dma_start3A_270] : memref<10240x128xf32, #tpu.memory_space<vmem_shared>> -> memref<128x128xf32, #tpu.memory_space<vmem_shared>>
        %dma_start3A_272 = arith.constant 0 : i32
        %dma_start3A_273 = arith.constant 0 : i32
        %dma_start3A_274 = tpu.memref_slice %arg8[%dma_start3A_272, %dma_start3A_273] : memref<256x128xf32, #tpu.memory_space<vmem>> -> memref<128x128xf32, #tpu.memory_space<vmem>>
        tpu.enqueue_dma source(%dma_start3A_274 : memref<128x128xf32, #tpu.memory_space<vmem>>) target(%dma_start3A_271 : memref<128x128xf32, #tpu.memory_space<vmem_shared>>) target_semaphore(%run_scoped3A : memref<!tpu.dma_semaphore, #tpu.memory_space<semaphore_mem>>)
        %dma_wait3A_275 = arith.constant 0 : i32
        %dma_wait3A_276 = arith.constant 0 : i32
        %dma_wait3A_277 = tpu.memref_slice %arg8[%dma_wait3A_275, %dma_wait3A_276] : memref<256x128xf32, #tpu.memory_space<vmem>> -> memref<128x128xf32, #tpu.memory_space<vmem>>
        %dma_wait3A_278 = arith.constant 0 : i32
        %dma_wait3A_279 = tpu.memref_slice %arg9[%add3A_264, %dma_wait3A_278] : memref<10240x128xf32, #tpu.memory_space<vmem_shared>> -> memref<128x128xf32, #tpu.memory_space<vmem_shared>>
        %dma_wait3A_280 = arith.constant 0 : i32
        %dma_wait3A_281 = tpu.memref_slice %arg9[%add3A_264, %dma_wait3A_280] : memref<10240x128xf32, #tpu.memory_space<vmem_shared>> -> memref<128x128xf32, #tpu.memory_space<vmem_shared>>
        %dma_wait3A_282 = arith.constant 0 : i32
        %dma_wait3A_283 = arith.constant 0 : i32
        %dma_wait3A_284 = tpu.memref_slice %arg8[%dma_wait3A_282, %dma_wait3A_283] : memref<256x128xf32, #tpu.memory_space<vmem>> -> memref<128x128xf32, #tpu.memory_space<vmem>>
        tpu.wait_dma2 semaphore(%run_scoped3A : memref<!tpu.dma_semaphore, #tpu.memory_space<semaphore_mem>>) src(%dma_wait3A_284 : memref<128x128xf32, #tpu.memory_space<vmem>>) dst(%dma_wait3A_281 : memref<128x128xf32, #tpu.memory_space<vmem_shared>>)
        tpu.yield
      }) : () -> ()
    } else {
    }
    %get3A = arith.constant 0 : i32
    %get3A_10 = arith.index_cast %get3A : i32 to index
    %get3A_11 = arith.constant 0 : index
    %get3A_12 = tpu.vector_load %arg5[%get3A_10, %get3A_11] {strides = array<i32>} : memref<80x128xi32, #tpu.memory_space<vmem>>, vector<1x16xi32>,
    %get3A_13 = vector.shape_cast %get3A_12 : vector<1x16xi32> to vector<16xi32>
    %and3A = arith.constant 16383 : i32
    %and3A_14 = vector.broadcast %and3A : i32 to vector<16xi32>
    %and3A_15 = arith.andi %get3A_13, %and3A_14 : vector<16xi32>
    %swap3A = arith.constant 0 : i32
    %swap3A_16 = arith.index_cast %swap3A : i32 to index
    %swap3A_17 = arith.constant 0 : index
    %swap3A_18 = tpu.vector_load %arg6[%swap3A_16, %swap3A_17] {strides = array<i32>} : memref<4x64xi32, #tpu.memory_space<vmem>>, vector<1x16xi32>,
    %swap3A_19 = vector.shape_cast %swap3A_18 : vector<1x16xi32> to vector<16xi32>
    %swap3A_20 = vector.shape_cast %and3A_15 : vector<16xi32> to vector<1x16xi32>
    tpu.vector_store %arg6[%swap3A_16, %swap3A_17], %swap3A_20 {strides = array<i32>} : memref<4x64xi32, #tpu.memory_space<vmem>>, vector<1x16xi32>,
    %shift_right_logical3A = arith.constant 14 : i32
    %shift_right_logical3A_21 = vector.broadcast %shift_right_logical3A : i32 to vector<16xi32>
    %shift_right_logical3A_22 = arith.shrui %get3A_13, %shift_right_logical3A_21 : vector<16xi32>
    %swap3A_23 = arith.constant 0 : i32
    %swap3A_24 = arith.index_cast %swap3A_23 : i32 to index
    %swap3A_25 = arith.constant 0 : index
    %swap3A_26 = tpu.vector_load %arg7[%swap3A_24, %swap3A_25] {strides = array<i32>} : memref<4x64xi32, #tpu.memory_space<vmem>>, vector<1x16xi32>,
    %swap3A_27 = vector.shape_cast %swap3A_26 : vector<1x16xi32> to vector<16xi32>
    %swap3A_28 = vector.shape_cast %shift_right_logical3A_22 : vector<16xi32> to vector<1x16xi32>
    tpu.vector_store %arg7[%swap3A_24, %swap3A_25], %swap3A_28 {strides = array<i32>} : memref<4x64xi32, #tpu.memory_space<vmem>>, vector<1x16xi32>,
    %get3A_29 = arith.constant 0 : i32
    %get3A_30 = arith.index_cast %get3A_29 : i32 to index
    %get3A_31 = arith.constant 16 : index
    %get3A_32 = tpu.vector_load %arg5[%get3A_30, %get3A_31] {strides = array<i32>} : memref<80x128xi32, #tpu.memory_space<vmem>>, vector<1x16xi32>,
    %get3A_33 = vector.shape_cast %get3A_32 : vector<1x16xi32> to vector<16xi32>
    %and3A_34 = arith.constant 16383 : i32
    %and3A_35 = vector.broadcast %and3A_34 : i32 to vector<16xi32>
    %and3A_36 = arith.andi %get3A_33, %and3A_35 : vector<16xi32>
    %swap3A_37 = arith.constant 0 : i32
    %swap3A_38 = arith.index_cast %swap3A_37 : i32 to index
    %swap3A_39 = arith.constant 16 : index
    %swap3A_40 = tpu.vector_load %arg6[%swap3A_38, %swap3A_39] {strides = array<i32>} : memref<4x64xi32, #tpu.memory_space<vmem>>, vector<1x16xi32>,
    %swap3A_41 = vector.shape_cast %swap3A_40 : vector<1x16xi32> to vector<16xi32>
    %swap3A_42 = vector.shape_cast %and3A_36 : vector<16xi32> to vector<1x16xi32>
    tpu.vector_store %arg6[%swap3A_38, %swap3A_39], %swap3A_42 {strides = array<i32>} : memref<4x64xi32, #tpu.memory_space<vmem>>, vector<1x16xi32>,
    %shift_right_logical3A_43 = arith.constant 14 : i32
    %shift_right_logical3A_44 = vector.broadcast %shift_right_logical3A_43 : i32 to vector<16xi32>
    %shift_right_logical3A_45 = arith.shrui %get3A_33, %shift_right_logical3A_44 : vector<16xi32>
    %swap3A_46 = arith.constant 0 : i32
    %swap3A_47 = arith.index_cast %swap3A_46 : i32 to index
    %swap3A_48 = arith.constant 16 : index
    %swap3A_49 = tpu.vector_load %arg7[%swap3A_47, %swap3A_48] {strides = array<i32>} : memref<4x64xi32, #tpu.memory_space<vmem>>, vector<1x16xi32>,
    %swap3A_50 = vector.shape_cast %swap3A_49 : vector<1x16xi32> to vector<16xi32>
    %swap3A_51 = vector.shape_cast %shift_right_logical3A_45 : vector<16xi32> to vector<1x16xi32>
    tpu.vector_store %arg7[%swap3A_47, %swap3A_48], %swap3A_51 {strides = array<i32>} : memref<4x64xi32, #tpu.memory_space<vmem>>, vector<1x16xi32>,
    %get3A_52 = arith.constant 0 : i32
    %get3A_53 = arith.index_cast %get3A_52 : i32 to index
    %get3A_54 = arith.constant 32 : index
    %get3A_55 = tpu.vector_load %arg5[%get3A_53, %get3A_54] {strides = array<i32>} : memref<80x128xi32, #tpu.memory_space<vmem>>, vector<1x16xi32>,
    %get3A_56 = vector.shape_cast %get3A_55 : vector<1x16xi32> to vector<16xi32>
    %and3A_57 = arith.constant 16383 : i32
    %and3A_58 = vector.broadcast %and3A_57 : i32 to vector<16xi32>
    %and3A_59 = arith.andi %get3A_56, %and3A_58 : vector<16xi32>
    %swap3A_60 = arith.constant 0 : i32
    %swap3A_61 = arith.index_cast %swap3A_60 : i32 to index
    %swap3A_62 = arith.constant 32 : index
    %swap3A_63 = tpu.vector_load %arg6[%swap3A_61, %swap3A_62] {strides = array<i32>} : memref<4x64xi32, #tpu.memory_space<vmem>>, vector<1x16xi32>,
    %swap3A_64 = vector.shape_cast %swap3A_63 : vector<1x16xi32> to vector<16xi32>
    %swap3A_65 = vector.shape_cast %and3A_59 : vector<16xi32> to vector<1x16xi32>
    tpu.vector_store %arg6[%swap3A_61, %swap3A_62], %swap3A_65 {strides = array<i32>} : memref<4x64xi32, #tpu.memory_space<vmem>>, vector<1x16xi32>,
    %shift_right_logical3A_66 = arith.constant 14 : i32
    %shift_right_logical3A_67 = vector.broadcast %shift_right_logical3A_66 : i32 to vector<16xi32>
    %shift_right_logical3A_68 = arith.shrui %get3A_56, %shift_right_logical3A_67 : vector<16xi32>
    %swap3A_69 = arith.constant 0 : i32
    %swap3A_70 = arith.index_cast %swap3A_69 : i32 to index
    %swap3A_71 = arith.constant 32 : index
    %swap3A_72 = tpu.vector_load %arg7[%swap3A_70, %swap3A_71] {strides = array<i32>} : memref<4x64xi32, #tpu.memory_space<vmem>>, vector<1x16xi32>,
    %swap3A_73 = vector.shape_cast %swap3A_72 : vector<1x16xi32> to vector<16xi32>
    %swap3A_74 = vector.shape_cast %shift_right_logical3A_68 : vector<16xi32> to vector<1x16xi32>
    tpu.vector_store %arg7[%swap3A_70, %swap3A_71], %swap3A_74 {strides = array<i32>} : memref<4x64xi32, #tpu.memory_space<vmem>>, vector<1x16xi32>,
    %get3A_75 = arith.constant 0 : i32
    %get3A_76 = arith.index_cast %get3A_75 : i32 to index
    %get3A_77 = arith.constant 48 : index
    %get3A_78 = tpu.vector_load %arg5[%get3A_76, %get3A_77] {strides = array<i32>} : memref<80x128xi32, #tpu.memory_space<vmem>>, vector<1x16xi32>,
    %get3A_79 = vector.shape_cast %get3A_78 : vector<1x16xi32> to vector<16xi32>
    %and3A_80 = arith.constant 16383 : i32
    %and3A_81 = vector.broadcast %and3A_80 : i32 to vector<16xi32>
    %and3A_82 = arith.andi %get3A_79, %and3A_81 : vector<16xi32>
    %swap3A_83 = arith.constant 0 : i32
    %swap3A_84 = arith.index_cast %swap3A_83 : i32 to index
    %swap3A_85 = arith.constant 48 : index
    %swap3A_86 = tpu.vector_load %arg6[%swap3A_84, %swap3A_85] {strides = array<i32>} : memref<4x64xi32, #tpu.memory_space<vmem>>, vector<1x16xi32>,
    %swap3A_87 = vector.shape_cast %swap3A_86 : vector<1x16xi32> to vector<16xi32>
    %swap3A_88 = vector.shape_cast %and3A_82 : vector<16xi32> to vector<1x16xi32>
    tpu.vector_store %arg6[%swap3A_84, %swap3A_85], %swap3A_88 {strides = array<i32>} : memref<4x64xi32, #tpu.memory_space<vmem>>, vector<1x16xi32>,
    %shift_right_logical3A_89 = arith.constant 14 : i32
    %shift_right_logical3A_90 = vector.broadcast %shift_right_logical3A_89 : i32 to vector<16xi32>
    %shift_right_logical3A_91 = arith.shrui %get3A_79, %shift_right_logical3A_90 : vector<16xi32>
    %swap3A_92 = arith.constant 0 : i32
    %swap3A_93 = arith.index_cast %swap3A_92 : i32 to index
    %swap3A_94 = arith.constant 48 : index
    %swap3A_95 = tpu.vector_load %arg7[%swap3A_93, %swap3A_94] {strides = array<i32>} : memref<4x64xi32, #tpu.memory_space<vmem>>, vector<1x16xi32>,
    %swap3A_96 = vector.shape_cast %swap3A_95 : vector<1x16xi32> to vector<16xi32>
    %swap3A_97 = vector.shape_cast %shift_right_logical3A_91 : vector<16xi32> to vector<1x16xi32>
    tpu.vector_store %arg7[%swap3A_93, %swap3A_94], %swap3A_97 {strides = array<i32>} : memref<4x64xi32, #tpu.memory_space<vmem>>, vector<1x16xi32>,
    %get3A_98 = arith.constant 0 : i32
    %get3A_99 = arith.index_cast %get3A_98 : i32 to index
    %get3A_100 = arith.constant 64 : index
    %get3A_101 = tpu.vector_load %arg5[%get3A_99, %get3A_100] {strides = array<i32>} : memref<80x128xi32, #tpu.memory_space<vmem>>, vector<1x16xi32>,
    %get3A_102 = vector.shape_cast %get3A_101 : vector<1x16xi32> to vector<16xi32>
    %and3A_103 = arith.constant 16383 : i32
    %and3A_104 = vector.broadcast %and3A_103 : i32 to vector<16xi32>
    %and3A_105 = arith.andi %get3A_102, %and3A_104 : vector<16xi32>
    %swap3A_106 = arith.constant 1 : i32
    %swap3A_107 = arith.index_cast %swap3A_106 : i32 to index
    %swap3A_108 = arith.constant 0 : index
    %swap3A_109 = tpu.vector_load %arg6[%swap3A_107, %swap3A_108] {strides = array<i32>} : memref<4x64xi32, #tpu.memory_space<vmem>>, vector<1x16xi32>,
    %swap3A_110 = vector.shape_cast %swap3A_109 : vector<1x16xi32> to vector<16xi32>
    %swap3A_111 = vector.shape_cast %and3A_105 : vector<16xi32> to vector<1x16xi32>
    tpu.vector_store %arg6[%swap3A_107, %swap3A_108], %swap3A_111 {strides = array<i32>} : memref<4x64xi32, #tpu.memory_space<vmem>>, vector<1x16xi32>,
    %shift_right_logical3A_112 = arith.constant 14 : i32
    %shift_right_logical3A_113 = vector.broadcast %shift_right_logical3A_112 : i32 to vector<16xi32>
    %shift_right_logical3A_114 = arith.shrui %get3A_102, %shift_right_logical3A_113 : vector<16xi32>
    %swap3A_115 = arith.constant 1 : i32
    %swap3A_116 = arith.index_cast %swap3A_115 : i32 to index
    %swap3A_117 = arith.constant 0 : index
    %swap3A_118 = tpu.vector_load %arg7[%swap3A_116, %swap3A_117] {strides = array<i32>} : memref<4x64xi32, #tpu.memory_space<vmem>>, vector<1x16xi32>,
    %swap3A_119 = vector.shape_cast %swap3A_118 : vector<1x16xi32> to vector<16xi32>
    %swap3A_120 = vector.shape_cast %shift_right_logical3A_114 : vector<16xi32> to vector<1x16xi32>
    tpu.vector_store %arg7[%swap3A_116, %swap3A_117], %swap3A_120 {strides = array<i32>} : memref<4x64xi32, #tpu.memory_space<vmem>>, vector<1x16xi32>,
    %get3A_121 = arith.constant 0 : i32
    %get3A_122 = arith.index_cast %get3A_121 : i32 to index
    %get3A_123 = arith.constant 80 : index
    %get3A_124 = tpu.vector_load %arg5[%get3A_122, %get3A_123] {strides = array<i32>} : memref<80x128xi32, #tpu.memory_space<vmem>>, vector<1x16xi32>,
    %get3A_125 = vector.shape_cast %get3A_124 : vector<1x16xi32> to vector<16xi32>
    %and3A_126 = arith.constant 16383 : i32
    %and3A_127 = vector.broadcast %and3A_126 : i32 to vector<16xi32>
    %and3A_128 = arith.andi %get3A_125, %and3A_127 : vector<16xi32>
    %swap3A_129 = arith.constant 1 : i32
    %swap3A_130 = arith.index_cast %swap3A_129 : i32 to index
    %swap3A_131 = arith.constant 16 : index
    %swap3A_132 = tpu.vector_load %arg6[%swap3A_130, %swap3A_131] {strides = array<i32>} : memref<4x64xi32, #tpu.memory_space<vmem>>, vector<1x16xi32>,
    %swap3A_133 = vector.shape_cast %swap3A_132 : vector<1x16xi32> to vector<16xi32>
    %swap3A_134 = vector.shape_cast %and3A_128 : vector<16xi32> to vector<1x16xi32>
    tpu.vector_store %arg6[%swap3A_130, %swap3A_131], %swap3A_134 {strides = array<i32>} : memref<4x64xi32, #tpu.memory_space<vmem>>, vector<1x16xi32>,
    %shift_right_logical3A_135 = arith.constant 14 : i32
    %shift_right_logical3A_136 = vector.broadcast %shift_right_logical3A_135 : i32 to vector<16xi32>
    %shift_right_logical3A_137 = arith.shrui %get3A_125, %shift_right_logical3A_136 : vector<16xi32>
    %swap3A_138 = arith.constant 1 : i32
    %swap3A_139 = arith.index_cast %swap3A_138 : i32 to index
    %swap3A_140 = arith.constant 16 : index
    %swap3A_141 = tpu.vector_load %arg7[%swap3A_139, %swap3A_140] {strides = array<i32>} : memref<4x64xi32, #tpu.memory_space<vmem>>, vector<1x16xi32>,
    %swap3A_142 = vector.shape_cast %swap3A_141 : vector<1x16xi32> to vector<16xi32>
    %swap3A_143 = vector.shape_cast %shift_right_logical3A_137 : vector<16xi32> to vector<1x16xi32>
    tpu.vector_store %arg7[%swap3A_139, %swap3A_140], %swap3A_143 {strides = array<i32>} : memref<4x64xi32, #tpu.memory_space<vmem>>, vector<1x16xi32>,
    %get3A_144 = arith.constant 0 : i32
    %get3A_145 = arith.index_cast %get3A_144 : i32 to index
    %get3A_146 = arith.constant 96 : index
    %get3A_147 = tpu.vector_load %arg5[%get3A_145, %get3A_146] {strides = array<i32>} : memref<80x128xi32, #tpu.memory_space<vmem>>, vector<1x16xi32>,
    %get3A_148 = vector.shape_cast %get3A_147 : vector<1x16xi32> to vector<16xi32>
    %and3A_149 = arith.constant 16383 : i32
    %and3A_150 = vector.broadcast %and3A_149 : i32 to vector<16xi32>
    %and3A_151 = arith.andi %get3A_148, %and3A_150 : vector<16xi32>
    %swap3A_152 = arith.constant 1 : i32
    %swap3A_153 = arith.index_cast %swap3A_152 : i32 to index
    %swap3A_154 = arith.constant 32 : index
    %swap3A_155 = tpu.vector_load %arg6[%swap3A_153, %swap3A_154] {strides = array<i32>} : memref<4x64xi32, #tpu.memory_space<vmem>>, vector<1x16xi32>,
    %swap3A_156 = vector.shape_cast %swap3A_155 : vector<1x16xi32> to vector<16xi32>
    %swap3A_157 = vector.shape_cast %and3A_151 : vector<16xi32> to vector<1x16xi32>
    tpu.vector_store %arg6[%swap3A_153, %swap3A_154], %swap3A_157 {strides = array<i32>} : memref<4x64xi32, #tpu.memory_space<vmem>>, vector<1x16xi32>,
    %shift_right_logical3A_158 = arith.constant 14 : i32
    %shift_right_logical3A_159 = vector.broadcast %shift_right_logical3A_158 : i32 to vector<16xi32>
    %shift_right_logical3A_160 = arith.shrui %get3A_148, %shift_right_logical3A_159 : vector<16xi32>
    %swap3A_161 = arith.constant 1 : i32
    %swap3A_162 = arith.index_cast %swap3A_161 : i32 to index
    %swap3A_163 = arith.constant 32 : index
    %swap3A_164 = tpu.vector_load %arg7[%swap3A_162, %swap3A_163] {strides = array<i32>} : memref<4x64xi32, #tpu.memory_space<vmem>>, vector<1x16xi32>,
    %swap3A_165 = vector.shape_cast %swap3A_164 : vector<1x16xi32> to vector<16xi32>
    %swap3A_166 = vector.shape_cast %shift_right_logical3A_160 : vector<16xi32> to vector<1x16xi32>
    tpu.vector_store %arg7[%swap3A_162, %swap3A_163], %swap3A_166 {strides = array<i32>} : memref<4x64xi32, #tpu.memory_space<vmem>>, vector<1x16xi32>,
    %get3A_167 = arith.constant 0 : i32
    %get3A_168 = arith.index_cast %get3A_167 : i32 to index
    %get3A_169 = arith.constant 112 : index
    %get3A_170 = tpu.vector_load %arg5[%get3A_168, %get3A_169] {strides = array<i32>} : memref<80x128xi32, #tpu.memory_space<vmem>>, vector<1x16xi32>,
    %get3A_171 = vector.shape_cast %get3A_170 : vector<1x16xi32> to vector<16xi32>
    %and3A_172 = arith.constant 16383 : i32
    %and3A_173 = vector.broadcast %and3A_172 : i32 to vector<16xi32>
    %and3A_174 = arith.andi %get3A_171, %and3A_173 : vector<16xi32>
    %swap3A_175 = arith.constant 1 : i32
    %swap3A_176 = arith.index_cast %swap3A_175 : i32 to index
    %swap3A_177 = arith.constant 48 : index
    %swap3A_178 = tpu.vector_load %arg6[%swap3A_176, %swap3A_177] {strides = array<i32>} : memref<4x64xi32, #tpu.memory_space<vmem>>, vector<1x16xi32>,
    %swap3A_179 = vector.shape_cast %swap3A_178 : vector<1x16xi32> to vector<16xi32>
    %swap3A_180 = vector.shape_cast %and3A_174 : vector<16xi32> to vector<1x16xi32>
    tpu.vector_store %arg6[%swap3A_176, %swap3A_177], %swap3A_180 {strides = array<i32>} : memref<4x64xi32, #tpu.memory_space<vmem>>, vector<1x16xi32>,
    %shift_right_logical3A_181 = arith.constant 14 : i32
    %shift_right_logical3A_182 = vector.broadcast %shift_right_logical3A_181 : i32 to vector<16xi32>
    %shift_right_logical3A_183 = arith.shrui %get3A_171, %shift_right_logical3A_182 : vector<16xi32>
    %swap3A_184 = arith.constant 1 : i32
    %swap3A_185 = arith.index_cast %swap3A_184 : i32 to index
    %swap3A_186 = arith.constant 48 : index
    %swap3A_187 = tpu.vector_load %arg7[%swap3A_185, %swap3A_186] {strides = array<i32>} : memref<4x64xi32, #tpu.memory_space<vmem>>, vector<1x16xi32>,
    %swap3A_188 = vector.shape_cast %swap3A_187 : vector<1x16xi32> to vector<16xi32>
    %swap3A_189 = vector.shape_cast %shift_right_logical3A_183 : vector<16xi32> to vector<1x16xi32>
    tpu.vector_store %arg7[%swap3A_185, %swap3A_186], %swap3A_189 {strides = array<i32>} : memref<4x64xi32, #tpu.memory_space<vmem>>, vector<1x16xi32>,
    %barrier3A = arith.constant 0 : index
    tpu.barrier barrier_id(%barrier3A)
    %dma_start3A = arith.constant 0 : i32
    %dma_start3A_190 = arith.constant 0 : i32
    %dma_start3A_191 = arith.constant 0 : i32
    %dma_start3A_192 = tpu.memref_slice %arg8[%dma_start3A_190, %dma_start3A_191] : memref<256x128xf32, #tpu.memory_space<vmem>> -> memref<64x128xf32, #tpu.memory_space<vmem>>
    %dma_start3A_193 = arith.constant 0 : i32
    %dma_start3A_194 = tpu.memref_slice %arg6[%dma_start3A, %dma_start3A_193] : memref<4x64xi32, #tpu.memory_space<vmem>> -> memref<1x64xi32, #tpu.memory_space<vmem>>
    %dma_start3A_195 = tpu.memref_squeeze %dma_start3A_194 : memref<1x64xi32, #tpu.memory_space<vmem>> -> memref<64xi32, #tpu.memory_space<vmem>>
    %dma_start3A_196 = arith.constant 0 : i32
    %dma_start3A_197 = arith.constant 0 : i32
    %dma_start3A_198 = tpu.memref_slice %arg2[%dma_start3A_196, %dma_start3A_197] : memref<10240x128xf32, #tpu.memory_space<hbm>> -> memref<10240x128xf32, #tpu.memory_space<hbm>>
    tpu.enqueue_indirect_dma source(%dma_start3A_198 : memref<10240x128xf32, #tpu.memory_space<hbm>>) target(%dma_start3A_192 : memref<64x128xf32, #tpu.memory_space<vmem>>) offsets(%dma_start3A_195 : memref<64xi32, #tpu.memory_space<vmem>>) semaphore(%arg10 : memref<!tpu.dma_semaphore, #tpu.memory_space<semaphore_mem>>)
    %dma_start3A_199 = arith.constant 1 : i32
    %dma_start3A_200 = arith.constant 64 : i32
    %dma_start3A_201 = arith.constant 0 : i32
    %dma_start3A_202 = tpu.memref_slice %arg8[%dma_start3A_200, %dma_start3A_201] : memref<256x128xf32, #tpu.memory_space<vmem>> -> memref<64x128xf32, #tpu.memory_space<vmem>>
    %dma_start3A_203 = arith.constant 0 : i32
    %dma_start3A_204 = tpu.memref_slice %arg6[%dma_start3A_199, %dma_start3A_203] : memref<4x64xi32, #tpu.memory_space<vmem>> -> memref<1x64xi32, #tpu.memory_space<vmem>>
    %dma_start3A_205 = tpu.memref_squeeze %dma_start3A_204 : memref<1x64xi32, #tpu.memory_space<vmem>> -> memref<64xi32, #tpu.memory_space<vmem>>
    %dma_start3A_206 = arith.constant 0 : i32
    %dma_start3A_207 = arith.constant 0 : i32
    %dma_start3A_208 = tpu.memref_slice %arg2[%dma_start3A_206, %dma_start3A_207] : memref<10240x128xf32, #tpu.memory_space<hbm>> -> memref<10240x128xf32, #tpu.memory_space<hbm>>
    tpu.enqueue_indirect_dma source(%dma_start3A_208 : memref<10240x128xf32, #tpu.memory_space<hbm>>) target(%dma_start3A_202 : memref<64x128xf32, #tpu.memory_space<vmem>>) offsets(%dma_start3A_205 : memref<64xi32, #tpu.memory_space<vmem>>) semaphore(%arg10 : memref<!tpu.dma_semaphore, #tpu.memory_space<semaphore_mem>>)
    %scan3A = arith.constant 0 : i32
    %scan3A_209 = arith.constant 0 : i32
    %scan3A_210 = arith.constant 40 : i32
    %scan3A_211 = arith.addi %scan3A_209, %scan3A_210 : i32
    %scan3A_212 = arith.constant 1 : i32
    scf.for %scan3A_254 = %scan3A_209 to %scan3A_211 step %scan3A_212  : i32 {
      %mul3A_255 = arith.constant 2 : i32
      %mul3A_256 = arith.muli %mul3A_255, %scan3A_254 : i32
      %dma_wait3A_257 = arith.constant 0 : i32
      %dma_wait3A_258 = arith.constant 0 : i32
      %dma_wait3A_259 = arith.constant 0 : i32
      %dma_wait3A_260 = tpu.memref_slice %arg8[%dma_wait3A_258, %dma_wait3A_259] : memref<256x128xf32, #tpu.memory_space<vmem>> -> memref<64x128xf32, #tpu.memory_space<vmem>>
      %dma_wait3A_261 = arith.constant 0 : i32
      %dma_wait3A_262 = tpu.memref_slice %arg6[%dma_wait3A_257, %dma_wait3A_261] : memref<4x64xi32, #tpu.memory_space<vmem>> -> memref<1x64xi32, #tpu.memory_space<vmem>>
      %dma_wait3A_263 = tpu.memref_squeeze %dma_wait3A_262 : memref<1x64xi32, #tpu.memory_space<vmem>> -> memref<64xi32, #tpu.memory_space<vmem>>
      %dma_wait3A_264 = arith.constant 0 : i32
      %dma_wait3A_265 = arith.constant 0 : i32
      %dma_wait3A_266 = tpu.memref_slice %arg2[%dma_wait3A_264, %dma_wait3A_265] : memref<10240x128xf32, #tpu.memory_space<hbm>> -> memref<10240x128xf32, #tpu.memory_space<hbm>>
      tpu.wait_indirect_dma semaphore(%arg10 : memref<!tpu.dma_semaphore, #tpu.memory_space<semaphore_mem>>) src(%dma_wait3A_266 : memref<10240x128xf32, #tpu.memory_space<hbm>>) dst(%dma_wait3A_260 : memref<64x128xf32, #tpu.memory_space<vmem>>)
      %dma_start3A_267 = arith.constant 0 : i32
      %dma_start3A_268 = arith.constant 0 : i32
      %dma_start3A_269 = arith.constant 0 : i32
      %dma_start3A_270 = tpu.memref_slice %arg8[%dma_start3A_268, %dma_start3A_269] : memref<256x128xf32, #tpu.memory_space<vmem>> -> memref<64x128xf32, #tpu.memory_space<vmem>>
      %dma_start3A_271 = arith.constant 0 : i32
      %dma_start3A_272 = tpu.memref_slice %arg7[%dma_start3A_267, %dma_start3A_271] : memref<4x64xi32, #tpu.memory_space<vmem>> -> memref<1x64xi32, #tpu.memory_space<vmem>>
      %dma_start3A_273 = tpu.memref_squeeze %dma_start3A_272 : memref<1x64xi32, #tpu.memory_space<vmem>> -> memref<64xi32, #tpu.memory_space<vmem>>
      %dma_start3A_274 = arith.constant 0 : i32
      %dma_start3A_275 = arith.constant 0 : i32
      %dma_start3A_276 = tpu.memref_slice %arg9[%dma_start3A_274, %dma_start3A_275] : memref<10240x128xf32, #tpu.memory_space<vmem_shared>> -> memref<10240x128xf32, #tpu.memory_space<vmem_shared>>
      tpu.enqueue_indirect_dma source(%dma_start3A_270 : memref<64x128xf32, #tpu.memory_space<vmem>>) target(%dma_start3A_276 : memref<10240x128xf32, #tpu.memory_space<vmem_shared>>) offsets(%dma_start3A_273 : memref<64xi32, #tpu.memory_space<vmem>>) semaphore(%arg11 : memref<!tpu.dma_semaphore, #tpu.memory_space<semaphore_mem>>) {add = true}
      %dma_wait3A_277 = arith.constant 0 : i32
      %dma_wait3A_278 = arith.constant 0 : i32
      %dma_wait3A_279 = arith.constant 0 : i32
      %dma_wait3A_280 = tpu.memref_slice %arg8[%dma_wait3A_278, %dma_wait3A_279] : memref<256x128xf32, #tpu.memory_space<vmem>> -> memref<64x128xf32, #tpu.memory_space<vmem>>
      %dma_wait3A_281 = arith.constant 0 : i32
      %dma_wait3A_282 = tpu.memref_slice %arg6[%dma_wait3A_277, %dma_wait3A_281] : memref<4x64xi32, #tpu.memory_space<vmem>> -> memref<1x64xi32, #tpu.memory_space<vmem>>
      %dma_wait3A_283 = tpu.memref_squeeze %dma_wait3A_282 : memref<1x64xi32, #tpu.memory_space<vmem>> -> memref<64xi32, #tpu.memory_space<vmem>>
      %dma_wait3A_284 = arith.constant 0 : i32
      %dma_wait3A_285 = arith.constant 0 : i32
      %dma_wait3A_286 = tpu.memref_slice %arg2[%dma_wait3A_284, %dma_wait3A_285] : memref<10240x128xf32, #tpu.memory_space<hbm>> -> memref<10240x128xf32, #tpu.memory_space<hbm>>
      tpu.wait_indirect_dma semaphore(%arg10 : memref<!tpu.dma_semaphore, #tpu.memory_space<semaphore_mem>>) src(%dma_wait3A_286 : memref<10240x128xf32, #tpu.memory_space<hbm>>) dst(%dma_wait3A_280 : memref<64x128xf32, #tpu.memory_space<vmem>>)
      %dma_start3A_287 = arith.constant 1 : i32
      %dma_start3A_288 = arith.constant 64 : i32
      %dma_start3A_289 = arith.constant 0 : i32
      %dma_start3A_290 = tpu.memref_slice %arg8[%dma_start3A_288, %dma_start3A_289] : memref<256x128xf32, #tpu.memory_space<vmem>> -> memref<64x128xf32, #tpu.memory_space<vmem>>
      %dma_start3A_291 = arith.constant 0 : i32
      %dma_start3A_292 = tpu.memref_slice %arg7[%dma_start3A_287, %dma_start3A_291] : memref<4x64xi32, #tpu.memory_space<vmem>> -> memref<1x64xi32, #tpu.memory_space<vmem>>
      %dma_start3A_293 = tpu.memref_squeeze %dma_start3A_292 : memref<1x64xi32, #tpu.memory_space<vmem>> -> memref<64xi32, #tpu.memory_space<vmem>>
      %dma_start3A_294 = arith.constant 0 : i32
      %dma_start3A_295 = arith.constant 0 : i32
      %dma_start3A_296 = tpu.memref_slice %arg9[%dma_start3A_294, %dma_start3A_295] : memref<10240x128xf32, #tpu.memory_space<vmem_shared>> -> memref<10240x128xf32, #tpu.memory_space<vmem_shared>>
      tpu.enqueue_indirect_dma source(%dma_start3A_290 : memref<64x128xf32, #tpu.memory_space<vmem>>) target(%dma_start3A_296 : memref<10240x128xf32, #tpu.memory_space<vmem_shared>>) offsets(%dma_start3A_293 : memref<64xi32, #tpu.memory_space<vmem>>) semaphore(%arg11 : memref<!tpu.dma_semaphore, #tpu.memory_space<semaphore_mem>>) {add = true}
      %ge3A = arith.constant 1 : i32
      %ge3A_297 = arith.cmpi sge, %scan3A_254, %ge3A : i32
      %convert_element_type3A_298 = arith.extui %ge3A_297 : i1 to i32
      %cond3A_299 = arith.constant 0 : i32
      %cond3A_300 = arith.cmpi ne, %convert_element_type3A_298, %cond3A_299 : i32
      scf.if %cond3A_300 {
        %dma_wait3A_545 = arith.constant 0 : i32
        %dma_wait3A_546 = arith.constant 0 : i32
        %dma_wait3A_547 = arith.constant 0 : i32
        %dma_wait3A_548 = tpu.memref_slice %arg8[%dma_wait3A_546, %dma_wait3A_547] : memref<256x128xf32, #tpu.memory_space<vmem>> -> memref<64x128xf32, #tpu.memory_space<vmem>>
        %dma_wait3A_549 = arith.constant 0 : i32
        %dma_wait3A_550 = tpu.memref_slice %arg7[%dma_wait3A_545, %dma_wait3A_549] : memref<4x64xi32, #tpu.memory_space<vmem>> -> memref<1x64xi32, #tpu.memory_space<vmem>>
        %dma_wait3A_551 = tpu.memref_squeeze %dma_wait3A_550 : memref<1x64xi32, #tpu.memory_space<vmem>> -> memref<64xi32, #tpu.memory_space<vmem>>
        %dma_wait3A_552 = arith.constant 0 : i32
        %dma_wait3A_553 = arith.constant 0 : i32
        %dma_wait3A_554 = tpu.memref_slice %arg9[%dma_wait3A_552, %dma_wait3A_553] : memref<10240x128xf32, #tpu.memory_space<vmem_shared>> -> memref<10240x128xf32, #tpu.memory_space<vmem_shared>>
        tpu.wait_indirect_dma semaphore(%arg11 : memref<!tpu.dma_semaphore, #tpu.memory_space<semaphore_mem>>) src(%dma_wait3A_548 : memref<64x128xf32, #tpu.memory_space<vmem>>) dst(%dma_wait3A_554 : memref<10240x128xf32, #tpu.memory_space<vmem_shared>>)
        %dma_wait3A_555 = arith.constant 0 : i32
        %dma_wait3A_556 = arith.constant 0 : i32
        %dma_wait3A_557 = arith.constant 0 : i32
        %dma_wait3A_558 = tpu.memref_slice %arg8[%dma_wait3A_556, %dma_wait3A_557] : memref<256x128xf32, #tpu.memory_space<vmem>> -> memref<64x128xf32, #tpu.memory_space<vmem>>
        %dma_wait3A_559 = arith.constant 0 : i32
        %dma_wait3A_560 = tpu.memref_slice %arg7[%dma_wait3A_555, %dma_wait3A_559] : memref<4x64xi32, #tpu.memory_space<vmem>> -> memref<1x64xi32, #tpu.memory_space<vmem>>
        %dma_wait3A_561 = tpu.memref_squeeze %dma_wait3A_560 : memref<1x64xi32, #tpu.memory_space<vmem>> -> memref<64xi32, #tpu.memory_space<vmem>>
        %dma_wait3A_562 = arith.constant 0 : i32
        %dma_wait3A_563 = arith.constant 0 : i32
        %dma_wait3A_564 = tpu.memref_slice %arg9[%dma_wait3A_562, %dma_wait3A_563] : memref<10240x128xf32, #tpu.memory_space<vmem_shared>> -> memref<10240x128xf32, #tpu.memory_space<vmem_shared>>
        tpu.wait_indirect_dma semaphore(%arg11 : memref<!tpu.dma_semaphore, #tpu.memory_space<semaphore_mem>>) src(%dma_wait3A_558 : memref<64x128xf32, #tpu.memory_space<vmem>>) dst(%dma_wait3A_564 : memref<10240x128xf32, #tpu.memory_space<vmem_shared>>)
      } else {
      }
      %add3A_301 = arith.constant 1 : i32
      %add3A_302 = arith.addi %mul3A_256, %add3A_301 : i32
      %get3A_303 = arith.index_cast %add3A_302 : i32 to index
      %get3A_304 = arith.constant 0 : index
      %get3A_305 = tpu.vector_load %arg5[%get3A_303, %get3A_304] {strides = array<i32>} : memref<80x128xi32, #tpu.memory_space<vmem>>, vector<1x16xi32>,
      %get3A_306 = vector.shape_cast %get3A_305 : vector<1x16xi32> to vector<16xi32>
      %and3A_307 = arith.constant 16383 : i32
      %and3A_308 = vector.broadcast %and3A_307 : i32 to vector<16xi32>
      %and3A_309 = arith.andi %get3A_306, %and3A_308 : vector<16xi32>
      %swap3A_310 = arith.constant 2 : i32
      %swap3A_311 = arith.index_cast %swap3A_310 : i32 to index
      %swap3A_312 = arith.constant 0 : index
      %swap3A_313 = tpu.vector_load %arg6[%swap3A_311, %swap3A_312] {strides = array<i32>} : memref<4x64xi32, #tpu.memory_space<vmem>>, vector<1x16xi32>,
      %swap3A_314 = vector.shape_cast %swap3A_313 : vector<1x16xi32> to vector<16xi32>
      %swap3A_315 = vector.shape_cast %and3A_309 : vector<16xi32> to vector<1x16xi32>
      tpu.vector_store %arg6[%swap3A_311, %swap3A_312], %swap3A_315 {strides = array<i32>} : memref<4x64xi32, #tpu.memory_space<vmem>>, vector<1x16xi32>,
      %shift_right_logical3A_316 = arith.constant 14 : i32
      %shift_right_logical3A_317 = vector.broadcast %shift_right_logical3A_316 : i32 to vector<16xi32>
      %shift_right_logical3A_318 = arith.shrui %get3A_306, %shift_right_logical3A_317 : vector<16xi32>
      %swap3A_319 = arith.constant 2 : i32
      %swap3A_320 = arith.index_cast %swap3A_319 : i32 to index
      %swap3A_321 = arith.constant 0 : index
      %swap3A_322 = tpu.vector_load %arg7[%swap3A_320, %swap3A_321] {strides = array<i32>} : memref<4x64xi32, #tpu.memory_space<vmem>>, vector<1x16xi32>,
      %swap3A_323 = vector.shape_cast %swap3A_322 : vector<1x16xi32> to vector<16xi32>
      %swap3A_324 = vector.shape_cast %shift_right_logical3A_318 : vector<16xi32> to vector<1x16xi32>
      tpu.vector_store %arg7[%swap3A_320, %swap3A_321], %swap3A_324 {strides = array<i32>} : memref<4x64xi32, #tpu.memory_space<vmem>>, vector<1x16xi32>,
      %get3A_325 = arith.index_cast %add3A_302 : i32 to index
      %get3A_326 = arith.constant 16 : index
      %get3A_327 = tpu.vector_load %arg5[%get3A_325, %get3A_326] {strides = array<i32>} : memref<80x128xi32, #tpu.memory_space<vmem>>, vector<1x16xi32>,
      %get3A_328 = vector.shape_cast %get3A_327 : vector<1x16xi32> to vector<16xi32>
      %and3A_329 = arith.constant 16383 : i32
      %and3A_330 = vector.broadcast %and3A_329 : i32 to vector<16xi32>
      %and3A_331 = arith.andi %get3A_328, %and3A_330 : vector<16xi32>
      %swap3A_332 = arith.constant 2 : i32
      %swap3A_333 = arith.index_cast %swap3A_332 : i32 to index
      %swap3A_334 = arith.constant 16 : index
      %swap3A_335 = tpu.vector_load %arg6[%swap3A_333, %swap3A_334] {strides = array<i32>} : memref<4x64xi32, #tpu.memory_space<vmem>>, vector<1x16xi32>,
      %swap3A_336 = vector.shape_cast %swap3A_335 : vector<1x16xi32> to vector<16xi32>
      %swap3A_337 = vector.shape_cast %and3A_331 : vector<16xi32> to vector<1x16xi32>
      tpu.vector_store %arg6[%swap3A_333, %swap3A_334], %swap3A_337 {strides = array<i32>} : memref<4x64xi32, #tpu.memory_space<vmem>>, vector<1x16xi32>,
      %shift_right_logical3A_338 = arith.constant 14 : i32
      %shift_right_logical3A_339 = vector.broadcast %shift_right_logical3A_338 : i32 to vector<16xi32>
      %shift_right_logical3A_340 = arith.shrui %get3A_328, %shift_right_logical3A_339 : vector<16xi32>
      %swap3A_341 = arith.constant 2 : i32
      %swap3A_342 = arith.index_cast %swap3A_341 : i32 to index
      %swap3A_343 = arith.constant 16 : index
      %swap3A_344 = tpu.vector_load %arg7[%swap3A_342, %swap3A_343] {strides = array<i32>} : memref<4x64xi32, #tpu.memory_space<vmem>>, vector<1x16xi32>,
      %swap3A_345 = vector.shape_cast %swap3A_344 : vector<1x16xi32> to vector<16xi32>
      %swap3A_346 = vector.shape_cast %shift_right_logical3A_340 : vector<16xi32> to vector<1x16xi32>
      tpu.vector_store %arg7[%swap3A_342, %swap3A_343], %swap3A_346 {strides = array<i32>} : memref<4x64xi32, #tpu.memory_space<vmem>>, vector<1x16xi32>,
      %get3A_347 = arith.index_cast %add3A_302 : i32 to index
      %get3A_348 = arith.constant 32 : index
      %get3A_349 = tpu.vector_load %arg5[%get3A_347, %get3A_348] {strides = array<i32>} : memref<80x128xi32, #tpu.memory_space<vmem>>, vector<1x16xi32>,
      %get3A_350 = vector.shape_cast %get3A_349 : vector<1x16xi32> to vector<16xi32>
      %and3A_351 = arith.constant 16383 : i32
      %and3A_352 = vector.broadcast %and3A_351 : i32 to vector<16xi32>
      %and3A_353 = arith.andi %get3A_350, %and3A_352 : vector<16xi32>
      %swap3A_354 = arith.constant 2 : i32
      %swap3A_355 = arith.index_cast %swap3A_354 : i32 to index
      %swap3A_356 = arith.constant 32 : index
      %swap3A_357 = tpu.vector_load %arg6[%swap3A_355, %swap3A_356] {strides = array<i32>} : memref<4x64xi32, #tpu.memory_space<vmem>>, vector<1x16xi32>,
      %swap3A_358 = vector.shape_cast %swap3A_357 : vector<1x16xi32> to vector<16xi32>
      %swap3A_359 = vector.shape_cast %and3A_353 : vector<16xi32> to vector<1x16xi32>
      tpu.vector_store %arg6[%swap3A_355, %swap3A_356], %swap3A_359 {strides = array<i32>} : memref<4x64xi32, #tpu.memory_space<vmem>>, vector<1x16xi32>,
      %shift_right_logical3A_360 = arith.constant 14 : i32
      %shift_right_logical3A_361 = vector.broadcast %shift_right_logical3A_360 : i32 to vector<16xi32>
      %shift_right_logical3A_362 = arith.shrui %get3A_350, %shift_right_logical3A_361 : vector<16xi32>
      %swap3A_363 = arith.constant 2 : i32
      %swap3A_364 = arith.index_cast %swap3A_363 : i32 to index
      %swap3A_365 = arith.constant 32 : index
      %swap3A_366 = tpu.vector_load %arg7[%swap3A_364, %swap3A_365] {strides = array<i32>} : memref<4x64xi32, #tpu.memory_space<vmem>>, vector<1x16xi32>,
      %swap3A_367 = vector.shape_cast %swap3A_366 : vector<1x16xi32> to vector<16xi32>
      %swap3A_368 = vector.shape_cast %shift_right_logical3A_362 : vector<16xi32> to vector<1x16xi32>
      tpu.vector_store %arg7[%swap3A_364, %swap3A_365], %swap3A_368 {strides = array<i32>} : memref<4x64xi32, #tpu.memory_space<vmem>>, vector<1x16xi32>,
      %get3A_369 = arith.index_cast %add3A_302 : i32 to index
      %get3A_370 = arith.constant 48 : index
      %get3A_371 = tpu.vector_load %arg5[%get3A_369, %get3A_370] {strides = array<i32>} : memref<80x128xi32, #tpu.memory_space<vmem>>, vector<1x16xi32>,
      %get3A_372 = vector.shape_cast %get3A_371 : vector<1x16xi32> to vector<16xi32>
      %and3A_373 = arith.constant 16383 : i32
      %and3A_374 = vector.broadcast %and3A_373 : i32 to vector<16xi32>
      %and3A_375 = arith.andi %get3A_372, %and3A_374 : vector<16xi32>
      %swap3A_376 = arith.constant 2 : i32
      %swap3A_377 = arith.index_cast %swap3A_376 : i32 to index
      %swap3A_378 = arith.constant 48 : index
      %swap3A_379 = tpu.vector_load %arg6[%swap3A_377, %swap3A_378] {strides = array<i32>} : memref<4x64xi32, #tpu.memory_space<vmem>>, vector<1x16xi32>,
      %swap3A_380 = vector.shape_cast %swap3A_379 : vector<1x16xi32> to vector<16xi32>
      %swap3A_381 = vector.shape_cast %and3A_375 : vector<16xi32> to vector<1x16xi32>
      tpu.vector_store %arg6[%swap3A_377, %swap3A_378], %swap3A_381 {strides = array<i32>} : memref<4x64xi32, #tpu.memory_space<vmem>>, vector<1x16xi32>,
      %shift_right_logical3A_382 = arith.constant 14 : i32
      %shift_right_logical3A_383 = vector.broadcast %shift_right_logical3A_382 : i32 to vector<16xi32>
      %shift_right_logical3A_384 = arith.shrui %get3A_372, %shift_right_logical3A_383 : vector<16xi32>
      %swap3A_385 = arith.constant 2 : i32
      %swap3A_386 = arith.index_cast %swap3A_385 : i32 to index
      %swap3A_387 = arith.constant 48 : index
      %swap3A_388 = tpu.vector_load %arg7[%swap3A_386, %swap3A_387] {strides = array<i32>} : memref<4x64xi32, #tpu.memory_space<vmem>>, vector<1x16xi32>,
      %swap3A_389 = vector.shape_cast %swap3A_388 : vector<1x16xi32> to vector<16xi32>
      %swap3A_390 = vector.shape_cast %shift_right_logical3A_384 : vector<16xi32> to vector<1x16xi32>
      tpu.vector_store %arg7[%swap3A_386, %swap3A_387], %swap3A_390 {strides = array<i32>} : memref<4x64xi32, #tpu.memory_space<vmem>>, vector<1x16xi32>,
      %get3A_391 = arith.index_cast %add3A_302 : i32 to index
      %get3A_392 = arith.constant 64 : index
      %get3A_393 = tpu.vector_load %arg5[%get3A_391, %get3A_392] {strides = array<i32>} : memref<80x128xi32, #tpu.memory_space<vmem>>, vector<1x16xi32>,
      %get3A_394 = vector.shape_cast %get3A_393 : vector<1x16xi32> to vector<16xi32>
      %and3A_395 = arith.constant 16383 : i32
      %and3A_396 = vector.broadcast %and3A_395 : i32 to vector<16xi32>
      %and3A_397 = arith.andi %get3A_394, %and3A_396 : vector<16xi32>
      %swap3A_398 = arith.constant 3 : i32
      %swap3A_399 = arith.index_cast %swap3A_398 : i32 to index
      %swap3A_400 = arith.constant 0 : index
      %swap3A_401 = tpu.vector_load %arg6[%swap3A_399, %swap3A_400] {strides = array<i32>} : memref<4x64xi32, #tpu.memory_space<vmem>>, vector<1x16xi32>,
      %swap3A_402 = vector.shape_cast %swap3A_401 : vector<1x16xi32> to vector<16xi32>
      %swap3A_403 = vector.shape_cast %and3A_397 : vector<16xi32> to vector<1x16xi32>
      tpu.vector_store %arg6[%swap3A_399, %swap3A_400], %swap3A_403 {strides = array<i32>} : memref<4x64xi32, #tpu.memory_space<vmem>>, vector<1x16xi32>,
      %shift_right_logical3A_404 = arith.constant 14 : i32
      %shift_right_logical3A_405 = vector.broadcast %shift_right_logical3A_404 : i32 to vector<16xi32>
      %shift_right_logical3A_406 = arith.shrui %get3A_394, %shift_right_logical3A_405 : vector<16xi32>
      %swap3A_407 = arith.constant 3 : i32
      %swap3A_408 = arith.index_cast %swap3A_407 : i32 to index
      %swap3A_409 = arith.constant 0 : index
      %swap3A_410 = tpu.vector_load %arg7[%swap3A_408, %swap3A_409] {strides = array<i32>} : memref<4x64xi32, #tpu.memory_space<vmem>>, vector<1x16xi32>,
      %swap3A_411 = vector.shape_cast %swap3A_410 : vector<1x16xi32> to vector<16xi32>
      %swap3A_412 = vector.shape_cast %shift_right_logical3A_406 : vector<16xi32> to vector<1x16xi32>
      tpu.vector_store %arg7[%swap3A_408, %swap3A_409], %swap3A_412 {strides = array<i32>} : memref<4x64xi32, #tpu.memory_space<vmem>>, vector<1x16xi32>,
      %get3A_413 = arith.index_cast %add3A_302 : i32 to index
      %get3A_414 = arith.constant 80 : index
      %get3A_415 = tpu.vector_load %arg5[%get3A_413, %get3A_414] {strides = array<i32>} : memref<80x128xi32, #tpu.memory_space<vmem>>, vector<1x16xi32>,
      %get3A_416 = vector.shape_cast %get3A_415 : vector<1x16xi32> to vector<16xi32>
      %and3A_417 = arith.constant 16383 : i32
      %and3A_418 = vector.broadcast %and3A_417 : i32 to vector<16xi32>
      %and3A_419 = arith.andi %get3A_416, %and3A_418 : vector<16xi32>
      %swap3A_420 = arith.constant 3 : i32
      %swap3A_421 = arith.index_cast %swap3A_420 : i32 to index
      %swap3A_422 = arith.constant 16 : index
      %swap3A_423 = tpu.vector_load %arg6[%swap3A_421, %swap3A_422] {strides = array<i32>} : memref<4x64xi32, #tpu.memory_space<vmem>>, vector<1x16xi32>,
      %swap3A_424 = vector.shape_cast %swap3A_423 : vector<1x16xi32> to vector<16xi32>
      %swap3A_425 = vector.shape_cast %and3A_419 : vector<16xi32> to vector<1x16xi32>
      tpu.vector_store %arg6[%swap3A_421, %swap3A_422], %swap3A_425 {strides = array<i32>} : memref<4x64xi32, #tpu.memory_space<vmem>>, vector<1x16xi32>,
      %shift_right_logical3A_426 = arith.constant 14 : i32
      %shift_right_logical3A_427 = vector.broadcast %shift_right_logical3A_426 : i32 to vector<16xi32>
      %shift_right_logical3A_428 = arith.shrui %get3A_416, %shift_right_logical3A_427 : vector<16xi32>
      %swap3A_429 = arith.constant 3 : i32
      %swap3A_430 = arith.index_cast %swap3A_429 : i32 to index
      %swap3A_431 = arith.constant 16 : index
      %swap3A_432 = tpu.vector_load %arg7[%swap3A_430, %swap3A_431] {strides = array<i32>} : memref<4x64xi32, #tpu.memory_space<vmem>>, vector<1x16xi32>,
      %swap3A_433 = vector.shape_cast %swap3A_432 : vector<1x16xi32> to vector<16xi32>
      %swap3A_434 = vector.shape_cast %shift_right_logical3A_428 : vector<16xi32> to vector<1x16xi32>
      tpu.vector_store %arg7[%swap3A_430, %swap3A_431], %swap3A_434 {strides = array<i32>} : memref<4x64xi32, #tpu.memory_space<vmem>>, vector<1x16xi32>,
      %get3A_435 = arith.index_cast %add3A_302 : i32 to index
      %get3A_436 = arith.constant 96 : index
      %get3A_437 = tpu.vector_load %arg5[%get3A_435, %get3A_436] {strides = array<i32>} : memref<80x128xi32, #tpu.memory_space<vmem>>, vector<1x16xi32>,
      %get3A_438 = vector.shape_cast %get3A_437 : vector<1x16xi32> to vector<16xi32>
      %and3A_439 = arith.constant 16383 : i32
      %and3A_440 = vector.broadcast %and3A_439 : i32 to vector<16xi32>
      %and3A_441 = arith.andi %get3A_438, %and3A_440 : vector<16xi32>
      %swap3A_442 = arith.constant 3 : i32
      %swap3A_443 = arith.index_cast %swap3A_442 : i32 to index
      %swap3A_444 = arith.constant 32 : index
      %swap3A_445 = tpu.vector_load %arg6[%swap3A_443, %swap3A_444] {strides = array<i32>} : memref<4x64xi32, #tpu.memory_space<vmem>>, vector<1x16xi32>,
      %swap3A_446 = vector.shape_cast %swap3A_445 : vector<1x16xi32> to vector<16xi32>
      %swap3A_447 = vector.shape_cast %and3A_441 : vector<16xi32> to vector<1x16xi32>
      tpu.vector_store %arg6[%swap3A_443, %swap3A_444], %swap3A_447 {strides = array<i32>} : memref<4x64xi32, #tpu.memory_space<vmem>>, vector<1x16xi32>,
      %shift_right_logical3A_448 = arith.constant 14 : i32
      %shift_right_logical3A_449 = vector.broadcast %shift_right_logical3A_448 : i32 to vector<16xi32>
      %shift_right_logical3A_450 = arith.shrui %get3A_438, %shift_right_logical3A_449 : vector<16xi32>
      %swap3A_451 = arith.constant 3 : i32
      %swap3A_452 = arith.index_cast %swap3A_451 : i32 to index
      %swap3A_453 = arith.constant 32 : index
      %swap3A_454 = tpu.vector_load %arg7[%swap3A_452, %swap3A_453] {strides = array<i32>} : memref<4x64xi32, #tpu.memory_space<vmem>>, vector<1x16xi32>,
      %swap3A_455 = vector.shape_cast %swap3A_454 : vector<1x16xi32> to vector<16xi32>
      %swap3A_456 = vector.shape_cast %shift_right_logical3A_450 : vector<16xi32> to vector<1x16xi32>
      tpu.vector_store %arg7[%swap3A_452, %swap3A_453], %swap3A_456 {strides = array<i32>} : memref<4x64xi32, #tpu.memory_space<vmem>>, vector<1x16xi32>,
      %get3A_457 = arith.index_cast %add3A_302 : i32 to index
      %get3A_458 = arith.constant 112 : index
      %get3A_459 = tpu.vector_load %arg5[%get3A_457, %get3A_458] {strides = array<i32>} : memref<80x128xi32, #tpu.memory_space<vmem>>, vector<1x16xi32>,
      %get3A_460 = vector.shape_cast %get3A_459 : vector<1x16xi32> to vector<16xi32>
      %and3A_461 = arith.constant 16383 : i32
      %and3A_462 = vector.broadcast %and3A_461 : i32 to vector<16xi32>
      %and3A_463 = arith.andi %get3A_460, %and3A_462 : vector<16xi32>
      %swap3A_464 = arith.constant 3 : i32
      %swap3A_465 = arith.index_cast %swap3A_464 : i32 to index
      %swap3A_466 = arith.constant 48 : index
      %swap3A_467 = tpu.vector_load %arg6[%swap3A_465, %swap3A_466] {strides = array<i32>} : memref<4x64xi32, #tpu.memory_space<vmem>>, vector<1x16xi32>,
      %swap3A_468 = vector.shape_cast %swap3A_467 : vector<1x16xi32> to vector<16xi32>
      %swap3A_469 = vector.shape_cast %and3A_463 : vector<16xi32> to vector<1x16xi32>
      tpu.vector_store %arg6[%swap3A_465, %swap3A_466], %swap3A_469 {strides = array<i32>} : memref<4x64xi32, #tpu.memory_space<vmem>>, vector<1x16xi32>,
      %shift_right_logical3A_470 = arith.constant 14 : i32
      %shift_right_logical3A_471 = vector.broadcast %shift_right_logical3A_470 : i32 to vector<16xi32>
      %shift_right_logical3A_472 = arith.shrui %get3A_460, %shift_right_logical3A_471 : vector<16xi32>
      %swap3A_473 = arith.constant 3 : i32
      %swap3A_474 = arith.index_cast %swap3A_473 : i32 to index
      %swap3A_475 = arith.constant 48 : index
      %swap3A_476 = tpu.vector_load %arg7[%swap3A_474, %swap3A_475] {strides = array<i32>} : memref<4x64xi32, #tpu.memory_space<vmem>>, vector<1x16xi32>,
      %swap3A_477 = vector.shape_cast %swap3A_476 : vector<1x16xi32> to vector<16xi32>
      %swap3A_478 = vector.shape_cast %shift_right_logical3A_472 : vector<16xi32> to vector<1x16xi32>
      tpu.vector_store %arg7[%swap3A_474, %swap3A_475], %swap3A_478 {strides = array<i32>} : memref<4x64xi32, #tpu.memory_space<vmem>>, vector<1x16xi32>,
      %dma_start3A_479 = arith.constant 2 : i32
      %dma_start3A_480 = arith.constant 128 : i32
      %dma_start3A_481 = arith.constant 0 : i32
      %dma_start3A_482 = tpu.memref_slice %arg8[%dma_start3A_480, %dma_start3A_481] : memref<256x128xf32, #tpu.memory_space<vmem>> -> memref<64x128xf32, #tpu.memory_space<vmem>>
      %dma_start3A_483 = arith.constant 0 : i32
      %dma_start3A_484 = tpu.memref_slice %arg6[%dma_start3A_479, %dma_start3A_483] : memref<4x64xi32, #tpu.memory_space<vmem>> -> memref<1x64xi32, #tpu.memory_space<vmem>>
      %dma_start3A_485 = tpu.memref_squeeze %dma_start3A_484 : memref<1x64xi32, #tpu.memory_space<vmem>> -> memref<64xi32, #tpu.memory_space<vmem>>
      %dma_start3A_486 = arith.constant 0 : i32
      %dma_start3A_487 = arith.constant 0 : i32
      %dma_start3A_488 = tpu.memref_slice %arg2[%dma_start3A_486, %dma_start3A_487] : memref<10240x128xf32, #tpu.memory_space<hbm>> -> memref<10240x128xf32, #tpu.memory_space<hbm>>
      tpu.enqueue_indirect_dma source(%dma_start3A_488 : memref<10240x128xf32, #tpu.memory_space<hbm>>) target(%dma_start3A_482 : memref<64x128xf32, #tpu.memory_space<vmem>>) offsets(%dma_start3A_485 : memref<64xi32, #tpu.memory_space<vmem>>) semaphore(%arg10 : memref<!tpu.dma_semaphore, #tpu.memory_space<semaphore_mem>>)
      %dma_start3A_489 = arith.constant 3 : i32
      %dma_start3A_490 = arith.constant 192 : i32
      %dma_start3A_491 = arith.constant 0 : i32
      %dma_start3A_492 = tpu.memref_slice %arg8[%dma_start3A_490, %dma_start3A_491] : memref<256x128xf32, #tpu.memory_space<vmem>> -> memref<64x128xf32, #tpu.memory_space<vmem>>
      %dma_start3A_493 = arith.constant 0 : i32
      %dma_start3A_494 = tpu.memref_slice %arg6[%dma_start3A_489, %dma_start3A_493] : memref<4x64xi32, #tpu.memory_space<vmem>> -> memref<1x64xi32, #tpu.memory_space<vmem>>
      %dma_start3A_495 = tpu.memref_squeeze %dma_start3A_494 : memref<1x64xi32, #tpu.memory_space<vmem>> -> memref<64xi32, #tpu.memory_space<vmem>>
      %dma_start3A_496 = arith.constant 0 : i32
      %dma_start3A_497 = arith.constant 0 : i32
      %dma_start3A_498 = tpu.memref_slice %arg2[%dma_start3A_496, %dma_start3A_497] : memref<10240x128xf32, #tpu.memory_space<hbm>> -> memref<10240x128xf32, #tpu.memory_space<hbm>>
      tpu.enqueue_indirect_dma source(%dma_start3A_498 : memref<10240x128xf32, #tpu.memory_space<hbm>>) target(%dma_start3A_492 : memref<64x128xf32, #tpu.memory_space<vmem>>) offsets(%dma_start3A_495 : memref<64xi32, #tpu.memory_space<vmem>>) semaphore(%arg10 : memref<!tpu.dma_semaphore, #tpu.memory_space<semaphore_mem>>)
      %dma_wait3A_499 = arith.constant 0 : i32
      %dma_wait3A_500 = arith.constant 0 : i32
      %dma_wait3A_501 = arith.constant 0 : i32
      %dma_wait3A_502 = tpu.memref_slice %arg8[%dma_wait3A_500, %dma_wait3A_501] : memref<256x128xf32, #tpu.memory_space<vmem>> -> memref<64x128xf32, #tpu.memory_space<vmem>>
      %dma_wait3A_503 = arith.constant 0 : i32
      %dma_wait3A_504 = tpu.memref_slice %arg6[%dma_wait3A_499, %dma_wait3A_503] : memref<4x64xi32, #tpu.memory_space<vmem>> -> memref<1x64xi32, #tpu.memory_space<vmem>>
      %dma_wait3A_505 = tpu.memref_squeeze %dma_wait3A_504 : memref<1x64xi32, #tpu.memory_space<vmem>> -> memref<64xi32, #tpu.memory_space<vmem>>
      %dma_wait3A_506 = arith.constant 0 : i32
      %dma_wait3A_507 = arith.constant 0 : i32
      %dma_wait3A_508 = tpu.memref_slice %arg2[%dma_wait3A_506, %dma_wait3A_507] : memref<10240x128xf32, #tpu.memory_space<hbm>> -> memref<10240x128xf32, #tpu.memory_space<hbm>>
      tpu.wait_indirect_dma semaphore(%arg10 : memref<!tpu.dma_semaphore, #tpu.memory_space<semaphore_mem>>) src(%dma_wait3A_508 : memref<10240x128xf32, #tpu.memory_space<hbm>>) dst(%dma_wait3A_502 : memref<64x128xf32, #tpu.memory_space<vmem>>)
      %dma_start3A_509 = arith.constant 2 : i32
      %dma_start3A_510 = arith.constant 128 : i32
      %dma_start3A_511 = arith.constant 0 : i32
      %dma_start3A_512 = tpu.memref_slice %arg8[%dma_start3A_510, %dma_start3A_511] : memref<256x128xf32, #tpu.memory_space<vmem>> -> memref<64x128xf32, #tpu.memory_space<vmem>>
      %dma_start3A_513 = arith.constant 0 : i32
      %dma_start3A_514 = tpu.memref_slice %arg7[%dma_start3A_509, %dma_start3A_513] : memref<4x64xi32, #tpu.memory_space<vmem>> -> memref<1x64xi32, #tpu.memory_space<vmem>>
      %dma_start3A_515 = tpu.memref_squeeze %dma_start3A_514 : memref<1x64xi32, #tpu.memory_space<vmem>> -> memref<64xi32, #tpu.memory_space<vmem>>
      %dma_start3A_516 = arith.constant 0 : i32
      %dma_start3A_517 = arith.constant 0 : i32
      %dma_start3A_518 = tpu.memref_slice %arg9[%dma_start3A_516, %dma_start3A_517] : memref<10240x128xf32, #tpu.memory_space<vmem_shared>> -> memref<10240x128xf32, #tpu.memory_space<vmem_shared>>
      tpu.enqueue_indirect_dma source(%dma_start3A_512 : memref<64x128xf32, #tpu.memory_space<vmem>>) target(%dma_start3A_518 : memref<10240x128xf32, #tpu.memory_space<vmem_shared>>) offsets(%dma_start3A_515 : memref<64xi32, #tpu.memory_space<vmem>>) semaphore(%arg11 : memref<!tpu.dma_semaphore, #tpu.memory_space<semaphore_mem>>) {add = true}
      %dma_wait3A_519 = arith.constant 0 : i32
      %dma_wait3A_520 = arith.constant 0 : i32
      %dma_wait3A_521 = arith.constant 0 : i32
      %dma_wait3A_522 = tpu.memref_slice %arg8[%dma_wait3A_520, %dma_wait3A_521] : memref<256x128xf32, #tpu.memory_space<vmem>> -> memref<64x128xf32, #tpu.memory_space<vmem>>
      %dma_wait3A_523 = arith.constant 0 : i32
      %dma_wait3A_524 = tpu.memref_slice %arg6[%dma_wait3A_519, %dma_wait3A_523] : memref<4x64xi32, #tpu.memory_space<vmem>> -> memref<1x64xi32, #tpu.memory_space<vmem>>
      %dma_wait3A_525 = tpu.memref_squeeze %dma_wait3A_524 : memref<1x64xi32, #tpu.memory_space<vmem>> -> memref<64xi32, #tpu.memory_space<vmem>>
      %dma_wait3A_526 = arith.constant 0 : i32
      %dma_wait3A_527 = arith.constant 0 : i32
      %dma_wait3A_528 = tpu.memref_slice %arg2[%dma_wait3A_526, %dma_wait3A_527] : memref<10240x128xf32, #tpu.memory_space<hbm>> -> memref<10240x128xf32, #tpu.memory_space<hbm>>
      tpu.wait_indirect_dma semaphore(%arg10 : memref<!tpu.dma_semaphore, #tpu.memory_space<semaphore_mem>>) src(%dma_wait3A_528 : memref<10240x128xf32, #tpu.memory_space<hbm>>) dst(%dma_wait3A_522 : memref<64x128xf32, #tpu.memory_space<vmem>>)
      %dma_start3A_529 = arith.constant 3 : i32
      %dma_start3A_530 = arith.constant 192 : i32
      %dma_start3A_531 = arith.constant 0 : i32
      %dma_start3A_532 = tpu.memref_slice %arg8[%dma_start3A_530, %dma_start3A_531] : memref<256x128xf32, #tpu.memory_space<vmem>> -> memref<64x128xf32, #tpu.memory_space<vmem>>
      %dma_start3A_533 = arith.constant 0 : i32
      %dma_start3A_534 = tpu.memref_slice %arg7[%dma_start3A_529, %dma_start3A_533] : memref<4x64xi32, #tpu.memory_space<vmem>> -> memref<1x64xi32, #tpu.memory_space<vmem>>
      %dma_start3A_535 = tpu.memref_squeeze %dma_start3A_534 : memref<1x64xi32, #tpu.memory_space<vmem>> -> memref<64xi32, #tpu.memory_space<vmem>>
      %dma_start3A_536 = arith.constant 0 : i32
      %dma_start3A_537 = arith.constant 0 : i32
      %dma_start3A_538 = tpu.memref_slice %arg9[%dma_start3A_536, %dma_start3A_537] : memref<10240x128xf32, #tpu.memory_space<vmem_shared>> -> memref<10240x128xf32, #tpu.memory_space<vmem_shared>>
      tpu.enqueue_indirect_dma source(%dma_start3A_532 : memref<64x128xf32, #tpu.memory_space<vmem>>) target(%dma_start3A_538 : memref<10240x128xf32, #tpu.memory_space<vmem_shared>>) offsets(%dma_start3A_535 : memref<64xi32, #tpu.memory_space<vmem>>) semaphore(%arg11 : memref<!tpu.dma_semaphore, #tpu.memory_space<semaphore_mem>>) {add = true}
      %add3A_539 = arith.constant 1 : i32
      %add3A_540 = arith.addi %scan3A_254, %add3A_539 : i32
      %lt3A = arith.constant 40 : i32
      %lt3A_541 = arith.cmpi slt, %add3A_540, %lt3A : i32
      %convert_element_type3A_542 = arith.extui %lt3A_541 : i1 to i32
      %cond3A_543 = arith.constant 0 : i32
      %cond3A_544 = arith.cmpi ne, %convert_element_type3A_542, %cond3A_543 : i32
      scf.if %cond3A_544 {
        %dma_wait3A_545 = arith.constant 0 : i32
        %dma_wait3A_546 = arith.constant 0 : i32
        %dma_wait3A_547 = arith.constant 0 : i32
        %dma_wait3A_548 = tpu.memref_slice %arg8[%dma_wait3A_546, %dma_wait3A_547] : memref<256x128xf32, #tpu.memory_space<vmem>> -> memref<64x128xf32, #tpu.memory_space<vmem>>
        %dma_wait3A_549 = arith.constant 0 : i32
        %dma_wait3A_550 = tpu.memref_slice %arg7[%dma_wait3A_545, %dma_wait3A_549] : memref<4x64xi32, #tpu.memory_space<vmem>> -> memref<1x64xi32, #tpu.memory_space<vmem>>
        %dma_wait3A_551 = tpu.memref_squeeze %dma_wait3A_550 : memref<1x64xi32, #tpu.memory_space<vmem>> -> memref<64xi32, #tpu.memory_space<vmem>>
        %dma_wait3A_552 = arith.constant 0 : i32
        %dma_wait3A_553 = arith.constant 0 : i32
        %dma_wait3A_554 = tpu.memref_slice %arg9[%dma_wait3A_552, %dma_wait3A_553] : memref<10240x128xf32, #tpu.memory_space<vmem_shared>> -> memref<10240x128xf32, #tpu.memory_space<vmem_shared>>
        tpu.wait_indirect_dma semaphore(%arg11 : memref<!tpu.dma_semaphore, #tpu.memory_space<semaphore_mem>>) src(%dma_wait3A_548 : memref<64x128xf32, #tpu.memory_space<vmem>>) dst(%dma_wait3A_554 : memref<10240x128xf32, #tpu.memory_space<vmem_shared>>)
        %dma_wait3A_555 = arith.constant 0 : i32
        %dma_wait3A_556 = arith.constant 0 : i32
        %dma_wait3A_557 = arith.constant 0 : i32
        %dma_wait3A_558 = tpu.memref_slice %arg8[%dma_wait3A_556, %dma_wait3A_557] : memref<256x128xf32, #tpu.memory_space<vmem>> -> memref<64x128xf32, #tpu.memory_space<vmem>>
        %dma_wait3A_559 = arith.constant 0 : i32
        %dma_wait3A_560 = tpu.memref_slice %arg7[%dma_wait3A_555, %dma_wait3A_559] : memref<4x64xi32, #tpu.memory_space<vmem>> -> memref<1x64xi32, #tpu.memory_space<vmem>>
        %dma_wait3A_561 = tpu.memref_squeeze %dma_wait3A_560 : memref<1x64xi32, #tpu.memory_space<vmem>> -> memref<64xi32, #tpu.memory_space<vmem>>
        %dma_wait3A_562 = arith.constant 0 : i32
        %dma_wait3A_563 = arith.constant 0 : i32
        %dma_wait3A_564 = tpu.memref_slice %arg9[%dma_wait3A_562, %dma_wait3A_563] : memref<10240x128xf32, #tpu.memory_space<vmem_shared>> -> memref<10240x128xf32, #tpu.memory_space<vmem_shared>>
        tpu.wait_indirect_dma semaphore(%arg11 : memref<!tpu.dma_semaphore, #tpu.memory_space<semaphore_mem>>) src(%dma_wait3A_558 : memref<64x128xf32, #tpu.memory_space<vmem>>) dst(%dma_wait3A_564 : memref<10240x128xf32, #tpu.memory_space<vmem_shared>>)
        %add3A_565 = arith.constant 2 : i32
        %add3A_566 = arith.addi %mul3A_256, %add3A_565 : i32
        %get3A_567 = arith.index_cast %add3A_566 : i32 to index
        %get3A_568 = arith.constant 0 : index
        %get3A_569 = tpu.vector_load %arg5[%get3A_567, %get3A_568] {strides = array<i32>} : memref<80x128xi32, #tpu.memory_space<vmem>>, vector<1x16xi32>,
        %get3A_570 = vector.shape_cast %get3A_569 : vector<1x16xi32> to vector<16xi32>
        %and3A_571 = arith.constant 16383 : i32
        %and3A_572 = vector.broadcast %and3A_571 : i32 to vector<16xi32>
        %and3A_573 = arith.andi %get3A_570, %and3A_572 : vector<16xi32>
        %swap3A_574 = arith.constant 0 : i32
        %swap3A_575 = arith.index_cast %swap3A_574 : i32 to index
        %swap3A_576 = arith.constant 0 : index
        %swap3A_577 = tpu.vector_load %arg6[%swap3A_575, %swap3A_576] {strides = array<i32>} : memref<4x64xi32, #tpu.memory_space<vmem>>, vector<1x16xi32>,
        %swap3A_578 = vector.shape_cast %swap3A_577 : vector<1x16xi32> to vector<16xi32>
        %swap3A_579 = vector.shape_cast %and3A_573 : vector<16xi32> to vector<1x16xi32>
        tpu.vector_store %arg6[%swap3A_575, %swap3A_576], %swap3A_579 {strides = array<i32>} : memref<4x64xi32, #tpu.memory_space<vmem>>, vector<1x16xi32>,
        %shift_right_logical3A_580 = arith.constant 14 : i32
        %shift_right_logical3A_581 = vector.broadcast %shift_right_logical3A_580 : i32 to vector<16xi32>
        %shift_right_logical3A_582 = arith.shrui %get3A_570, %shift_right_logical3A_581 : vector<16xi32>
        %swap3A_583 = arith.constant 0 : i32
        %swap3A_584 = arith.index_cast %swap3A_583 : i32 to index
        %swap3A_585 = arith.constant 0 : index
        %swap3A_586 = tpu.vector_load %arg7[%swap3A_584, %swap3A_585] {strides = array<i32>} : memref<4x64xi32, #tpu.memory_space<vmem>>, vector<1x16xi32>,
        %swap3A_587 = vector.shape_cast %swap3A_586 : vector<1x16xi32> to vector<16xi32>
        %swap3A_588 = vector.shape_cast %shift_right_logical3A_582 : vector<16xi32> to vector<1x16xi32>
        tpu.vector_store %arg7[%swap3A_584, %swap3A_585], %swap3A_588 {strides = array<i32>} : memref<4x64xi32, #tpu.memory_space<vmem>>, vector<1x16xi32>,
        %get3A_589 = arith.index_cast %add3A_566 : i32 to index
        %get3A_590 = arith.constant 16 : index
        %get3A_591 = tpu.vector_load %arg5[%get3A_589, %get3A_590] {strides = array<i32>} : memref<80x128xi32, #tpu.memory_space<vmem>>, vector<1x16xi32>,
        %get3A_592 = vector.shape_cast %get3A_591 : vector<1x16xi32> to vector<16xi32>
        %and3A_593 = arith.constant 16383 : i32
        %and3A_594 = vector.broadcast %and3A_593 : i32 to vector<16xi32>
        %and3A_595 = arith.andi %get3A_592, %and3A_594 : vector<16xi32>
        %swap3A_596 = arith.constant 0 : i32
        %swap3A_597 = arith.index_cast %swap3A_596 : i32 to index
        %swap3A_598 = arith.constant 16 : index
        %swap3A_599 = tpu.vector_load %arg6[%swap3A_597, %swap3A_598] {strides = array<i32>} : memref<4x64xi32, #tpu.memory_space<vmem>>, vector<1x16xi32>,
        %swap3A_600 = vector.shape_cast %swap3A_599 : vector<1x16xi32> to vector<16xi32>
        %swap3A_601 = vector.shape_cast %and3A_595 : vector<16xi32> to vector<1x16xi32>
        tpu.vector_store %arg6[%swap3A_597, %swap3A_598], %swap3A_601 {strides = array<i32>} : memref<4x64xi32, #tpu.memory_space<vmem>>, vector<1x16xi32>,
        %shift_right_logical3A_602 = arith.constant 14 : i32
        %shift_right_logical3A_603 = vector.broadcast %shift_right_logical3A_602 : i32 to vector<16xi32>
        %shift_right_logical3A_604 = arith.shrui %get3A_592, %shift_right_logical3A_603 : vector<16xi32>
        %swap3A_605 = arith.constant 0 : i32
        %swap3A_606 = arith.index_cast %swap3A_605 : i32 to index
        %swap3A_607 = arith.constant 16 : index
        %swap3A_608 = tpu.vector_load %arg7[%swap3A_606, %swap3A_607] {strides = array<i32>} : memref<4x64xi32, #tpu.memory_space<vmem>>, vector<1x16xi32>,
        %swap3A_609 = vector.shape_cast %swap3A_608 : vector<1x16xi32> to vector<16xi32>
        %swap3A_610 = vector.shape_cast %shift_right_logical3A_604 : vector<16xi32> to vector<1x16xi32>
        tpu.vector_store %arg7[%swap3A_606, %swap3A_607], %swap3A_610 {strides = array<i32>} : memref<4x64xi32, #tpu.memory_space<vmem>>, vector<1x16xi32>,
        %get3A_611 = arith.index_cast %add3A_566 : i32 to index
        %get3A_612 = arith.constant 32 : index
        %get3A_613 = tpu.vector_load %arg5[%get3A_611, %get3A_612] {strides = array<i32>} : memref<80x128xi32, #tpu.memory_space<vmem>>, vector<1x16xi32>,
        %get3A_614 = vector.shape_cast %get3A_613 : vector<1x16xi32> to vector<16xi32>
        %and3A_615 = arith.constant 16383 : i32
        %and3A_616 = vector.broadcast %and3A_615 : i32 to vector<16xi32>
        %and3A_617 = arith.andi %get3A_614, %and3A_616 : vector<16xi32>
        %swap3A_618 = arith.constant 0 : i32
        %swap3A_619 = arith.index_cast %swap3A_618 : i32 to index
        %swap3A_620 = arith.constant 32 : index
        %swap3A_621 = tpu.vector_load %arg6[%swap3A_619, %swap3A_620] {strides = array<i32>} : memref<4x64xi32, #tpu.memory_space<vmem>>, vector<1x16xi32>,
        %swap3A_622 = vector.shape_cast %swap3A_621 : vector<1x16xi32> to vector<16xi32>
        %swap3A_623 = vector.shape_cast %and3A_617 : vector<16xi32> to vector<1x16xi32>
        tpu.vector_store %arg6[%swap3A_619, %swap3A_620], %swap3A_623 {strides = array<i32>} : memref<4x64xi32, #tpu.memory_space<vmem>>, vector<1x16xi32>,
        %shift_right_logical3A_624 = arith.constant 14 : i32
        %shift_right_logical3A_625 = vector.broadcast %shift_right_logical3A_624 : i32 to vector<16xi32>
        %shift_right_logical3A_626 = arith.shrui %get3A_614, %shift_right_logical3A_625 : vector<16xi32>
        %swap3A_627 = arith.constant 0 : i32
        %swap3A_628 = arith.index_cast %swap3A_627 : i32 to index
        %swap3A_629 = arith.constant 32 : index
        %swap3A_630 = tpu.vector_load %arg7[%swap3A_628, %swap3A_629] {strides = array<i32>} : memref<4x64xi32, #tpu.memory_space<vmem>>, vector<1x16xi32>,
        %swap3A_631 = vector.shape_cast %swap3A_630 : vector<1x16xi32> to vector<16xi32>
        %swap3A_632 = vector.shape_cast %shift_right_logical3A_626 : vector<16xi32> to vector<1x16xi32>
        tpu.vector_store %arg7[%swap3A_628, %swap3A_629], %swap3A_632 {strides = array<i32>} : memref<4x64xi32, #tpu.memory_space<vmem>>, vector<1x16xi32>,
        %get3A_633 = arith.index_cast %add3A_566 : i32 to index
        %get3A_634 = arith.constant 48 : index
        %get3A_635 = tpu.vector_load %arg5[%get3A_633, %get3A_634] {strides = array<i32>} : memref<80x128xi32, #tpu.memory_space<vmem>>, vector<1x16xi32>,
        %get3A_636 = vector.shape_cast %get3A_635 : vector<1x16xi32> to vector<16xi32>
        %and3A_637 = arith.constant 16383 : i32
        %and3A_638 = vector.broadcast %and3A_637 : i32 to vector<16xi32>
        %and3A_639 = arith.andi %get3A_636, %and3A_638 : vector<16xi32>
        %swap3A_640 = arith.constant 0 : i32
        %swap3A_641 = arith.index_cast %swap3A_640 : i32 to index
        %swap3A_642 = arith.constant 48 : index
        %swap3A_643 = tpu.vector_load %arg6[%swap3A_641, %swap3A_642] {strides = array<i32>} : memref<4x64xi32, #tpu.memory_space<vmem>>, vector<1x16xi32>,
        %swap3A_644 = vector.shape_cast %swap3A_643 : vector<1x16xi32> to vector<16xi32>
        %swap3A_645 = vector.shape_cast %and3A_639 : vector<16xi32> to vector<1x16xi32>
        tpu.vector_store %arg6[%swap3A_641, %swap3A_642], %swap3A_645 {strides = array<i32>} : memref<4x64xi32, #tpu.memory_space<vmem>>, vector<1x16xi32>,
        %shift_right_logical3A_646 = arith.constant 14 : i32
        %shift_right_logical3A_647 = vector.broadcast %shift_right_logical3A_646 : i32 to vector<16xi32>
        %shift_right_logical3A_648 = arith.shrui %get3A_636, %shift_right_logical3A_647 : vector<16xi32>
        %swap3A_649 = arith.constant 0 : i32
        %swap3A_650 = arith.index_cast %swap3A_649 : i32 to index
        %swap3A_651 = arith.constant 48 : index
        %swap3A_652 = tpu.vector_load %arg7[%swap3A_650, %swap3A_651] {strides = array<i32>} : memref<4x64xi32, #tpu.memory_space<vmem>>, vector<1x16xi32>,
        %swap3A_653 = vector.shape_cast %swap3A_652 : vector<1x16xi32> to vector<16xi32>
        %swap3A_654 = vector.shape_cast %shift_right_logical3A_648 : vector<16xi32> to vector<1x16xi32>
        tpu.vector_store %arg7[%swap3A_650, %swap3A_651], %swap3A_654 {strides = array<i32>} : memref<4x64xi32, #tpu.memory_space<vmem>>, vector<1x16xi32>,
        %get3A_655 = arith.index_cast %add3A_566 : i32 to index
        %get3A_656 = arith.constant 64 : index
        %get3A_657 = tpu.vector_load %arg5[%get3A_655, %get3A_656] {strides = array<i32>} : memref<80x128xi32, #tpu.memory_space<vmem>>, vector<1x16xi32>,
        %get3A_658 = vector.shape_cast %get3A_657 : vector<1x16xi32> to vector<16xi32>
        %and3A_659 = arith.constant 16383 : i32
        %and3A_660 = vector.broadcast %and3A_659 : i32 to vector<16xi32>
        %and3A_661 = arith.andi %get3A_658, %and3A_660 : vector<16xi32>
        %swap3A_662 = arith.constant 1 : i32
        %swap3A_663 = arith.index_cast %swap3A_662 : i32 to index
        %swap3A_664 = arith.constant 0 : index
        %swap3A_665 = tpu.vector_load %arg6[%swap3A_663, %swap3A_664] {strides = array<i32>} : memref<4x64xi32, #tpu.memory_space<vmem>>, vector<1x16xi32>,
        %swap3A_666 = vector.shape_cast %swap3A_665 : vector<1x16xi32> to vector<16xi32>
        %swap3A_667 = vector.shape_cast %and3A_661 : vector<16xi32> to vector<1x16xi32>
        tpu.vector_store %arg6[%swap3A_663, %swap3A_664], %swap3A_667 {strides = array<i32>} : memref<4x64xi32, #tpu.memory_space<vmem>>, vector<1x16xi32>,
        %shift_right_logical3A_668 = arith.constant 14 : i32
        %shift_right_logical3A_669 = vector.broadcast %shift_right_logical3A_668 : i32 to vector<16xi32>
        %shift_right_logical3A_670 = arith.shrui %get3A_658, %shift_right_logical3A_669 : vector<16xi32>
        %swap3A_671 = arith.constant 1 : i32
        %swap3A_672 = arith.index_cast %swap3A_671 : i32 to index
        %swap3A_673 = arith.constant 0 : index
        %swap3A_674 = tpu.vector_load %arg7[%swap3A_672, %swap3A_673] {strides = array<i32>} : memref<4x64xi32, #tpu.memory_space<vmem>>, vector<1x16xi32>,
        %swap3A_675 = vector.shape_cast %swap3A_674 : vector<1x16xi32> to vector<16xi32>
        %swap3A_676 = vector.shape_cast %shift_right_logical3A_670 : vector<16xi32> to vector<1x16xi32>
        tpu.vector_store %arg7[%swap3A_672, %swap3A_673], %swap3A_676 {strides = array<i32>} : memref<4x64xi32, #tpu.memory_space<vmem>>, vector<1x16xi32>,
        %get3A_677 = arith.index_cast %add3A_566 : i32 to index
        %get3A_678 = arith.constant 80 : index
        %get3A_679 = tpu.vector_load %arg5[%get3A_677, %get3A_678] {strides = array<i32>} : memref<80x128xi32, #tpu.memory_space<vmem>>, vector<1x16xi32>,
        %get3A_680 = vector.shape_cast %get3A_679 : vector<1x16xi32> to vector<16xi32>
        %and3A_681 = arith.constant 16383 : i32
        %and3A_682 = vector.broadcast %and3A_681 : i32 to vector<16xi32>
        %and3A_683 = arith.andi %get3A_680, %and3A_682 : vector<16xi32>
        %swap3A_684 = arith.constant 1 : i32
        %swap3A_685 = arith.index_cast %swap3A_684 : i32 to index
        %swap3A_686 = arith.constant 16 : index
        %swap3A_687 = tpu.vector_load %arg6[%swap3A_685, %swap3A_686] {strides = array<i32>} : memref<4x64xi32, #tpu.memory_space<vmem>>, vector<1x16xi32>,
        %swap3A_688 = vector.shape_cast %swap3A_687 : vector<1x16xi32> to vector<16xi32>
        %swap3A_689 = vector.shape_cast %and3A_683 : vector<16xi32> to vector<1x16xi32>
        tpu.vector_store %arg6[%swap3A_685, %swap3A_686], %swap3A_689 {strides = array<i32>} : memref<4x64xi32, #tpu.memory_space<vmem>>, vector<1x16xi32>,
        %shift_right_logical3A_690 = arith.constant 14 : i32
        %shift_right_logical3A_691 = vector.broadcast %shift_right_logical3A_690 : i32 to vector<16xi32>
        %shift_right_logical3A_692 = arith.shrui %get3A_680, %shift_right_logical3A_691 : vector<16xi32>
        %swap3A_693 = arith.constant 1 : i32
        %swap3A_694 = arith.index_cast %swap3A_693 : i32 to index
        %swap3A_695 = arith.constant 16 : index
        %swap3A_696 = tpu.vector_load %arg7[%swap3A_694, %swap3A_695] {strides = array<i32>} : memref<4x64xi32, #tpu.memory_space<vmem>>, vector<1x16xi32>,
        %swap3A_697 = vector.shape_cast %swap3A_696 : vector<1x16xi32> to vector<16xi32>
        %swap3A_698 = vector.shape_cast %shift_right_logical3A_692 : vector<16xi32> to vector<1x16xi32>
        tpu.vector_store %arg7[%swap3A_694, %swap3A_695], %swap3A_698 {strides = array<i32>} : memref<4x64xi32, #tpu.memory_space<vmem>>, vector<1x16xi32>,
        %get3A_699 = arith.index_cast %add3A_566 : i32 to index
        %get3A_700 = arith.constant 96 : index
        %get3A_701 = tpu.vector_load %arg5[%get3A_699, %get3A_700] {strides = array<i32>} : memref<80x128xi32, #tpu.memory_space<vmem>>, vector<1x16xi32>,
        %get3A_702 = vector.shape_cast %get3A_701 : vector<1x16xi32> to vector<16xi32>
        %and3A_703 = arith.constant 16383 : i32
        %and3A_704 = vector.broadcast %and3A_703 : i32 to vector<16xi32>
        %and3A_705 = arith.andi %get3A_702, %and3A_704 : vector<16xi32>
        %swap3A_706 = arith.constant 1 : i32
        %swap3A_707 = arith.index_cast %swap3A_706 : i32 to index
        %swap3A_708 = arith.constant 32 : index
        %swap3A_709 = tpu.vector_load %arg6[%swap3A_707, %swap3A_708] {strides = array<i32>} : memref<4x64xi32, #tpu.memory_space<vmem>>, vector<1x16xi32>,
        %swap3A_710 = vector.shape_cast %swap3A_709 : vector<1x16xi32> to vector<16xi32>
        %swap3A_711 = vector.shape_cast %and3A_705 : vector<16xi32> to vector<1x16xi32>
        tpu.vector_store %arg6[%swap3A_707, %swap3A_708], %swap3A_711 {strides = array<i32>} : memref<4x64xi32, #tpu.memory_space<vmem>>, vector<1x16xi32>,
        %shift_right_logical3A_712 = arith.constant 14 : i32
        %shift_right_logical3A_713 = vector.broadcast %shift_right_logical3A_712 : i32 to vector<16xi32>
        %shift_right_logical3A_714 = arith.shrui %get3A_702, %shift_right_logical3A_713 : vector<16xi32>
        %swap3A_715 = arith.constant 1 : i32
        %swap3A_716 = arith.index_cast %swap3A_715 : i32 to index
        %swap3A_717 = arith.constant 32 : index
        %swap3A_718 = tpu.vector_load %arg7[%swap3A_716, %swap3A_717] {strides = array<i32>} : memref<4x64xi32, #tpu.memory_space<vmem>>, vector<1x16xi32>,
        %swap3A_719 = vector.shape_cast %swap3A_718 : vector<1x16xi32> to vector<16xi32>
        %swap3A_720 = vector.shape_cast %shift_right_logical3A_714 : vector<16xi32> to vector<1x16xi32>
        tpu.vector_store %arg7[%swap3A_716, %swap3A_717], %swap3A_720 {strides = array<i32>} : memref<4x64xi32, #tpu.memory_space<vmem>>, vector<1x16xi32>,
        %get3A_721 = arith.index_cast %add3A_566 : i32 to index
        %get3A_722 = arith.constant 112 : index
        %get3A_723 = tpu.vector_load %arg5[%get3A_721, %get3A_722] {strides = array<i32>} : memref<80x128xi32, #tpu.memory_space<vmem>>, vector<1x16xi32>,
        %get3A_724 = vector.shape_cast %get3A_723 : vector<1x16xi32> to vector<16xi32>
        %and3A_725 = arith.constant 16383 : i32
        %and3A_726 = vector.broadcast %and3A_725 : i32 to vector<16xi32>
        %and3A_727 = arith.andi %get3A_724, %and3A_726 : vector<16xi32>
        %swap3A_728 = arith.constant 1 : i32
        %swap3A_729 = arith.index_cast %swap3A_728 : i32 to index
        %swap3A_730 = arith.constant 48 : index
        %swap3A_731 = tpu.vector_load %arg6[%swap3A_729, %swap3A_730] {strides = array<i32>} : memref<4x64xi32, #tpu.memory_space<vmem>>, vector<1x16xi32>,
        %swap3A_732 = vector.shape_cast %swap3A_731 : vector<1x16xi32> to vector<16xi32>
        %swap3A_733 = vector.shape_cast %and3A_727 : vector<16xi32> to vector<1x16xi32>
        tpu.vector_store %arg6[%swap3A_729, %swap3A_730], %swap3A_733 {strides = array<i32>} : memref<4x64xi32, #tpu.memory_space<vmem>>, vector<1x16xi32>,
        %shift_right_logical3A_734 = arith.constant 14 : i32
        %shift_right_logical3A_735 = vector.broadcast %shift_right_logical3A_734 : i32 to vector<16xi32>
        %shift_right_logical3A_736 = arith.shrui %get3A_724, %shift_right_logical3A_735 : vector<16xi32>
        %swap3A_737 = arith.constant 1 : i32
        %swap3A_738 = arith.index_cast %swap3A_737 : i32 to index
        %swap3A_739 = arith.constant 48 : index
        %swap3A_740 = tpu.vector_load %arg7[%swap3A_738, %swap3A_739] {strides = array<i32>} : memref<4x64xi32, #tpu.memory_space<vmem>>, vector<1x16xi32>,
        %swap3A_741 = vector.shape_cast %swap3A_740 : vector<1x16xi32> to vector<16xi32>
        %swap3A_742 = vector.shape_cast %shift_right_logical3A_736 : vector<16xi32> to vector<1x16xi32>
        tpu.vector_store %arg7[%swap3A_738, %swap3A_739], %swap3A_742 {strides = array<i32>} : memref<4x64xi32, #tpu.memory_space<vmem>>, vector<1x16xi32>,
        %dma_start3A_743 = arith.constant 0 : i32
        %dma_start3A_744 = arith.constant 0 : i32
        %dma_start3A_745 = arith.constant 0 : i32
        %dma_start3A_746 = tpu.memref_slice %arg8[%dma_start3A_744, %dma_start3A_745] : memref<256x128xf32, #tpu.memory_space<vmem>> -> memref<64x128xf32, #tpu.memory_space<vmem>>
        %dma_start3A_747 = arith.constant 0 : i32
        %dma_start3A_748 = tpu.memref_slice %arg6[%dma_start3A_743, %dma_start3A_747] : memref<4x64xi32, #tpu.memory_space<vmem>> -> memref<1x64xi32, #tpu.memory_space<vmem>>
        %dma_start3A_749 = tpu.memref_squeeze %dma_start3A_748 : memref<1x64xi32, #tpu.memory_space<vmem>> -> memref<64xi32, #tpu.memory_space<vmem>>
        %dma_start3A_750 = arith.constant 0 : i32
        %dma_start3A_751 = arith.constant 0 : i32
        %dma_start3A_752 = tpu.memref_slice %arg2[%dma_start3A_750, %dma_start3A_751] : memref<10240x128xf32, #tpu.memory_space<hbm>> -> memref<10240x128xf32, #tpu.memory_space<hbm>>
        tpu.enqueue_indirect_dma source(%dma_start3A_752 : memref<10240x128xf32, #tpu.memory_space<hbm>>) target(%dma_start3A_746 : memref<64x128xf32, #tpu.memory_space<vmem>>) offsets(%dma_start3A_749 : memref<64xi32, #tpu.memory_space<vmem>>) semaphore(%arg10 : memref<!tpu.dma_semaphore, #tpu.memory_space<semaphore_mem>>)
        %dma_start3A_753 = arith.constant 1 : i32
        %dma_start3A_754 = arith.constant 64 : i32
        %dma_start3A_755 = arith.constant 0 : i32
        %dma_start3A_756 = tpu.memref_slice %arg8[%dma_start3A_754, %dma_start3A_755] : memref<256x128xf32, #tpu.memory_space<vmem>> -> memref<64x128xf32, #tpu.memory_space<vmem>>
        %dma_start3A_757 = arith.constant 0 : i32
        %dma_start3A_758 = tpu.memref_slice %arg6[%dma_start3A_753, %dma_start3A_757] : memref<4x64xi32, #tpu.memory_space<vmem>> -> memref<1x64xi32, #tpu.memory_space<vmem>>
        %dma_start3A_759 = tpu.memref_squeeze %dma_start3A_758 : memref<1x64xi32, #tpu.memory_space<vmem>> -> memref<64xi32, #tpu.memory_space<vmem>>
        %dma_start3A_760 = arith.constant 0 : i32
        %dma_start3A_761 = arith.constant 0 : i32
        %dma_start3A_762 = tpu.memref_slice %arg2[%dma_start3A_760, %dma_start3A_761] : memref<10240x128xf32, #tpu.memory_space<hbm>> -> memref<10240x128xf32, #tpu.memory_space<hbm>>
        tpu.enqueue_indirect_dma source(%dma_start3A_762 : memref<10240x128xf32, #tpu.memory_space<hbm>>) target(%dma_start3A_756 : memref<64x128xf32, #tpu.memory_space<vmem>>) offsets(%dma_start3A_759 : memref<64xi32, #tpu.memory_space<vmem>>) semaphore(%arg10 : memref<!tpu.dma_semaphore, #tpu.memory_space<semaphore_mem>>)
      } else {
      }
    }
    %scan3A_213 = arith.constant 40 : i32
    %dma_wait3A = arith.constant 0 : i32
    %dma_wait3A_214 = arith.constant 0 : i32
    %dma_wait3A_215 = arith.constant 0 : i32
    %dma_wait3A_216 = tpu.memref_slice %arg8[%dma_wait3A_214, %dma_wait3A_215] : memref<256x128xf32, #tpu.memory_space<vmem>> -> memref<64x128xf32, #tpu.memory_space<vmem>>
    %dma_wait3A_217 = arith.constant 0 : i32
    %dma_wait3A_218 = tpu.memref_slice %arg7[%dma_wait3A, %dma_wait3A_217] : memref<4x64xi32, #tpu.memory_space<vmem>> -> memref<1x64xi32, #tpu.memory_space<vmem>>
    %dma_wait3A_219 = tpu.memref_squeeze %dma_wait3A_218 : memref<1x64xi32, #tpu.memory_space<vmem>> -> memref<64xi32, #tpu.memory_space<vmem>>
    %dma_wait3A_220 = arith.constant 0 : i32
    %dma_wait3A_221 = arith.constant 0 : i32
    %dma_wait3A_222 = tpu.memref_slice %arg9[%dma_wait3A_220, %dma_wait3A_221] : memref<10240x128xf32, #tpu.memory_space<vmem_shared>> -> memref<10240x128xf32, #tpu.memory_space<vmem_shared>>
    tpu.wait_indirect_dma semaphore(%arg11 : memref<!tpu.dma_semaphore, #tpu.memory_space<semaphore_mem>>) src(%dma_wait3A_216 : memref<64x128xf32, #tpu.memory_space<vmem>>) dst(%dma_wait3A_222 : memref<10240x128xf32, #tpu.memory_space<vmem_shared>>)
    %dma_wait3A_223 = arith.constant 0 : i32
    %dma_wait3A_224 = arith.constant 0 : i32
    %dma_wait3A_225 = arith.constant 0 : i32
    %dma_wait3A_226 = tpu.memref_slice %arg8[%dma_wait3A_224, %dma_wait3A_225] : memref<256x128xf32, #tpu.memory_space<vmem>> -> memref<64x128xf32, #tpu.memory_space<vmem>>
    %dma_wait3A_227 = arith.constant 0 : i32
    %dma_wait3A_228 = tpu.memref_slice %arg7[%dma_wait3A_223, %dma_wait3A_227] : memref<4x64xi32, #tpu.memory_space<vmem>> -> memref<1x64xi32, #tpu.memory_space<vmem>>
    %dma_wait3A_229 = tpu.memref_squeeze %dma_wait3A_228 : memref<1x64xi32, #tpu.memory_space<vmem>> -> memref<64xi32, #tpu.memory_space<vmem>>
    %dma_wait3A_230 = arith.constant 0 : i32
    %dma_wait3A_231 = arith.constant 0 : i32
    %dma_wait3A_232 = tpu.memref_slice %arg9[%dma_wait3A_230, %dma_wait3A_231] : memref<10240x128xf32, #tpu.memory_space<vmem_shared>> -> memref<10240x128xf32, #tpu.memory_space<vmem_shared>>
    tpu.wait_indirect_dma semaphore(%arg11 : memref<!tpu.dma_semaphore, #tpu.memory_space<semaphore_mem>>) src(%dma_wait3A_226 : memref<64x128xf32, #tpu.memory_space<vmem>>) dst(%dma_wait3A_232 : memref<10240x128xf32, #tpu.memory_space<vmem_shared>>)
    %dma_wait3A_233 = arith.constant 0 : i32
    %dma_wait3A_234 = arith.constant 0 : i32
    %dma_wait3A_235 = arith.constant 0 : i32
    %dma_wait3A_236 = tpu.memref_slice %arg8[%dma_wait3A_234, %dma_wait3A_235] : memref<256x128xf32, #tpu.memory_space<vmem>> -> memref<64x128xf32, #tpu.memory_space<vmem>>
    %dma_wait3A_237 = arith.constant 0 : i32
    %dma_wait3A_238 = tpu.memref_slice %arg7[%dma_wait3A_233, %dma_wait3A_237] : memref<4x64xi32, #tpu.memory_space<vmem>> -> memref<1x64xi32, #tpu.memory_space<vmem>>
    %dma_wait3A_239 = tpu.memref_squeeze %dma_wait3A_238 : memref<1x64xi32, #tpu.memory_space<vmem>> -> memref<64xi32, #tpu.memory_space<vmem>>
    %dma_wait3A_240 = arith.constant 0 : i32
    %dma_wait3A_241 = arith.constant 0 : i32
    %dma_wait3A_242 = tpu.memref_slice %arg9[%dma_wait3A_240, %dma_wait3A_241] : memref<10240x128xf32, #tpu.memory_space<vmem_shared>> -> memref<10240x128xf32, #tpu.memory_space<vmem_shared>>
    tpu.wait_indirect_dma semaphore(%arg11 : memref<!tpu.dma_semaphore, #tpu.memory_space<semaphore_mem>>) src(%dma_wait3A_236 : memref<64x128xf32, #tpu.memory_space<vmem>>) dst(%dma_wait3A_242 : memref<10240x128xf32, #tpu.memory_space<vmem_shared>>)
    %dma_wait3A_243 = arith.constant 0 : i32
    %dma_wait3A_244 = arith.constant 0 : i32
    %dma_wait3A_245 = arith.constant 0 : i32
    %dma_wait3A_246 = tpu.memref_slice %arg8[%dma_wait3A_244, %dma_wait3A_245] : memref<256x128xf32, #tpu.memory_space<vmem>> -> memref<64x128xf32, #tpu.memory_space<vmem>>
    %dma_wait3A_247 = arith.constant 0 : i32
    %dma_wait3A_248 = tpu.memref_slice %arg7[%dma_wait3A_243, %dma_wait3A_247] : memref<4x64xi32, #tpu.memory_space<vmem>> -> memref<1x64xi32, #tpu.memory_space<vmem>>
    %dma_wait3A_249 = tpu.memref_squeeze %dma_wait3A_248 : memref<1x64xi32, #tpu.memory_space<vmem>> -> memref<64xi32, #tpu.memory_space<vmem>>
    %dma_wait3A_250 = arith.constant 0 : i32
    %dma_wait3A_251 = arith.constant 0 : i32
    %dma_wait3A_252 = tpu.memref_slice %arg9[%dma_wait3A_250, %dma_wait3A_251] : memref<10240x128xf32, #tpu.memory_space<vmem_shared>> -> memref<10240x128xf32, #tpu.memory_space<vmem_shared>>
    tpu.wait_indirect_dma semaphore(%arg11 : memref<!tpu.dma_semaphore, #tpu.memory_space<semaphore_mem>>) src(%dma_wait3A_246 : memref<64x128xf32, #tpu.memory_space<vmem>>) dst(%dma_wait3A_252 : memref<10240x128xf32, #tpu.memory_space<vmem_shared>>)
    %barrier3A_253 = arith.constant 0 : index
    tpu.barrier barrier_id(%barrier3A_253)
    "tpu.region"() ({
      %run_scoped3A = tpu.sem_alloc : memref<!tpu.dma_semaphore, #tpu.memory_space<semaphore_mem>>
      %dma_start3A_254 = arith.constant 0 : i32
      %dma_start3A_255 = tpu.memref_slice %arg4[%arg0, %mul3A_2, %dma_start3A_254] : memref<2x10240x128xf32, #tpu.memory_space<hbm>> -> memref<1x640x128xf32, #tpu.memory_space<hbm>>
      %dma_start3A_256 = tpu.memref_squeeze %dma_start3A_255 : memref<1x640x128xf32, #tpu.memory_space<hbm>> -> memref<640x128xf32, #tpu.memory_space<hbm>>
      %dma_start3A_257 = arith.constant 0 : i32
      %dma_start3A_258 = tpu.memref_slice %arg9[%mul3A_2, %dma_start3A_257] : memref<10240x128xf32, #tpu.memory_space<vmem_shared>> -> memref<640x128xf32, #tpu.memory_space<vmem_shared>>
      tpu.enqueue_dma source(%dma_start3A_258 : memref<640x128xf32, #tpu.memory_space<vmem_shared>>) target(%dma_start3A_256 : memref<640x128xf32, #tpu.memory_space<hbm>>) target_semaphore(%run_scoped3A : memref<!tpu.dma_semaphore, #tpu.memory_space<semaphore_mem>>)
      %dma_wait3A_259 = arith.constant 0 : i32
      %dma_wait3A_260 = tpu.memref_slice %arg4[%arg0, %mul3A_2, %dma_wait3A_259] : memref<2x10240x128xf32, #tpu.memory_space<hbm>> -> memref<1x640x128xf32, #tpu.memory_space<hbm>>
      %dma_wait3A_261 = tpu.memref_squeeze %dma_wait3A_260 : memref<1x640x128xf32, #tpu.memory_space<hbm>> -> memref<640x128xf32, #tpu.memory_space<hbm>>
      %dma_wait3A_262 = arith.constant 0 : i32
      %dma_wait3A_263 = tpu.memref_slice %arg9[%mul3A_2, %dma_wait3A_262] : memref<10240x128xf32, #tpu.memory_space<vmem_shared>> -> memref<640x128xf32, #tpu.memory_space<vmem_shared>>
      tpu.wait_dma2 semaphore(%run_scoped3A : memref<!tpu.dma_semaphore, #tpu.memory_space<semaphore_mem>>) src(%dma_wait3A_263 : memref<640x128xf32, #tpu.memory_space<vmem_shared>>) dst(%dma_wait3A_261 : memref<640x128xf32, #tpu.memory_space<hbm>>)
      tpu.yield
    }) : () -> ()
    return
  }
}

#map = affine_map<(d0, d1) -> (0, 0)>
#map1 = affine_map<(d0, d1) -> (0, 0, 0)>
module attributes {stable_mosaic.version = 14 : i64} {
  func.func @_agg_kernel(%arg0: i32, %arg1: i32, %arg2: memref<10240x128xf32, #tpu.memory_space<hbm>>, %arg3: memref<32x80x128xi32, #tpu.memory_space<hbm>>, %arg4: memref<2x10240x128xf32, #tpu.memory_space<hbm>>, %arg5: memref<80x128xi32, #tpu.memory_space<vmem>>, %arg6: memref<4x64xi32, #tpu.memory_space<vmem>>, %arg7: memref<4x64xi32, #tpu.memory_space<vmem>>, %arg8: memref<256x128xf32, #tpu.memory_space<vmem>>, %arg9: memref<10240x128xf32, #tpu.memory_space<vmem_shared>>, %arg10: memref<!tpu.dma_semaphore, #tpu.memory_space<semaphore_mem>>, %arg11: memref<!tpu.dma_semaphore, #tpu.memory_space<semaphore_mem>>) attributes {dimension_semantics = [#tpu.dimension_semantics<core_parallel>, #tpu.dimension_semantics<subcore_parallel>], iteration_bounds = array<i64: 2, 16>, scalar_prefetch = 0 : i64, scratch_operands = 7 : i64, tpu.core_type = #tpu.core_type<sc_vector_subcore>, window_params = [{transform_indices = #map}, {transform_indices = #map1}, {transform_indices = #map1}]} {
    %mul3A = arith.constant 16 : i32
    %mul3A_0 = arith.muli %arg0, %mul3A : i32
    %add3A = arith.addi %mul3A_0, %arg1 : i32
    "tpu.region"() ({
      %run_scoped3A = tpu.sem_alloc : memref<!tpu.dma_semaphore, #tpu.memory_space<semaphore_mem>>
      %dma_start3A_254 = arith.constant 0 : i32
      %dma_start3A_255 = arith.constant 0 : i32
      %dma_start3A_256 = tpu.memref_slice %arg3[%add3A, %dma_start3A_254, %dma_start3A_255] : memref<32x80x128xi32, #tpu.memory_space<hbm>> -> memref<1x80x128xi32, #tpu.memory_space<hbm>>
      %dma_start3A_257 = tpu.memref_squeeze %dma_start3A_256 : memref<1x80x128xi32, #tpu.memory_space<hbm>> -> memref<80x128xi32, #tpu.memory_space<hbm>>
      %dma_start3A_258 = arith.constant 0 : i32
      %dma_start3A_259 = arith.constant 0 : i32
      %dma_start3A_260 = tpu.memref_slice %arg3[%add3A, %dma_start3A_258, %dma_start3A_259] : memref<32x80x128xi32, #tpu.memory_space<hbm>> -> memref<1x80x128xi32, #tpu.memory_space<hbm>>
      %dma_start3A_261 = tpu.memref_squeeze %dma_start3A_260 : memref<1x80x128xi32, #tpu.memory_space<hbm>> -> memref<80x128xi32, #tpu.memory_space<hbm>>
      tpu.enqueue_dma source(%dma_start3A_261 : memref<80x128xi32, #tpu.memory_space<hbm>>) target(%arg5 : memref<80x128xi32, #tpu.memory_space<vmem>>) target_semaphore(%run_scoped3A : memref<!tpu.dma_semaphore, #tpu.memory_space<semaphore_mem>>)
      %dma_wait3A_262 = arith.constant 0 : i32
      %dma_wait3A_263 = arith.constant 0 : i32
      %dma_wait3A_264 = tpu.memref_slice %arg3[%add3A, %dma_wait3A_262, %dma_wait3A_263] : memref<32x80x128xi32, #tpu.memory_space<hbm>> -> memref<1x80x128xi32, #tpu.memory_space<hbm>>
      %dma_wait3A_265 = tpu.memref_squeeze %dma_wait3A_264 : memref<1x80x128xi32, #tpu.memory_space<hbm>> -> memref<80x128xi32, #tpu.memory_space<hbm>>
      %dma_wait3A_266 = arith.constant 0 : i32
      %dma_wait3A_267 = arith.constant 0 : i32
      %dma_wait3A_268 = tpu.memref_slice %arg3[%add3A, %dma_wait3A_266, %dma_wait3A_267] : memref<32x80x128xi32, #tpu.memory_space<hbm>> -> memref<1x80x128xi32, #tpu.memory_space<hbm>>
      %dma_wait3A_269 = tpu.memref_squeeze %dma_wait3A_268 : memref<1x80x128xi32, #tpu.memory_space<hbm>> -> memref<80x128xi32, #tpu.memory_space<hbm>>
      tpu.wait_dma2 semaphore(%run_scoped3A : memref<!tpu.dma_semaphore, #tpu.memory_space<semaphore_mem>>) src(%dma_wait3A_269 : memref<80x128xi32, #tpu.memory_space<hbm>>) dst(%arg5 : memref<80x128xi32, #tpu.memory_space<vmem>>)
      tpu.yield
    }) : () -> ()
    %mul3A_1 = arith.constant 640 : i32
    %mul3A_2 = arith.muli %arg1, %mul3A_1 : i32
    %eq3A = arith.constant 0 : i32
    %eq3A_3 = arith.cmpi eq, %arg0, %eq3A : i32
    %convert_element_type3A = arith.extui %eq3A_3 : i1 to i32
    %cond3A = arith.constant 0 : i32
    %cond3A_4 = arith.cmpi ne, %convert_element_type3A, %cond3A : i32
    scf.if %cond3A_4 {
      "tpu.region"() ({
        %run_scoped3A = tpu.sem_alloc : memref<!tpu.dma_semaphore, #tpu.memory_space<semaphore_mem>>
        %dma_start3A_254 = arith.constant 0 : i32
        %dma_start3A_255 = tpu.memref_slice %arg9[%mul3A_2, %dma_start3A_254] : memref<10240x128xf32, #tpu.memory_space<vmem_shared>> -> memref<640x128xf32, #tpu.memory_space<vmem_shared>>
        %dma_start3A_256 = arith.constant 0 : i32
        %dma_start3A_257 = tpu.memref_slice %arg2[%mul3A_2, %dma_start3A_256] : memref<10240x128xf32, #tpu.memory_space<hbm>> -> memref<640x128xf32, #tpu.memory_space<hbm>>
        tpu.enqueue_dma source(%dma_start3A_257 : memref<640x128xf32, #tpu.memory_space<hbm>>) target(%dma_start3A_255 : memref<640x128xf32, #tpu.memory_space<vmem_shared>>) target_semaphore(%run_scoped3A : memref<!tpu.dma_semaphore, #tpu.memory_space<semaphore_mem>>)
        %dma_wait3A_258 = arith.constant 0 : i32
        %dma_wait3A_259 = tpu.memref_slice %arg9[%mul3A_2, %dma_wait3A_258] : memref<10240x128xf32, #tpu.memory_space<vmem_shared>> -> memref<640x128xf32, #tpu.memory_space<vmem_shared>>
        %dma_wait3A_260 = arith.constant 0 : i32
        %dma_wait3A_261 = tpu.memref_slice %arg2[%mul3A_2, %dma_wait3A_260] : memref<10240x128xf32, #tpu.memory_space<hbm>> -> memref<640x128xf32, #tpu.memory_space<hbm>>
        tpu.wait_dma2 semaphore(%run_scoped3A : memref<!tpu.dma_semaphore, #tpu.memory_space<semaphore_mem>>) src(%dma_wait3A_261 : memref<640x128xf32, #tpu.memory_space<hbm>>) dst(%dma_wait3A_259 : memref<640x128xf32, #tpu.memory_space<vmem_shared>>)
        tpu.yield
      }) : () -> ()
    } else {
    }
    %eq3A_5 = arith.constant 1 : i32
    %eq3A_6 = arith.cmpi eq, %arg0, %eq3A_5 : i32
    %convert_element_type3A_7 = arith.extui %eq3A_6 : i1 to i32
    %cond3A_8 = arith.constant 0 : i32
    %cond3A_9 = arith.cmpi ne, %convert_element_type3A_7, %cond3A_8 : i32
    scf.if %cond3A_9 {
      %broadcast_in_dim3A = arith.constant 0.000000e+00 : f32
      %broadcast_in_dim3A_254 = vector.broadcast %broadcast_in_dim3A : f32 to vector<16xf32>
      %scan3A_255 = arith.constant 0 : i32
      %scan3A_256 = arith.constant 0 : i32
      %scan3A_257 = arith.constant 2048 : i32
      %scan3A_258 = arith.addi %scan3A_256, %scan3A_257 : i32
      %scan3A_259 = arith.constant 1 : i32
      scf.for %scan3A_265 = %scan3A_256 to %scan3A_258 step %scan3A_259  : i32 {
        %jit3A = arith.constant 8 : i32
        %div3A = arith.divsi %scan3A_265, %jit3A : i32
        %sign3A = arith.constant 0 : i32
        %sign3A_266 = arith.cmpi sgt, %scan3A_265, %sign3A : i32
        %sign3A_267 = arith.extui %sign3A_266 : i1 to i32
        %sign3A_268 = arith.constant 0 : i32
        %sign3A_269 = arith.cmpi slt, %scan3A_265, %sign3A_268 : i32
        %sign3A_270 = arith.extui %sign3A_269 : i1 to i32
        %sign3A_271 = arith.subi %sign3A_267, %sign3A_270 : i32
        %sign3A_272 = arith.constant 0 : i32
        %sign3A_273 = arith.cmpi sgt, %jit3A, %sign3A_272 : i32
        %sign3A_274 = arith.extui %sign3A_273 : i1 to i32
        %sign3A_275 = arith.constant 0 : i32
        %sign3A_276 = arith.cmpi slt, %jit3A, %sign3A_275 : i32
        %sign3A_277 = arith.extui %sign3A_276 : i1 to i32
        %sign3A_278 = arith.subi %sign3A_274, %sign3A_277 : i32
        %ne3A = arith.cmpi ne, %sign3A_271, %sign3A_278 : i32
        %rem3A = arith.remsi %scan3A_265, %jit3A : i32
        %ne3A_279 = arith.constant 0 : i32
        %ne3A_280 = arith.cmpi ne, %rem3A, %ne3A_279 : i32
        %and3A_281 = arith.andi %ne3A, %ne3A_280 : i1
        %sub3A = arith.constant 1 : i32
        %sub3A_282 = arith.subi %div3A, %sub3A : i32
        %select_n3A = arith.select %and3A_281, %sub3A_282, %div3A : i32
        %jit3A_283 = arith.constant 8 : i32
        %eq3A_284 = arith.constant 0 : i32
        %eq3A_285 = arith.cmpi eq, %jit3A_283, %eq3A_284 : i32
        %jit3A_286 = arith.constant 1 : i32
        %select_n3A_287 = arith.select %eq3A_285, %jit3A_286, %jit3A_283 : i32
        %rem3A_288 = arith.remsi %scan3A_265, %select_n3A_287 : i32
        %ne3A_289 = arith.constant 0 : i32
        %ne3A_290 = arith.cmpi ne, %rem3A_288, %ne3A_289 : i32
        %lt3A = arith.constant 0 : i32
        %lt3A_291 = arith.cmpi slt, %rem3A_288, %lt3A : i32
        %lt3A_292 = arith.constant 0 : i32
        %lt3A_293 = arith.cmpi slt, %select_n3A_287, %lt3A_292 : i32
        %ne3A_294 = arith.xori %lt3A_291, %lt3A_293 : i1
        %and3A_295 = arith.andi %ne3A_294, %ne3A_290 : i1
        %add3A_296 = arith.addi %rem3A_288, %select_n3A_287 : i32
        %select_n3A_297 = arith.select %and3A_295, %add3A_296, %rem3A_288 : i32
        %mul3A_298 = arith.constant 16 : i32
        %mul3A_299 = arith.muli %select_n3A_297, %mul3A_298 : i32
        %swap3A_300 = arith.index_cast %select_n3A : i32 to index
        %swap3A_301 = arith.index_cast %mul3A_299 : i32 to index
        %swap3A_302 = tpu.vector_load %arg8[%swap3A_300, %swap3A_301] {strides = array<i32>} : memref<256x128xf32, #tpu.memory_space<vmem>>, vector<1x16xf32>,
        %swap3A_303 = vector.shape_cast %swap3A_302 : vector<1x16xf32> to vector<16xf32>
        %swap3A_304 = vector.shape_cast %broadcast_in_dim3A_254 : vector<16xf32> to vector<1x16xf32>
        tpu.vector_store %arg8[%swap3A_300, %swap3A_301], %swap3A_304 {strides = array<i32>} : memref<256x128xf32, #tpu.memory_space<vmem>>, vector<1x16xf32>,
      }
      %scan3A_260 = arith.constant 2048 : i32
      "tpu.region"() ({
        %run_scoped3A = tpu.sem_alloc : memref<!tpu.dma_semaphore, #tpu.memory_space<semaphore_mem>>
        %dma_start3A_265 = arith.constant 0 : i32
        %dma_start3A_266 = tpu.memref_slice %arg9[%mul3A_2, %dma_start3A_265] : memref<10240x128xf32, #tpu.memory_space<vmem_shared>> -> memref<256x128xf32, #tpu.memory_space<vmem_shared>>
        %dma_start3A_267 = arith.constant 0 : i32
        %dma_start3A_268 = tpu.memref_slice %arg9[%mul3A_2, %dma_start3A_267] : memref<10240x128xf32, #tpu.memory_space<vmem_shared>> -> memref<256x128xf32, #tpu.memory_space<vmem_shared>>
        tpu.enqueue_dma source(%arg8 : memref<256x128xf32, #tpu.memory_space<vmem>>) target(%dma_start3A_268 : memref<256x128xf32, #tpu.memory_space<vmem_shared>>) target_semaphore(%run_scoped3A : memref<!tpu.dma_semaphore, #tpu.memory_space<semaphore_mem>>)
        %dma_wait3A_269 = arith.constant 0 : i32
        %dma_wait3A_270 = tpu.memref_slice %arg9[%mul3A_2, %dma_wait3A_269] : memref<10240x128xf32, #tpu.memory_space<vmem_shared>> -> memref<256x128xf32, #tpu.memory_space<vmem_shared>>
        %dma_wait3A_271 = arith.constant 0 : i32
        %dma_wait3A_272 = tpu.memref_slice %arg9[%mul3A_2, %dma_wait3A_271] : memref<10240x128xf32, #tpu.memory_space<vmem_shared>> -> memref<256x128xf32, #tpu.memory_space<vmem_shared>>
        tpu.wait_dma2 semaphore(%run_scoped3A : memref<!tpu.dma_semaphore, #tpu.memory_space<semaphore_mem>>) src(%arg8 : memref<256x128xf32, #tpu.memory_space<vmem>>) dst(%dma_wait3A_272 : memref<256x128xf32, #tpu.memory_space<vmem_shared>>)
        tpu.yield
      }) : () -> ()
      %add3A_261 = arith.constant 256 : i32
      %add3A_262 = arith.addi %mul3A_2, %add3A_261 : i32
      "tpu.region"() ({
        %run_scoped3A = tpu.sem_alloc : memref<!tpu.dma_semaphore, #tpu.memory_space<semaphore_mem>>
        %dma_start3A_265 = arith.constant 0 : i32
        %dma_start3A_266 = tpu.memref_slice %arg9[%add3A_262, %dma_start3A_265] : memref<10240x128xf32, #tpu.memory_space<vmem_shared>> -> memref<256x128xf32, #tpu.memory_space<vmem_shared>>
        %dma_start3A_267 = arith.constant 0 : i32
        %dma_start3A_268 = tpu.memref_slice %arg9[%add3A_262, %dma_start3A_267] : memref<10240x128xf32, #tpu.memory_space<vmem_shared>> -> memref<256x128xf32, #tpu.memory_space<vmem_shared>>
        tpu.enqueue_dma source(%arg8 : memref<256x128xf32, #tpu.memory_space<vmem>>) target(%dma_start3A_268 : memref<256x128xf32, #tpu.memory_space<vmem_shared>>) target_semaphore(%run_scoped3A : memref<!tpu.dma_semaphore, #tpu.memory_space<semaphore_mem>>)
        %dma_wait3A_269 = arith.constant 0 : i32
        %dma_wait3A_270 = tpu.memref_slice %arg9[%add3A_262, %dma_wait3A_269] : memref<10240x128xf32, #tpu.memory_space<vmem_shared>> -> memref<256x128xf32, #tpu.memory_space<vmem_shared>>
        %dma_wait3A_271 = arith.constant 0 : i32
        %dma_wait3A_272 = tpu.memref_slice %arg9[%add3A_262, %dma_wait3A_271] : memref<10240x128xf32, #tpu.memory_space<vmem_shared>> -> memref<256x128xf32, #tpu.memory_space<vmem_shared>>
        tpu.wait_dma2 semaphore(%run_scoped3A : memref<!tpu.dma_semaphore, #tpu.memory_space<semaphore_mem>>) src(%arg8 : memref<256x128xf32, #tpu.memory_space<vmem>>) dst(%dma_wait3A_272 : memref<256x128xf32, #tpu.memory_space<vmem_shared>>)
        tpu.yield
      }) : () -> ()
      %add3A_263 = arith.constant 512 : i32
      %add3A_264 = arith.addi %mul3A_2, %add3A_263 : i32
      "tpu.region"() ({
        %run_scoped3A = tpu.sem_alloc : memref<!tpu.dma_semaphore, #tpu.memory_space<semaphore_mem>>
        %dma_start3A_265 = arith.constant 0 : i32
        %dma_start3A_266 = arith.constant 0 : i32
        %dma_start3A_267 = tpu.memref_slice %arg8[%dma_start3A_265, %dma_start3A_266] : memref<256x128xf32, #tpu.memory_space<vmem>> -> memref<128x128xf32, #tpu.memory_space<vmem>>
        %dma_start3A_268 = arith.constant 0 : i32
        %dma_start3A_269 = tpu.memref_slice %arg9[%add3A_264, %dma_start3A_268] : memref<10240x128xf32, #tpu.memory_space<vmem_shared>> -> memref<128x128xf32, #tpu.memory_space<vmem_shared>>
        %dma_start3A_270 = arith.constant 0 : i32
        %dma_start3A_271 = tpu.memref_slice %arg9[%add3A_264, %dma_start3A_270] : memref<10240x128xf32, #tpu.memory_space<vmem_shared>> -> memref<128x128xf32, #tpu.memory_space<vmem_shared>>
        %dma_start3A_272 = arith.constant 0 : i32
        %dma_start3A_273 = arith.constant 0 : i32
        %dma_start3A_274 = tpu.memref_slice %arg8[%dma_start3A_272, %dma_start3A_273] : memref<256x128xf32, #tpu.memory_space<vmem>> -> memref<128x128xf32, #tpu.memory_space<vmem>>
        tpu.enqueue_dma source(%dma_start3A_274 : memref<128x128xf32, #tpu.memory_space<vmem>>) target(%dma_start3A_271 : memref<128x128xf32, #tpu.memory_space<vmem_shared>>) target_semaphore(%run_scoped3A : memref<!tpu.dma_semaphore, #tpu.memory_space<semaphore_mem>>)
        %dma_wait3A_275 = arith.constant 0 : i32
        %dma_wait3A_276 = arith.constant 0 : i32
        %dma_wait3A_277 = tpu.memref_slice %arg8[%dma_wait3A_275, %dma_wait3A_276] : memref<256x128xf32, #tpu.memory_space<vmem>> -> memref<128x128xf32, #tpu.memory_space<vmem>>
        %dma_wait3A_278 = arith.constant 0 : i32
        %dma_wait3A_279 = tpu.memref_slice %arg9[%add3A_264, %dma_wait3A_278] : memref<10240x128xf32, #tpu.memory_space<vmem_shared>> -> memref<128x128xf32, #tpu.memory_space<vmem_shared>>
        %dma_wait3A_280 = arith.constant 0 : i32
        %dma_wait3A_281 = tpu.memref_slice %arg9[%add3A_264, %dma_wait3A_280] : memref<10240x128xf32, #tpu.memory_space<vmem_shared>> -> memref<128x128xf32, #tpu.memory_space<vmem_shared>>
        %dma_wait3A_282 = arith.constant 0 : i32
        %dma_wait3A_283 = arith.constant 0 : i32
        %dma_wait3A_284 = tpu.memref_slice %arg8[%dma_wait3A_282, %dma_wait3A_283] : memref<256x128xf32, #tpu.memory_space<vmem>> -> memref<128x128xf32, #tpu.memory_space<vmem>>
        tpu.wait_dma2 semaphore(%run_scoped3A : memref<!tpu.dma_semaphore, #tpu.memory_space<semaphore_mem>>) src(%dma_wait3A_284 : memref<128x128xf32, #tpu.memory_space<vmem>>) dst(%dma_wait3A_281 : memref<128x128xf32, #tpu.memory_space<vmem_shared>>)
        tpu.yield
      }) : () -> ()
    } else {
    }
    %get3A = arith.constant 0 : i32
    %get3A_10 = arith.index_cast %get3A : i32 to index
    %get3A_11 = arith.constant 0 : index
    %get3A_12 = tpu.vector_load %arg5[%get3A_10, %get3A_11] {strides = array<i32>} : memref<80x128xi32, #tpu.memory_space<vmem>>, vector<1x16xi32>,
    %get3A_13 = vector.shape_cast %get3A_12 : vector<1x16xi32> to vector<16xi32>
    %and3A = arith.constant 16383 : i32
    %and3A_14 = vector.broadcast %and3A : i32 to vector<16xi32>
    %and3A_15 = arith.andi %get3A_13, %and3A_14 : vector<16xi32>
    %swap3A = arith.constant 0 : i32
    %swap3A_16 = arith.index_cast %swap3A : i32 to index
    %swap3A_17 = arith.constant 0 : index
    %swap3A_18 = tpu.vector_load %arg6[%swap3A_16, %swap3A_17] {strides = array<i32>} : memref<4x64xi32, #tpu.memory_space<vmem>>, vector<1x16xi32>,
    %swap3A_19 = vector.shape_cast %swap3A_18 : vector<1x16xi32> to vector<16xi32>
    %swap3A_20 = vector.shape_cast %and3A_15 : vector<16xi32> to vector<1x16xi32>
    tpu.vector_store %arg6[%swap3A_16, %swap3A_17], %swap3A_20 {strides = array<i32>} : memref<4x64xi32, #tpu.memory_space<vmem>>, vector<1x16xi32>,
    %shift_right_logical3A = arith.constant 14 : i32
    %shift_right_logical3A_21 = vector.broadcast %shift_right_logical3A : i32 to vector<16xi32>
    %shift_right_logical3A_22 = arith.shrui %get3A_13, %shift_right_logical3A_21 : vector<16xi32>
    %swap3A_23 = arith.constant 0 : i32
    %swap3A_24 = arith.index_cast %swap3A_23 : i32 to index
    %swap3A_25 = arith.constant 0 : index
    %swap3A_26 = tpu.vector_load %arg7[%swap3A_24, %swap3A_25] {strides = array<i32>} : memref<4x64xi32, #tpu.memory_space<vmem>>, vector<1x16xi32>,
    %swap3A_27 = vector.shape_cast %swap3A_26 : vector<1x16xi32> to vector<16xi32>
    %swap3A_28 = vector.shape_cast %shift_right_logical3A_22 : vector<16xi32> to vector<1x16xi32>
    tpu.vector_store %arg7[%swap3A_24, %swap3A_25], %swap3A_28 {strides = array<i32>} : memref<4x64xi32, #tpu.memory_space<vmem>>, vector<1x16xi32>,
    %get3A_29 = arith.constant 0 : i32
    %get3A_30 = arith.index_cast %get3A_29 : i32 to index
    %get3A_31 = arith.constant 16 : index
    %get3A_32 = tpu.vector_load %arg5[%get3A_30, %get3A_31] {strides = array<i32>} : memref<80x128xi32, #tpu.memory_space<vmem>>, vector<1x16xi32>,
    %get3A_33 = vector.shape_cast %get3A_32 : vector<1x16xi32> to vector<16xi32>
    %and3A_34 = arith.constant 16383 : i32
    %and3A_35 = vector.broadcast %and3A_34 : i32 to vector<16xi32>
    %and3A_36 = arith.andi %get3A_33, %and3A_35 : vector<16xi32>
    %swap3A_37 = arith.constant 0 : i32
    %swap3A_38 = arith.index_cast %swap3A_37 : i32 to index
    %swap3A_39 = arith.constant 16 : index
    %swap3A_40 = tpu.vector_load %arg6[%swap3A_38, %swap3A_39] {strides = array<i32>} : memref<4x64xi32, #tpu.memory_space<vmem>>, vector<1x16xi32>,
    %swap3A_41 = vector.shape_cast %swap3A_40 : vector<1x16xi32> to vector<16xi32>
    %swap3A_42 = vector.shape_cast %and3A_36 : vector<16xi32> to vector<1x16xi32>
    tpu.vector_store %arg6[%swap3A_38, %swap3A_39], %swap3A_42 {strides = array<i32>} : memref<4x64xi32, #tpu.memory_space<vmem>>, vector<1x16xi32>,
    %shift_right_logical3A_43 = arith.constant 14 : i32
    %shift_right_logical3A_44 = vector.broadcast %shift_right_logical3A_43 : i32 to vector<16xi32>
    %shift_right_logical3A_45 = arith.shrui %get3A_33, %shift_right_logical3A_44 : vector<16xi32>
    %swap3A_46 = arith.constant 0 : i32
    %swap3A_47 = arith.index_cast %swap3A_46 : i32 to index
    %swap3A_48 = arith.constant 16 : index
    %swap3A_49 = tpu.vector_load %arg7[%swap3A_47, %swap3A_48] {strides = array<i32>} : memref<4x64xi32, #tpu.memory_space<vmem>>, vector<1x16xi32>,
    %swap3A_50 = vector.shape_cast %swap3A_49 : vector<1x16xi32> to vector<16xi32>
    %swap3A_51 = vector.shape_cast %shift_right_logical3A_45 : vector<16xi32> to vector<1x16xi32>
    tpu.vector_store %arg7[%swap3A_47, %swap3A_48], %swap3A_51 {strides = array<i32>} : memref<4x64xi32, #tpu.memory_space<vmem>>, vector<1x16xi32>,
    %get3A_52 = arith.constant 0 : i32
    %get3A_53 = arith.index_cast %get3A_52 : i32 to index
    %get3A_54 = arith.constant 32 : index
    %get3A_55 = tpu.vector_load %arg5[%get3A_53, %get3A_54] {strides = array<i32>} : memref<80x128xi32, #tpu.memory_space<vmem>>, vector<1x16xi32>,
    %get3A_56 = vector.shape_cast %get3A_55 : vector<1x16xi32> to vector<16xi32>
    %and3A_57 = arith.constant 16383 : i32
    %and3A_58 = vector.broadcast %and3A_57 : i32 to vector<16xi32>
    %and3A_59 = arith.andi %get3A_56, %and3A_58 : vector<16xi32>
    %swap3A_60 = arith.constant 0 : i32
    %swap3A_61 = arith.index_cast %swap3A_60 : i32 to index
    %swap3A_62 = arith.constant 32 : index
    %swap3A_63 = tpu.vector_load %arg6[%swap3A_61, %swap3A_62] {strides = array<i32>} : memref<4x64xi32, #tpu.memory_space<vmem>>, vector<1x16xi32>,
    %swap3A_64 = vector.shape_cast %swap3A_63 : vector<1x16xi32> to vector<16xi32>
    %swap3A_65 = vector.shape_cast %and3A_59 : vector<16xi32> to vector<1x16xi32>
    tpu.vector_store %arg6[%swap3A_61, %swap3A_62], %swap3A_65 {strides = array<i32>} : memref<4x64xi32, #tpu.memory_space<vmem>>, vector<1x16xi32>,
    %shift_right_logical3A_66 = arith.constant 14 : i32
    %shift_right_logical3A_67 = vector.broadcast %shift_right_logical3A_66 : i32 to vector<16xi32>
    %shift_right_logical3A_68 = arith.shrui %get3A_56, %shift_right_logical3A_67 : vector<16xi32>
    %swap3A_69 = arith.constant 0 : i32
    %swap3A_70 = arith.index_cast %swap3A_69 : i32 to index
    %swap3A_71 = arith.constant 32 : index
    %swap3A_72 = tpu.vector_load %arg7[%swap3A_70, %swap3A_71] {strides = array<i32>} : memref<4x64xi32, #tpu.memory_space<vmem>>, vector<1x16xi32>,
    %swap3A_73 = vector.shape_cast %swap3A_72 : vector<1x16xi32> to vector<16xi32>
    %swap3A_74 = vector.shape_cast %shift_right_logical3A_68 : vector<16xi32> to vector<1x16xi32>
    tpu.vector_store %arg7[%swap3A_70, %swap3A_71], %swap3A_74 {strides = array<i32>} : memref<4x64xi32, #tpu.memory_space<vmem>>, vector<1x16xi32>,
    %get3A_75 = arith.constant 0 : i32
    %get3A_76 = arith.index_cast %get3A_75 : i32 to index
    %get3A_77 = arith.constant 48 : index
    %get3A_78 = tpu.vector_load %arg5[%get3A_76, %get3A_77] {strides = array<i32>} : memref<80x128xi32, #tpu.memory_space<vmem>>, vector<1x16xi32>,
    %get3A_79 = vector.shape_cast %get3A_78 : vector<1x16xi32> to vector<16xi32>
    %and3A_80 = arith.constant 16383 : i32
    %and3A_81 = vector.broadcast %and3A_80 : i32 to vector<16xi32>
    %and3A_82 = arith.andi %get3A_79, %and3A_81 : vector<16xi32>
    %swap3A_83 = arith.constant 0 : i32
    %swap3A_84 = arith.index_cast %swap3A_83 : i32 to index
    %swap3A_85 = arith.constant 48 : index
    %swap3A_86 = tpu.vector_load %arg6[%swap3A_84, %swap3A_85] {strides = array<i32>} : memref<4x64xi32, #tpu.memory_space<vmem>>, vector<1x16xi32>,
    %swap3A_87 = vector.shape_cast %swap3A_86 : vector<1x16xi32> to vector<16xi32>
    %swap3A_88 = vector.shape_cast %and3A_82 : vector<16xi32> to vector<1x16xi32>
    tpu.vector_store %arg6[%swap3A_84, %swap3A_85], %swap3A_88 {strides = array<i32>} : memref<4x64xi32, #tpu.memory_space<vmem>>, vector<1x16xi32>,
    %shift_right_logical3A_89 = arith.constant 14 : i32
    %shift_right_logical3A_90 = vector.broadcast %shift_right_logical3A_89 : i32 to vector<16xi32>
    %shift_right_logical3A_91 = arith.shrui %get3A_79, %shift_right_logical3A_90 : vector<16xi32>
    %swap3A_92 = arith.constant 0 : i32
    %swap3A_93 = arith.index_cast %swap3A_92 : i32 to index
    %swap3A_94 = arith.constant 48 : index
    %swap3A_95 = tpu.vector_load %arg7[%swap3A_93, %swap3A_94] {strides = array<i32>} : memref<4x64xi32, #tpu.memory_space<vmem>>, vector<1x16xi32>,
    %swap3A_96 = vector.shape_cast %swap3A_95 : vector<1x16xi32> to vector<16xi32>
    %swap3A_97 = vector.shape_cast %shift_right_logical3A_91 : vector<16xi32> to vector<1x16xi32>
    tpu.vector_store %arg7[%swap3A_93, %swap3A_94], %swap3A_97 {strides = array<i32>} : memref<4x64xi32, #tpu.memory_space<vmem>>, vector<1x16xi32>,
    %get3A_98 = arith.constant 0 : i32
    %get3A_99 = arith.index_cast %get3A_98 : i32 to index
    %get3A_100 = arith.constant 64 : index
    %get3A_101 = tpu.vector_load %arg5[%get3A_99, %get3A_100] {strides = array<i32>} : memref<80x128xi32, #tpu.memory_space<vmem>>, vector<1x16xi32>,
    %get3A_102 = vector.shape_cast %get3A_101 : vector<1x16xi32> to vector<16xi32>
    %and3A_103 = arith.constant 16383 : i32
    %and3A_104 = vector.broadcast %and3A_103 : i32 to vector<16xi32>
    %and3A_105 = arith.andi %get3A_102, %and3A_104 : vector<16xi32>
    %swap3A_106 = arith.constant 1 : i32
    %swap3A_107 = arith.index_cast %swap3A_106 : i32 to index
    %swap3A_108 = arith.constant 0 : index
    %swap3A_109 = tpu.vector_load %arg6[%swap3A_107, %swap3A_108] {strides = array<i32>} : memref<4x64xi32, #tpu.memory_space<vmem>>, vector<1x16xi32>,
    %swap3A_110 = vector.shape_cast %swap3A_109 : vector<1x16xi32> to vector<16xi32>
    %swap3A_111 = vector.shape_cast %and3A_105 : vector<16xi32> to vector<1x16xi32>
    tpu.vector_store %arg6[%swap3A_107, %swap3A_108], %swap3A_111 {strides = array<i32>} : memref<4x64xi32, #tpu.memory_space<vmem>>, vector<1x16xi32>,
    %shift_right_logical3A_112 = arith.constant 14 : i32
    %shift_right_logical3A_113 = vector.broadcast %shift_right_logical3A_112 : i32 to vector<16xi32>
    %shift_right_logical3A_114 = arith.shrui %get3A_102, %shift_right_logical3A_113 : vector<16xi32>
    %swap3A_115 = arith.constant 1 : i32
    %swap3A_116 = arith.index_cast %swap3A_115 : i32 to index
    %swap3A_117 = arith.constant 0 : index
    %swap3A_118 = tpu.vector_load %arg7[%swap3A_116, %swap3A_117] {strides = array<i32>} : memref<4x64xi32, #tpu.memory_space<vmem>>, vector<1x16xi32>,
    %swap3A_119 = vector.shape_cast %swap3A_118 : vector<1x16xi32> to vector<16xi32>
    %swap3A_120 = vector.shape_cast %shift_right_logical3A_114 : vector<16xi32> to vector<1x16xi32>
    tpu.vector_store %arg7[%swap3A_116, %swap3A_117], %swap3A_120 {strides = array<i32>} : memref<4x64xi32, #tpu.memory_space<vmem>>, vector<1x16xi32>,
    %get3A_121 = arith.constant 0 : i32
    %get3A_122 = arith.index_cast %get3A_121 : i32 to index
    %get3A_123 = arith.constant 80 : index
    %get3A_124 = tpu.vector_load %arg5[%get3A_122, %get3A_123] {strides = array<i32>} : memref<80x128xi32, #tpu.memory_space<vmem>>, vector<1x16xi32>,
    %get3A_125 = vector.shape_cast %get3A_124 : vector<1x16xi32> to vector<16xi32>
    %and3A_126 = arith.constant 16383 : i32
    %and3A_127 = vector.broadcast %and3A_126 : i32 to vector<16xi32>
    %and3A_128 = arith.andi %get3A_125, %and3A_127 : vector<16xi32>
    %swap3A_129 = arith.constant 1 : i32
    %swap3A_130 = arith.index_cast %swap3A_129 : i32 to index
    %swap3A_131 = arith.constant 16 : index
    %swap3A_132 = tpu.vector_load %arg6[%swap3A_130, %swap3A_131] {strides = array<i32>} : memref<4x64xi32, #tpu.memory_space<vmem>>, vector<1x16xi32>,
    %swap3A_133 = vector.shape_cast %swap3A_132 : vector<1x16xi32> to vector<16xi32>
    %swap3A_134 = vector.shape_cast %and3A_128 : vector<16xi32> to vector<1x16xi32>
    tpu.vector_store %arg6[%swap3A_130, %swap3A_131], %swap3A_134 {strides = array<i32>} : memref<4x64xi32, #tpu.memory_space<vmem>>, vector<1x16xi32>,
    %shift_right_logical3A_135 = arith.constant 14 : i32
    %shift_right_logical3A_136 = vector.broadcast %shift_right_logical3A_135 : i32 to vector<16xi32>
    %shift_right_logical3A_137 = arith.shrui %get3A_125, %shift_right_logical3A_136 : vector<16xi32>
    %swap3A_138 = arith.constant 1 : i32
    %swap3A_139 = arith.index_cast %swap3A_138 : i32 to index
    %swap3A_140 = arith.constant 16 : index
    %swap3A_141 = tpu.vector_load %arg7[%swap3A_139, %swap3A_140] {strides = array<i32>} : memref<4x64xi32, #tpu.memory_space<vmem>>, vector<1x16xi32>,
    %swap3A_142 = vector.shape_cast %swap3A_141 : vector<1x16xi32> to vector<16xi32>
    %swap3A_143 = vector.shape_cast %shift_right_logical3A_137 : vector<16xi32> to vector<1x16xi32>
    tpu.vector_store %arg7[%swap3A_139, %swap3A_140], %swap3A_143 {strides = array<i32>} : memref<4x64xi32, #tpu.memory_space<vmem>>, vector<1x16xi32>,
    %get3A_144 = arith.constant 0 : i32
    %get3A_145 = arith.index_cast %get3A_144 : i32 to index
    %get3A_146 = arith.constant 96 : index
    %get3A_147 = tpu.vector_load %arg5[%get3A_145, %get3A_146] {strides = array<i32>} : memref<80x128xi32, #tpu.memory_space<vmem>>, vector<1x16xi32>,
    %get3A_148 = vector.shape_cast %get3A_147 : vector<1x16xi32> to vector<16xi32>
    %and3A_149 = arith.constant 16383 : i32
    %and3A_150 = vector.broadcast %and3A_149 : i32 to vector<16xi32>
    %and3A_151 = arith.andi %get3A_148, %and3A_150 : vector<16xi32>
    %swap3A_152 = arith.constant 1 : i32
    %swap3A_153 = arith.index_cast %swap3A_152 : i32 to index
    %swap3A_154 = arith.constant 32 : index
    %swap3A_155 = tpu.vector_load %arg6[%swap3A_153, %swap3A_154] {strides = array<i32>} : memref<4x64xi32, #tpu.memory_space<vmem>>, vector<1x16xi32>,
    %swap3A_156 = vector.shape_cast %swap3A_155 : vector<1x16xi32> to vector<16xi32>
    %swap3A_157 = vector.shape_cast %and3A_151 : vector<16xi32> to vector<1x16xi32>
    tpu.vector_store %arg6[%swap3A_153, %swap3A_154], %swap3A_157 {strides = array<i32>} : memref<4x64xi32, #tpu.memory_space<vmem>>, vector<1x16xi32>,
    %shift_right_logical3A_158 = arith.constant 14 : i32
    %shift_right_logical3A_159 = vector.broadcast %shift_right_logical3A_158 : i32 to vector<16xi32>
    %shift_right_logical3A_160 = arith.shrui %get3A_148, %shift_right_logical3A_159 : vector<16xi32>
    %swap3A_161 = arith.constant 1 : i32
    %swap3A_162 = arith.index_cast %swap3A_161 : i32 to index
    %swap3A_163 = arith.constant 32 : index
    %swap3A_164 = tpu.vector_load %arg7[%swap3A_162, %swap3A_163] {strides = array<i32>} : memref<4x64xi32, #tpu.memory_space<vmem>>, vector<1x16xi32>,
    %swap3A_165 = vector.shape_cast %swap3A_164 : vector<1x16xi32> to vector<16xi32>
    %swap3A_166 = vector.shape_cast %shift_right_logical3A_160 : vector<16xi32> to vector<1x16xi32>
    tpu.vector_store %arg7[%swap3A_162, %swap3A_163], %swap3A_166 {strides = array<i32>} : memref<4x64xi32, #tpu.memory_space<vmem>>, vector<1x16xi32>,
    %get3A_167 = arith.constant 0 : i32
    %get3A_168 = arith.index_cast %get3A_167 : i32 to index
    %get3A_169 = arith.constant 112 : index
    %get3A_170 = tpu.vector_load %arg5[%get3A_168, %get3A_169] {strides = array<i32>} : memref<80x128xi32, #tpu.memory_space<vmem>>, vector<1x16xi32>,
    %get3A_171 = vector.shape_cast %get3A_170 : vector<1x16xi32> to vector<16xi32>
    %and3A_172 = arith.constant 16383 : i32
    %and3A_173 = vector.broadcast %and3A_172 : i32 to vector<16xi32>
    %and3A_174 = arith.andi %get3A_171, %and3A_173 : vector<16xi32>
    %swap3A_175 = arith.constant 1 : i32
    %swap3A_176 = arith.index_cast %swap3A_175 : i32 to index
    %swap3A_177 = arith.constant 48 : index
    %swap3A_178 = tpu.vector_load %arg6[%swap3A_176, %swap3A_177] {strides = array<i32>} : memref<4x64xi32, #tpu.memory_space<vmem>>, vector<1x16xi32>,
    %swap3A_179 = vector.shape_cast %swap3A_178 : vector<1x16xi32> to vector<16xi32>
    %swap3A_180 = vector.shape_cast %and3A_174 : vector<16xi32> to vector<1x16xi32>
    tpu.vector_store %arg6[%swap3A_176, %swap3A_177], %swap3A_180 {strides = array<i32>} : memref<4x64xi32, #tpu.memory_space<vmem>>, vector<1x16xi32>,
    %shift_right_logical3A_181 = arith.constant 14 : i32
    %shift_right_logical3A_182 = vector.broadcast %shift_right_logical3A_181 : i32 to vector<16xi32>
    %shift_right_logical3A_183 = arith.shrui %get3A_171, %shift_right_logical3A_182 : vector<16xi32>
    %swap3A_184 = arith.constant 1 : i32
    %swap3A_185 = arith.index_cast %swap3A_184 : i32 to index
    %swap3A_186 = arith.constant 48 : index
    %swap3A_187 = tpu.vector_load %arg7[%swap3A_185, %swap3A_186] {strides = array<i32>} : memref<4x64xi32, #tpu.memory_space<vmem>>, vector<1x16xi32>,
    %swap3A_188 = vector.shape_cast %swap3A_187 : vector<1x16xi32> to vector<16xi32>
    %swap3A_189 = vector.shape_cast %shift_right_logical3A_183 : vector<16xi32> to vector<1x16xi32>
    tpu.vector_store %arg7[%swap3A_185, %swap3A_186], %swap3A_189 {strides = array<i32>} : memref<4x64xi32, #tpu.memory_space<vmem>>, vector<1x16xi32>,
    %barrier3A = arith.constant 0 : index
    tpu.barrier barrier_id(%barrier3A)
    %dma_start3A = arith.constant 0 : i32
    %dma_start3A_190 = arith.constant 0 : i32
    %dma_start3A_191 = arith.constant 0 : i32
    %dma_start3A_192 = tpu.memref_slice %arg8[%dma_start3A_190, %dma_start3A_191] : memref<256x128xf32, #tpu.memory_space<vmem>> -> memref<64x128xf32, #tpu.memory_space<vmem>>
    %dma_start3A_193 = arith.constant 0 : i32
    %dma_start3A_194 = tpu.memref_slice %arg6[%dma_start3A, %dma_start3A_193] : memref<4x64xi32, #tpu.memory_space<vmem>> -> memref<1x64xi32, #tpu.memory_space<vmem>>
    %dma_start3A_195 = tpu.memref_squeeze %dma_start3A_194 : memref<1x64xi32, #tpu.memory_space<vmem>> -> memref<64xi32, #tpu.memory_space<vmem>>
    %dma_start3A_196 = arith.constant 0 : i32
    %dma_start3A_197 = arith.constant 0 : i32
    %dma_start3A_198 = tpu.memref_slice %arg2[%dma_start3A_196, %dma_start3A_197] : memref<10240x128xf32, #tpu.memory_space<hbm>> -> memref<10240x128xf32, #tpu.memory_space<hbm>>
    tpu.enqueue_indirect_dma source(%dma_start3A_198 : memref<10240x128xf32, #tpu.memory_space<hbm>>) target(%dma_start3A_192 : memref<64x128xf32, #tpu.memory_space<vmem>>) offsets(%dma_start3A_195 : memref<64xi32, #tpu.memory_space<vmem>>) semaphore(%arg10 : memref<!tpu.dma_semaphore, #tpu.memory_space<semaphore_mem>>)
    %dma_start3A_199 = arith.constant 1 : i32
    %dma_start3A_200 = arith.constant 64 : i32
    %dma_start3A_201 = arith.constant 0 : i32
    %dma_start3A_202 = tpu.memref_slice %arg8[%dma_start3A_200, %dma_start3A_201] : memref<256x128xf32, #tpu.memory_space<vmem>> -> memref<64x128xf32, #tpu.memory_space<vmem>>
    %dma_start3A_203 = arith.constant 0 : i32
    %dma_start3A_204 = tpu.memref_slice %arg6[%dma_start3A_199, %dma_start3A_203] : memref<4x64xi32, #tpu.memory_space<vmem>> -> memref<1x64xi32, #tpu.memory_space<vmem>>
    %dma_start3A_205 = tpu.memref_squeeze %dma_start3A_204 : memref<1x64xi32, #tpu.memory_space<vmem>> -> memref<64xi32, #tpu.memory_space<vmem>>
    %dma_start3A_206 = arith.constant 0 : i32
    %dma_start3A_207 = arith.constant 0 : i32
    %dma_start3A_208 = tpu.memref_slice %arg2[%dma_start3A_206, %dma_start3A_207] : memref<10240x128xf32, #tpu.memory_space<hbm>> -> memref<10240x128xf32, #tpu.memory_space<hbm>>
    tpu.enqueue_indirect_dma source(%dma_start3A_208 : memref<10240x128xf32, #tpu.memory_space<hbm>>) target(%dma_start3A_202 : memref<64x128xf32, #tpu.memory_space<vmem>>) offsets(%dma_start3A_205 : memref<64xi32, #tpu.memory_space<vmem>>) semaphore(%arg10 : memref<!tpu.dma_semaphore, #tpu.memory_space<semaphore_mem>>)
    %scan3A = arith.constant 0 : i32
    %scan3A_209 = arith.constant 0 : i32
    %scan3A_210 = arith.constant 40 : i32
    %scan3A_211 = arith.addi %scan3A_209, %scan3A_210 : i32
    %scan3A_212 = arith.constant 1 : i32
    scf.for %scan3A_254 = %scan3A_209 to %scan3A_211 step %scan3A_212  : i32 {
      %mul3A_255 = arith.constant 2 : i32
      %mul3A_256 = arith.muli %mul3A_255, %scan3A_254 : i32
      %dma_wait3A_257 = arith.constant 0 : i32
      %dma_wait3A_258 = arith.constant 0 : i32
      %dma_wait3A_259 = arith.constant 0 : i32
      %dma_wait3A_260 = tpu.memref_slice %arg8[%dma_wait3A_258, %dma_wait3A_259] : memref<256x128xf32, #tpu.memory_space<vmem>> -> memref<64x128xf32, #tpu.memory_space<vmem>>
      %dma_wait3A_261 = arith.constant 0 : i32
      %dma_wait3A_262 = tpu.memref_slice %arg6[%dma_wait3A_257, %dma_wait3A_261] : memref<4x64xi32, #tpu.memory_space<vmem>> -> memref<1x64xi32, #tpu.memory_space<vmem>>
      %dma_wait3A_263 = tpu.memref_squeeze %dma_wait3A_262 : memref<1x64xi32, #tpu.memory_space<vmem>> -> memref<64xi32, #tpu.memory_space<vmem>>
      %dma_wait3A_264 = arith.constant 0 : i32
      %dma_wait3A_265 = arith.constant 0 : i32
      %dma_wait3A_266 = tpu.memref_slice %arg2[%dma_wait3A_264, %dma_wait3A_265] : memref<10240x128xf32, #tpu.memory_space<hbm>> -> memref<10240x128xf32, #tpu.memory_space<hbm>>
      tpu.wait_indirect_dma semaphore(%arg10 : memref<!tpu.dma_semaphore, #tpu.memory_space<semaphore_mem>>) src(%dma_wait3A_266 : memref<10240x128xf32, #tpu.memory_space<hbm>>) dst(%dma_wait3A_260 : memref<64x128xf32, #tpu.memory_space<vmem>>)
      %dma_start3A_267 = arith.constant 0 : i32
      %dma_start3A_268 = arith.constant 0 : i32
      %dma_start3A_269 = arith.constant 0 : i32
      %dma_start3A_270 = tpu.memref_slice %arg8[%dma_start3A_268, %dma_start3A_269] : memref<256x128xf32, #tpu.memory_space<vmem>> -> memref<64x128xf32, #tpu.memory_space<vmem>>
      %dma_start3A_271 = arith.constant 0 : i32
      %dma_start3A_272 = tpu.memref_slice %arg7[%dma_start3A_267, %dma_start3A_271] : memref<4x64xi32, #tpu.memory_space<vmem>> -> memref<1x64xi32, #tpu.memory_space<vmem>>
      %dma_start3A_273 = tpu.memref_squeeze %dma_start3A_272 : memref<1x64xi32, #tpu.memory_space<vmem>> -> memref<64xi32, #tpu.memory_space<vmem>>
      %dma_start3A_274 = arith.constant 0 : i32
      %dma_start3A_275 = arith.constant 0 : i32
      %dma_start3A_276 = tpu.memref_slice %arg9[%dma_start3A_274, %dma_start3A_275] : memref<10240x128xf32, #tpu.memory_space<vmem_shared>> -> memref<10240x128xf32, #tpu.memory_space<vmem_shared>>
      tpu.enqueue_indirect_dma source(%dma_start3A_270 : memref<64x128xf32, #tpu.memory_space<vmem>>) target(%dma_start3A_276 : memref<10240x128xf32, #tpu.memory_space<vmem_shared>>) offsets(%dma_start3A_273 : memref<64xi32, #tpu.memory_space<vmem>>) semaphore(%arg11 : memref<!tpu.dma_semaphore, #tpu.memory_space<semaphore_mem>>) {add = true}
      %dma_wait3A_277 = arith.constant 0 : i32
      %dma_wait3A_278 = arith.constant 0 : i32
      %dma_wait3A_279 = arith.constant 0 : i32
      %dma_wait3A_280 = tpu.memref_slice %arg8[%dma_wait3A_278, %dma_wait3A_279] : memref<256x128xf32, #tpu.memory_space<vmem>> -> memref<64x128xf32, #tpu.memory_space<vmem>>
      %dma_wait3A_281 = arith.constant 0 : i32
      %dma_wait3A_282 = tpu.memref_slice %arg6[%dma_wait3A_277, %dma_wait3A_281] : memref<4x64xi32, #tpu.memory_space<vmem>> -> memref<1x64xi32, #tpu.memory_space<vmem>>
      %dma_wait3A_283 = tpu.memref_squeeze %dma_wait3A_282 : memref<1x64xi32, #tpu.memory_space<vmem>> -> memref<64xi32, #tpu.memory_space<vmem>>
      %dma_wait3A_284 = arith.constant 0 : i32
      %dma_wait3A_285 = arith.constant 0 : i32
      %dma_wait3A_286 = tpu.memref_slice %arg2[%dma_wait3A_284, %dma_wait3A_285] : memref<10240x128xf32, #tpu.memory_space<hbm>> -> memref<10240x128xf32, #tpu.memory_space<hbm>>
      tpu.wait_indirect_dma semaphore(%arg10 : memref<!tpu.dma_semaphore, #tpu.memory_space<semaphore_mem>>) src(%dma_wait3A_286 : memref<10240x128xf32, #tpu.memory_space<hbm>>) dst(%dma_wait3A_280 : memref<64x128xf32, #tpu.memory_space<vmem>>)
      %dma_start3A_287 = arith.constant 1 : i32
      %dma_start3A_288 = arith.constant 64 : i32
      %dma_start3A_289 = arith.constant 0 : i32
      %dma_start3A_290 = tpu.memref_slice %arg8[%dma_start3A_288, %dma_start3A_289] : memref<256x128xf32, #tpu.memory_space<vmem>> -> memref<64x128xf32, #tpu.memory_space<vmem>>
      %dma_start3A_291 = arith.constant 0 : i32
      %dma_start3A_292 = tpu.memref_slice %arg7[%dma_start3A_287, %dma_start3A_291] : memref<4x64xi32, #tpu.memory_space<vmem>> -> memref<1x64xi32, #tpu.memory_space<vmem>>
      %dma_start3A_293 = tpu.memref_squeeze %dma_start3A_292 : memref<1x64xi32, #tpu.memory_space<vmem>> -> memref<64xi32, #tpu.memory_space<vmem>>
      %dma_start3A_294 = arith.constant 0 : i32
      %dma_start3A_295 = arith.constant 0 : i32
      %dma_start3A_296 = tpu.memref_slice %arg9[%dma_start3A_294, %dma_start3A_295] : memref<10240x128xf32, #tpu.memory_space<vmem_shared>> -> memref<10240x128xf32, #tpu.memory_space<vmem_shared>>
      tpu.enqueue_indirect_dma source(%dma_start3A_290 : memref<64x128xf32, #tpu.memory_space<vmem>>) target(%dma_start3A_296 : memref<10240x128xf32, #tpu.memory_space<vmem_shared>>) offsets(%dma_start3A_293 : memref<64xi32, #tpu.memory_space<vmem>>) semaphore(%arg11 : memref<!tpu.dma_semaphore, #tpu.memory_space<semaphore_mem>>) {add = true}
      %ge3A = arith.constant 1 : i32
      %ge3A_297 = arith.cmpi sge, %scan3A_254, %ge3A : i32
      %convert_element_type3A_298 = arith.extui %ge3A_297 : i1 to i32
      %cond3A_299 = arith.constant 0 : i32
      %cond3A_300 = arith.cmpi ne, %convert_element_type3A_298, %cond3A_299 : i32
      scf.if %cond3A_300 {
        %dma_wait3A_545 = arith.constant 0 : i32
        %dma_wait3A_546 = arith.constant 0 : i32
        %dma_wait3A_547 = arith.constant 0 : i32
        %dma_wait3A_548 = tpu.memref_slice %arg8[%dma_wait3A_546, %dma_wait3A_547] : memref<256x128xf32, #tpu.memory_space<vmem>> -> memref<64x128xf32, #tpu.memory_space<vmem>>
        %dma_wait3A_549 = arith.constant 0 : i32
        %dma_wait3A_550 = tpu.memref_slice %arg7[%dma_wait3A_545, %dma_wait3A_549] : memref<4x64xi32, #tpu.memory_space<vmem>> -> memref<1x64xi32, #tpu.memory_space<vmem>>
        %dma_wait3A_551 = tpu.memref_squeeze %dma_wait3A_550 : memref<1x64xi32, #tpu.memory_space<vmem>> -> memref<64xi32, #tpu.memory_space<vmem>>
        %dma_wait3A_552 = arith.constant 0 : i32
        %dma_wait3A_553 = arith.constant 0 : i32
        %dma_wait3A_554 = tpu.memref_slice %arg9[%dma_wait3A_552, %dma_wait3A_553] : memref<10240x128xf32, #tpu.memory_space<vmem_shared>> -> memref<10240x128xf32, #tpu.memory_space<vmem_shared>>
        tpu.wait_indirect_dma semaphore(%arg11 : memref<!tpu.dma_semaphore, #tpu.memory_space<semaphore_mem>>) src(%dma_wait3A_548 : memref<64x128xf32, #tpu.memory_space<vmem>>) dst(%dma_wait3A_554 : memref<10240x128xf32, #tpu.memory_space<vmem_shared>>)
        %dma_wait3A_555 = arith.constant 0 : i32
        %dma_wait3A_556 = arith.constant 0 : i32
        %dma_wait3A_557 = arith.constant 0 : i32
        %dma_wait3A_558 = tpu.memref_slice %arg8[%dma_wait3A_556, %dma_wait3A_557] : memref<256x128xf32, #tpu.memory_space<vmem>> -> memref<64x128xf32, #tpu.memory_space<vmem>>
        %dma_wait3A_559 = arith.constant 0 : i32
        %dma_wait3A_560 = tpu.memref_slice %arg7[%dma_wait3A_555, %dma_wait3A_559] : memref<4x64xi32, #tpu.memory_space<vmem>> -> memref<1x64xi32, #tpu.memory_space<vmem>>
        %dma_wait3A_561 = tpu.memref_squeeze %dma_wait3A_560 : memref<1x64xi32, #tpu.memory_space<vmem>> -> memref<64xi32, #tpu.memory_space<vmem>>
        %dma_wait3A_562 = arith.constant 0 : i32
        %dma_wait3A_563 = arith.constant 0 : i32
        %dma_wait3A_564 = tpu.memref_slice %arg9[%dma_wait3A_562, %dma_wait3A_563] : memref<10240x128xf32, #tpu.memory_space<vmem_shared>> -> memref<10240x128xf32, #tpu.memory_space<vmem_shared>>
        tpu.wait_indirect_dma semaphore(%arg11 : memref<!tpu.dma_semaphore, #tpu.memory_space<semaphore_mem>>) src(%dma_wait3A_558 : memref<64x128xf32, #tpu.memory_space<vmem>>) dst(%dma_wait3A_564 : memref<10240x128xf32, #tpu.memory_space<vmem_shared>>)
      } else {
      }
      %add3A_301 = arith.constant 1 : i32
      %add3A_302 = arith.addi %mul3A_256, %add3A_301 : i32
      %get3A_303 = arith.index_cast %add3A_302 : i32 to index
      %get3A_304 = arith.constant 0 : index
      %get3A_305 = tpu.vector_load %arg5[%get3A_303, %get3A_304] {strides = array<i32>} : memref<80x128xi32, #tpu.memory_space<vmem>>, vector<1x16xi32>,
      %get3A_306 = vector.shape_cast %get3A_305 : vector<1x16xi32> to vector<16xi32>
      %and3A_307 = arith.constant 16383 : i32
      %and3A_308 = vector.broadcast %and3A_307 : i32 to vector<16xi32>
      %and3A_309 = arith.andi %get3A_306, %and3A_308 : vector<16xi32>
      %swap3A_310 = arith.constant 2 : i32
      %swap3A_311 = arith.index_cast %swap3A_310 : i32 to index
      %swap3A_312 = arith.constant 0 : index
      %swap3A_313 = tpu.vector_load %arg6[%swap3A_311, %swap3A_312] {strides = array<i32>} : memref<4x64xi32, #tpu.memory_space<vmem>>, vector<1x16xi32>,
      %swap3A_314 = vector.shape_cast %swap3A_313 : vector<1x16xi32> to vector<16xi32>
      %swap3A_315 = vector.shape_cast %and3A_309 : vector<16xi32> to vector<1x16xi32>
      tpu.vector_store %arg6[%swap3A_311, %swap3A_312], %swap3A_315 {strides = array<i32>} : memref<4x64xi32, #tpu.memory_space<vmem>>, vector<1x16xi32>,
      %shift_right_logical3A_316 = arith.constant 14 : i32
      %shift_right_logical3A_317 = vector.broadcast %shift_right_logical3A_316 : i32 to vector<16xi32>
      %shift_right_logical3A_318 = arith.shrui %get3A_306, %shift_right_logical3A_317 : vector<16xi32>
      %swap3A_319 = arith.constant 2 : i32
      %swap3A_320 = arith.index_cast %swap3A_319 : i32 to index
      %swap3A_321 = arith.constant 0 : index
      %swap3A_322 = tpu.vector_load %arg7[%swap3A_320, %swap3A_321] {strides = array<i32>} : memref<4x64xi32, #tpu.memory_space<vmem>>, vector<1x16xi32>,
      %swap3A_323 = vector.shape_cast %swap3A_322 : vector<1x16xi32> to vector<16xi32>
      %swap3A_324 = vector.shape_cast %shift_right_logical3A_318 : vector<16xi32> to vector<1x16xi32>
      tpu.vector_store %arg7[%swap3A_320, %swap3A_321], %swap3A_324 {strides = array<i32>} : memref<4x64xi32, #tpu.memory_space<vmem>>, vector<1x16xi32>,
      %get3A_325 = arith.index_cast %add3A_302 : i32 to index
      %get3A_326 = arith.constant 16 : index
      %get3A_327 = tpu.vector_load %arg5[%get3A_325, %get3A_326] {strides = array<i32>} : memref<80x128xi32, #tpu.memory_space<vmem>>, vector<1x16xi32>,
      %get3A_328 = vector.shape_cast %get3A_327 : vector<1x16xi32> to vector<16xi32>
      %and3A_329 = arith.constant 16383 : i32
      %and3A_330 = vector.broadcast %and3A_329 : i32 to vector<16xi32>
      %and3A_331 = arith.andi %get3A_328, %and3A_330 : vector<16xi32>
      %swap3A_332 = arith.constant 2 : i32
      %swap3A_333 = arith.index_cast %swap3A_332 : i32 to index
      %swap3A_334 = arith.constant 16 : index
      %swap3A_335 = tpu.vector_load %arg6[%swap3A_333, %swap3A_334] {strides = array<i32>} : memref<4x64xi32, #tpu.memory_space<vmem>>, vector<1x16xi32>,
      %swap3A_336 = vector.shape_cast %swap3A_335 : vector<1x16xi32> to vector<16xi32>
      %swap3A_337 = vector.shape_cast %and3A_331 : vector<16xi32> to vector<1x16xi32>
      tpu.vector_store %arg6[%swap3A_333, %swap3A_334], %swap3A_337 {strides = array<i32>} : memref<4x64xi32, #tpu.memory_space<vmem>>, vector<1x16xi32>,
      %shift_right_logical3A_338 = arith.constant 14 : i32
      %shift_right_logical3A_339 = vector.broadcast %shift_right_logical3A_338 : i32 to vector<16xi32>
      %shift_right_logical3A_340 = arith.shrui %get3A_328, %shift_right_logical3A_339 : vector<16xi32>
      %swap3A_341 = arith.constant 2 : i32
      %swap3A_342 = arith.index_cast %swap3A_341 : i32 to index
      %swap3A_343 = arith.constant 16 : index
      %swap3A_344 = tpu.vector_load %arg7[%swap3A_342, %swap3A_343] {strides = array<i32>} : memref<4x64xi32, #tpu.memory_space<vmem>>, vector<1x16xi32>,
      %swap3A_345 = vector.shape_cast %swap3A_344 : vector<1x16xi32> to vector<16xi32>
      %swap3A_346 = vector.shape_cast %shift_right_logical3A_340 : vector<16xi32> to vector<1x16xi32>
      tpu.vector_store %arg7[%swap3A_342, %swap3A_343], %swap3A_346 {strides = array<i32>} : memref<4x64xi32, #tpu.memory_space<vmem>>, vector<1x16xi32>,
      %get3A_347 = arith.index_cast %add3A_302 : i32 to index
      %get3A_348 = arith.constant 32 : index
      %get3A_349 = tpu.vector_load %arg5[%get3A_347, %get3A_348] {strides = array<i32>} : memref<80x128xi32, #tpu.memory_space<vmem>>, vector<1x16xi32>,
      %get3A_350 = vector.shape_cast %get3A_349 : vector<1x16xi32> to vector<16xi32>
      %and3A_351 = arith.constant 16383 : i32
      %and3A_352 = vector.broadcast %and3A_351 : i32 to vector<16xi32>
      %and3A_353 = arith.andi %get3A_350, %and3A_352 : vector<16xi32>
      %swap3A_354 = arith.constant 2 : i32
      %swap3A_355 = arith.index_cast %swap3A_354 : i32 to index
      %swap3A_356 = arith.constant 32 : index
      %swap3A_357 = tpu.vector_load %arg6[%swap3A_355, %swap3A_356] {strides = array<i32>} : memref<4x64xi32, #tpu.memory_space<vmem>>, vector<1x16xi32>,
      %swap3A_358 = vector.shape_cast %swap3A_357 : vector<1x16xi32> to vector<16xi32>
      %swap3A_359 = vector.shape_cast %and3A_353 : vector<16xi32> to vector<1x16xi32>
      tpu.vector_store %arg6[%swap3A_355, %swap3A_356], %swap3A_359 {strides = array<i32>} : memref<4x64xi32, #tpu.memory_space<vmem>>, vector<1x16xi32>,
      %shift_right_logical3A_360 = arith.constant 14 : i32
      %shift_right_logical3A_361 = vector.broadcast %shift_right_logical3A_360 : i32 to vector<16xi32>
      %shift_right_logical3A_362 = arith.shrui %get3A_350, %shift_right_logical3A_361 : vector<16xi32>
      %swap3A_363 = arith.constant 2 : i32
      %swap3A_364 = arith.index_cast %swap3A_363 : i32 to index
      %swap3A_365 = arith.constant 32 : index
      %swap3A_366 = tpu.vector_load %arg7[%swap3A_364, %swap3A_365] {strides = array<i32>} : memref<4x64xi32, #tpu.memory_space<vmem>>, vector<1x16xi32>,
      %swap3A_367 = vector.shape_cast %swap3A_366 : vector<1x16xi32> to vector<16xi32>
      %swap3A_368 = vector.shape_cast %shift_right_logical3A_362 : vector<16xi32> to vector<1x16xi32>
      tpu.vector_store %arg7[%swap3A_364, %swap3A_365], %swap3A_368 {strides = array<i32>} : memref<4x64xi32, #tpu.memory_space<vmem>>, vector<1x16xi32>,
      %get3A_369 = arith.index_cast %add3A_302 : i32 to index
      %get3A_370 = arith.constant 48 : index
      %get3A_371 = tpu.vector_load %arg5[%get3A_369, %get3A_370] {strides = array<i32>} : memref<80x128xi32, #tpu.memory_space<vmem>>, vector<1x16xi32>,
      %get3A_372 = vector.shape_cast %get3A_371 : vector<1x16xi32> to vector<16xi32>
      %and3A_373 = arith.constant 16383 : i32
      %and3A_374 = vector.broadcast %and3A_373 : i32 to vector<16xi32>
      %and3A_375 = arith.andi %get3A_372, %and3A_374 : vector<16xi32>
      %swap3A_376 = arith.constant 2 : i32
      %swap3A_377 = arith.index_cast %swap3A_376 : i32 to index
      %swap3A_378 = arith.constant 48 : index
      %swap3A_379 = tpu.vector_load %arg6[%swap3A_377, %swap3A_378] {strides = array<i32>} : memref<4x64xi32, #tpu.memory_space<vmem>>, vector<1x16xi32>,
      %swap3A_380 = vector.shape_cast %swap3A_379 : vector<1x16xi32> to vector<16xi32>
      %swap3A_381 = vector.shape_cast %and3A_375 : vector<16xi32> to vector<1x16xi32>
      tpu.vector_store %arg6[%swap3A_377, %swap3A_378], %swap3A_381 {strides = array<i32>} : memref<4x64xi32, #tpu.memory_space<vmem>>, vector<1x16xi32>,
      %shift_right_logical3A_382 = arith.constant 14 : i32
      %shift_right_logical3A_383 = vector.broadcast %shift_right_logical3A_382 : i32 to vector<16xi32>
      %shift_right_logical3A_384 = arith.shrui %get3A_372, %shift_right_logical3A_383 : vector<16xi32>
      %swap3A_385 = arith.constant 2 : i32
      %swap3A_386 = arith.index_cast %swap3A_385 : i32 to index
      %swap3A_387 = arith.constant 48 : index
      %swap3A_388 = tpu.vector_load %arg7[%swap3A_386, %swap3A_387] {strides = array<i32>} : memref<4x64xi32, #tpu.memory_space<vmem>>, vector<1x16xi32>,
      %swap3A_389 = vector.shape_cast %swap3A_388 : vector<1x16xi32> to vector<16xi32>
      %swap3A_390 = vector.shape_cast %shift_right_logical3A_384 : vector<16xi32> to vector<1x16xi32>
      tpu.vector_store %arg7[%swap3A_386, %swap3A_387], %swap3A_390 {strides = array<i32>} : memref<4x64xi32, #tpu.memory_space<vmem>>, vector<1x16xi32>,
      %get3A_391 = arith.index_cast %add3A_302 : i32 to index
      %get3A_392 = arith.constant 64 : index
      %get3A_393 = tpu.vector_load %arg5[%get3A_391, %get3A_392] {strides = array<i32>} : memref<80x128xi32, #tpu.memory_space<vmem>>, vector<1x16xi32>,
      %get3A_394 = vector.shape_cast %get3A_393 : vector<1x16xi32> to vector<16xi32>
      %and3A_395 = arith.constant 16383 : i32
      %and3A_396 = vector.broadcast %and3A_395 : i32 to vector<16xi32>
      %and3A_397 = arith.andi %get3A_394, %and3A_396 : vector<16xi32>
      %swap3A_398 = arith.constant 3 : i32
      %swap3A_399 = arith.index_cast %swap3A_398 : i32 to index
      %swap3A_400 = arith.constant 0 : index
      %swap3A_401 = tpu.vector_load %arg6[%swap3A_399, %swap3A_400] {strides = array<i32>} : memref<4x64xi32, #tpu.memory_space<vmem>>, vector<1x16xi32>,
      %swap3A_402 = vector.shape_cast %swap3A_401 : vector<1x16xi32> to vector<16xi32>
      %swap3A_403 = vector.shape_cast %and3A_397 : vector<16xi32> to vector<1x16xi32>
      tpu.vector_store %arg6[%swap3A_399, %swap3A_400], %swap3A_403 {strides = array<i32>} : memref<4x64xi32, #tpu.memory_space<vmem>>, vector<1x16xi32>,
      %shift_right_logical3A_404 = arith.constant 14 : i32
      %shift_right_logical3A_405 = vector.broadcast %shift_right_logical3A_404 : i32 to vector<16xi32>
      %shift_right_logical3A_406 = arith.shrui %get3A_394, %shift_right_logical3A_405 : vector<16xi32>
      %swap3A_407 = arith.constant 3 : i32
      %swap3A_408 = arith.index_cast %swap3A_407 : i32 to index
      %swap3A_409 = arith.constant 0 : index
      %swap3A_410 = tpu.vector_load %arg7[%swap3A_408, %swap3A_409] {strides = array<i32>} : memref<4x64xi32, #tpu.memory_space<vmem>>, vector<1x16xi32>,
      %swap3A_411 = vector.shape_cast %swap3A_410 : vector<1x16xi32> to vector<16xi32>
      %swap3A_412 = vector.shape_cast %shift_right_logical3A_406 : vector<16xi32> to vector<1x16xi32>
      tpu.vector_store %arg7[%swap3A_408, %swap3A_409], %swap3A_412 {strides = array<i32>} : memref<4x64xi32, #tpu.memory_space<vmem>>, vector<1x16xi32>,
      %get3A_413 = arith.index_cast %add3A_302 : i32 to index
      %get3A_414 = arith.constant 80 : index
      %get3A_415 = tpu.vector_load %arg5[%get3A_413, %get3A_414] {strides = array<i32>} : memref<80x128xi32, #tpu.memory_space<vmem>>, vector<1x16xi32>,
      %get3A_416 = vector.shape_cast %get3A_415 : vector<1x16xi32> to vector<16xi32>
      %and3A_417 = arith.constant 16383 : i32
      %and3A_418 = vector.broadcast %and3A_417 : i32 to vector<16xi32>
      %and3A_419 = arith.andi %get3A_416, %and3A_418 : vector<16xi32>
      %swap3A_420 = arith.constant 3 : i32
      %swap3A_421 = arith.index_cast %swap3A_420 : i32 to index
      %swap3A_422 = arith.constant 16 : index
      %swap3A_423 = tpu.vector_load %arg6[%swap3A_421, %swap3A_422] {strides = array<i32>} : memref<4x64xi32, #tpu.memory_space<vmem>>, vector<1x16xi32>,
      %swap3A_424 = vector.shape_cast %swap3A_423 : vector<1x16xi32> to vector<16xi32>
      %swap3A_425 = vector.shape_cast %and3A_419 : vector<16xi32> to vector<1x16xi32>
      tpu.vector_store %arg6[%swap3A_421, %swap3A_422], %swap3A_425 {strides = array<i32>} : memref<4x64xi32, #tpu.memory_space<vmem>>, vector<1x16xi32>,
      %shift_right_logical3A_426 = arith.constant 14 : i32
      %shift_right_logical3A_427 = vector.broadcast %shift_right_logical3A_426 : i32 to vector<16xi32>
      %shift_right_logical3A_428 = arith.shrui %get3A_416, %shift_right_logical3A_427 : vector<16xi32>
      %swap3A_429 = arith.constant 3 : i32
      %swap3A_430 = arith.index_cast %swap3A_429 : i32 to index
      %swap3A_431 = arith.constant 16 : index
      %swap3A_432 = tpu.vector_load %arg7[%swap3A_430, %swap3A_431] {strides = array<i32>} : memref<4x64xi32, #tpu.memory_space<vmem>>, vector<1x16xi32>,
      %swap3A_433 = vector.shape_cast %swap3A_432 : vector<1x16xi32> to vector<16xi32>
      %swap3A_434 = vector.shape_cast %shift_right_logical3A_428 : vector<16xi32> to vector<1x16xi32>
      tpu.vector_store %arg7[%swap3A_430, %swap3A_431], %swap3A_434 {strides = array<i32>} : memref<4x64xi32, #tpu.memory_space<vmem>>, vector<1x16xi32>,
      %get3A_435 = arith.index_cast %add3A_302 : i32 to index
      %get3A_436 = arith.constant 96 : index
      %get3A_437 = tpu.vector_load %arg5[%get3A_435, %get3A_436] {strides = array<i32>} : memref<80x128xi32, #tpu.memory_space<vmem>>, vector<1x16xi32>,
      %get3A_438 = vector.shape_cast %get3A_437 : vector<1x16xi32> to vector<16xi32>
      %and3A_439 = arith.constant 16383 : i32
      %and3A_440 = vector.broadcast %and3A_439 : i32 to vector<16xi32>
      %and3A_441 = arith.andi %get3A_438, %and3A_440 : vector<16xi32>
      %swap3A_442 = arith.constant 3 : i32
      %swap3A_443 = arith.index_cast %swap3A_442 : i32 to index
      %swap3A_444 = arith.constant 32 : index
      %swap3A_445 = tpu.vector_load %arg6[%swap3A_443, %swap3A_444] {strides = array<i32>} : memref<4x64xi32, #tpu.memory_space<vmem>>, vector<1x16xi32>,
      %swap3A_446 = vector.shape_cast %swap3A_445 : vector<1x16xi32> to vector<16xi32>
      %swap3A_447 = vector.shape_cast %and3A_441 : vector<16xi32> to vector<1x16xi32>
      tpu.vector_store %arg6[%swap3A_443, %swap3A_444], %swap3A_447 {strides = array<i32>} : memref<4x64xi32, #tpu.memory_space<vmem>>, vector<1x16xi32>,
      %shift_right_logical3A_448 = arith.constant 14 : i32
      %shift_right_logical3A_449 = vector.broadcast %shift_right_logical3A_448 : i32 to vector<16xi32>
      %shift_right_logical3A_450 = arith.shrui %get3A_438, %shift_right_logical3A_449 : vector<16xi32>
      %swap3A_451 = arith.constant 3 : i32
      %swap3A_452 = arith.index_cast %swap3A_451 : i32 to index
      %swap3A_453 = arith.constant 32 : index
      %swap3A_454 = tpu.vector_load %arg7[%swap3A_452, %swap3A_453] {strides = array<i32>} : memref<4x64xi32, #tpu.memory_space<vmem>>, vector<1x16xi32>,
      %swap3A_455 = vector.shape_cast %swap3A_454 : vector<1x16xi32> to vector<16xi32>
      %swap3A_456 = vector.shape_cast %shift_right_logical3A_450 : vector<16xi32> to vector<1x16xi32>
      tpu.vector_store %arg7[%swap3A_452, %swap3A_453], %swap3A_456 {strides = array<i32>} : memref<4x64xi32, #tpu.memory_space<vmem>>, vector<1x16xi32>,
      %get3A_457 = arith.index_cast %add3A_302 : i32 to index
      %get3A_458 = arith.constant 112 : index
      %get3A_459 = tpu.vector_load %arg5[%get3A_457, %get3A_458] {strides = array<i32>} : memref<80x128xi32, #tpu.memory_space<vmem>>, vector<1x16xi32>,
      %get3A_460 = vector.shape_cast %get3A_459 : vector<1x16xi32> to vector<16xi32>
      %and3A_461 = arith.constant 16383 : i32
      %and3A_462 = vector.broadcast %and3A_461 : i32 to vector<16xi32>
      %and3A_463 = arith.andi %get3A_460, %and3A_462 : vector<16xi32>
      %swap3A_464 = arith.constant 3 : i32
      %swap3A_465 = arith.index_cast %swap3A_464 : i32 to index
      %swap3A_466 = arith.constant 48 : index
      %swap3A_467 = tpu.vector_load %arg6[%swap3A_465, %swap3A_466] {strides = array<i32>} : memref<4x64xi32, #tpu.memory_space<vmem>>, vector<1x16xi32>,
      %swap3A_468 = vector.shape_cast %swap3A_467 : vector<1x16xi32> to vector<16xi32>
      %swap3A_469 = vector.shape_cast %and3A_463 : vector<16xi32> to vector<1x16xi32>
      tpu.vector_store %arg6[%swap3A_465, %swap3A_466], %swap3A_469 {strides = array<i32>} : memref<4x64xi32, #tpu.memory_space<vmem>>, vector<1x16xi32>,
      %shift_right_logical3A_470 = arith.constant 14 : i32
      %shift_right_logical3A_471 = vector.broadcast %shift_right_logical3A_470 : i32 to vector<16xi32>
      %shift_right_logical3A_472 = arith.shrui %get3A_460, %shift_right_logical3A_471 : vector<16xi32>
      %swap3A_473 = arith.constant 3 : i32
      %swap3A_474 = arith.index_cast %swap3A_473 : i32 to index
      %swap3A_475 = arith.constant 48 : index
      %swap3A_476 = tpu.vector_load %arg7[%swap3A_474, %swap3A_475] {strides = array<i32>} : memref<4x64xi32, #tpu.memory_space<vmem>>, vector<1x16xi32>,
      %swap3A_477 = vector.shape_cast %swap3A_476 : vector<1x16xi32> to vector<16xi32>
      %swap3A_478 = vector.shape_cast %shift_right_logical3A_472 : vector<16xi32> to vector<1x16xi32>
      tpu.vector_store %arg7[%swap3A_474, %swap3A_475], %swap3A_478 {strides = array<i32>} : memref<4x64xi32, #tpu.memory_space<vmem>>, vector<1x16xi32>,
      %dma_start3A_479 = arith.constant 2 : i32
      %dma_start3A_480 = arith.constant 128 : i32
      %dma_start3A_481 = arith.constant 0 : i32
      %dma_start3A_482 = tpu.memref_slice %arg8[%dma_start3A_480, %dma_start3A_481] : memref<256x128xf32, #tpu.memory_space<vmem>> -> memref<64x128xf32, #tpu.memory_space<vmem>>
      %dma_start3A_483 = arith.constant 0 : i32
      %dma_start3A_484 = tpu.memref_slice %arg6[%dma_start3A_479, %dma_start3A_483] : memref<4x64xi32, #tpu.memory_space<vmem>> -> memref<1x64xi32, #tpu.memory_space<vmem>>
      %dma_start3A_485 = tpu.memref_squeeze %dma_start3A_484 : memref<1x64xi32, #tpu.memory_space<vmem>> -> memref<64xi32, #tpu.memory_space<vmem>>
      %dma_start3A_486 = arith.constant 0 : i32
      %dma_start3A_487 = arith.constant 0 : i32
      %dma_start3A_488 = tpu.memref_slice %arg2[%dma_start3A_486, %dma_start3A_487] : memref<10240x128xf32, #tpu.memory_space<hbm>> -> memref<10240x128xf32, #tpu.memory_space<hbm>>
      tpu.enqueue_indirect_dma source(%dma_start3A_488 : memref<10240x128xf32, #tpu.memory_space<hbm>>) target(%dma_start3A_482 : memref<64x128xf32, #tpu.memory_space<vmem>>) offsets(%dma_start3A_485 : memref<64xi32, #tpu.memory_space<vmem>>) semaphore(%arg10 : memref<!tpu.dma_semaphore, #tpu.memory_space<semaphore_mem>>)
      %dma_start3A_489 = arith.constant 3 : i32
      %dma_start3A_490 = arith.constant 192 : i32
      %dma_start3A_491 = arith.constant 0 : i32
      %dma_start3A_492 = tpu.memref_slice %arg8[%dma_start3A_490, %dma_start3A_491] : memref<256x128xf32, #tpu.memory_space<vmem>> -> memref<64x128xf32, #tpu.memory_space<vmem>>
      %dma_start3A_493 = arith.constant 0 : i32
      %dma_start3A_494 = tpu.memref_slice %arg6[%dma_start3A_489, %dma_start3A_493] : memref<4x64xi32, #tpu.memory_space<vmem>> -> memref<1x64xi32, #tpu.memory_space<vmem>>
      %dma_start3A_495 = tpu.memref_squeeze %dma_start3A_494 : memref<1x64xi32, #tpu.memory_space<vmem>> -> memref<64xi32, #tpu.memory_space<vmem>>
      %dma_start3A_496 = arith.constant 0 : i32
      %dma_start3A_497 = arith.constant 0 : i32
      %dma_start3A_498 = tpu.memref_slice %arg2[%dma_start3A_496, %dma_start3A_497] : memref<10240x128xf32, #tpu.memory_space<hbm>> -> memref<10240x128xf32, #tpu.memory_space<hbm>>
      tpu.enqueue_indirect_dma source(%dma_start3A_498 : memref<10240x128xf32, #tpu.memory_space<hbm>>) target(%dma_start3A_492 : memref<64x128xf32, #tpu.memory_space<vmem>>) offsets(%dma_start3A_495 : memref<64xi32, #tpu.memory_space<vmem>>) semaphore(%arg10 : memref<!tpu.dma_semaphore, #tpu.memory_space<semaphore_mem>>)
      %dma_wait3A_499 = arith.constant 0 : i32
      %dma_wait3A_500 = arith.constant 0 : i32
      %dma_wait3A_501 = arith.constant 0 : i32
      %dma_wait3A_502 = tpu.memref_slice %arg8[%dma_wait3A_500, %dma_wait3A_501] : memref<256x128xf32, #tpu.memory_space<vmem>> -> memref<64x128xf32, #tpu.memory_space<vmem>>
      %dma_wait3A_503 = arith.constant 0 : i32
      %dma_wait3A_504 = tpu.memref_slice %arg6[%dma_wait3A_499, %dma_wait3A_503] : memref<4x64xi32, #tpu.memory_space<vmem>> -> memref<1x64xi32, #tpu.memory_space<vmem>>
      %dma_wait3A_505 = tpu.memref_squeeze %dma_wait3A_504 : memref<1x64xi32, #tpu.memory_space<vmem>> -> memref<64xi32, #tpu.memory_space<vmem>>
      %dma_wait3A_506 = arith.constant 0 : i32
      %dma_wait3A_507 = arith.constant 0 : i32
      %dma_wait3A_508 = tpu.memref_slice %arg2[%dma_wait3A_506, %dma_wait3A_507] : memref<10240x128xf32, #tpu.memory_space<hbm>> -> memref<10240x128xf32, #tpu.memory_space<hbm>>
      tpu.wait_indirect_dma semaphore(%arg10 : memref<!tpu.dma_semaphore, #tpu.memory_space<semaphore_mem>>) src(%dma_wait3A_508 : memref<10240x128xf32, #tpu.memory_space<hbm>>) dst(%dma_wait3A_502 : memref<64x128xf32, #tpu.memory_space<vmem>>)
      %dma_start3A_509 = arith.constant 2 : i32
      %dma_start3A_510 = arith.constant 128 : i32
      %dma_start3A_511 = arith.constant 0 : i32
      %dma_start3A_512 = tpu.memref_slice %arg8[%dma_start3A_510, %dma_start3A_511] : memref<256x128xf32, #tpu.memory_space<vmem>> -> memref<64x128xf32, #tpu.memory_space<vmem>>
      %dma_start3A_513 = arith.constant 0 : i32
      %dma_start3A_514 = tpu.memref_slice %arg7[%dma_start3A_509, %dma_start3A_513] : memref<4x64xi32, #tpu.memory_space<vmem>> -> memref<1x64xi32, #tpu.memory_space<vmem>>
      %dma_start3A_515 = tpu.memref_squeeze %dma_start3A_514 : memref<1x64xi32, #tpu.memory_space<vmem>> -> memref<64xi32, #tpu.memory_space<vmem>>
      %dma_start3A_516 = arith.constant 0 : i32
      %dma_start3A_517 = arith.constant 0 : i32
      %dma_start3A_518 = tpu.memref_slice %arg9[%dma_start3A_516, %dma_start3A_517] : memref<10240x128xf32, #tpu.memory_space<vmem_shared>> -> memref<10240x128xf32, #tpu.memory_space<vmem_shared>>
      tpu.enqueue_indirect_dma source(%dma_start3A_512 : memref<64x128xf32, #tpu.memory_space<vmem>>) target(%dma_start3A_518 : memref<10240x128xf32, #tpu.memory_space<vmem_shared>>) offsets(%dma_start3A_515 : memref<64xi32, #tpu.memory_space<vmem>>) semaphore(%arg11 : memref<!tpu.dma_semaphore, #tpu.memory_space<semaphore_mem>>) {add = true}
      %dma_wait3A_519 = arith.constant 0 : i32
      %dma_wait3A_520 = arith.constant 0 : i32
      %dma_wait3A_521 = arith.constant 0 : i32
      %dma_wait3A_522 = tpu.memref_slice %arg8[%dma_wait3A_520, %dma_wait3A_521] : memref<256x128xf32, #tpu.memory_space<vmem>> -> memref<64x128xf32, #tpu.memory_space<vmem>>
      %dma_wait3A_523 = arith.constant 0 : i32
      %dma_wait3A_524 = tpu.memref_slice %arg6[%dma_wait3A_519, %dma_wait3A_523] : memref<4x64xi32, #tpu.memory_space<vmem>> -> memref<1x64xi32, #tpu.memory_space<vmem>>
      %dma_wait3A_525 = tpu.memref_squeeze %dma_wait3A_524 : memref<1x64xi32, #tpu.memory_space<vmem>> -> memref<64xi32, #tpu.memory_space<vmem>>
      %dma_wait3A_526 = arith.constant 0 : i32
      %dma_wait3A_527 = arith.constant 0 : i32
      %dma_wait3A_528 = tpu.memref_slice %arg2[%dma_wait3A_526, %dma_wait3A_527] : memref<10240x128xf32, #tpu.memory_space<hbm>> -> memref<10240x128xf32, #tpu.memory_space<hbm>>
      tpu.wait_indirect_dma semaphore(%arg10 : memref<!tpu.dma_semaphore, #tpu.memory_space<semaphore_mem>>) src(%dma_wait3A_528 : memref<10240x128xf32, #tpu.memory_space<hbm>>) dst(%dma_wait3A_522 : memref<64x128xf32, #tpu.memory_space<vmem>>)
      %dma_start3A_529 = arith.constant 3 : i32
      %dma_start3A_530 = arith.constant 192 : i32
      %dma_start3A_531 = arith.constant 0 : i32
      %dma_start3A_532 = tpu.memref_slice %arg8[%dma_start3A_530, %dma_start3A_531] : memref<256x128xf32, #tpu.memory_space<vmem>> -> memref<64x128xf32, #tpu.memory_space<vmem>>
      %dma_start3A_533 = arith.constant 0 : i32
      %dma_start3A_534 = tpu.memref_slice %arg7[%dma_start3A_529, %dma_start3A_533] : memref<4x64xi32, #tpu.memory_space<vmem>> -> memref<1x64xi32, #tpu.memory_space<vmem>>
      %dma_start3A_535 = tpu.memref_squeeze %dma_start3A_534 : memref<1x64xi32, #tpu.memory_space<vmem>> -> memref<64xi32, #tpu.memory_space<vmem>>
      %dma_start3A_536 = arith.constant 0 : i32
      %dma_start3A_537 = arith.constant 0 : i32
      %dma_start3A_538 = tpu.memref_slice %arg9[%dma_start3A_536, %dma_start3A_537] : memref<10240x128xf32, #tpu.memory_space<vmem_shared>> -> memref<10240x128xf32, #tpu.memory_space<vmem_shared>>
      tpu.enqueue_indirect_dma source(%dma_start3A_532 : memref<64x128xf32, #tpu.memory_space<vmem>>) target(%dma_start3A_538 : memref<10240x128xf32, #tpu.memory_space<vmem_shared>>) offsets(%dma_start3A_535 : memref<64xi32, #tpu.memory_space<vmem>>) semaphore(%arg11 : memref<!tpu.dma_semaphore, #tpu.memory_space<semaphore_mem>>) {add = true}
      %add3A_539 = arith.constant 1 : i32
      %add3A_540 = arith.addi %scan3A_254, %add3A_539 : i32
      %lt3A = arith.constant 40 : i32
      %lt3A_541 = arith.cmpi slt, %add3A_540, %lt3A : i32
      %convert_element_type3A_542 = arith.extui %lt3A_541 : i1 to i32
      %cond3A_543 = arith.constant 0 : i32
      %cond3A_544 = arith.cmpi ne, %convert_element_type3A_542, %cond3A_543 : i32
      scf.if %cond3A_544 {
        %dma_wait3A_545 = arith.constant 0 : i32
        %dma_wait3A_546 = arith.constant 0 : i32
        %dma_wait3A_547 = arith.constant 0 : i32
        %dma_wait3A_548 = tpu.memref_slice %arg8[%dma_wait3A_546, %dma_wait3A_547] : memref<256x128xf32, #tpu.memory_space<vmem>> -> memref<64x128xf32, #tpu.memory_space<vmem>>
        %dma_wait3A_549 = arith.constant 0 : i32
        %dma_wait3A_550 = tpu.memref_slice %arg7[%dma_wait3A_545, %dma_wait3A_549] : memref<4x64xi32, #tpu.memory_space<vmem>> -> memref<1x64xi32, #tpu.memory_space<vmem>>
        %dma_wait3A_551 = tpu.memref_squeeze %dma_wait3A_550 : memref<1x64xi32, #tpu.memory_space<vmem>> -> memref<64xi32, #tpu.memory_space<vmem>>
        %dma_wait3A_552 = arith.constant 0 : i32
        %dma_wait3A_553 = arith.constant 0 : i32
        %dma_wait3A_554 = tpu.memref_slice %arg9[%dma_wait3A_552, %dma_wait3A_553] : memref<10240x128xf32, #tpu.memory_space<vmem_shared>> -> memref<10240x128xf32, #tpu.memory_space<vmem_shared>>
        tpu.wait_indirect_dma semaphore(%arg11 : memref<!tpu.dma_semaphore, #tpu.memory_space<semaphore_mem>>) src(%dma_wait3A_548 : memref<64x128xf32, #tpu.memory_space<vmem>>) dst(%dma_wait3A_554 : memref<10240x128xf32, #tpu.memory_space<vmem_shared>>)
        %dma_wait3A_555 = arith.constant 0 : i32
        %dma_wait3A_556 = arith.constant 0 : i32
        %dma_wait3A_557 = arith.constant 0 : i32
        %dma_wait3A_558 = tpu.memref_slice %arg8[%dma_wait3A_556, %dma_wait3A_557] : memref<256x128xf32, #tpu.memory_space<vmem>> -> memref<64x128xf32, #tpu.memory_space<vmem>>
        %dma_wait3A_559 = arith.constant 0 : i32
        %dma_wait3A_560 = tpu.memref_slice %arg7[%dma_wait3A_555, %dma_wait3A_559] : memref<4x64xi32, #tpu.memory_space<vmem>> -> memref<1x64xi32, #tpu.memory_space<vmem>>
        %dma_wait3A_561 = tpu.memref_squeeze %dma_wait3A_560 : memref<1x64xi32, #tpu.memory_space<vmem>> -> memref<64xi32, #tpu.memory_space<vmem>>
        %dma_wait3A_562 = arith.constant 0 : i32
        %dma_wait3A_563 = arith.constant 0 : i32
        %dma_wait3A_564 = tpu.memref_slice %arg9[%dma_wait3A_562, %dma_wait3A_563] : memref<10240x128xf32, #tpu.memory_space<vmem_shared>> -> memref<10240x128xf32, #tpu.memory_space<vmem_shared>>
        tpu.wait_indirect_dma semaphore(%arg11 : memref<!tpu.dma_semaphore, #tpu.memory_space<semaphore_mem>>) src(%dma_wait3A_558 : memref<64x128xf32, #tpu.memory_space<vmem>>) dst(%dma_wait3A_564 : memref<10240x128xf32, #tpu.memory_space<vmem_shared>>)
        %add3A_565 = arith.constant 2 : i32
        %add3A_566 = arith.addi %mul3A_256, %add3A_565 : i32
        %get3A_567 = arith.index_cast %add3A_566 : i32 to index
        %get3A_568 = arith.constant 0 : index
        %get3A_569 = tpu.vector_load %arg5[%get3A_567, %get3A_568] {strides = array<i32>} : memref<80x128xi32, #tpu.memory_space<vmem>>, vector<1x16xi32>,
        %get3A_570 = vector.shape_cast %get3A_569 : vector<1x16xi32> to vector<16xi32>
        %and3A_571 = arith.constant 16383 : i32
        %and3A_572 = vector.broadcast %and3A_571 : i32 to vector<16xi32>
        %and3A_573 = arith.andi %get3A_570, %and3A_572 : vector<16xi32>
        %swap3A_574 = arith.constant 0 : i32
        %swap3A_575 = arith.index_cast %swap3A_574 : i32 to index
        %swap3A_576 = arith.constant 0 : index
        %swap3A_577 = tpu.vector_load %arg6[%swap3A_575, %swap3A_576] {strides = array<i32>} : memref<4x64xi32, #tpu.memory_space<vmem>>, vector<1x16xi32>,
        %swap3A_578 = vector.shape_cast %swap3A_577 : vector<1x16xi32> to vector<16xi32>
        %swap3A_579 = vector.shape_cast %and3A_573 : vector<16xi32> to vector<1x16xi32>
        tpu.vector_store %arg6[%swap3A_575, %swap3A_576], %swap3A_579 {strides = array<i32>} : memref<4x64xi32, #tpu.memory_space<vmem>>, vector<1x16xi32>,
        %shift_right_logical3A_580 = arith.constant 14 : i32
        %shift_right_logical3A_581 = vector.broadcast %shift_right_logical3A_580 : i32 to vector<16xi32>
        %shift_right_logical3A_582 = arith.shrui %get3A_570, %shift_right_logical3A_581 : vector<16xi32>
        %swap3A_583 = arith.constant 0 : i32
        %swap3A_584 = arith.index_cast %swap3A_583 : i32 to index
        %swap3A_585 = arith.constant 0 : index
        %swap3A_586 = tpu.vector_load %arg7[%swap3A_584, %swap3A_585] {strides = array<i32>} : memref<4x64xi32, #tpu.memory_space<vmem>>, vector<1x16xi32>,
        %swap3A_587 = vector.shape_cast %swap3A_586 : vector<1x16xi32> to vector<16xi32>
        %swap3A_588 = vector.shape_cast %shift_right_logical3A_582 : vector<16xi32> to vector<1x16xi32>
        tpu.vector_store %arg7[%swap3A_584, %swap3A_585], %swap3A_588 {strides = array<i32>} : memref<4x64xi32, #tpu.memory_space<vmem>>, vector<1x16xi32>,
        %get3A_589 = arith.index_cast %add3A_566 : i32 to index
        %get3A_590 = arith.constant 16 : index
        %get3A_591 = tpu.vector_load %arg5[%get3A_589, %get3A_590] {strides = array<i32>} : memref<80x128xi32, #tpu.memory_space<vmem>>, vector<1x16xi32>,
        %get3A_592 = vector.shape_cast %get3A_591 : vector<1x16xi32> to vector<16xi32>
        %and3A_593 = arith.constant 16383 : i32
        %and3A_594 = vector.broadcast %and3A_593 : i32 to vector<16xi32>
        %and3A_595 = arith.andi %get3A_592, %and3A_594 : vector<16xi32>
        %swap3A_596 = arith.constant 0 : i32
        %swap3A_597 = arith.index_cast %swap3A_596 : i32 to index
        %swap3A_598 = arith.constant 16 : index
        %swap3A_599 = tpu.vector_load %arg6[%swap3A_597, %swap3A_598] {strides = array<i32>} : memref<4x64xi32, #tpu.memory_space<vmem>>, vector<1x16xi32>,
        %swap3A_600 = vector.shape_cast %swap3A_599 : vector<1x16xi32> to vector<16xi32>
        %swap3A_601 = vector.shape_cast %and3A_595 : vector<16xi32> to vector<1x16xi32>
        tpu.vector_store %arg6[%swap3A_597, %swap3A_598], %swap3A_601 {strides = array<i32>} : memref<4x64xi32, #tpu.memory_space<vmem>>, vector<1x16xi32>,
        %shift_right_logical3A_602 = arith.constant 14 : i32
        %shift_right_logical3A_603 = vector.broadcast %shift_right_logical3A_602 : i32 to vector<16xi32>
        %shift_right_logical3A_604 = arith.shrui %get3A_592, %shift_right_logical3A_603 : vector<16xi32>
        %swap3A_605 = arith.constant 0 : i32
        %swap3A_606 = arith.index_cast %swap3A_605 : i32 to index
        %swap3A_607 = arith.constant 16 : index
        %swap3A_608 = tpu.vector_load %arg7[%swap3A_606, %swap3A_607] {strides = array<i32>} : memref<4x64xi32, #tpu.memory_space<vmem>>, vector<1x16xi32>,
        %swap3A_609 = vector.shape_cast %swap3A_608 : vector<1x16xi32> to vector<16xi32>
        %swap3A_610 = vector.shape_cast %shift_right_logical3A_604 : vector<16xi32> to vector<1x16xi32>
        tpu.vector_store %arg7[%swap3A_606, %swap3A_607], %swap3A_610 {strides = array<i32>} : memref<4x64xi32, #tpu.memory_space<vmem>>, vector<1x16xi32>,
        %get3A_611 = arith.index_cast %add3A_566 : i32 to index
        %get3A_612 = arith.constant 32 : index
        %get3A_613 = tpu.vector_load %arg5[%get3A_611, %get3A_612] {strides = array<i32>} : memref<80x128xi32, #tpu.memory_space<vmem>>, vector<1x16xi32>,
        %get3A_614 = vector.shape_cast %get3A_613 : vector<1x16xi32> to vector<16xi32>
        %and3A_615 = arith.constant 16383 : i32
        %and3A_616 = vector.broadcast %and3A_615 : i32 to vector<16xi32>
        %and3A_617 = arith.andi %get3A_614, %and3A_616 : vector<16xi32>
        %swap3A_618 = arith.constant 0 : i32
        %swap3A_619 = arith.index_cast %swap3A_618 : i32 to index
        %swap3A_620 = arith.constant 32 : index
        %swap3A_621 = tpu.vector_load %arg6[%swap3A_619, %swap3A_620] {strides = array<i32>} : memref<4x64xi32, #tpu.memory_space<vmem>>, vector<1x16xi32>,
        %swap3A_622 = vector.shape_cast %swap3A_621 : vector<1x16xi32> to vector<16xi32>
        %swap3A_623 = vector.shape_cast %and3A_617 : vector<16xi32> to vector<1x16xi32>
        tpu.vector_store %arg6[%swap3A_619, %swap3A_620], %swap3A_623 {strides = array<i32>} : memref<4x64xi32, #tpu.memory_space<vmem>>, vector<1x16xi32>,
        %shift_right_logical3A_624 = arith.constant 14 : i32
        %shift_right_logical3A_625 = vector.broadcast %shift_right_logical3A_624 : i32 to vector<16xi32>
        %shift_right_logical3A_626 = arith.shrui %get3A_614, %shift_right_logical3A_625 : vector<16xi32>
        %swap3A_627 = arith.constant 0 : i32
        %swap3A_628 = arith.index_cast %swap3A_627 : i32 to index
        %swap3A_629 = arith.constant 32 : index
        %swap3A_630 = tpu.vector_load %arg7[%swap3A_628, %swap3A_629] {strides = array<i32>} : memref<4x64xi32, #tpu.memory_space<vmem>>, vector<1x16xi32>,
        %swap3A_631 = vector.shape_cast %swap3A_630 : vector<1x16xi32> to vector<16xi32>
        %swap3A_632 = vector.shape_cast %shift_right_logical3A_626 : vector<16xi32> to vector<1x16xi32>
        tpu.vector_store %arg7[%swap3A_628, %swap3A_629], %swap3A_632 {strides = array<i32>} : memref<4x64xi32, #tpu.memory_space<vmem>>, vector<1x16xi32>,
        %get3A_633 = arith.index_cast %add3A_566 : i32 to index
        %get3A_634 = arith.constant 48 : index
        %get3A_635 = tpu.vector_load %arg5[%get3A_633, %get3A_634] {strides = array<i32>} : memref<80x128xi32, #tpu.memory_space<vmem>>, vector<1x16xi32>,
        %get3A_636 = vector.shape_cast %get3A_635 : vector<1x16xi32> to vector<16xi32>
        %and3A_637 = arith.constant 16383 : i32
        %and3A_638 = vector.broadcast %and3A_637 : i32 to vector<16xi32>
        %and3A_639 = arith.andi %get3A_636, %and3A_638 : vector<16xi32>
        %swap3A_640 = arith.constant 0 : i32
        %swap3A_641 = arith.index_cast %swap3A_640 : i32 to index
        %swap3A_642 = arith.constant 48 : index
        %swap3A_643 = tpu.vector_load %arg6[%swap3A_641, %swap3A_642] {strides = array<i32>} : memref<4x64xi32, #tpu.memory_space<vmem>>, vector<1x16xi32>,
        %swap3A_644 = vector.shape_cast %swap3A_643 : vector<1x16xi32> to vector<16xi32>
        %swap3A_645 = vector.shape_cast %and3A_639 : vector<16xi32> to vector<1x16xi32>
        tpu.vector_store %arg6[%swap3A_641, %swap3A_642], %swap3A_645 {strides = array<i32>} : memref<4x64xi32, #tpu.memory_space<vmem>>, vector<1x16xi32>,
        %shift_right_logical3A_646 = arith.constant 14 : i32
        %shift_right_logical3A_647 = vector.broadcast %shift_right_logical3A_646 : i32 to vector<16xi32>
        %shift_right_logical3A_648 = arith.shrui %get3A_636, %shift_right_logical3A_647 : vector<16xi32>
        %swap3A_649 = arith.constant 0 : i32
        %swap3A_650 = arith.index_cast %swap3A_649 : i32 to index
        %swap3A_651 = arith.constant 48 : index
        %swap3A_652 = tpu.vector_load %arg7[%swap3A_650, %swap3A_651] {strides = array<i32>} : memref<4x64xi32, #tpu.memory_space<vmem>>, vector<1x16xi32>,
        %swap3A_653 = vector.shape_cast %swap3A_652 : vector<1x16xi32> to vector<16xi32>
        %swap3A_654 = vector.shape_cast %shift_right_logical3A_648 : vector<16xi32> to vector<1x16xi32>
        tpu.vector_store %arg7[%swap3A_650, %swap3A_651], %swap3A_654 {strides = array<i32>} : memref<4x64xi32, #tpu.memory_space<vmem>>, vector<1x16xi32>,
        %get3A_655 = arith.index_cast %add3A_566 : i32 to index
        %get3A_656 = arith.constant 64 : index
        %get3A_657 = tpu.vector_load %arg5[%get3A_655, %get3A_656] {strides = array<i32>} : memref<80x128xi32, #tpu.memory_space<vmem>>, vector<1x16xi32>,
        %get3A_658 = vector.shape_cast %get3A_657 : vector<1x16xi32> to vector<16xi32>
        %and3A_659 = arith.constant 16383 : i32
        %and3A_660 = vector.broadcast %and3A_659 : i32 to vector<16xi32>
        %and3A_661 = arith.andi %get3A_658, %and3A_660 : vector<16xi32>
        %swap3A_662 = arith.constant 1 : i32
        %swap3A_663 = arith.index_cast %swap3A_662 : i32 to index
        %swap3A_664 = arith.constant 0 : index
        %swap3A_665 = tpu.vector_load %arg6[%swap3A_663, %swap3A_664] {strides = array<i32>} : memref<4x64xi32, #tpu.memory_space<vmem>>, vector<1x16xi32>,
        %swap3A_666 = vector.shape_cast %swap3A_665 : vector<1x16xi32> to vector<16xi32>
        %swap3A_667 = vector.shape_cast %and3A_661 : vector<16xi32> to vector<1x16xi32>
        tpu.vector_store %arg6[%swap3A_663, %swap3A_664], %swap3A_667 {strides = array<i32>} : memref<4x64xi32, #tpu.memory_space<vmem>>, vector<1x16xi32>,
        %shift_right_logical3A_668 = arith.constant 14 : i32
        %shift_right_logical3A_669 = vector.broadcast %shift_right_logical3A_668 : i32 to vector<16xi32>
        %shift_right_logical3A_670 = arith.shrui %get3A_658, %shift_right_logical3A_669 : vector<16xi32>
        %swap3A_671 = arith.constant 1 : i32
        %swap3A_672 = arith.index_cast %swap3A_671 : i32 to index
        %swap3A_673 = arith.constant 0 : index
        %swap3A_674 = tpu.vector_load %arg7[%swap3A_672, %swap3A_673] {strides = array<i32>} : memref<4x64xi32, #tpu.memory_space<vmem>>, vector<1x16xi32>,
        %swap3A_675 = vector.shape_cast %swap3A_674 : vector<1x16xi32> to vector<16xi32>
        %swap3A_676 = vector.shape_cast %shift_right_logical3A_670 : vector<16xi32> to vector<1x16xi32>
        tpu.vector_store %arg7[%swap3A_672, %swap3A_673], %swap3A_676 {strides = array<i32>} : memref<4x64xi32, #tpu.memory_space<vmem>>, vector<1x16xi32>,
        %get3A_677 = arith.index_cast %add3A_566 : i32 to index
        %get3A_678 = arith.constant 80 : index
        %get3A_679 = tpu.vector_load %arg5[%get3A_677, %get3A_678] {strides = array<i32>} : memref<80x128xi32, #tpu.memory_space<vmem>>, vector<1x16xi32>,
        %get3A_680 = vector.shape_cast %get3A_679 : vector<1x16xi32> to vector<16xi32>
        %and3A_681 = arith.constant 16383 : i32
        %and3A_682 = vector.broadcast %and3A_681 : i32 to vector<16xi32>
        %and3A_683 = arith.andi %get3A_680, %and3A_682 : vector<16xi32>
        %swap3A_684 = arith.constant 1 : i32
        %swap3A_685 = arith.index_cast %swap3A_684 : i32 to index
        %swap3A_686 = arith.constant 16 : index
        %swap3A_687 = tpu.vector_load %arg6[%swap3A_685, %swap3A_686] {strides = array<i32>} : memref<4x64xi32, #tpu.memory_space<vmem>>, vector<1x16xi32>,
        %swap3A_688 = vector.shape_cast %swap3A_687 : vector<1x16xi32> to vector<16xi32>
        %swap3A_689 = vector.shape_cast %and3A_683 : vector<16xi32> to vector<1x16xi32>
        tpu.vector_store %arg6[%swap3A_685, %swap3A_686], %swap3A_689 {strides = array<i32>} : memref<4x64xi32, #tpu.memory_space<vmem>>, vector<1x16xi32>,
        %shift_right_logical3A_690 = arith.constant 14 : i32
        %shift_right_logical3A_691 = vector.broadcast %shift_right_logical3A_690 : i32 to vector<16xi32>
        %shift_right_logical3A_692 = arith.shrui %get3A_680, %shift_right_logical3A_691 : vector<16xi32>
        %swap3A_693 = arith.constant 1 : i32
        %swap3A_694 = arith.index_cast %swap3A_693 : i32 to index
        %swap3A_695 = arith.constant 16 : index
        %swap3A_696 = tpu.vector_load %arg7[%swap3A_694, %swap3A_695] {strides = array<i32>} : memref<4x64xi32, #tpu.memory_space<vmem>>, vector<1x16xi32>,
        %swap3A_697 = vector.shape_cast %swap3A_696 : vector<1x16xi32> to vector<16xi32>
        %swap3A_698 = vector.shape_cast %shift_right_logical3A_692 : vector<16xi32> to vector<1x16xi32>
        tpu.vector_store %arg7[%swap3A_694, %swap3A_695], %swap3A_698 {strides = array<i32>} : memref<4x64xi32, #tpu.memory_space<vmem>>, vector<1x16xi32>,
        %get3A_699 = arith.index_cast %add3A_566 : i32 to index
        %get3A_700 = arith.constant 96 : index
        %get3A_701 = tpu.vector_load %arg5[%get3A_699, %get3A_700] {strides = array<i32>} : memref<80x128xi32, #tpu.memory_space<vmem>>, vector<1x16xi32>,
        %get3A_702 = vector.shape_cast %get3A_701 : vector<1x16xi32> to vector<16xi32>
        %and3A_703 = arith.constant 16383 : i32
        %and3A_704 = vector.broadcast %and3A_703 : i32 to vector<16xi32>
        %and3A_705 = arith.andi %get3A_702, %and3A_704 : vector<16xi32>
        %swap3A_706 = arith.constant 1 : i32
        %swap3A_707 = arith.index_cast %swap3A_706 : i32 to index
        %swap3A_708 = arith.constant 32 : index
        %swap3A_709 = tpu.vector_load %arg6[%swap3A_707, %swap3A_708] {strides = array<i32>} : memref<4x64xi32, #tpu.memory_space<vmem>>, vector<1x16xi32>,
        %swap3A_710 = vector.shape_cast %swap3A_709 : vector<1x16xi32> to vector<16xi32>
        %swap3A_711 = vector.shape_cast %and3A_705 : vector<16xi32> to vector<1x16xi32>
        tpu.vector_store %arg6[%swap3A_707, %swap3A_708], %swap3A_711 {strides = array<i32>} : memref<4x64xi32, #tpu.memory_space<vmem>>, vector<1x16xi32>,
        %shift_right_logical3A_712 = arith.constant 14 : i32
        %shift_right_logical3A_713 = vector.broadcast %shift_right_logical3A_712 : i32 to vector<16xi32>
        %shift_right_logical3A_714 = arith.shrui %get3A_702, %shift_right_logical3A_713 : vector<16xi32>
        %swap3A_715 = arith.constant 1 : i32
        %swap3A_716 = arith.index_cast %swap3A_715 : i32 to index
        %swap3A_717 = arith.constant 32 : index
        %swap3A_718 = tpu.vector_load %arg7[%swap3A_716, %swap3A_717] {strides = array<i32>} : memref<4x64xi32, #tpu.memory_space<vmem>>, vector<1x16xi32>,
        %swap3A_719 = vector.shape_cast %swap3A_718 : vector<1x16xi32> to vector<16xi32>
        %swap3A_720 = vector.shape_cast %shift_right_logical3A_714 : vector<16xi32> to vector<1x16xi32>
        tpu.vector_store %arg7[%swap3A_716, %swap3A_717], %swap3A_720 {strides = array<i32>} : memref<4x64xi32, #tpu.memory_space<vmem>>, vector<1x16xi32>,
        %get3A_721 = arith.index_cast %add3A_566 : i32 to index
        %get3A_722 = arith.constant 112 : index
        %get3A_723 = tpu.vector_load %arg5[%get3A_721, %get3A_722] {strides = array<i32>} : memref<80x128xi32, #tpu.memory_space<vmem>>, vector<1x16xi32>,
        %get3A_724 = vector.shape_cast %get3A_723 : vector<1x16xi32> to vector<16xi32>
        %and3A_725 = arith.constant 16383 : i32
        %and3A_726 = vector.broadcast %and3A_725 : i32 to vector<16xi32>
        %and3A_727 = arith.andi %get3A_724, %and3A_726 : vector<16xi32>
        %swap3A_728 = arith.constant 1 : i32
        %swap3A_729 = arith.index_cast %swap3A_728 : i32 to index
        %swap3A_730 = arith.constant 48 : index
        %swap3A_731 = tpu.vector_load %arg6[%swap3A_729, %swap3A_730] {strides = array<i32>} : memref<4x64xi32, #tpu.memory_space<vmem>>, vector<1x16xi32>,
        %swap3A_732 = vector.shape_cast %swap3A_731 : vector<1x16xi32> to vector<16xi32>
        %swap3A_733 = vector.shape_cast %and3A_727 : vector<16xi32> to vector<1x16xi32>
        tpu.vector_store %arg6[%swap3A_729, %swap3A_730], %swap3A_733 {strides = array<i32>} : memref<4x64xi32, #tpu.memory_space<vmem>>, vector<1x16xi32>,
        %shift_right_logical3A_734 = arith.constant 14 : i32
        %shift_right_logical3A_735 = vector.broadcast %shift_right_logical3A_734 : i32 to vector<16xi32>
        %shift_right_logical3A_736 = arith.shrui %get3A_724, %shift_right_logical3A_735 : vector<16xi32>
        %swap3A_737 = arith.constant 1 : i32
        %swap3A_738 = arith.index_cast %swap3A_737 : i32 to index
        %swap3A_739 = arith.constant 48 : index
        %swap3A_740 = tpu.vector_load %arg7[%swap3A_738, %swap3A_739] {strides = array<i32>} : memref<4x64xi32, #tpu.memory_space<vmem>>, vector<1x16xi32>,
        %swap3A_741 = vector.shape_cast %swap3A_740 : vector<1x16xi32> to vector<16xi32>
        %swap3A_742 = vector.shape_cast %shift_right_logical3A_736 : vector<16xi32> to vector<1x16xi32>
        tpu.vector_store %arg7[%swap3A_738, %swap3A_739], %swap3A_742 {strides = array<i32>} : memref<4x64xi32, #tpu.memory_space<vmem>>, vector<1x16xi32>,
        %dma_start3A_743 = arith.constant 0 : i32
        %dma_start3A_744 = arith.constant 0 : i32
        %dma_start3A_745 = arith.constant 0 : i32
        %dma_start3A_746 = tpu.memref_slice %arg8[%dma_start3A_744, %dma_start3A_745] : memref<256x128xf32, #tpu.memory_space<vmem>> -> memref<64x128xf32, #tpu.memory_space<vmem>>
        %dma_start3A_747 = arith.constant 0 : i32
        %dma_start3A_748 = tpu.memref_slice %arg6[%dma_start3A_743, %dma_start3A_747] : memref<4x64xi32, #tpu.memory_space<vmem>> -> memref<1x64xi32, #tpu.memory_space<vmem>>
        %dma_start3A_749 = tpu.memref_squeeze %dma_start3A_748 : memref<1x64xi32, #tpu.memory_space<vmem>> -> memref<64xi32, #tpu.memory_space<vmem>>
        %dma_start3A_750 = arith.constant 0 : i32
        %dma_start3A_751 = arith.constant 0 : i32
        %dma_start3A_752 = tpu.memref_slice %arg2[%dma_start3A_750, %dma_start3A_751] : memref<10240x128xf32, #tpu.memory_space<hbm>> -> memref<10240x128xf32, #tpu.memory_space<hbm>>
        tpu.enqueue_indirect_dma source(%dma_start3A_752 : memref<10240x128xf32, #tpu.memory_space<hbm>>) target(%dma_start3A_746 : memref<64x128xf32, #tpu.memory_space<vmem>>) offsets(%dma_start3A_749 : memref<64xi32, #tpu.memory_space<vmem>>) semaphore(%arg10 : memref<!tpu.dma_semaphore, #tpu.memory_space<semaphore_mem>>)
        %dma_start3A_753 = arith.constant 1 : i32
        %dma_start3A_754 = arith.constant 64 : i32
        %dma_start3A_755 = arith.constant 0 : i32
        %dma_start3A_756 = tpu.memref_slice %arg8[%dma_start3A_754, %dma_start3A_755] : memref<256x128xf32, #tpu.memory_space<vmem>> -> memref<64x128xf32, #tpu.memory_space<vmem>>
        %dma_start3A_757 = arith.constant 0 : i32
        %dma_start3A_758 = tpu.memref_slice %arg6[%dma_start3A_753, %dma_start3A_757] : memref<4x64xi32, #tpu.memory_space<vmem>> -> memref<1x64xi32, #tpu.memory_space<vmem>>
        %dma_start3A_759 = tpu.memref_squeeze %dma_start3A_758 : memref<1x64xi32, #tpu.memory_space<vmem>> -> memref<64xi32, #tpu.memory_space<vmem>>
        %dma_start3A_760 = arith.constant 0 : i32
        %dma_start3A_761 = arith.constant 0 : i32
        %dma_start3A_762 = tpu.memref_slice %arg2[%dma_start3A_760, %dma_start3A_761] : memref<10240x128xf32, #tpu.memory_space<hbm>> -> memref<10240x128xf32, #tpu.memory_space<hbm>>
        tpu.enqueue_indirect_dma source(%dma_start3A_762 : memref<10240x128xf32, #tpu.memory_space<hbm>>) target(%dma_start3A_756 : memref<64x128xf32, #tpu.memory_space<vmem>>) offsets(%dma_start3A_759 : memref<64xi32, #tpu.memory_space<vmem>>) semaphore(%arg10 : memref<!tpu.dma_semaphore, #tpu.memory_space<semaphore_mem>>)
      } else {
      }
    }
    %scan3A_213 = arith.constant 40 : i32
    %dma_wait3A = arith.constant 0 : i32
    %dma_wait3A_214 = arith.constant 0 : i32
    %dma_wait3A_215 = arith.constant 0 : i32
    %dma_wait3A_216 = tpu.memref_slice %arg8[%dma_wait3A_214, %dma_wait3A_215] : memref<256x128xf32, #tpu.memory_space<vmem>> -> memref<64x128xf32, #tpu.memory_space<vmem>>
    %dma_wait3A_217 = arith.constant 0 : i32
    %dma_wait3A_218 = tpu.memref_slice %arg7[%dma_wait3A, %dma_wait3A_217] : memref<4x64xi32, #tpu.memory_space<vmem>> -> memref<1x64xi32, #tpu.memory_space<vmem>>
    %dma_wait3A_219 = tpu.memref_squeeze %dma_wait3A_218 : memref<1x64xi32, #tpu.memory_space<vmem>> -> memref<64xi32, #tpu.memory_space<vmem>>
    %dma_wait3A_220 = arith.constant 0 : i32
    %dma_wait3A_221 = arith.constant 0 : i32
    %dma_wait3A_222 = tpu.memref_slice %arg9[%dma_wait3A_220, %dma_wait3A_221] : memref<10240x128xf32, #tpu.memory_space<vmem_shared>> -> memref<10240x128xf32, #tpu.memory_space<vmem_shared>>
    tpu.wait_indirect_dma semaphore(%arg11 : memref<!tpu.dma_semaphore, #tpu.memory_space<semaphore_mem>>) src(%dma_wait3A_216 : memref<64x128xf32, #tpu.memory_space<vmem>>) dst(%dma_wait3A_222 : memref<10240x128xf32, #tpu.memory_space<vmem_shared>>)
    %dma_wait3A_223 = arith.constant 0 : i32
    %dma_wait3A_224 = arith.constant 0 : i32
    %dma_wait3A_225 = arith.constant 0 : i32
    %dma_wait3A_226 = tpu.memref_slice %arg8[%dma_wait3A_224, %dma_wait3A_225] : memref<256x128xf32, #tpu.memory_space<vmem>> -> memref<64x128xf32, #tpu.memory_space<vmem>>
    %dma_wait3A_227 = arith.constant 0 : i32
    %dma_wait3A_228 = tpu.memref_slice %arg7[%dma_wait3A_223, %dma_wait3A_227] : memref<4x64xi32, #tpu.memory_space<vmem>> -> memref<1x64xi32, #tpu.memory_space<vmem>>
    %dma_wait3A_229 = tpu.memref_squeeze %dma_wait3A_228 : memref<1x64xi32, #tpu.memory_space<vmem>> -> memref<64xi32, #tpu.memory_space<vmem>>
    %dma_wait3A_230 = arith.constant 0 : i32
    %dma_wait3A_231 = arith.constant 0 : i32
    %dma_wait3A_232 = tpu.memref_slice %arg9[%dma_wait3A_230, %dma_wait3A_231] : memref<10240x128xf32, #tpu.memory_space<vmem_shared>> -> memref<10240x128xf32, #tpu.memory_space<vmem_shared>>
    tpu.wait_indirect_dma semaphore(%arg11 : memref<!tpu.dma_semaphore, #tpu.memory_space<semaphore_mem>>) src(%dma_wait3A_226 : memref<64x128xf32, #tpu.memory_space<vmem>>) dst(%dma_wait3A_232 : memref<10240x128xf32, #tpu.memory_space<vmem_shared>>)
    %dma_wait3A_233 = arith.constant 0 : i32
    %dma_wait3A_234 = arith.constant 0 : i32
    %dma_wait3A_235 = arith.constant 0 : i32
    %dma_wait3A_236 = tpu.memref_slice %arg8[%dma_wait3A_234, %dma_wait3A_235] : memref<256x128xf32, #tpu.memory_space<vmem>> -> memref<64x128xf32, #tpu.memory_space<vmem>>
    %dma_wait3A_237 = arith.constant 0 : i32
    %dma_wait3A_238 = tpu.memref_slice %arg7[%dma_wait3A_233, %dma_wait3A_237] : memref<4x64xi32, #tpu.memory_space<vmem>> -> memref<1x64xi32, #tpu.memory_space<vmem>>
    %dma_wait3A_239 = tpu.memref_squeeze %dma_wait3A_238 : memref<1x64xi32, #tpu.memory_space<vmem>> -> memref<64xi32, #tpu.memory_space<vmem>>
    %dma_wait3A_240 = arith.constant 0 : i32
    %dma_wait3A_241 = arith.constant 0 : i32
    %dma_wait3A_242 = tpu.memref_slice %arg9[%dma_wait3A_240, %dma_wait3A_241] : memref<10240x128xf32, #tpu.memory_space<vmem_shared>> -> memref<10240x128xf32, #tpu.memory_space<vmem_shared>>
    tpu.wait_indirect_dma semaphore(%arg11 : memref<!tpu.dma_semaphore, #tpu.memory_space<semaphore_mem>>) src(%dma_wait3A_236 : memref<64x128xf32, #tpu.memory_space<vmem>>) dst(%dma_wait3A_242 : memref<10240x128xf32, #tpu.memory_space<vmem_shared>>)
    %dma_wait3A_243 = arith.constant 0 : i32
    %dma_wait3A_244 = arith.constant 0 : i32
    %dma_wait3A_245 = arith.constant 0 : i32
    %dma_wait3A_246 = tpu.memref_slice %arg8[%dma_wait3A_244, %dma_wait3A_245] : memref<256x128xf32, #tpu.memory_space<vmem>> -> memref<64x128xf32, #tpu.memory_space<vmem>>
    %dma_wait3A_247 = arith.constant 0 : i32
    %dma_wait3A_248 = tpu.memref_slice %arg7[%dma_wait3A_243, %dma_wait3A_247] : memref<4x64xi32, #tpu.memory_space<vmem>> -> memref<1x64xi32, #tpu.memory_space<vmem>>
    %dma_wait3A_249 = tpu.memref_squeeze %dma_wait3A_248 : memref<1x64xi32, #tpu.memory_space<vmem>> -> memref<64xi32, #tpu.memory_space<vmem>>
    %dma_wait3A_250 = arith.constant 0 : i32
    %dma_wait3A_251 = arith.constant 0 : i32
    %dma_wait3A_252 = tpu.memref_slice %arg9[%dma_wait3A_250, %dma_wait3A_251] : memref<10240x128xf32, #tpu.memory_space<vmem_shared>> -> memref<10240x128xf32, #tpu.memory_space<vmem_shared>>
    tpu.wait_indirect_dma semaphore(%arg11 : memref<!tpu.dma_semaphore, #tpu.memory_space<semaphore_mem>>) src(%dma_wait3A_246 : memref<64x128xf32, #tpu.memory_space<vmem>>) dst(%dma_wait3A_252 : memref<10240x128xf32, #tpu.memory_space<vmem_shared>>)
    %barrier3A_253 = arith.constant 0 : index
    tpu.barrier barrier_id(%barrier3A_253)
    "tpu.region"() ({
      %run_scoped3A = tpu.sem_alloc : memref<!tpu.dma_semaphore, #tpu.memory_space<semaphore_mem>>
      %dma_start3A_254 = arith.constant 0 : i32
      %dma_start3A_255 = tpu.memref_slice %arg4[%arg0, %mul3A_2, %dma_start3A_254] : memref<2x10240x128xf32, #tpu.memory_space<hbm>> -> memref<1x640x128xf32, #tpu.memory_space<hbm>>
      %dma_start3A_256 = tpu.memref_squeeze %dma_start3A_255 : memref<1x640x128xf32, #tpu.memory_space<hbm>> -> memref<640x128xf32, #tpu.memory_space<hbm>>
      %dma_start3A_257 = arith.constant 0 : i32
      %dma_start3A_258 = tpu.memref_slice %arg9[%mul3A_2, %dma_start3A_257] : memref<10240x128xf32, #tpu.memory_space<vmem_shared>> -> memref<640x128xf32, #tpu.memory_space<vmem_shared>>
      tpu.enqueue_dma source(%dma_start3A_258 : memref<640x128xf32, #tpu.memory_space<vmem_shared>>) target(%dma_start3A_256 : memref<640x128xf32, #tpu.memory_space<hbm>>) target_semaphore(%run_scoped3A : memref<!tpu.dma_semaphore, #tpu.memory_space<semaphore_mem>>)
      %dma_wait3A_259 = arith.constant 0 : i32
      %dma_wait3A_260 = tpu.memref_slice %arg4[%arg0, %mul3A_2, %dma_wait3A_259] : memref<2x10240x128xf32, #tpu.memory_space<hbm>> -> memref<1x640x128xf32, #tpu.memory_space<hbm>>
      %dma_wait3A_261 = tpu.memref_squeeze %dma_wait3A_260 : memref<1x640x128xf32, #tpu.memory_space<hbm>> -> memref<640x128xf32, #tpu.memory_space<hbm>>
      %dma_wait3A_262 = arith.constant 0 : i32
      %dma_wait3A_263 = tpu.memref_slice %arg9[%mul3A_2, %dma_wait3A_262] : memref<10240x128xf32, #tpu.memory_space<vmem_shared>> -> memref<640x128xf32, #tpu.memory_space<vmem_shared>>
      tpu.wait_dma2 semaphore(%run_scoped3A : memref<!tpu.dma_semaphore, #tpu.memory_space<semaphore_mem>>) src(%dma_wait3A_263 : memref<640x128xf32, #tpu.memory_space<vmem_shared>>) dst(%dma_wait3A_261 : memref<640x128xf32, #tpu.memory_space<hbm>>)
      tpu.yield
    }) : () -> ()
    return
  }
}

#map = affine_map<(d0, d1) -> (0, 0)>
#map1 = affine_map<(d0, d1) -> (0, 0, 0)>
module attributes {stable_mosaic.version = 14 : i64} {
  func.func @_agg_kernel(%arg0: i32, %arg1: i32, %arg2: memref<10240x128xf32, #tpu.memory_space<hbm>>, %arg3: memref<32x80x128xi32, #tpu.memory_space<hbm>>, %arg4: memref<2x10240x128xf32, #tpu.memory_space<hbm>>, %arg5: memref<80x128xi32, #tpu.memory_space<vmem>>, %arg6: memref<4x64xi32, #tpu.memory_space<vmem>>, %arg7: memref<4x64xi32, #tpu.memory_space<vmem>>, %arg8: memref<256x128xf32, #tpu.memory_space<vmem>>, %arg9: memref<10240x128xf32, #tpu.memory_space<vmem_shared>>, %arg10: memref<!tpu.dma_semaphore, #tpu.memory_space<semaphore_mem>>, %arg11: memref<!tpu.dma_semaphore, #tpu.memory_space<semaphore_mem>>) attributes {dimension_semantics = [#tpu.dimension_semantics<core_parallel>, #tpu.dimension_semantics<subcore_parallel>], iteration_bounds = array<i64: 2, 16>, scalar_prefetch = 0 : i64, scratch_operands = 7 : i64, tpu.core_type = #tpu.core_type<sc_vector_subcore>, window_params = [{transform_indices = #map}, {transform_indices = #map1}, {transform_indices = #map1}]} {
    %mul3A = arith.constant 16 : i32
    %mul3A_0 = arith.muli %arg0, %mul3A : i32
    %add3A = arith.addi %mul3A_0, %arg1 : i32
    "tpu.region"() ({
      %run_scoped3A = tpu.sem_alloc : memref<!tpu.dma_semaphore, #tpu.memory_space<semaphore_mem>>
      %dma_start3A_254 = arith.constant 0 : i32
      %dma_start3A_255 = arith.constant 0 : i32
      %dma_start3A_256 = tpu.memref_slice %arg3[%add3A, %dma_start3A_254, %dma_start3A_255] : memref<32x80x128xi32, #tpu.memory_space<hbm>> -> memref<1x80x128xi32, #tpu.memory_space<hbm>>
      %dma_start3A_257 = tpu.memref_squeeze %dma_start3A_256 : memref<1x80x128xi32, #tpu.memory_space<hbm>> -> memref<80x128xi32, #tpu.memory_space<hbm>>
      %dma_start3A_258 = arith.constant 0 : i32
      %dma_start3A_259 = arith.constant 0 : i32
      %dma_start3A_260 = tpu.memref_slice %arg3[%add3A, %dma_start3A_258, %dma_start3A_259] : memref<32x80x128xi32, #tpu.memory_space<hbm>> -> memref<1x80x128xi32, #tpu.memory_space<hbm>>
      %dma_start3A_261 = tpu.memref_squeeze %dma_start3A_260 : memref<1x80x128xi32, #tpu.memory_space<hbm>> -> memref<80x128xi32, #tpu.memory_space<hbm>>
      tpu.enqueue_dma source(%dma_start3A_261 : memref<80x128xi32, #tpu.memory_space<hbm>>) target(%arg5 : memref<80x128xi32, #tpu.memory_space<vmem>>) target_semaphore(%run_scoped3A : memref<!tpu.dma_semaphore, #tpu.memory_space<semaphore_mem>>)
      %dma_wait3A_262 = arith.constant 0 : i32
      %dma_wait3A_263 = arith.constant 0 : i32
      %dma_wait3A_264 = tpu.memref_slice %arg3[%add3A, %dma_wait3A_262, %dma_wait3A_263] : memref<32x80x128xi32, #tpu.memory_space<hbm>> -> memref<1x80x128xi32, #tpu.memory_space<hbm>>
      %dma_wait3A_265 = tpu.memref_squeeze %dma_wait3A_264 : memref<1x80x128xi32, #tpu.memory_space<hbm>> -> memref<80x128xi32, #tpu.memory_space<hbm>>
      %dma_wait3A_266 = arith.constant 0 : i32
      %dma_wait3A_267 = arith.constant 0 : i32
      %dma_wait3A_268 = tpu.memref_slice %arg3[%add3A, %dma_wait3A_266, %dma_wait3A_267] : memref<32x80x128xi32, #tpu.memory_space<hbm>> -> memref<1x80x128xi32, #tpu.memory_space<hbm>>
      %dma_wait3A_269 = tpu.memref_squeeze %dma_wait3A_268 : memref<1x80x128xi32, #tpu.memory_space<hbm>> -> memref<80x128xi32, #tpu.memory_space<hbm>>
      tpu.wait_dma2 semaphore(%run_scoped3A : memref<!tpu.dma_semaphore, #tpu.memory_space<semaphore_mem>>) src(%dma_wait3A_269 : memref<80x128xi32, #tpu.memory_space<hbm>>) dst(%arg5 : memref<80x128xi32, #tpu.memory_space<vmem>>)
      tpu.yield
    }) : () -> ()
    %mul3A_1 = arith.constant 640 : i32
    %mul3A_2 = arith.muli %arg1, %mul3A_1 : i32
    %eq3A = arith.constant 0 : i32
    %eq3A_3 = arith.cmpi eq, %arg0, %eq3A : i32
    %convert_element_type3A = arith.extui %eq3A_3 : i1 to i32
    %cond3A = arith.constant 0 : i32
    %cond3A_4 = arith.cmpi ne, %convert_element_type3A, %cond3A : i32
    scf.if %cond3A_4 {
      "tpu.region"() ({
        %run_scoped3A = tpu.sem_alloc : memref<!tpu.dma_semaphore, #tpu.memory_space<semaphore_mem>>
        %dma_start3A_254 = arith.constant 0 : i32
        %dma_start3A_255 = tpu.memref_slice %arg9[%mul3A_2, %dma_start3A_254] : memref<10240x128xf32, #tpu.memory_space<vmem_shared>> -> memref<640x128xf32, #tpu.memory_space<vmem_shared>>
        %dma_start3A_256 = arith.constant 0 : i32
        %dma_start3A_257 = tpu.memref_slice %arg2[%mul3A_2, %dma_start3A_256] : memref<10240x128xf32, #tpu.memory_space<hbm>> -> memref<640x128xf32, #tpu.memory_space<hbm>>
        tpu.enqueue_dma source(%dma_start3A_257 : memref<640x128xf32, #tpu.memory_space<hbm>>) target(%dma_start3A_255 : memref<640x128xf32, #tpu.memory_space<vmem_shared>>) target_semaphore(%run_scoped3A : memref<!tpu.dma_semaphore, #tpu.memory_space<semaphore_mem>>)
        %dma_wait3A_258 = arith.constant 0 : i32
        %dma_wait3A_259 = tpu.memref_slice %arg9[%mul3A_2, %dma_wait3A_258] : memref<10240x128xf32, #tpu.memory_space<vmem_shared>> -> memref<640x128xf32, #tpu.memory_space<vmem_shared>>
        %dma_wait3A_260 = arith.constant 0 : i32
        %dma_wait3A_261 = tpu.memref_slice %arg2[%mul3A_2, %dma_wait3A_260] : memref<10240x128xf32, #tpu.memory_space<hbm>> -> memref<640x128xf32, #tpu.memory_space<hbm>>
        tpu.wait_dma2 semaphore(%run_scoped3A : memref<!tpu.dma_semaphore, #tpu.memory_space<semaphore_mem>>) src(%dma_wait3A_261 : memref<640x128xf32, #tpu.memory_space<hbm>>) dst(%dma_wait3A_259 : memref<640x128xf32, #tpu.memory_space<vmem_shared>>)
        tpu.yield
      }) : () -> ()
    } else {
    }
    %eq3A_5 = arith.constant 1 : i32
    %eq3A_6 = arith.cmpi eq, %arg0, %eq3A_5 : i32
    %convert_element_type3A_7 = arith.extui %eq3A_6 : i1 to i32
    %cond3A_8 = arith.constant 0 : i32
    %cond3A_9 = arith.cmpi ne, %convert_element_type3A_7, %cond3A_8 : i32
    scf.if %cond3A_9 {
      %broadcast_in_dim3A = arith.constant 0.000000e+00 : f32
      %broadcast_in_dim3A_254 = vector.broadcast %broadcast_in_dim3A : f32 to vector<16xf32>
      %scan3A_255 = arith.constant 0 : i32
      %scan3A_256 = arith.constant 0 : i32
      %scan3A_257 = arith.constant 2048 : i32
      %scan3A_258 = arith.addi %scan3A_256, %scan3A_257 : i32
      %scan3A_259 = arith.constant 1 : i32
      scf.for %scan3A_265 = %scan3A_256 to %scan3A_258 step %scan3A_259  : i32 {
        %jit3A = arith.constant 8 : i32
        %div3A = arith.divsi %scan3A_265, %jit3A : i32
        %sign3A = arith.constant 0 : i32
        %sign3A_266 = arith.cmpi sgt, %scan3A_265, %sign3A : i32
        %sign3A_267 = arith.extui %sign3A_266 : i1 to i32
        %sign3A_268 = arith.constant 0 : i32
        %sign3A_269 = arith.cmpi slt, %scan3A_265, %sign3A_268 : i32
        %sign3A_270 = arith.extui %sign3A_269 : i1 to i32
        %sign3A_271 = arith.subi %sign3A_267, %sign3A_270 : i32
        %sign3A_272 = arith.constant 0 : i32
        %sign3A_273 = arith.cmpi sgt, %jit3A, %sign3A_272 : i32
        %sign3A_274 = arith.extui %sign3A_273 : i1 to i32
        %sign3A_275 = arith.constant 0 : i32
        %sign3A_276 = arith.cmpi slt, %jit3A, %sign3A_275 : i32
        %sign3A_277 = arith.extui %sign3A_276 : i1 to i32
        %sign3A_278 = arith.subi %sign3A_274, %sign3A_277 : i32
        %ne3A = arith.cmpi ne, %sign3A_271, %sign3A_278 : i32
        %rem3A = arith.remsi %scan3A_265, %jit3A : i32
        %ne3A_279 = arith.constant 0 : i32
        %ne3A_280 = arith.cmpi ne, %rem3A, %ne3A_279 : i32
        %and3A_281 = arith.andi %ne3A, %ne3A_280 : i1
        %sub3A = arith.constant 1 : i32
        %sub3A_282 = arith.subi %div3A, %sub3A : i32
        %select_n3A = arith.select %and3A_281, %sub3A_282, %div3A : i32
        %jit3A_283 = arith.constant 8 : i32
        %eq3A_284 = arith.constant 0 : i32
        %eq3A_285 = arith.cmpi eq, %jit3A_283, %eq3A_284 : i32
        %jit3A_286 = arith.constant 1 : i32
        %select_n3A_287 = arith.select %eq3A_285, %jit3A_286, %jit3A_283 : i32
        %rem3A_288 = arith.remsi %scan3A_265, %select_n3A_287 : i32
        %ne3A_289 = arith.constant 0 : i32
        %ne3A_290 = arith.cmpi ne, %rem3A_288, %ne3A_289 : i32
        %lt3A = arith.constant 0 : i32
        %lt3A_291 = arith.cmpi slt, %rem3A_288, %lt3A : i32
        %lt3A_292 = arith.constant 0 : i32
        %lt3A_293 = arith.cmpi slt, %select_n3A_287, %lt3A_292 : i32
        %ne3A_294 = arith.xori %lt3A_291, %lt3A_293 : i1
        %and3A_295 = arith.andi %ne3A_294, %ne3A_290 : i1
        %add3A_296 = arith.addi %rem3A_288, %select_n3A_287 : i32
        %select_n3A_297 = arith.select %and3A_295, %add3A_296, %rem3A_288 : i32
        %mul3A_298 = arith.constant 16 : i32
        %mul3A_299 = arith.muli %select_n3A_297, %mul3A_298 : i32
        %swap3A_300 = arith.index_cast %select_n3A : i32 to index
        %swap3A_301 = arith.index_cast %mul3A_299 : i32 to index
        %swap3A_302 = tpu.vector_load %arg8[%swap3A_300, %swap3A_301] {strides = array<i32>} : memref<256x128xf32, #tpu.memory_space<vmem>>, vector<1x16xf32>,
        %swap3A_303 = vector.shape_cast %swap3A_302 : vector<1x16xf32> to vector<16xf32>
        %swap3A_304 = vector.shape_cast %broadcast_in_dim3A_254 : vector<16xf32> to vector<1x16xf32>
        tpu.vector_store %arg8[%swap3A_300, %swap3A_301], %swap3A_304 {strides = array<i32>} : memref<256x128xf32, #tpu.memory_space<vmem>>, vector<1x16xf32>,
      }
      %scan3A_260 = arith.constant 2048 : i32
      "tpu.region"() ({
        %run_scoped3A = tpu.sem_alloc : memref<!tpu.dma_semaphore, #tpu.memory_space<semaphore_mem>>
        %dma_start3A_265 = arith.constant 0 : i32
        %dma_start3A_266 = tpu.memref_slice %arg9[%mul3A_2, %dma_start3A_265] : memref<10240x128xf32, #tpu.memory_space<vmem_shared>> -> memref<256x128xf32, #tpu.memory_space<vmem_shared>>
        %dma_start3A_267 = arith.constant 0 : i32
        %dma_start3A_268 = tpu.memref_slice %arg9[%mul3A_2, %dma_start3A_267] : memref<10240x128xf32, #tpu.memory_space<vmem_shared>> -> memref<256x128xf32, #tpu.memory_space<vmem_shared>>
        tpu.enqueue_dma source(%arg8 : memref<256x128xf32, #tpu.memory_space<vmem>>) target(%dma_start3A_268 : memref<256x128xf32, #tpu.memory_space<vmem_shared>>) target_semaphore(%run_scoped3A : memref<!tpu.dma_semaphore, #tpu.memory_space<semaphore_mem>>)
        %dma_wait3A_269 = arith.constant 0 : i32
        %dma_wait3A_270 = tpu.memref_slice %arg9[%mul3A_2, %dma_wait3A_269] : memref<10240x128xf32, #tpu.memory_space<vmem_shared>> -> memref<256x128xf32, #tpu.memory_space<vmem_shared>>
        %dma_wait3A_271 = arith.constant 0 : i32
        %dma_wait3A_272 = tpu.memref_slice %arg9[%mul3A_2, %dma_wait3A_271] : memref<10240x128xf32, #tpu.memory_space<vmem_shared>> -> memref<256x128xf32, #tpu.memory_space<vmem_shared>>
        tpu.wait_dma2 semaphore(%run_scoped3A : memref<!tpu.dma_semaphore, #tpu.memory_space<semaphore_mem>>) src(%arg8 : memref<256x128xf32, #tpu.memory_space<vmem>>) dst(%dma_wait3A_272 : memref<256x128xf32, #tpu.memory_space<vmem_shared>>)
        tpu.yield
      }) : () -> ()
      %add3A_261 = arith.constant 256 : i32
      %add3A_262 = arith.addi %mul3A_2, %add3A_261 : i32
      "tpu.region"() ({
        %run_scoped3A = tpu.sem_alloc : memref<!tpu.dma_semaphore, #tpu.memory_space<semaphore_mem>>
        %dma_start3A_265 = arith.constant 0 : i32
        %dma_start3A_266 = tpu.memref_slice %arg9[%add3A_262, %dma_start3A_265] : memref<10240x128xf32, #tpu.memory_space<vmem_shared>> -> memref<256x128xf32, #tpu.memory_space<vmem_shared>>
        %dma_start3A_267 = arith.constant 0 : i32
        %dma_start3A_268 = tpu.memref_slice %arg9[%add3A_262, %dma_start3A_267] : memref<10240x128xf32, #tpu.memory_space<vmem_shared>> -> memref<256x128xf32, #tpu.memory_space<vmem_shared>>
        tpu.enqueue_dma source(%arg8 : memref<256x128xf32, #tpu.memory_space<vmem>>) target(%dma_start3A_268 : memref<256x128xf32, #tpu.memory_space<vmem_shared>>) target_semaphore(%run_scoped3A : memref<!tpu.dma_semaphore, #tpu.memory_space<semaphore_mem>>)
        %dma_wait3A_269 = arith.constant 0 : i32
        %dma_wait3A_270 = tpu.memref_slice %arg9[%add3A_262, %dma_wait3A_269] : memref<10240x128xf32, #tpu.memory_space<vmem_shared>> -> memref<256x128xf32, #tpu.memory_space<vmem_shared>>
        %dma_wait3A_271 = arith.constant 0 : i32
        %dma_wait3A_272 = tpu.memref_slice %arg9[%add3A_262, %dma_wait3A_271] : memref<10240x128xf32, #tpu.memory_space<vmem_shared>> -> memref<256x128xf32, #tpu.memory_space<vmem_shared>>
        tpu.wait_dma2 semaphore(%run_scoped3A : memref<!tpu.dma_semaphore, #tpu.memory_space<semaphore_mem>>) src(%arg8 : memref<256x128xf32, #tpu.memory_space<vmem>>) dst(%dma_wait3A_272 : memref<256x128xf32, #tpu.memory_space<vmem_shared>>)
        tpu.yield
      }) : () -> ()
      %add3A_263 = arith.constant 512 : i32
      %add3A_264 = arith.addi %mul3A_2, %add3A_263 : i32
      "tpu.region"() ({
        %run_scoped3A = tpu.sem_alloc : memref<!tpu.dma_semaphore, #tpu.memory_space<semaphore_mem>>
        %dma_start3A_265 = arith.constant 0 : i32
        %dma_start3A_266 = arith.constant 0 : i32
        %dma_start3A_267 = tpu.memref_slice %arg8[%dma_start3A_265, %dma_start3A_266] : memref<256x128xf32, #tpu.memory_space<vmem>> -> memref<128x128xf32, #tpu.memory_space<vmem>>
        %dma_start3A_268 = arith.constant 0 : i32
        %dma_start3A_269 = tpu.memref_slice %arg9[%add3A_264, %dma_start3A_268] : memref<10240x128xf32, #tpu.memory_space<vmem_shared>> -> memref<128x128xf32, #tpu.memory_space<vmem_shared>>
        %dma_start3A_270 = arith.constant 0 : i32
        %dma_start3A_271 = tpu.memref_slice %arg9[%add3A_264, %dma_start3A_270] : memref<10240x128xf32, #tpu.memory_space<vmem_shared>> -> memref<128x128xf32, #tpu.memory_space<vmem_shared>>
        %dma_start3A_272 = arith.constant 0 : i32
        %dma_start3A_273 = arith.constant 0 : i32
        %dma_start3A_274 = tpu.memref_slice %arg8[%dma_start3A_272, %dma_start3A_273] : memref<256x128xf32, #tpu.memory_space<vmem>> -> memref<128x128xf32, #tpu.memory_space<vmem>>
        tpu.enqueue_dma source(%dma_start3A_274 : memref<128x128xf32, #tpu.memory_space<vmem>>) target(%dma_start3A_271 : memref<128x128xf32, #tpu.memory_space<vmem_shared>>) target_semaphore(%run_scoped3A : memref<!tpu.dma_semaphore, #tpu.memory_space<semaphore_mem>>)
        %dma_wait3A_275 = arith.constant 0 : i32
        %dma_wait3A_276 = arith.constant 0 : i32
        %dma_wait3A_277 = tpu.memref_slice %arg8[%dma_wait3A_275, %dma_wait3A_276] : memref<256x128xf32, #tpu.memory_space<vmem>> -> memref<128x128xf32, #tpu.memory_space<vmem>>
        %dma_wait3A_278 = arith.constant 0 : i32
        %dma_wait3A_279 = tpu.memref_slice %arg9[%add3A_264, %dma_wait3A_278] : memref<10240x128xf32, #tpu.memory_space<vmem_shared>> -> memref<128x128xf32, #tpu.memory_space<vmem_shared>>
        %dma_wait3A_280 = arith.constant 0 : i32
        %dma_wait3A_281 = tpu.memref_slice %arg9[%add3A_264, %dma_wait3A_280] : memref<10240x128xf32, #tpu.memory_space<vmem_shared>> -> memref<128x128xf32, #tpu.memory_space<vmem_shared>>
        %dma_wait3A_282 = arith.constant 0 : i32
        %dma_wait3A_283 = arith.constant 0 : i32
        %dma_wait3A_284 = tpu.memref_slice %arg8[%dma_wait3A_282, %dma_wait3A_283] : memref<256x128xf32, #tpu.memory_space<vmem>> -> memref<128x128xf32, #tpu.memory_space<vmem>>
        tpu.wait_dma2 semaphore(%run_scoped3A : memref<!tpu.dma_semaphore, #tpu.memory_space<semaphore_mem>>) src(%dma_wait3A_284 : memref<128x128xf32, #tpu.memory_space<vmem>>) dst(%dma_wait3A_281 : memref<128x128xf32, #tpu.memory_space<vmem_shared>>)
        tpu.yield
      }) : () -> ()
    } else {
    }
    %get3A = arith.constant 0 : i32
    %get3A_10 = arith.index_cast %get3A : i32 to index
    %get3A_11 = arith.constant 0 : index
    %get3A_12 = tpu.vector_load %arg5[%get3A_10, %get3A_11] {strides = array<i32>} : memref<80x128xi32, #tpu.memory_space<vmem>>, vector<1x16xi32>,
    %get3A_13 = vector.shape_cast %get3A_12 : vector<1x16xi32> to vector<16xi32>
    %and3A = arith.constant 16383 : i32
    %and3A_14 = vector.broadcast %and3A : i32 to vector<16xi32>
    %and3A_15 = arith.andi %get3A_13, %and3A_14 : vector<16xi32>
    %swap3A = arith.constant 0 : i32
    %swap3A_16 = arith.index_cast %swap3A : i32 to index
    %swap3A_17 = arith.constant 0 : index
    %swap3A_18 = tpu.vector_load %arg6[%swap3A_16, %swap3A_17] {strides = array<i32>} : memref<4x64xi32, #tpu.memory_space<vmem>>, vector<1x16xi32>,
    %swap3A_19 = vector.shape_cast %swap3A_18 : vector<1x16xi32> to vector<16xi32>
    %swap3A_20 = vector.shape_cast %and3A_15 : vector<16xi32> to vector<1x16xi32>
    tpu.vector_store %arg6[%swap3A_16, %swap3A_17], %swap3A_20 {strides = array<i32>} : memref<4x64xi32, #tpu.memory_space<vmem>>, vector<1x16xi32>,
    %shift_right_logical3A = arith.constant 14 : i32
    %shift_right_logical3A_21 = vector.broadcast %shift_right_logical3A : i32 to vector<16xi32>
    %shift_right_logical3A_22 = arith.shrui %get3A_13, %shift_right_logical3A_21 : vector<16xi32>
    %swap3A_23 = arith.constant 0 : i32
    %swap3A_24 = arith.index_cast %swap3A_23 : i32 to index
    %swap3A_25 = arith.constant 0 : index
    %swap3A_26 = tpu.vector_load %arg7[%swap3A_24, %swap3A_25] {strides = array<i32>} : memref<4x64xi32, #tpu.memory_space<vmem>>, vector<1x16xi32>,
    %swap3A_27 = vector.shape_cast %swap3A_26 : vector<1x16xi32> to vector<16xi32>
    %swap3A_28 = vector.shape_cast %shift_right_logical3A_22 : vector<16xi32> to vector<1x16xi32>
    tpu.vector_store %arg7[%swap3A_24, %swap3A_25], %swap3A_28 {strides = array<i32>} : memref<4x64xi32, #tpu.memory_space<vmem>>, vector<1x16xi32>,
    %get3A_29 = arith.constant 0 : i32
    %get3A_30 = arith.index_cast %get3A_29 : i32 to index
    %get3A_31 = arith.constant 16 : index
    %get3A_32 = tpu.vector_load %arg5[%get3A_30, %get3A_31] {strides = array<i32>} : memref<80x128xi32, #tpu.memory_space<vmem>>, vector<1x16xi32>,
    %get3A_33 = vector.shape_cast %get3A_32 : vector<1x16xi32> to vector<16xi32>
    %and3A_34 = arith.constant 16383 : i32
    %and3A_35 = vector.broadcast %and3A_34 : i32 to vector<16xi32>
    %and3A_36 = arith.andi %get3A_33, %and3A_35 : vector<16xi32>
    %swap3A_37 = arith.constant 0 : i32
    %swap3A_38 = arith.index_cast %swap3A_37 : i32 to index
    %swap3A_39 = arith.constant 16 : index
    %swap3A_40 = tpu.vector_load %arg6[%swap3A_38, %swap3A_39] {strides = array<i32>} : memref<4x64xi32, #tpu.memory_space<vmem>>, vector<1x16xi32>,
    %swap3A_41 = vector.shape_cast %swap3A_40 : vector<1x16xi32> to vector<16xi32>
    %swap3A_42 = vector.shape_cast %and3A_36 : vector<16xi32> to vector<1x16xi32>
    tpu.vector_store %arg6[%swap3A_38, %swap3A_39], %swap3A_42 {strides = array<i32>} : memref<4x64xi32, #tpu.memory_space<vmem>>, vector<1x16xi32>,
    %shift_right_logical3A_43 = arith.constant 14 : i32
    %shift_right_logical3A_44 = vector.broadcast %shift_right_logical3A_43 : i32 to vector<16xi32>
    %shift_right_logical3A_45 = arith.shrui %get3A_33, %shift_right_logical3A_44 : vector<16xi32>
    %swap3A_46 = arith.constant 0 : i32
    %swap3A_47 = arith.index_cast %swap3A_46 : i32 to index
    %swap3A_48 = arith.constant 16 : index
    %swap3A_49 = tpu.vector_load %arg7[%swap3A_47, %swap3A_48] {strides = array<i32>} : memref<4x64xi32, #tpu.memory_space<vmem>>, vector<1x16xi32>,
    %swap3A_50 = vector.shape_cast %swap3A_49 : vector<1x16xi32> to vector<16xi32>
    %swap3A_51 = vector.shape_cast %shift_right_logical3A_45 : vector<16xi32> to vector<1x16xi32>
    tpu.vector_store %arg7[%swap3A_47, %swap3A_48], %swap3A_51 {strides = array<i32>} : memref<4x64xi32, #tpu.memory_space<vmem>>, vector<1x16xi32>,
    %get3A_52 = arith.constant 0 : i32
    %get3A_53 = arith.index_cast %get3A_52 : i32 to index
    %get3A_54 = arith.constant 32 : index
    %get3A_55 = tpu.vector_load %arg5[%get3A_53, %get3A_54] {strides = array<i32>} : memref<80x128xi32, #tpu.memory_space<vmem>>, vector<1x16xi32>,
    %get3A_56 = vector.shape_cast %get3A_55 : vector<1x16xi32> to vector<16xi32>
    %and3A_57 = arith.constant 16383 : i32
    %and3A_58 = vector.broadcast %and3A_57 : i32 to vector<16xi32>
    %and3A_59 = arith.andi %get3A_56, %and3A_58 : vector<16xi32>
    %swap3A_60 = arith.constant 0 : i32
    %swap3A_61 = arith.index_cast %swap3A_60 : i32 to index
    %swap3A_62 = arith.constant 32 : index
    %swap3A_63 = tpu.vector_load %arg6[%swap3A_61, %swap3A_62] {strides = array<i32>} : memref<4x64xi32, #tpu.memory_space<vmem>>, vector<1x16xi32>,
    %swap3A_64 = vector.shape_cast %swap3A_63 : vector<1x16xi32> to vector<16xi32>
    %swap3A_65 = vector.shape_cast %and3A_59 : vector<16xi32> to vector<1x16xi32>
    tpu.vector_store %arg6[%swap3A_61, %swap3A_62], %swap3A_65 {strides = array<i32>} : memref<4x64xi32, #tpu.memory_space<vmem>>, vector<1x16xi32>,
    %shift_right_logical3A_66 = arith.constant 14 : i32
    %shift_right_logical3A_67 = vector.broadcast %shift_right_logical3A_66 : i32 to vector<16xi32>
    %shift_right_logical3A_68 = arith.shrui %get3A_56, %shift_right_logical3A_67 : vector<16xi32>
    %swap3A_69 = arith.constant 0 : i32
    %swap3A_70 = arith.index_cast %swap3A_69 : i32 to index
    %swap3A_71 = arith.constant 32 : index
    %swap3A_72 = tpu.vector_load %arg7[%swap3A_70, %swap3A_71] {strides = array<i32>} : memref<4x64xi32, #tpu.memory_space<vmem>>, vector<1x16xi32>,
    %swap3A_73 = vector.shape_cast %swap3A_72 : vector<1x16xi32> to vector<16xi32>
    %swap3A_74 = vector.shape_cast %shift_right_logical3A_68 : vector<16xi32> to vector<1x16xi32>
    tpu.vector_store %arg7[%swap3A_70, %swap3A_71], %swap3A_74 {strides = array<i32>} : memref<4x64xi32, #tpu.memory_space<vmem>>, vector<1x16xi32>,
    %get3A_75 = arith.constant 0 : i32
    %get3A_76 = arith.index_cast %get3A_75 : i32 to index
    %get3A_77 = arith.constant 48 : index
    %get3A_78 = tpu.vector_load %arg5[%get3A_76, %get3A_77] {strides = array<i32>} : memref<80x128xi32, #tpu.memory_space<vmem>>, vector<1x16xi32>,
    %get3A_79 = vector.shape_cast %get3A_78 : vector<1x16xi32> to vector<16xi32>
    %and3A_80 = arith.constant 16383 : i32
    %and3A_81 = vector.broadcast %and3A_80 : i32 to vector<16xi32>
    %and3A_82 = arith.andi %get3A_79, %and3A_81 : vector<16xi32>
    %swap3A_83 = arith.constant 0 : i32
    %swap3A_84 = arith.index_cast %swap3A_83 : i32 to index
    %swap3A_85 = arith.constant 48 : index
    %swap3A_86 = tpu.vector_load %arg6[%swap3A_84, %swap3A_85] {strides = array<i32>} : memref<4x64xi32, #tpu.memory_space<vmem>>, vector<1x16xi32>,
    %swap3A_87 = vector.shape_cast %swap3A_86 : vector<1x16xi32> to vector<16xi32>
    %swap3A_88 = vector.shape_cast %and3A_82 : vector<16xi32> to vector<1x16xi32>
    tpu.vector_store %arg6[%swap3A_84, %swap3A_85], %swap3A_88 {strides = array<i32>} : memref<4x64xi32, #tpu.memory_space<vmem>>, vector<1x16xi32>,
    %shift_right_logical3A_89 = arith.constant 14 : i32
    %shift_right_logical3A_90 = vector.broadcast %shift_right_logical3A_89 : i32 to vector<16xi32>
    %shift_right_logical3A_91 = arith.shrui %get3A_79, %shift_right_logical3A_90 : vector<16xi32>
    %swap3A_92 = arith.constant 0 : i32
    %swap3A_93 = arith.index_cast %swap3A_92 : i32 to index
    %swap3A_94 = arith.constant 48 : index
    %swap3A_95 = tpu.vector_load %arg7[%swap3A_93, %swap3A_94] {strides = array<i32>} : memref<4x64xi32, #tpu.memory_space<vmem>>, vector<1x16xi32>,
    %swap3A_96 = vector.shape_cast %swap3A_95 : vector<1x16xi32> to vector<16xi32>
    %swap3A_97 = vector.shape_cast %shift_right_logical3A_91 : vector<16xi32> to vector<1x16xi32>
    tpu.vector_store %arg7[%swap3A_93, %swap3A_94], %swap3A_97 {strides = array<i32>} : memref<4x64xi32, #tpu.memory_space<vmem>>, vector<1x16xi32>,
    %get3A_98 = arith.constant 0 : i32
    %get3A_99 = arith.index_cast %get3A_98 : i32 to index
    %get3A_100 = arith.constant 64 : index
    %get3A_101 = tpu.vector_load %arg5[%get3A_99, %get3A_100] {strides = array<i32>} : memref<80x128xi32, #tpu.memory_space<vmem>>, vector<1x16xi32>,
    %get3A_102 = vector.shape_cast %get3A_101 : vector<1x16xi32> to vector<16xi32>
    %and3A_103 = arith.constant 16383 : i32
    %and3A_104 = vector.broadcast %and3A_103 : i32 to vector<16xi32>
    %and3A_105 = arith.andi %get3A_102, %and3A_104 : vector<16xi32>
    %swap3A_106 = arith.constant 1 : i32
    %swap3A_107 = arith.index_cast %swap3A_106 : i32 to index
    %swap3A_108 = arith.constant 0 : index
    %swap3A_109 = tpu.vector_load %arg6[%swap3A_107, %swap3A_108] {strides = array<i32>} : memref<4x64xi32, #tpu.memory_space<vmem>>, vector<1x16xi32>,
    %swap3A_110 = vector.shape_cast %swap3A_109 : vector<1x16xi32> to vector<16xi32>
    %swap3A_111 = vector.shape_cast %and3A_105 : vector<16xi32> to vector<1x16xi32>
    tpu.vector_store %arg6[%swap3A_107, %swap3A_108], %swap3A_111 {strides = array<i32>} : memref<4x64xi32, #tpu.memory_space<vmem>>, vector<1x16xi32>,
    %shift_right_logical3A_112 = arith.constant 14 : i32
    %shift_right_logical3A_113 = vector.broadcast %shift_right_logical3A_112 : i32 to vector<16xi32>
    %shift_right_logical3A_114 = arith.shrui %get3A_102, %shift_right_logical3A_113 : vector<16xi32>
    %swap3A_115 = arith.constant 1 : i32
    %swap3A_116 = arith.index_cast %swap3A_115 : i32 to index
    %swap3A_117 = arith.constant 0 : index
    %swap3A_118 = tpu.vector_load %arg7[%swap3A_116, %swap3A_117] {strides = array<i32>} : memref<4x64xi32, #tpu.memory_space<vmem>>, vector<1x16xi32>,
    %swap3A_119 = vector.shape_cast %swap3A_118 : vector<1x16xi32> to vector<16xi32>
    %swap3A_120 = vector.shape_cast %shift_right_logical3A_114 : vector<16xi32> to vector<1x16xi32>
    tpu.vector_store %arg7[%swap3A_116, %swap3A_117], %swap3A_120 {strides = array<i32>} : memref<4x64xi32, #tpu.memory_space<vmem>>, vector<1x16xi32>,
    %get3A_121 = arith.constant 0 : i32
    %get3A_122 = arith.index_cast %get3A_121 : i32 to index
    %get3A_123 = arith.constant 80 : index
    %get3A_124 = tpu.vector_load %arg5[%get3A_122, %get3A_123] {strides = array<i32>} : memref<80x128xi32, #tpu.memory_space<vmem>>, vector<1x16xi32>,
    %get3A_125 = vector.shape_cast %get3A_124 : vector<1x16xi32> to vector<16xi32>
    %and3A_126 = arith.constant 16383 : i32
    %and3A_127 = vector.broadcast %and3A_126 : i32 to vector<16xi32>
    %and3A_128 = arith.andi %get3A_125, %and3A_127 : vector<16xi32>
    %swap3A_129 = arith.constant 1 : i32
    %swap3A_130 = arith.index_cast %swap3A_129 : i32 to index
    %swap3A_131 = arith.constant 16 : index
    %swap3A_132 = tpu.vector_load %arg6[%swap3A_130, %swap3A_131] {strides = array<i32>} : memref<4x64xi32, #tpu.memory_space<vmem>>, vector<1x16xi32>,
    %swap3A_133 = vector.shape_cast %swap3A_132 : vector<1x16xi32> to vector<16xi32>
    %swap3A_134 = vector.shape_cast %and3A_128 : vector<16xi32> to vector<1x16xi32>
    tpu.vector_store %arg6[%swap3A_130, %swap3A_131], %swap3A_134 {strides = array<i32>} : memref<4x64xi32, #tpu.memory_space<vmem>>, vector<1x16xi32>,
    %shift_right_logical3A_135 = arith.constant 14 : i32
    %shift_right_logical3A_136 = vector.broadcast %shift_right_logical3A_135 : i32 to vector<16xi32>
    %shift_right_logical3A_137 = arith.shrui %get3A_125, %shift_right_logical3A_136 : vector<16xi32>
    %swap3A_138 = arith.constant 1 : i32
    %swap3A_139 = arith.index_cast %swap3A_138 : i32 to index
    %swap3A_140 = arith.constant 16 : index
    %swap3A_141 = tpu.vector_load %arg7[%swap3A_139, %swap3A_140] {strides = array<i32>} : memref<4x64xi32, #tpu.memory_space<vmem>>, vector<1x16xi32>,
    %swap3A_142 = vector.shape_cast %swap3A_141 : vector<1x16xi32> to vector<16xi32>
    %swap3A_143 = vector.shape_cast %shift_right_logical3A_137 : vector<16xi32> to vector<1x16xi32>
    tpu.vector_store %arg7[%swap3A_139, %swap3A_140], %swap3A_143 {strides = array<i32>} : memref<4x64xi32, #tpu.memory_space<vmem>>, vector<1x16xi32>,
    %get3A_144 = arith.constant 0 : i32
    %get3A_145 = arith.index_cast %get3A_144 : i32 to index
    %get3A_146 = arith.constant 96 : index
    %get3A_147 = tpu.vector_load %arg5[%get3A_145, %get3A_146] {strides = array<i32>} : memref<80x128xi32, #tpu.memory_space<vmem>>, vector<1x16xi32>,
    %get3A_148 = vector.shape_cast %get3A_147 : vector<1x16xi32> to vector<16xi32>
    %and3A_149 = arith.constant 16383 : i32
    %and3A_150 = vector.broadcast %and3A_149 : i32 to vector<16xi32>
    %and3A_151 = arith.andi %get3A_148, %and3A_150 : vector<16xi32>
    %swap3A_152 = arith.constant 1 : i32
    %swap3A_153 = arith.index_cast %swap3A_152 : i32 to index
    %swap3A_154 = arith.constant 32 : index
    %swap3A_155 = tpu.vector_load %arg6[%swap3A_153, %swap3A_154] {strides = array<i32>} : memref<4x64xi32, #tpu.memory_space<vmem>>, vector<1x16xi32>,
    %swap3A_156 = vector.shape_cast %swap3A_155 : vector<1x16xi32> to vector<16xi32>
    %swap3A_157 = vector.shape_cast %and3A_151 : vector<16xi32> to vector<1x16xi32>
    tpu.vector_store %arg6[%swap3A_153, %swap3A_154], %swap3A_157 {strides = array<i32>} : memref<4x64xi32, #tpu.memory_space<vmem>>, vector<1x16xi32>,
    %shift_right_logical3A_158 = arith.constant 14 : i32
    %shift_right_logical3A_159 = vector.broadcast %shift_right_logical3A_158 : i32 to vector<16xi32>
    %shift_right_logical3A_160 = arith.shrui %get3A_148, %shift_right_logical3A_159 : vector<16xi32>
    %swap3A_161 = arith.constant 1 : i32
    %swap3A_162 = arith.index_cast %swap3A_161 : i32 to index
    %swap3A_163 = arith.constant 32 : index
    %swap3A_164 = tpu.vector_load %arg7[%swap3A_162, %swap3A_163] {strides = array<i32>} : memref<4x64xi32, #tpu.memory_space<vmem>>, vector<1x16xi32>,
    %swap3A_165 = vector.shape_cast %swap3A_164 : vector<1x16xi32> to vector<16xi32>
    %swap3A_166 = vector.shape_cast %shift_right_logical3A_160 : vector<16xi32> to vector<1x16xi32>
    tpu.vector_store %arg7[%swap3A_162, %swap3A_163], %swap3A_166 {strides = array<i32>} : memref<4x64xi32, #tpu.memory_space<vmem>>, vector<1x16xi32>,
    %get3A_167 = arith.constant 0 : i32
    %get3A_168 = arith.index_cast %get3A_167 : i32 to index
    %get3A_169 = arith.constant 112 : index
    %get3A_170 = tpu.vector_load %arg5[%get3A_168, %get3A_169] {strides = array<i32>} : memref<80x128xi32, #tpu.memory_space<vmem>>, vector<1x16xi32>,
    %get3A_171 = vector.shape_cast %get3A_170 : vector<1x16xi32> to vector<16xi32>
    %and3A_172 = arith.constant 16383 : i32
    %and3A_173 = vector.broadcast %and3A_172 : i32 to vector<16xi32>
    %and3A_174 = arith.andi %get3A_171, %and3A_173 : vector<16xi32>
    %swap3A_175 = arith.constant 1 : i32
    %swap3A_176 = arith.index_cast %swap3A_175 : i32 to index
    %swap3A_177 = arith.constant 48 : index
    %swap3A_178 = tpu.vector_load %arg6[%swap3A_176, %swap3A_177] {strides = array<i32>} : memref<4x64xi32, #tpu.memory_space<vmem>>, vector<1x16xi32>,
    %swap3A_179 = vector.shape_cast %swap3A_178 : vector<1x16xi32> to vector<16xi32>
    %swap3A_180 = vector.shape_cast %and3A_174 : vector<16xi32> to vector<1x16xi32>
    tpu.vector_store %arg6[%swap3A_176, %swap3A_177], %swap3A_180 {strides = array<i32>} : memref<4x64xi32, #tpu.memory_space<vmem>>, vector<1x16xi32>,
    %shift_right_logical3A_181 = arith.constant 14 : i32
    %shift_right_logical3A_182 = vector.broadcast %shift_right_logical3A_181 : i32 to vector<16xi32>
    %shift_right_logical3A_183 = arith.shrui %get3A_171, %shift_right_logical3A_182 : vector<16xi32>
    %swap3A_184 = arith.constant 1 : i32
    %swap3A_185 = arith.index_cast %swap3A_184 : i32 to index
    %swap3A_186 = arith.constant 48 : index
    %swap3A_187 = tpu.vector_load %arg7[%swap3A_185, %swap3A_186] {strides = array<i32>} : memref<4x64xi32, #tpu.memory_space<vmem>>, vector<1x16xi32>,
    %swap3A_188 = vector.shape_cast %swap3A_187 : vector<1x16xi32> to vector<16xi32>
    %swap3A_189 = vector.shape_cast %shift_right_logical3A_183 : vector<16xi32> to vector<1x16xi32>
    tpu.vector_store %arg7[%swap3A_185, %swap3A_186], %swap3A_189 {strides = array<i32>} : memref<4x64xi32, #tpu.memory_space<vmem>>, vector<1x16xi32>,
    %barrier3A = arith.constant 0 : index
    tpu.barrier barrier_id(%barrier3A)
    %dma_start3A = arith.constant 0 : i32
    %dma_start3A_190 = arith.constant 0 : i32
    %dma_start3A_191 = arith.constant 0 : i32
    %dma_start3A_192 = tpu.memref_slice %arg8[%dma_start3A_190, %dma_start3A_191] : memref<256x128xf32, #tpu.memory_space<vmem>> -> memref<64x128xf32, #tpu.memory_space<vmem>>
    %dma_start3A_193 = arith.constant 0 : i32
    %dma_start3A_194 = tpu.memref_slice %arg6[%dma_start3A, %dma_start3A_193] : memref<4x64xi32, #tpu.memory_space<vmem>> -> memref<1x64xi32, #tpu.memory_space<vmem>>
    %dma_start3A_195 = tpu.memref_squeeze %dma_start3A_194 : memref<1x64xi32, #tpu.memory_space<vmem>> -> memref<64xi32, #tpu.memory_space<vmem>>
    %dma_start3A_196 = arith.constant 0 : i32
    %dma_start3A_197 = arith.constant 0 : i32
    %dma_start3A_198 = tpu.memref_slice %arg2[%dma_start3A_196, %dma_start3A_197] : memref<10240x128xf32, #tpu.memory_space<hbm>> -> memref<10240x128xf32, #tpu.memory_space<hbm>>
    tpu.enqueue_indirect_dma source(%dma_start3A_198 : memref<10240x128xf32, #tpu.memory_space<hbm>>) target(%dma_start3A_192 : memref<64x128xf32, #tpu.memory_space<vmem>>) offsets(%dma_start3A_195 : memref<64xi32, #tpu.memory_space<vmem>>) semaphore(%arg10 : memref<!tpu.dma_semaphore, #tpu.memory_space<semaphore_mem>>)
    %dma_start3A_199 = arith.constant 1 : i32
    %dma_start3A_200 = arith.constant 64 : i32
    %dma_start3A_201 = arith.constant 0 : i32
    %dma_start3A_202 = tpu.memref_slice %arg8[%dma_start3A_200, %dma_start3A_201] : memref<256x128xf32, #tpu.memory_space<vmem>> -> memref<64x128xf32, #tpu.memory_space<vmem>>
    %dma_start3A_203 = arith.constant 0 : i32
    %dma_start3A_204 = tpu.memref_slice %arg6[%dma_start3A_199, %dma_start3A_203] : memref<4x64xi32, #tpu.memory_space<vmem>> -> memref<1x64xi32, #tpu.memory_space<vmem>>
    %dma_start3A_205 = tpu.memref_squeeze %dma_start3A_204 : memref<1x64xi32, #tpu.memory_space<vmem>> -> memref<64xi32, #tpu.memory_space<vmem>>
    %dma_start3A_206 = arith.constant 0 : i32
    %dma_start3A_207 = arith.constant 0 : i32
    %dma_start3A_208 = tpu.memref_slice %arg2[%dma_start3A_206, %dma_start3A_207] : memref<10240x128xf32, #tpu.memory_space<hbm>> -> memref<10240x128xf32, #tpu.memory_space<hbm>>
    tpu.enqueue_indirect_dma source(%dma_start3A_208 : memref<10240x128xf32, #tpu.memory_space<hbm>>) target(%dma_start3A_202 : memref<64x128xf32, #tpu.memory_space<vmem>>) offsets(%dma_start3A_205 : memref<64xi32, #tpu.memory_space<vmem>>) semaphore(%arg10 : memref<!tpu.dma_semaphore, #tpu.memory_space<semaphore_mem>>)
    %scan3A = arith.constant 0 : i32
    %scan3A_209 = arith.constant 0 : i32
    %scan3A_210 = arith.constant 40 : i32
    %scan3A_211 = arith.addi %scan3A_209, %scan3A_210 : i32
    %scan3A_212 = arith.constant 1 : i32
    scf.for %scan3A_254 = %scan3A_209 to %scan3A_211 step %scan3A_212  : i32 {
      %mul3A_255 = arith.constant 2 : i32
      %mul3A_256 = arith.muli %mul3A_255, %scan3A_254 : i32
      %dma_wait3A_257 = arith.constant 0 : i32
      %dma_wait3A_258 = arith.constant 0 : i32
      %dma_wait3A_259 = arith.constant 0 : i32
      %dma_wait3A_260 = tpu.memref_slice %arg8[%dma_wait3A_258, %dma_wait3A_259] : memref<256x128xf32, #tpu.memory_space<vmem>> -> memref<64x128xf32, #tpu.memory_space<vmem>>
      %dma_wait3A_261 = arith.constant 0 : i32
      %dma_wait3A_262 = tpu.memref_slice %arg6[%dma_wait3A_257, %dma_wait3A_261] : memref<4x64xi32, #tpu.memory_space<vmem>> -> memref<1x64xi32, #tpu.memory_space<vmem>>
      %dma_wait3A_263 = tpu.memref_squeeze %dma_wait3A_262 : memref<1x64xi32, #tpu.memory_space<vmem>> -> memref<64xi32, #tpu.memory_space<vmem>>
      %dma_wait3A_264 = arith.constant 0 : i32
      %dma_wait3A_265 = arith.constant 0 : i32
      %dma_wait3A_266 = tpu.memref_slice %arg2[%dma_wait3A_264, %dma_wait3A_265] : memref<10240x128xf32, #tpu.memory_space<hbm>> -> memref<10240x128xf32, #tpu.memory_space<hbm>>
      tpu.wait_indirect_dma semaphore(%arg10 : memref<!tpu.dma_semaphore, #tpu.memory_space<semaphore_mem>>) src(%dma_wait3A_266 : memref<10240x128xf32, #tpu.memory_space<hbm>>) dst(%dma_wait3A_260 : memref<64x128xf32, #tpu.memory_space<vmem>>)
      %dma_start3A_267 = arith.constant 0 : i32
      %dma_start3A_268 = arith.constant 0 : i32
      %dma_start3A_269 = arith.constant 0 : i32
      %dma_start3A_270 = tpu.memref_slice %arg8[%dma_start3A_268, %dma_start3A_269] : memref<256x128xf32, #tpu.memory_space<vmem>> -> memref<64x128xf32, #tpu.memory_space<vmem>>
      %dma_start3A_271 = arith.constant 0 : i32
      %dma_start3A_272 = tpu.memref_slice %arg7[%dma_start3A_267, %dma_start3A_271] : memref<4x64xi32, #tpu.memory_space<vmem>> -> memref<1x64xi32, #tpu.memory_space<vmem>>
      %dma_start3A_273 = tpu.memref_squeeze %dma_start3A_272 : memref<1x64xi32, #tpu.memory_space<vmem>> -> memref<64xi32, #tpu.memory_space<vmem>>
      %dma_start3A_274 = arith.constant 0 : i32
      %dma_start3A_275 = arith.constant 0 : i32
      %dma_start3A_276 = tpu.memref_slice %arg9[%dma_start3A_274, %dma_start3A_275] : memref<10240x128xf32, #tpu.memory_space<vmem_shared>> -> memref<10240x128xf32, #tpu.memory_space<vmem_shared>>
      tpu.enqueue_indirect_dma source(%dma_start3A_270 : memref<64x128xf32, #tpu.memory_space<vmem>>) target(%dma_start3A_276 : memref<10240x128xf32, #tpu.memory_space<vmem_shared>>) offsets(%dma_start3A_273 : memref<64xi32, #tpu.memory_space<vmem>>) semaphore(%arg11 : memref<!tpu.dma_semaphore, #tpu.memory_space<semaphore_mem>>) {add = true}
      %dma_wait3A_277 = arith.constant 0 : i32
      %dma_wait3A_278 = arith.constant 0 : i32
      %dma_wait3A_279 = arith.constant 0 : i32
      %dma_wait3A_280 = tpu.memref_slice %arg8[%dma_wait3A_278, %dma_wait3A_279] : memref<256x128xf32, #tpu.memory_space<vmem>> -> memref<64x128xf32, #tpu.memory_space<vmem>>
      %dma_wait3A_281 = arith.constant 0 : i32
      %dma_wait3A_282 = tpu.memref_slice %arg6[%dma_wait3A_277, %dma_wait3A_281] : memref<4x64xi32, #tpu.memory_space<vmem>> -> memref<1x64xi32, #tpu.memory_space<vmem>>
      %dma_wait3A_283 = tpu.memref_squeeze %dma_wait3A_282 : memref<1x64xi32, #tpu.memory_space<vmem>> -> memref<64xi32, #tpu.memory_space<vmem>>
      %dma_wait3A_284 = arith.constant 0 : i32
      %dma_wait3A_285 = arith.constant 0 : i32
      %dma_wait3A_286 = tpu.memref_slice %arg2[%dma_wait3A_284, %dma_wait3A_285] : memref<10240x128xf32, #tpu.memory_space<hbm>> -> memref<10240x128xf32, #tpu.memory_space<hbm>>
      tpu.wait_indirect_dma semaphore(%arg10 : memref<!tpu.dma_semaphore, #tpu.memory_space<semaphore_mem>>) src(%dma_wait3A_286 : memref<10240x128xf32, #tpu.memory_space<hbm>>) dst(%dma_wait3A_280 : memref<64x128xf32, #tpu.memory_space<vmem>>)
      %dma_start3A_287 = arith.constant 1 : i32
      %dma_start3A_288 = arith.constant 64 : i32
      %dma_start3A_289 = arith.constant 0 : i32
      %dma_start3A_290 = tpu.memref_slice %arg8[%dma_start3A_288, %dma_start3A_289] : memref<256x128xf32, #tpu.memory_space<vmem>> -> memref<64x128xf32, #tpu.memory_space<vmem>>
      %dma_start3A_291 = arith.constant 0 : i32
      %dma_start3A_292 = tpu.memref_slice %arg7[%dma_start3A_287, %dma_start3A_291] : memref<4x64xi32, #tpu.memory_space<vmem>> -> memref<1x64xi32, #tpu.memory_space<vmem>>
      %dma_start3A_293 = tpu.memref_squeeze %dma_start3A_292 : memref<1x64xi32, #tpu.memory_space<vmem>> -> memref<64xi32, #tpu.memory_space<vmem>>
      %dma_start3A_294 = arith.constant 0 : i32
      %dma_start3A_295 = arith.constant 0 : i32
      %dma_start3A_296 = tpu.memref_slice %arg9[%dma_start3A_294, %dma_start3A_295] : memref<10240x128xf32, #tpu.memory_space<vmem_shared>> -> memref<10240x128xf32, #tpu.memory_space<vmem_shared>>
      tpu.enqueue_indirect_dma source(%dma_start3A_290 : memref<64x128xf32, #tpu.memory_space<vmem>>) target(%dma_start3A_296 : memref<10240x128xf32, #tpu.memory_space<vmem_shared>>) offsets(%dma_start3A_293 : memref<64xi32, #tpu.memory_space<vmem>>) semaphore(%arg11 : memref<!tpu.dma_semaphore, #tpu.memory_space<semaphore_mem>>) {add = true}
      %ge3A = arith.constant 1 : i32
      %ge3A_297 = arith.cmpi sge, %scan3A_254, %ge3A : i32
      %convert_element_type3A_298 = arith.extui %ge3A_297 : i1 to i32
      %cond3A_299 = arith.constant 0 : i32
      %cond3A_300 = arith.cmpi ne, %convert_element_type3A_298, %cond3A_299 : i32
      scf.if %cond3A_300 {
        %dma_wait3A_545 = arith.constant 0 : i32
        %dma_wait3A_546 = arith.constant 0 : i32
        %dma_wait3A_547 = arith.constant 0 : i32
        %dma_wait3A_548 = tpu.memref_slice %arg8[%dma_wait3A_546, %dma_wait3A_547] : memref<256x128xf32, #tpu.memory_space<vmem>> -> memref<64x128xf32, #tpu.memory_space<vmem>>
        %dma_wait3A_549 = arith.constant 0 : i32
        %dma_wait3A_550 = tpu.memref_slice %arg7[%dma_wait3A_545, %dma_wait3A_549] : memref<4x64xi32, #tpu.memory_space<vmem>> -> memref<1x64xi32, #tpu.memory_space<vmem>>
        %dma_wait3A_551 = tpu.memref_squeeze %dma_wait3A_550 : memref<1x64xi32, #tpu.memory_space<vmem>> -> memref<64xi32, #tpu.memory_space<vmem>>
        %dma_wait3A_552 = arith.constant 0 : i32
        %dma_wait3A_553 = arith.constant 0 : i32
        %dma_wait3A_554 = tpu.memref_slice %arg9[%dma_wait3A_552, %dma_wait3A_553] : memref<10240x128xf32, #tpu.memory_space<vmem_shared>> -> memref<10240x128xf32, #tpu.memory_space<vmem_shared>>
        tpu.wait_indirect_dma semaphore(%arg11 : memref<!tpu.dma_semaphore, #tpu.memory_space<semaphore_mem>>) src(%dma_wait3A_548 : memref<64x128xf32, #tpu.memory_space<vmem>>) dst(%dma_wait3A_554 : memref<10240x128xf32, #tpu.memory_space<vmem_shared>>)
        %dma_wait3A_555 = arith.constant 0 : i32
        %dma_wait3A_556 = arith.constant 0 : i32
        %dma_wait3A_557 = arith.constant 0 : i32
        %dma_wait3A_558 = tpu.memref_slice %arg8[%dma_wait3A_556, %dma_wait3A_557] : memref<256x128xf32, #tpu.memory_space<vmem>> -> memref<64x128xf32, #tpu.memory_space<vmem>>
        %dma_wait3A_559 = arith.constant 0 : i32
        %dma_wait3A_560 = tpu.memref_slice %arg7[%dma_wait3A_555, %dma_wait3A_559] : memref<4x64xi32, #tpu.memory_space<vmem>> -> memref<1x64xi32, #tpu.memory_space<vmem>>
        %dma_wait3A_561 = tpu.memref_squeeze %dma_wait3A_560 : memref<1x64xi32, #tpu.memory_space<vmem>> -> memref<64xi32, #tpu.memory_space<vmem>>
        %dma_wait3A_562 = arith.constant 0 : i32
        %dma_wait3A_563 = arith.constant 0 : i32
        %dma_wait3A_564 = tpu.memref_slice %arg9[%dma_wait3A_562, %dma_wait3A_563] : memref<10240x128xf32, #tpu.memory_space<vmem_shared>> -> memref<10240x128xf32, #tpu.memory_space<vmem_shared>>
        tpu.wait_indirect_dma semaphore(%arg11 : memref<!tpu.dma_semaphore, #tpu.memory_space<semaphore_mem>>) src(%dma_wait3A_558 : memref<64x128xf32, #tpu.memory_space<vmem>>) dst(%dma_wait3A_564 : memref<10240x128xf32, #tpu.memory_space<vmem_shared>>)
      } else {
      }
      %add3A_301 = arith.constant 1 : i32
      %add3A_302 = arith.addi %mul3A_256, %add3A_301 : i32
      %get3A_303 = arith.index_cast %add3A_302 : i32 to index
      %get3A_304 = arith.constant 0 : index
      %get3A_305 = tpu.vector_load %arg5[%get3A_303, %get3A_304] {strides = array<i32>} : memref<80x128xi32, #tpu.memory_space<vmem>>, vector<1x16xi32>,
      %get3A_306 = vector.shape_cast %get3A_305 : vector<1x16xi32> to vector<16xi32>
      %and3A_307 = arith.constant 16383 : i32
      %and3A_308 = vector.broadcast %and3A_307 : i32 to vector<16xi32>
      %and3A_309 = arith.andi %get3A_306, %and3A_308 : vector<16xi32>
      %swap3A_310 = arith.constant 2 : i32
      %swap3A_311 = arith.index_cast %swap3A_310 : i32 to index
      %swap3A_312 = arith.constant 0 : index
      %swap3A_313 = tpu.vector_load %arg6[%swap3A_311, %swap3A_312] {strides = array<i32>} : memref<4x64xi32, #tpu.memory_space<vmem>>, vector<1x16xi32>,
      %swap3A_314 = vector.shape_cast %swap3A_313 : vector<1x16xi32> to vector<16xi32>
      %swap3A_315 = vector.shape_cast %and3A_309 : vector<16xi32> to vector<1x16xi32>
      tpu.vector_store %arg6[%swap3A_311, %swap3A_312], %swap3A_315 {strides = array<i32>} : memref<4x64xi32, #tpu.memory_space<vmem>>, vector<1x16xi32>,
      %shift_right_logical3A_316 = arith.constant 14 : i32
      %shift_right_logical3A_317 = vector.broadcast %shift_right_logical3A_316 : i32 to vector<16xi32>
      %shift_right_logical3A_318 = arith.shrui %get3A_306, %shift_right_logical3A_317 : vector<16xi32>
      %swap3A_319 = arith.constant 2 : i32
      %swap3A_320 = arith.index_cast %swap3A_319 : i32 to index
      %swap3A_321 = arith.constant 0 : index
      %swap3A_322 = tpu.vector_load %arg7[%swap3A_320, %swap3A_321] {strides = array<i32>} : memref<4x64xi32, #tpu.memory_space<vmem>>, vector<1x16xi32>,
      %swap3A_323 = vector.shape_cast %swap3A_322 : vector<1x16xi32> to vector<16xi32>
      %swap3A_324 = vector.shape_cast %shift_right_logical3A_318 : vector<16xi32> to vector<1x16xi32>
      tpu.vector_store %arg7[%swap3A_320, %swap3A_321], %swap3A_324 {strides = array<i32>} : memref<4x64xi32, #tpu.memory_space<vmem>>, vector<1x16xi32>,
      %get3A_325 = arith.index_cast %add3A_302 : i32 to index
      %get3A_326 = arith.constant 16 : index
      %get3A_327 = tpu.vector_load %arg5[%get3A_325, %get3A_326] {strides = array<i32>} : memref<80x128xi32, #tpu.memory_space<vmem>>, vector<1x16xi32>,
      %get3A_328 = vector.shape_cast %get3A_327 : vector<1x16xi32> to vector<16xi32>
      %and3A_329 = arith.constant 16383 : i32
      %and3A_330 = vector.broadcast %and3A_329 : i32 to vector<16xi32>
      %and3A_331 = arith.andi %get3A_328, %and3A_330 : vector<16xi32>
      %swap3A_332 = arith.constant 2 : i32
      %swap3A_333 = arith.index_cast %swap3A_332 : i32 to index
      %swap3A_334 = arith.constant 16 : index
      %swap3A_335 = tpu.vector_load %arg6[%swap3A_333, %swap3A_334] {strides = array<i32>} : memref<4x64xi32, #tpu.memory_space<vmem>>, vector<1x16xi32>,
      %swap3A_336 = vector.shape_cast %swap3A_335 : vector<1x16xi32> to vector<16xi32>
      %swap3A_337 = vector.shape_cast %and3A_331 : vector<16xi32> to vector<1x16xi32>
      tpu.vector_store %arg6[%swap3A_333, %swap3A_334], %swap3A_337 {strides = array<i32>} : memref<4x64xi32, #tpu.memory_space<vmem>>, vector<1x16xi32>,
      %shift_right_logical3A_338 = arith.constant 14 : i32
      %shift_right_logical3A_339 = vector.broadcast %shift_right_logical3A_338 : i32 to vector<16xi32>
      %shift_right_logical3A_340 = arith.shrui %get3A_328, %shift_right_logical3A_339 : vector<16xi32>
      %swap3A_341 = arith.constant 2 : i32
      %swap3A_342 = arith.index_cast %swap3A_341 : i32 to index
      %swap3A_343 = arith.constant 16 : index
      %swap3A_344 = tpu.vector_load %arg7[%swap3A_342, %swap3A_343] {strides = array<i32>} : memref<4x64xi32, #tpu.memory_space<vmem>>, vector<1x16xi32>,
      %swap3A_345 = vector.shape_cast %swap3A_344 : vector<1x16xi32> to vector<16xi32>
      %swap3A_346 = vector.shape_cast %shift_right_logical3A_340 : vector<16xi32> to vector<1x16xi32>
      tpu.vector_store %arg7[%swap3A_342, %swap3A_343], %swap3A_346 {strides = array<i32>} : memref<4x64xi32, #tpu.memory_space<vmem>>, vector<1x16xi32>,
      %get3A_347 = arith.index_cast %add3A_302 : i32 to index
      %get3A_348 = arith.constant 32 : index
      %get3A_349 = tpu.vector_load %arg5[%get3A_347, %get3A_348] {strides = array<i32>} : memref<80x128xi32, #tpu.memory_space<vmem>>, vector<1x16xi32>,
      %get3A_350 = vector.shape_cast %get3A_349 : vector<1x16xi32> to vector<16xi32>
      %and3A_351 = arith.constant 16383 : i32
      %and3A_352 = vector.broadcast %and3A_351 : i32 to vector<16xi32>
      %and3A_353 = arith.andi %get3A_350, %and3A_352 : vector<16xi32>
      %swap3A_354 = arith.constant 2 : i32
      %swap3A_355 = arith.index_cast %swap3A_354 : i32 to index
      %swap3A_356 = arith.constant 32 : index
      %swap3A_357 = tpu.vector_load %arg6[%swap3A_355, %swap3A_356] {strides = array<i32>} : memref<4x64xi32, #tpu.memory_space<vmem>>, vector<1x16xi32>,
      %swap3A_358 = vector.shape_cast %swap3A_357 : vector<1x16xi32> to vector<16xi32>
      %swap3A_359 = vector.shape_cast %and3A_353 : vector<16xi32> to vector<1x16xi32>
      tpu.vector_store %arg6[%swap3A_355, %swap3A_356], %swap3A_359 {strides = array<i32>} : memref<4x64xi32, #tpu.memory_space<vmem>>, vector<1x16xi32>,
      %shift_right_logical3A_360 = arith.constant 14 : i32
      %shift_right_logical3A_361 = vector.broadcast %shift_right_logical3A_360 : i32 to vector<16xi32>
      %shift_right_logical3A_362 = arith.shrui %get3A_350, %shift_right_logical3A_361 : vector<16xi32>
      %swap3A_363 = arith.constant 2 : i32
      %swap3A_364 = arith.index_cast %swap3A_363 : i32 to index
      %swap3A_365 = arith.constant 32 : index
      %swap3A_366 = tpu.vector_load %arg7[%swap3A_364, %swap3A_365] {strides = array<i32>} : memref<4x64xi32, #tpu.memory_space<vmem>>, vector<1x16xi32>,
      %swap3A_367 = vector.shape_cast %swap3A_366 : vector<1x16xi32> to vector<16xi32>
      %swap3A_368 = vector.shape_cast %shift_right_logical3A_362 : vector<16xi32> to vector<1x16xi32>
      tpu.vector_store %arg7[%swap3A_364, %swap3A_365], %swap3A_368 {strides = array<i32>} : memref<4x64xi32, #tpu.memory_space<vmem>>, vector<1x16xi32>,
      %get3A_369 = arith.index_cast %add3A_302 : i32 to index
      %get3A_370 = arith.constant 48 : index
      %get3A_371 = tpu.vector_load %arg5[%get3A_369, %get3A_370] {strides = array<i32>} : memref<80x128xi32, #tpu.memory_space<vmem>>, vector<1x16xi32>,
      %get3A_372 = vector.shape_cast %get3A_371 : vector<1x16xi32> to vector<16xi32>
      %and3A_373 = arith.constant 16383 : i32
      %and3A_374 = vector.broadcast %and3A_373 : i32 to vector<16xi32>
      %and3A_375 = arith.andi %get3A_372, %and3A_374 : vector<16xi32>
      %swap3A_376 = arith.constant 2 : i32
      %swap3A_377 = arith.index_cast %swap3A_376 : i32 to index
      %swap3A_378 = arith.constant 48 : index
      %swap3A_379 = tpu.vector_load %arg6[%swap3A_377, %swap3A_378] {strides = array<i32>} : memref<4x64xi32, #tpu.memory_space<vmem>>, vector<1x16xi32>,
      %swap3A_380 = vector.shape_cast %swap3A_379 : vector<1x16xi32> to vector<16xi32>
      %swap3A_381 = vector.shape_cast %and3A_375 : vector<16xi32> to vector<1x16xi32>
      tpu.vector_store %arg6[%swap3A_377, %swap3A_378], %swap3A_381 {strides = array<i32>} : memref<4x64xi32, #tpu.memory_space<vmem>>, vector<1x16xi32>,
      %shift_right_logical3A_382 = arith.constant 14 : i32
      %shift_right_logical3A_383 = vector.broadcast %shift_right_logical3A_382 : i32 to vector<16xi32>
      %shift_right_logical3A_384 = arith.shrui %get3A_372, %shift_right_logical3A_383 : vector<16xi32>
      %swap3A_385 = arith.constant 2 : i32
      %swap3A_386 = arith.index_cast %swap3A_385 : i32 to index
      %swap3A_387 = arith.constant 48 : index
      %swap3A_388 = tpu.vector_load %arg7[%swap3A_386, %swap3A_387] {strides = array<i32>} : memref<4x64xi32, #tpu.memory_space<vmem>>, vector<1x16xi32>,
      %swap3A_389 = vector.shape_cast %swap3A_388 : vector<1x16xi32> to vector<16xi32>
      %swap3A_390 = vector.shape_cast %shift_right_logical3A_384 : vector<16xi32> to vector<1x16xi32>
      tpu.vector_store %arg7[%swap3A_386, %swap3A_387], %swap3A_390 {strides = array<i32>} : memref<4x64xi32, #tpu.memory_space<vmem>>, vector<1x16xi32>,
      %get3A_391 = arith.index_cast %add3A_302 : i32 to index
      %get3A_392 = arith.constant 64 : index
      %get3A_393 = tpu.vector_load %arg5[%get3A_391, %get3A_392] {strides = array<i32>} : memref<80x128xi32, #tpu.memory_space<vmem>>, vector<1x16xi32>,
      %get3A_394 = vector.shape_cast %get3A_393 : vector<1x16xi32> to vector<16xi32>
      %and3A_395 = arith.constant 16383 : i32
      %and3A_396 = vector.broadcast %and3A_395 : i32 to vector<16xi32>
      %and3A_397 = arith.andi %get3A_394, %and3A_396 : vector<16xi32>
      %swap3A_398 = arith.constant 3 : i32
      %swap3A_399 = arith.index_cast %swap3A_398 : i32 to index
      %swap3A_400 = arith.constant 0 : index
      %swap3A_401 = tpu.vector_load %arg6[%swap3A_399, %swap3A_400] {strides = array<i32>} : memref<4x64xi32, #tpu.memory_space<vmem>>, vector<1x16xi32>,
      %swap3A_402 = vector.shape_cast %swap3A_401 : vector<1x16xi32> to vector<16xi32>
      %swap3A_403 = vector.shape_cast %and3A_397 : vector<16xi32> to vector<1x16xi32>
      tpu.vector_store %arg6[%swap3A_399, %swap3A_400], %swap3A_403 {strides = array<i32>} : memref<4x64xi32, #tpu.memory_space<vmem>>, vector<1x16xi32>,
      %shift_right_logical3A_404 = arith.constant 14 : i32
      %shift_right_logical3A_405 = vector.broadcast %shift_right_logical3A_404 : i32 to vector<16xi32>
      %shift_right_logical3A_406 = arith.shrui %get3A_394, %shift_right_logical3A_405 : vector<16xi32>
      %swap3A_407 = arith.constant 3 : i32
      %swap3A_408 = arith.index_cast %swap3A_407 : i32 to index
      %swap3A_409 = arith.constant 0 : index
      %swap3A_410 = tpu.vector_load %arg7[%swap3A_408, %swap3A_409] {strides = array<i32>} : memref<4x64xi32, #tpu.memory_space<vmem>>, vector<1x16xi32>,
      %swap3A_411 = vector.shape_cast %swap3A_410 : vector<1x16xi32> to vector<16xi32>
      %swap3A_412 = vector.shape_cast %shift_right_logical3A_406 : vector<16xi32> to vector<1x16xi32>
      tpu.vector_store %arg7[%swap3A_408, %swap3A_409], %swap3A_412 {strides = array<i32>} : memref<4x64xi32, #tpu.memory_space<vmem>>, vector<1x16xi32>,
      %get3A_413 = arith.index_cast %add3A_302 : i32 to index
      %get3A_414 = arith.constant 80 : index
      %get3A_415 = tpu.vector_load %arg5[%get3A_413, %get3A_414] {strides = array<i32>} : memref<80x128xi32, #tpu.memory_space<vmem>>, vector<1x16xi32>,
      %get3A_416 = vector.shape_cast %get3A_415 : vector<1x16xi32> to vector<16xi32>
      %and3A_417 = arith.constant 16383 : i32
      %and3A_418 = vector.broadcast %and3A_417 : i32 to vector<16xi32>
      %and3A_419 = arith.andi %get3A_416, %and3A_418 : vector<16xi32>
      %swap3A_420 = arith.constant 3 : i32
      %swap3A_421 = arith.index_cast %swap3A_420 : i32 to index
      %swap3A_422 = arith.constant 16 : index
      %swap3A_423 = tpu.vector_load %arg6[%swap3A_421, %swap3A_422] {strides = array<i32>} : memref<4x64xi32, #tpu.memory_space<vmem>>, vector<1x16xi32>,
      %swap3A_424 = vector.shape_cast %swap3A_423 : vector<1x16xi32> to vector<16xi32>
      %swap3A_425 = vector.shape_cast %and3A_419 : vector<16xi32> to vector<1x16xi32>
      tpu.vector_store %arg6[%swap3A_421, %swap3A_422], %swap3A_425 {strides = array<i32>} : memref<4x64xi32, #tpu.memory_space<vmem>>, vector<1x16xi32>,
      %shift_right_logical3A_426 = arith.constant 14 : i32
      %shift_right_logical3A_427 = vector.broadcast %shift_right_logical3A_426 : i32 to vector<16xi32>
      %shift_right_logical3A_428 = arith.shrui %get3A_416, %shift_right_logical3A_427 : vector<16xi32>
      %swap3A_429 = arith.constant 3 : i32
      %swap3A_430 = arith.index_cast %swap3A_429 : i32 to index
      %swap3A_431 = arith.constant 16 : index
      %swap3A_432 = tpu.vector_load %arg7[%swap3A_430, %swap3A_431] {strides = array<i32>} : memref<4x64xi32, #tpu.memory_space<vmem>>, vector<1x16xi32>,
      %swap3A_433 = vector.shape_cast %swap3A_432 : vector<1x16xi32> to vector<16xi32>
      %swap3A_434 = vector.shape_cast %shift_right_logical3A_428 : vector<16xi32> to vector<1x16xi32>
      tpu.vector_store %arg7[%swap3A_430, %swap3A_431], %swap3A_434 {strides = array<i32>} : memref<4x64xi32, #tpu.memory_space<vmem>>, vector<1x16xi32>,
      %get3A_435 = arith.index_cast %add3A_302 : i32 to index
      %get3A_436 = arith.constant 96 : index
      %get3A_437 = tpu.vector_load %arg5[%get3A_435, %get3A_436] {strides = array<i32>} : memref<80x128xi32, #tpu.memory_space<vmem>>, vector<1x16xi32>,
      %get3A_438 = vector.shape_cast %get3A_437 : vector<1x16xi32> to vector<16xi32>
      %and3A_439 = arith.constant 16383 : i32
      %and3A_440 = vector.broadcast %and3A_439 : i32 to vector<16xi32>
      %and3A_441 = arith.andi %get3A_438, %and3A_440 : vector<16xi32>
      %swap3A_442 = arith.constant 3 : i32
      %swap3A_443 = arith.index_cast %swap3A_442 : i32 to index
      %swap3A_444 = arith.constant 32 : index
      %swap3A_445 = tpu.vector_load %arg6[%swap3A_443, %swap3A_444] {strides = array<i32>} : memref<4x64xi32, #tpu.memory_space<vmem>>, vector<1x16xi32>,
      %swap3A_446 = vector.shape_cast %swap3A_445 : vector<1x16xi32> to vector<16xi32>
      %swap3A_447 = vector.shape_cast %and3A_441 : vector<16xi32> to vector<1x16xi32>
      tpu.vector_store %arg6[%swap3A_443, %swap3A_444], %swap3A_447 {strides = array<i32>} : memref<4x64xi32, #tpu.memory_space<vmem>>, vector<1x16xi32>,
      %shift_right_logical3A_448 = arith.constant 14 : i32
      %shift_right_logical3A_449 = vector.broadcast %shift_right_logical3A_448 : i32 to vector<16xi32>
      %shift_right_logical3A_450 = arith.shrui %get3A_438, %shift_right_logical3A_449 : vector<16xi32>
      %swap3A_451 = arith.constant 3 : i32
      %swap3A_452 = arith.index_cast %swap3A_451 : i32 to index
      %swap3A_453 = arith.constant 32 : index
      %swap3A_454 = tpu.vector_load %arg7[%swap3A_452, %swap3A_453] {strides = array<i32>} : memref<4x64xi32, #tpu.memory_space<vmem>>, vector<1x16xi32>,
      %swap3A_455 = vector.shape_cast %swap3A_454 : vector<1x16xi32> to vector<16xi32>
      %swap3A_456 = vector.shape_cast %shift_right_logical3A_450 : vector<16xi32> to vector<1x16xi32>
      tpu.vector_store %arg7[%swap3A_452, %swap3A_453], %swap3A_456 {strides = array<i32>} : memref<4x64xi32, #tpu.memory_space<vmem>>, vector<1x16xi32>,
      %get3A_457 = arith.index_cast %add3A_302 : i32 to index
      %get3A_458 = arith.constant 112 : index
      %get3A_459 = tpu.vector_load %arg5[%get3A_457, %get3A_458] {strides = array<i32>} : memref<80x128xi32, #tpu.memory_space<vmem>>, vector<1x16xi32>,
      %get3A_460 = vector.shape_cast %get3A_459 : vector<1x16xi32> to vector<16xi32>
      %and3A_461 = arith.constant 16383 : i32
      %and3A_462 = vector.broadcast %and3A_461 : i32 to vector<16xi32>
      %and3A_463 = arith.andi %get3A_460, %and3A_462 : vector<16xi32>
      %swap3A_464 = arith.constant 3 : i32
      %swap3A_465 = arith.index_cast %swap3A_464 : i32 to index
      %swap3A_466 = arith.constant 48 : index
      %swap3A_467 = tpu.vector_load %arg6[%swap3A_465, %swap3A_466] {strides = array<i32>} : memref<4x64xi32, #tpu.memory_space<vmem>>, vector<1x16xi32>,
      %swap3A_468 = vector.shape_cast %swap3A_467 : vector<1x16xi32> to vector<16xi32>
      %swap3A_469 = vector.shape_cast %and3A_463 : vector<16xi32> to vector<1x16xi32>
      tpu.vector_store %arg6[%swap3A_465, %swap3A_466], %swap3A_469 {strides = array<i32>} : memref<4x64xi32, #tpu.memory_space<vmem>>, vector<1x16xi32>,
      %shift_right_logical3A_470 = arith.constant 14 : i32
      %shift_right_logical3A_471 = vector.broadcast %shift_right_logical3A_470 : i32 to vector<16xi32>
      %shift_right_logical3A_472 = arith.shrui %get3A_460, %shift_right_logical3A_471 : vector<16xi32>
      %swap3A_473 = arith.constant 3 : i32
      %swap3A_474 = arith.index_cast %swap3A_473 : i32 to index
      %swap3A_475 = arith.constant 48 : index
      %swap3A_476 = tpu.vector_load %arg7[%swap3A_474, %swap3A_475] {strides = array<i32>} : memref<4x64xi32, #tpu.memory_space<vmem>>, vector<1x16xi32>,
      %swap3A_477 = vector.shape_cast %swap3A_476 : vector<1x16xi32> to vector<16xi32>
      %swap3A_478 = vector.shape_cast %shift_right_logical3A_472 : vector<16xi32> to vector<1x16xi32>
      tpu.vector_store %arg7[%swap3A_474, %swap3A_475], %swap3A_478 {strides = array<i32>} : memref<4x64xi32, #tpu.memory_space<vmem>>, vector<1x16xi32>,
      %dma_start3A_479 = arith.constant 2 : i32
      %dma_start3A_480 = arith.constant 128 : i32
      %dma_start3A_481 = arith.constant 0 : i32
      %dma_start3A_482 = tpu.memref_slice %arg8[%dma_start3A_480, %dma_start3A_481] : memref<256x128xf32, #tpu.memory_space<vmem>> -> memref<64x128xf32, #tpu.memory_space<vmem>>
      %dma_start3A_483 = arith.constant 0 : i32
      %dma_start3A_484 = tpu.memref_slice %arg6[%dma_start3A_479, %dma_start3A_483] : memref<4x64xi32, #tpu.memory_space<vmem>> -> memref<1x64xi32, #tpu.memory_space<vmem>>
      %dma_start3A_485 = tpu.memref_squeeze %dma_start3A_484 : memref<1x64xi32, #tpu.memory_space<vmem>> -> memref<64xi32, #tpu.memory_space<vmem>>
      %dma_start3A_486 = arith.constant 0 : i32
      %dma_start3A_487 = arith.constant 0 : i32
      %dma_start3A_488 = tpu.memref_slice %arg2[%dma_start3A_486, %dma_start3A_487] : memref<10240x128xf32, #tpu.memory_space<hbm>> -> memref<10240x128xf32, #tpu.memory_space<hbm>>
      tpu.enqueue_indirect_dma source(%dma_start3A_488 : memref<10240x128xf32, #tpu.memory_space<hbm>>) target(%dma_start3A_482 : memref<64x128xf32, #tpu.memory_space<vmem>>) offsets(%dma_start3A_485 : memref<64xi32, #tpu.memory_space<vmem>>) semaphore(%arg10 : memref<!tpu.dma_semaphore, #tpu.memory_space<semaphore_mem>>)
      %dma_start3A_489 = arith.constant 3 : i32
      %dma_start3A_490 = arith.constant 192 : i32
      %dma_start3A_491 = arith.constant 0 : i32
      %dma_start3A_492 = tpu.memref_slice %arg8[%dma_start3A_490, %dma_start3A_491] : memref<256x128xf32, #tpu.memory_space<vmem>> -> memref<64x128xf32, #tpu.memory_space<vmem>>
      %dma_start3A_493 = arith.constant 0 : i32
      %dma_start3A_494 = tpu.memref_slice %arg6[%dma_start3A_489, %dma_start3A_493] : memref<4x64xi32, #tpu.memory_space<vmem>> -> memref<1x64xi32, #tpu.memory_space<vmem>>
      %dma_start3A_495 = tpu.memref_squeeze %dma_start3A_494 : memref<1x64xi32, #tpu.memory_space<vmem>> -> memref<64xi32, #tpu.memory_space<vmem>>
      %dma_start3A_496 = arith.constant 0 : i32
      %dma_start3A_497 = arith.constant 0 : i32
      %dma_start3A_498 = tpu.memref_slice %arg2[%dma_start3A_496, %dma_start3A_497] : memref<10240x128xf32, #tpu.memory_space<hbm>> -> memref<10240x128xf32, #tpu.memory_space<hbm>>
      tpu.enqueue_indirect_dma source(%dma_start3A_498 : memref<10240x128xf32, #tpu.memory_space<hbm>>) target(%dma_start3A_492 : memref<64x128xf32, #tpu.memory_space<vmem>>) offsets(%dma_start3A_495 : memref<64xi32, #tpu.memory_space<vmem>>) semaphore(%arg10 : memref<!tpu.dma_semaphore, #tpu.memory_space<semaphore_mem>>)
      %dma_wait3A_499 = arith.constant 0 : i32
      %dma_wait3A_500 = arith.constant 0 : i32
      %dma_wait3A_501 = arith.constant 0 : i32
      %dma_wait3A_502 = tpu.memref_slice %arg8[%dma_wait3A_500, %dma_wait3A_501] : memref<256x128xf32, #tpu.memory_space<vmem>> -> memref<64x128xf32, #tpu.memory_space<vmem>>
      %dma_wait3A_503 = arith.constant 0 : i32
      %dma_wait3A_504 = tpu.memref_slice %arg6[%dma_wait3A_499, %dma_wait3A_503] : memref<4x64xi32, #tpu.memory_space<vmem>> -> memref<1x64xi32, #tpu.memory_space<vmem>>
      %dma_wait3A_505 = tpu.memref_squeeze %dma_wait3A_504 : memref<1x64xi32, #tpu.memory_space<vmem>> -> memref<64xi32, #tpu.memory_space<vmem>>
      %dma_wait3A_506 = arith.constant 0 : i32
      %dma_wait3A_507 = arith.constant 0 : i32
      %dma_wait3A_508 = tpu.memref_slice %arg2[%dma_wait3A_506, %dma_wait3A_507] : memref<10240x128xf32, #tpu.memory_space<hbm>> -> memref<10240x128xf32, #tpu.memory_space<hbm>>
      tpu.wait_indirect_dma semaphore(%arg10 : memref<!tpu.dma_semaphore, #tpu.memory_space<semaphore_mem>>) src(%dma_wait3A_508 : memref<10240x128xf32, #tpu.memory_space<hbm>>) dst(%dma_wait3A_502 : memref<64x128xf32, #tpu.memory_space<vmem>>)
      %dma_start3A_509 = arith.constant 2 : i32
      %dma_start3A_510 = arith.constant 128 : i32
      %dma_start3A_511 = arith.constant 0 : i32
      %dma_start3A_512 = tpu.memref_slice %arg8[%dma_start3A_510, %dma_start3A_511] : memref<256x128xf32, #tpu.memory_space<vmem>> -> memref<64x128xf32, #tpu.memory_space<vmem>>
      %dma_start3A_513 = arith.constant 0 : i32
      %dma_start3A_514 = tpu.memref_slice %arg7[%dma_start3A_509, %dma_start3A_513] : memref<4x64xi32, #tpu.memory_space<vmem>> -> memref<1x64xi32, #tpu.memory_space<vmem>>
      %dma_start3A_515 = tpu.memref_squeeze %dma_start3A_514 : memref<1x64xi32, #tpu.memory_space<vmem>> -> memref<64xi32, #tpu.memory_space<vmem>>
      %dma_start3A_516 = arith.constant 0 : i32
      %dma_start3A_517 = arith.constant 0 : i32
      %dma_start3A_518 = tpu.memref_slice %arg9[%dma_start3A_516, %dma_start3A_517] : memref<10240x128xf32, #tpu.memory_space<vmem_shared>> -> memref<10240x128xf32, #tpu.memory_space<vmem_shared>>
      tpu.enqueue_indirect_dma source(%dma_start3A_512 : memref<64x128xf32, #tpu.memory_space<vmem>>) target(%dma_start3A_518 : memref<10240x128xf32, #tpu.memory_space<vmem_shared>>) offsets(%dma_start3A_515 : memref<64xi32, #tpu.memory_space<vmem>>) semaphore(%arg11 : memref<!tpu.dma_semaphore, #tpu.memory_space<semaphore_mem>>) {add = true}
      %dma_wait3A_519 = arith.constant 0 : i32
      %dma_wait3A_520 = arith.constant 0 : i32
      %dma_wait3A_521 = arith.constant 0 : i32
      %dma_wait3A_522 = tpu.memref_slice %arg8[%dma_wait3A_520, %dma_wait3A_521] : memref<256x128xf32, #tpu.memory_space<vmem>> -> memref<64x128xf32, #tpu.memory_space<vmem>>
      %dma_wait3A_523 = arith.constant 0 : i32
      %dma_wait3A_524 = tpu.memref_slice %arg6[%dma_wait3A_519, %dma_wait3A_523] : memref<4x64xi32, #tpu.memory_space<vmem>> -> memref<1x64xi32, #tpu.memory_space<vmem>>
      %dma_wait3A_525 = tpu.memref_squeeze %dma_wait3A_524 : memref<1x64xi32, #tpu.memory_space<vmem>> -> memref<64xi32, #tpu.memory_space<vmem>>
      %dma_wait3A_526 = arith.constant 0 : i32
      %dma_wait3A_527 = arith.constant 0 : i32
      %dma_wait3A_528 = tpu.memref_slice %arg2[%dma_wait3A_526, %dma_wait3A_527] : memref<10240x128xf32, #tpu.memory_space<hbm>> -> memref<10240x128xf32, #tpu.memory_space<hbm>>
      tpu.wait_indirect_dma semaphore(%arg10 : memref<!tpu.dma_semaphore, #tpu.memory_space<semaphore_mem>>) src(%dma_wait3A_528 : memref<10240x128xf32, #tpu.memory_space<hbm>>) dst(%dma_wait3A_522 : memref<64x128xf32, #tpu.memory_space<vmem>>)
      %dma_start3A_529 = arith.constant 3 : i32
      %dma_start3A_530 = arith.constant 192 : i32
      %dma_start3A_531 = arith.constant 0 : i32
      %dma_start3A_532 = tpu.memref_slice %arg8[%dma_start3A_530, %dma_start3A_531] : memref<256x128xf32, #tpu.memory_space<vmem>> -> memref<64x128xf32, #tpu.memory_space<vmem>>
      %dma_start3A_533 = arith.constant 0 : i32
      %dma_start3A_534 = tpu.memref_slice %arg7[%dma_start3A_529, %dma_start3A_533] : memref<4x64xi32, #tpu.memory_space<vmem>> -> memref<1x64xi32, #tpu.memory_space<vmem>>
      %dma_start3A_535 = tpu.memref_squeeze %dma_start3A_534 : memref<1x64xi32, #tpu.memory_space<vmem>> -> memref<64xi32, #tpu.memory_space<vmem>>
      %dma_start3A_536 = arith.constant 0 : i32
      %dma_start3A_537 = arith.constant 0 : i32
      %dma_start3A_538 = tpu.memref_slice %arg9[%dma_start3A_536, %dma_start3A_537] : memref<10240x128xf32, #tpu.memory_space<vmem_shared>> -> memref<10240x128xf32, #tpu.memory_space<vmem_shared>>
      tpu.enqueue_indirect_dma source(%dma_start3A_532 : memref<64x128xf32, #tpu.memory_space<vmem>>) target(%dma_start3A_538 : memref<10240x128xf32, #tpu.memory_space<vmem_shared>>) offsets(%dma_start3A_535 : memref<64xi32, #tpu.memory_space<vmem>>) semaphore(%arg11 : memref<!tpu.dma_semaphore, #tpu.memory_space<semaphore_mem>>) {add = true}
      %add3A_539 = arith.constant 1 : i32
      %add3A_540 = arith.addi %scan3A_254, %add3A_539 : i32
      %lt3A = arith.constant 40 : i32
      %lt3A_541 = arith.cmpi slt, %add3A_540, %lt3A : i32
      %convert_element_type3A_542 = arith.extui %lt3A_541 : i1 to i32
      %cond3A_543 = arith.constant 0 : i32
      %cond3A_544 = arith.cmpi ne, %convert_element_type3A_542, %cond3A_543 : i32
      scf.if %cond3A_544 {
        %dma_wait3A_545 = arith.constant 0 : i32
        %dma_wait3A_546 = arith.constant 0 : i32
        %dma_wait3A_547 = arith.constant 0 : i32
        %dma_wait3A_548 = tpu.memref_slice %arg8[%dma_wait3A_546, %dma_wait3A_547] : memref<256x128xf32, #tpu.memory_space<vmem>> -> memref<64x128xf32, #tpu.memory_space<vmem>>
        %dma_wait3A_549 = arith.constant 0 : i32
        %dma_wait3A_550 = tpu.memref_slice %arg7[%dma_wait3A_545, %dma_wait3A_549] : memref<4x64xi32, #tpu.memory_space<vmem>> -> memref<1x64xi32, #tpu.memory_space<vmem>>
        %dma_wait3A_551 = tpu.memref_squeeze %dma_wait3A_550 : memref<1x64xi32, #tpu.memory_space<vmem>> -> memref<64xi32, #tpu.memory_space<vmem>>
        %dma_wait3A_552 = arith.constant 0 : i32
        %dma_wait3A_553 = arith.constant 0 : i32
        %dma_wait3A_554 = tpu.memref_slice %arg9[%dma_wait3A_552, %dma_wait3A_553] : memref<10240x128xf32, #tpu.memory_space<vmem_shared>> -> memref<10240x128xf32, #tpu.memory_space<vmem_shared>>
        tpu.wait_indirect_dma semaphore(%arg11 : memref<!tpu.dma_semaphore, #tpu.memory_space<semaphore_mem>>) src(%dma_wait3A_548 : memref<64x128xf32, #tpu.memory_space<vmem>>) dst(%dma_wait3A_554 : memref<10240x128xf32, #tpu.memory_space<vmem_shared>>)
        %dma_wait3A_555 = arith.constant 0 : i32
        %dma_wait3A_556 = arith.constant 0 : i32
        %dma_wait3A_557 = arith.constant 0 : i32
        %dma_wait3A_558 = tpu.memref_slice %arg8[%dma_wait3A_556, %dma_wait3A_557] : memref<256x128xf32, #tpu.memory_space<vmem>> -> memref<64x128xf32, #tpu.memory_space<vmem>>
        %dma_wait3A_559 = arith.constant 0 : i32
        %dma_wait3A_560 = tpu.memref_slice %arg7[%dma_wait3A_555, %dma_wait3A_559] : memref<4x64xi32, #tpu.memory_space<vmem>> -> memref<1x64xi32, #tpu.memory_space<vmem>>
        %dma_wait3A_561 = tpu.memref_squeeze %dma_wait3A_560 : memref<1x64xi32, #tpu.memory_space<vmem>> -> memref<64xi32, #tpu.memory_space<vmem>>
        %dma_wait3A_562 = arith.constant 0 : i32
        %dma_wait3A_563 = arith.constant 0 : i32
        %dma_wait3A_564 = tpu.memref_slice %arg9[%dma_wait3A_562, %dma_wait3A_563] : memref<10240x128xf32, #tpu.memory_space<vmem_shared>> -> memref<10240x128xf32, #tpu.memory_space<vmem_shared>>
        tpu.wait_indirect_dma semaphore(%arg11 : memref<!tpu.dma_semaphore, #tpu.memory_space<semaphore_mem>>) src(%dma_wait3A_558 : memref<64x128xf32, #tpu.memory_space<vmem>>) dst(%dma_wait3A_564 : memref<10240x128xf32, #tpu.memory_space<vmem_shared>>)
        %add3A_565 = arith.constant 2 : i32
        %add3A_566 = arith.addi %mul3A_256, %add3A_565 : i32
        %get3A_567 = arith.index_cast %add3A_566 : i32 to index
        %get3A_568 = arith.constant 0 : index
        %get3A_569 = tpu.vector_load %arg5[%get3A_567, %get3A_568] {strides = array<i32>} : memref<80x128xi32, #tpu.memory_space<vmem>>, vector<1x16xi32>,
        %get3A_570 = vector.shape_cast %get3A_569 : vector<1x16xi32> to vector<16xi32>
        %and3A_571 = arith.constant 16383 : i32
        %and3A_572 = vector.broadcast %and3A_571 : i32 to vector<16xi32>
        %and3A_573 = arith.andi %get3A_570, %and3A_572 : vector<16xi32>
        %swap3A_574 = arith.constant 0 : i32
        %swap3A_575 = arith.index_cast %swap3A_574 : i32 to index
        %swap3A_576 = arith.constant 0 : index
        %swap3A_577 = tpu.vector_load %arg6[%swap3A_575, %swap3A_576] {strides = array<i32>} : memref<4x64xi32, #tpu.memory_space<vmem>>, vector<1x16xi32>,
        %swap3A_578 = vector.shape_cast %swap3A_577 : vector<1x16xi32> to vector<16xi32>
        %swap3A_579 = vector.shape_cast %and3A_573 : vector<16xi32> to vector<1x16xi32>
        tpu.vector_store %arg6[%swap3A_575, %swap3A_576], %swap3A_579 {strides = array<i32>} : memref<4x64xi32, #tpu.memory_space<vmem>>, vector<1x16xi32>,
        %shift_right_logical3A_580 = arith.constant 14 : i32
        %shift_right_logical3A_581 = vector.broadcast %shift_right_logical3A_580 : i32 to vector<16xi32>
        %shift_right_logical3A_582 = arith.shrui %get3A_570, %shift_right_logical3A_581 : vector<16xi32>
        %swap3A_583 = arith.constant 0 : i32
        %swap3A_584 = arith.index_cast %swap3A_583 : i32 to index
        %swap3A_585 = arith.constant 0 : index
        %swap3A_586 = tpu.vector_load %arg7[%swap3A_584, %swap3A_585] {strides = array<i32>} : memref<4x64xi32, #tpu.memory_space<vmem>>, vector<1x16xi32>,
        %swap3A_587 = vector.shape_cast %swap3A_586 : vector<1x16xi32> to vector<16xi32>
        %swap3A_588 = vector.shape_cast %shift_right_logical3A_582 : vector<16xi32> to vector<1x16xi32>
        tpu.vector_store %arg7[%swap3A_584, %swap3A_585], %swap3A_588 {strides = array<i32>} : memref<4x64xi32, #tpu.memory_space<vmem>>, vector<1x16xi32>,
        %get3A_589 = arith.index_cast %add3A_566 : i32 to index
        %get3A_590 = arith.constant 16 : index
        %get3A_591 = tpu.vector_load %arg5[%get3A_589, %get3A_590] {strides = array<i32>} : memref<80x128xi32, #tpu.memory_space<vmem>>, vector<1x16xi32>,
        %get3A_592 = vector.shape_cast %get3A_591 : vector<1x16xi32> to vector<16xi32>
        %and3A_593 = arith.constant 16383 : i32
        %and3A_594 = vector.broadcast %and3A_593 : i32 to vector<16xi32>
        %and3A_595 = arith.andi %get3A_592, %and3A_594 : vector<16xi32>
        %swap3A_596 = arith.constant 0 : i32
        %swap3A_597 = arith.index_cast %swap3A_596 : i32 to index
        %swap3A_598 = arith.constant 16 : index
        %swap3A_599 = tpu.vector_load %arg6[%swap3A_597, %swap3A_598] {strides = array<i32>} : memref<4x64xi32, #tpu.memory_space<vmem>>, vector<1x16xi32>,
        %swap3A_600 = vector.shape_cast %swap3A_599 : vector<1x16xi32> to vector<16xi32>
        %swap3A_601 = vector.shape_cast %and3A_595 : vector<16xi32> to vector<1x16xi32>
        tpu.vector_store %arg6[%swap3A_597, %swap3A_598], %swap3A_601 {strides = array<i32>} : memref<4x64xi32, #tpu.memory_space<vmem>>, vector<1x16xi32>,
        %shift_right_logical3A_602 = arith.constant 14 : i32
        %shift_right_logical3A_603 = vector.broadcast %shift_right_logical3A_602 : i32 to vector<16xi32>
        %shift_right_logical3A_604 = arith.shrui %get3A_592, %shift_right_logical3A_603 : vector<16xi32>
        %swap3A_605 = arith.constant 0 : i32
        %swap3A_606 = arith.index_cast %swap3A_605 : i32 to index
        %swap3A_607 = arith.constant 16 : index
        %swap3A_608 = tpu.vector_load %arg7[%swap3A_606, %swap3A_607] {strides = array<i32>} : memref<4x64xi32, #tpu.memory_space<vmem>>, vector<1x16xi32>,
        %swap3A_609 = vector.shape_cast %swap3A_608 : vector<1x16xi32> to vector<16xi32>
        %swap3A_610 = vector.shape_cast %shift_right_logical3A_604 : vector<16xi32> to vector<1x16xi32>
        tpu.vector_store %arg7[%swap3A_606, %swap3A_607], %swap3A_610 {strides = array<i32>} : memref<4x64xi32, #tpu.memory_space<vmem>>, vector<1x16xi32>,
        %get3A_611 = arith.index_cast %add3A_566 : i32 to index
        %get3A_612 = arith.constant 32 : index
        %get3A_613 = tpu.vector_load %arg5[%get3A_611, %get3A_612] {strides = array<i32>} : memref<80x128xi32, #tpu.memory_space<vmem>>, vector<1x16xi32>,
        %get3A_614 = vector.shape_cast %get3A_613 : vector<1x16xi32> to vector<16xi32>
        %and3A_615 = arith.constant 16383 : i32
        %and3A_616 = vector.broadcast %and3A_615 : i32 to vector<16xi32>
        %and3A_617 = arith.andi %get3A_614, %and3A_616 : vector<16xi32>
        %swap3A_618 = arith.constant 0 : i32
        %swap3A_619 = arith.index_cast %swap3A_618 : i32 to index
        %swap3A_620 = arith.constant 32 : index
        %swap3A_621 = tpu.vector_load %arg6[%swap3A_619, %swap3A_620] {strides = array<i32>} : memref<4x64xi32, #tpu.memory_space<vmem>>, vector<1x16xi32>,
        %swap3A_622 = vector.shape_cast %swap3A_621 : vector<1x16xi32> to vector<16xi32>
        %swap3A_623 = vector.shape_cast %and3A_617 : vector<16xi32> to vector<1x16xi32>
        tpu.vector_store %arg6[%swap3A_619, %swap3A_620], %swap3A_623 {strides = array<i32>} : memref<4x64xi32, #tpu.memory_space<vmem>>, vector<1x16xi32>,
        %shift_right_logical3A_624 = arith.constant 14 : i32
        %shift_right_logical3A_625 = vector.broadcast %shift_right_logical3A_624 : i32 to vector<16xi32>
        %shift_right_logical3A_626 = arith.shrui %get3A_614, %shift_right_logical3A_625 : vector<16xi32>
        %swap3A_627 = arith.constant 0 : i32
        %swap3A_628 = arith.index_cast %swap3A_627 : i32 to index
        %swap3A_629 = arith.constant 32 : index
        %swap3A_630 = tpu.vector_load %arg7[%swap3A_628, %swap3A_629] {strides = array<i32>} : memref<4x64xi32, #tpu.memory_space<vmem>>, vector<1x16xi32>,
        %swap3A_631 = vector.shape_cast %swap3A_630 : vector<1x16xi32> to vector<16xi32>
        %swap3A_632 = vector.shape_cast %shift_right_logical3A_626 : vector<16xi32> to vector<1x16xi32>
        tpu.vector_store %arg7[%swap3A_628, %swap3A_629], %swap3A_632 {strides = array<i32>} : memref<4x64xi32, #tpu.memory_space<vmem>>, vector<1x16xi32>,
        %get3A_633 = arith.index_cast %add3A_566 : i32 to index
        %get3A_634 = arith.constant 48 : index
        %get3A_635 = tpu.vector_load %arg5[%get3A_633, %get3A_634] {strides = array<i32>} : memref<80x128xi32, #tpu.memory_space<vmem>>, vector<1x16xi32>,
        %get3A_636 = vector.shape_cast %get3A_635 : vector<1x16xi32> to vector<16xi32>
        %and3A_637 = arith.constant 16383 : i32
        %and3A_638 = vector.broadcast %and3A_637 : i32 to vector<16xi32>
        %and3A_639 = arith.andi %get3A_636, %and3A_638 : vector<16xi32>
        %swap3A_640 = arith.constant 0 : i32
        %swap3A_641 = arith.index_cast %swap3A_640 : i32 to index
        %swap3A_642 = arith.constant 48 : index
        %swap3A_643 = tpu.vector_load %arg6[%swap3A_641, %swap3A_642] {strides = array<i32>} : memref<4x64xi32, #tpu.memory_space<vmem>>, vector<1x16xi32>,
        %swap3A_644 = vector.shape_cast %swap3A_643 : vector<1x16xi32> to vector<16xi32>
        %swap3A_645 = vector.shape_cast %and3A_639 : vector<16xi32> to vector<1x16xi32>
        tpu.vector_store %arg6[%swap3A_641, %swap3A_642], %swap3A_645 {strides = array<i32>} : memref<4x64xi32, #tpu.memory_space<vmem>>, vector<1x16xi32>,
        %shift_right_logical3A_646 = arith.constant 14 : i32
        %shift_right_logical3A_647 = vector.broadcast %shift_right_logical3A_646 : i32 to vector<16xi32>
        %shift_right_logical3A_648 = arith.shrui %get3A_636, %shift_right_logical3A_647 : vector<16xi32>
        %swap3A_649 = arith.constant 0 : i32
        %swap3A_650 = arith.index_cast %swap3A_649 : i32 to index
        %swap3A_651 = arith.constant 48 : index
        %swap3A_652 = tpu.vector_load %arg7[%swap3A_650, %swap3A_651] {strides = array<i32>} : memref<4x64xi32, #tpu.memory_space<vmem>>, vector<1x16xi32>,
        %swap3A_653 = vector.shape_cast %swap3A_652 : vector<1x16xi32> to vector<16xi32>
        %swap3A_654 = vector.shape_cast %shift_right_logical3A_648 : vector<16xi32> to vector<1x16xi32>
        tpu.vector_store %arg7[%swap3A_650, %swap3A_651], %swap3A_654 {strides = array<i32>} : memref<4x64xi32, #tpu.memory_space<vmem>>, vector<1x16xi32>,
        %get3A_655 = arith.index_cast %add3A_566 : i32 to index
        %get3A_656 = arith.constant 64 : index
        %get3A_657 = tpu.vector_load %arg5[%get3A_655, %get3A_656] {strides = array<i32>} : memref<80x128xi32, #tpu.memory_space<vmem>>, vector<1x16xi32>,
        %get3A_658 = vector.shape_cast %get3A_657 : vector<1x16xi32> to vector<16xi32>
        %and3A_659 = arith.constant 16383 : i32
        %and3A_660 = vector.broadcast %and3A_659 : i32 to vector<16xi32>
        %and3A_661 = arith.andi %get3A_658, %and3A_660 : vector<16xi32>
        %swap3A_662 = arith.constant 1 : i32
        %swap3A_663 = arith.index_cast %swap3A_662 : i32 to index
        %swap3A_664 = arith.constant 0 : index
        %swap3A_665 = tpu.vector_load %arg6[%swap3A_663, %swap3A_664] {strides = array<i32>} : memref<4x64xi32, #tpu.memory_space<vmem>>, vector<1x16xi32>,
        %swap3A_666 = vector.shape_cast %swap3A_665 : vector<1x16xi32> to vector<16xi32>
        %swap3A_667 = vector.shape_cast %and3A_661 : vector<16xi32> to vector<1x16xi32>
        tpu.vector_store %arg6[%swap3A_663, %swap3A_664], %swap3A_667 {strides = array<i32>} : memref<4x64xi32, #tpu.memory_space<vmem>>, vector<1x16xi32>,
        %shift_right_logical3A_668 = arith.constant 14 : i32
        %shift_right_logical3A_669 = vector.broadcast %shift_right_logical3A_668 : i32 to vector<16xi32>
        %shift_right_logical3A_670 = arith.shrui %get3A_658, %shift_right_logical3A_669 : vector<16xi32>
        %swap3A_671 = arith.constant 1 : i32
        %swap3A_672 = arith.index_cast %swap3A_671 : i32 to index
        %swap3A_673 = arith.constant 0 : index
        %swap3A_674 = tpu.vector_load %arg7[%swap3A_672, %swap3A_673] {strides = array<i32>} : memref<4x64xi32, #tpu.memory_space<vmem>>, vector<1x16xi32>,
        %swap3A_675 = vector.shape_cast %swap3A_674 : vector<1x16xi32> to vector<16xi32>
        %swap3A_676 = vector.shape_cast %shift_right_logical3A_670 : vector<16xi32> to vector<1x16xi32>
        tpu.vector_store %arg7[%swap3A_672, %swap3A_673], %swap3A_676 {strides = array<i32>} : memref<4x64xi32, #tpu.memory_space<vmem>>, vector<1x16xi32>,
        %get3A_677 = arith.index_cast %add3A_566 : i32 to index
        %get3A_678 = arith.constant 80 : index
        %get3A_679 = tpu.vector_load %arg5[%get3A_677, %get3A_678] {strides = array<i32>} : memref<80x128xi32, #tpu.memory_space<vmem>>, vector<1x16xi32>,
        %get3A_680 = vector.shape_cast %get3A_679 : vector<1x16xi32> to vector<16xi32>
        %and3A_681 = arith.constant 16383 : i32
        %and3A_682 = vector.broadcast %and3A_681 : i32 to vector<16xi32>
        %and3A_683 = arith.andi %get3A_680, %and3A_682 : vector<16xi32>
        %swap3A_684 = arith.constant 1 : i32
        %swap3A_685 = arith.index_cast %swap3A_684 : i32 to index
        %swap3A_686 = arith.constant 16 : index
        %swap3A_687 = tpu.vector_load %arg6[%swap3A_685, %swap3A_686] {strides = array<i32>} : memref<4x64xi32, #tpu.memory_space<vmem>>, vector<1x16xi32>,
        %swap3A_688 = vector.shape_cast %swap3A_687 : vector<1x16xi32> to vector<16xi32>
        %swap3A_689 = vector.shape_cast %and3A_683 : vector<16xi32> to vector<1x16xi32>
        tpu.vector_store %arg6[%swap3A_685, %swap3A_686], %swap3A_689 {strides = array<i32>} : memref<4x64xi32, #tpu.memory_space<vmem>>, vector<1x16xi32>,
        %shift_right_logical3A_690 = arith.constant 14 : i32
        %shift_right_logical3A_691 = vector.broadcast %shift_right_logical3A_690 : i32 to vector<16xi32>
        %shift_right_logical3A_692 = arith.shrui %get3A_680, %shift_right_logical3A_691 : vector<16xi32>
        %swap3A_693 = arith.constant 1 : i32
        %swap3A_694 = arith.index_cast %swap3A_693 : i32 to index
        %swap3A_695 = arith.constant 16 : index
        %swap3A_696 = tpu.vector_load %arg7[%swap3A_694, %swap3A_695] {strides = array<i32>} : memref<4x64xi32, #tpu.memory_space<vmem>>, vector<1x16xi32>,
        %swap3A_697 = vector.shape_cast %swap3A_696 : vector<1x16xi32> to vector<16xi32>
        %swap3A_698 = vector.shape_cast %shift_right_logical3A_692 : vector<16xi32> to vector<1x16xi32>
        tpu.vector_store %arg7[%swap3A_694, %swap3A_695], %swap3A_698 {strides = array<i32>} : memref<4x64xi32, #tpu.memory_space<vmem>>, vector<1x16xi32>,
        %get3A_699 = arith.index_cast %add3A_566 : i32 to index
        %get3A_700 = arith.constant 96 : index
        %get3A_701 = tpu.vector_load %arg5[%get3A_699, %get3A_700] {strides = array<i32>} : memref<80x128xi32, #tpu.memory_space<vmem>>, vector<1x16xi32>,
        %get3A_702 = vector.shape_cast %get3A_701 : vector<1x16xi32> to vector<16xi32>
        %and3A_703 = arith.constant 16383 : i32
        %and3A_704 = vector.broadcast %and3A_703 : i32 to vector<16xi32>
        %and3A_705 = arith.andi %get3A_702, %and3A_704 : vector<16xi32>
        %swap3A_706 = arith.constant 1 : i32
        %swap3A_707 = arith.index_cast %swap3A_706 : i32 to index
        %swap3A_708 = arith.constant 32 : index
        %swap3A_709 = tpu.vector_load %arg6[%swap3A_707, %swap3A_708] {strides = array<i32>} : memref<4x64xi32, #tpu.memory_space<vmem>>, vector<1x16xi32>,
        %swap3A_710 = vector.shape_cast %swap3A_709 : vector<1x16xi32> to vector<16xi32>
        %swap3A_711 = vector.shape_cast %and3A_705 : vector<16xi32> to vector<1x16xi32>
        tpu.vector_store %arg6[%swap3A_707, %swap3A_708], %swap3A_711 {strides = array<i32>} : memref<4x64xi32, #tpu.memory_space<vmem>>, vector<1x16xi32>,
        %shift_right_logical3A_712 = arith.constant 14 : i32
        %shift_right_logical3A_713 = vector.broadcast %shift_right_logical3A_712 : i32 to vector<16xi32>
        %shift_right_logical3A_714 = arith.shrui %get3A_702, %shift_right_logical3A_713 : vector<16xi32>
        %swap3A_715 = arith.constant 1 : i32
        %swap3A_716 = arith.index_cast %swap3A_715 : i32 to index
        %swap3A_717 = arith.constant 32 : index
        %swap3A_718 = tpu.vector_load %arg7[%swap3A_716, %swap3A_717] {strides = array<i32>} : memref<4x64xi32, #tpu.memory_space<vmem>>, vector<1x16xi32>,
        %swap3A_719 = vector.shape_cast %swap3A_718 : vector<1x16xi32> to vector<16xi32>
        %swap3A_720 = vector.shape_cast %shift_right_logical3A_714 : vector<16xi32> to vector<1x16xi32>
        tpu.vector_store %arg7[%swap3A_716, %swap3A_717], %swap3A_720 {strides = array<i32>} : memref<4x64xi32, #tpu.memory_space<vmem>>, vector<1x16xi32>,
        %get3A_721 = arith.index_cast %add3A_566 : i32 to index
        %get3A_722 = arith.constant 112 : index
        %get3A_723 = tpu.vector_load %arg5[%get3A_721, %get3A_722] {strides = array<i32>} : memref<80x128xi32, #tpu.memory_space<vmem>>, vector<1x16xi32>,
        %get3A_724 = vector.shape_cast %get3A_723 : vector<1x16xi32> to vector<16xi32>
        %and3A_725 = arith.constant 16383 : i32
        %and3A_726 = vector.broadcast %and3A_725 : i32 to vector<16xi32>
        %and3A_727 = arith.andi %get3A_724, %and3A_726 : vector<16xi32>
        %swap3A_728 = arith.constant 1 : i32
        %swap3A_729 = arith.index_cast %swap3A_728 : i32 to index
        %swap3A_730 = arith.constant 48 : index
        %swap3A_731 = tpu.vector_load %arg6[%swap3A_729, %swap3A_730] {strides = array<i32>} : memref<4x64xi32, #tpu.memory_space<vmem>>, vector<1x16xi32>,
        %swap3A_732 = vector.shape_cast %swap3A_731 : vector<1x16xi32> to vector<16xi32>
        %swap3A_733 = vector.shape_cast %and3A_727 : vector<16xi32> to vector<1x16xi32>
        tpu.vector_store %arg6[%swap3A_729, %swap3A_730], %swap3A_733 {strides = array<i32>} : memref<4x64xi32, #tpu.memory_space<vmem>>, vector<1x16xi32>,
        %shift_right_logical3A_734 = arith.constant 14 : i32
        %shift_right_logical3A_735 = vector.broadcast %shift_right_logical3A_734 : i32 to vector<16xi32>
        %shift_right_logical3A_736 = arith.shrui %get3A_724, %shift_right_logical3A_735 : vector<16xi32>
        %swap3A_737 = arith.constant 1 : i32
        %swap3A_738 = arith.index_cast %swap3A_737 : i32 to index
        %swap3A_739 = arith.constant 48 : index
        %swap3A_740 = tpu.vector_load %arg7[%swap3A_738, %swap3A_739] {strides = array<i32>} : memref<4x64xi32, #tpu.memory_space<vmem>>, vector<1x16xi32>,
        %swap3A_741 = vector.shape_cast %swap3A_740 : vector<1x16xi32> to vector<16xi32>
        %swap3A_742 = vector.shape_cast %shift_right_logical3A_736 : vector<16xi32> to vector<1x16xi32>
        tpu.vector_store %arg7[%swap3A_738, %swap3A_739], %swap3A_742 {strides = array<i32>} : memref<4x64xi32, #tpu.memory_space<vmem>>, vector<1x16xi32>,
        %dma_start3A_743 = arith.constant 0 : i32
        %dma_start3A_744 = arith.constant 0 : i32
        %dma_start3A_745 = arith.constant 0 : i32
        %dma_start3A_746 = tpu.memref_slice %arg8[%dma_start3A_744, %dma_start3A_745] : memref<256x128xf32, #tpu.memory_space<vmem>> -> memref<64x128xf32, #tpu.memory_space<vmem>>
        %dma_start3A_747 = arith.constant 0 : i32
        %dma_start3A_748 = tpu.memref_slice %arg6[%dma_start3A_743, %dma_start3A_747] : memref<4x64xi32, #tpu.memory_space<vmem>> -> memref<1x64xi32, #tpu.memory_space<vmem>>
        %dma_start3A_749 = tpu.memref_squeeze %dma_start3A_748 : memref<1x64xi32, #tpu.memory_space<vmem>> -> memref<64xi32, #tpu.memory_space<vmem>>
        %dma_start3A_750 = arith.constant 0 : i32
        %dma_start3A_751 = arith.constant 0 : i32
        %dma_start3A_752 = tpu.memref_slice %arg2[%dma_start3A_750, %dma_start3A_751] : memref<10240x128xf32, #tpu.memory_space<hbm>> -> memref<10240x128xf32, #tpu.memory_space<hbm>>
        tpu.enqueue_indirect_dma source(%dma_start3A_752 : memref<10240x128xf32, #tpu.memory_space<hbm>>) target(%dma_start3A_746 : memref<64x128xf32, #tpu.memory_space<vmem>>) offsets(%dma_start3A_749 : memref<64xi32, #tpu.memory_space<vmem>>) semaphore(%arg10 : memref<!tpu.dma_semaphore, #tpu.memory_space<semaphore_mem>>)
        %dma_start3A_753 = arith.constant 1 : i32
        %dma_start3A_754 = arith.constant 64 : i32
        %dma_start3A_755 = arith.constant 0 : i32
        %dma_start3A_756 = tpu.memref_slice %arg8[%dma_start3A_754, %dma_start3A_755] : memref<256x128xf32, #tpu.memory_space<vmem>> -> memref<64x128xf32, #tpu.memory_space<vmem>>
        %dma_start3A_757 = arith.constant 0 : i32
        %dma_start3A_758 = tpu.memref_slice %arg6[%dma_start3A_753, %dma_start3A_757] : memref<4x64xi32, #tpu.memory_space<vmem>> -> memref<1x64xi32, #tpu.memory_space<vmem>>
        %dma_start3A_759 = tpu.memref_squeeze %dma_start3A_758 : memref<1x64xi32, #tpu.memory_space<vmem>> -> memref<64xi32, #tpu.memory_space<vmem>>
        %dma_start3A_760 = arith.constant 0 : i32
        %dma_start3A_761 = arith.constant 0 : i32
        %dma_start3A_762 = tpu.memref_slice %arg2[%dma_start3A_760, %dma_start3A_761] : memref<10240x128xf32, #tpu.memory_space<hbm>> -> memref<10240x128xf32, #tpu.memory_space<hbm>>
        tpu.enqueue_indirect_dma source(%dma_start3A_762 : memref<10240x128xf32, #tpu.memory_space<hbm>>) target(%dma_start3A_756 : memref<64x128xf32, #tpu.memory_space<vmem>>) offsets(%dma_start3A_759 : memref<64xi32, #tpu.memory_space<vmem>>) semaphore(%arg10 : memref<!tpu.dma_semaphore, #tpu.memory_space<semaphore_mem>>)
      } else {
      }
    }
    %scan3A_213 = arith.constant 40 : i32
    %dma_wait3A = arith.constant 0 : i32
    %dma_wait3A_214 = arith.constant 0 : i32
    %dma_wait3A_215 = arith.constant 0 : i32
    %dma_wait3A_216 = tpu.memref_slice %arg8[%dma_wait3A_214, %dma_wait3A_215] : memref<256x128xf32, #tpu.memory_space<vmem>> -> memref<64x128xf32, #tpu.memory_space<vmem>>
    %dma_wait3A_217 = arith.constant 0 : i32
    %dma_wait3A_218 = tpu.memref_slice %arg7[%dma_wait3A, %dma_wait3A_217] : memref<4x64xi32, #tpu.memory_space<vmem>> -> memref<1x64xi32, #tpu.memory_space<vmem>>
    %dma_wait3A_219 = tpu.memref_squeeze %dma_wait3A_218 : memref<1x64xi32, #tpu.memory_space<vmem>> -> memref<64xi32, #tpu.memory_space<vmem>>
    %dma_wait3A_220 = arith.constant 0 : i32
    %dma_wait3A_221 = arith.constant 0 : i32
    %dma_wait3A_222 = tpu.memref_slice %arg9[%dma_wait3A_220, %dma_wait3A_221] : memref<10240x128xf32, #tpu.memory_space<vmem_shared>> -> memref<10240x128xf32, #tpu.memory_space<vmem_shared>>
    tpu.wait_indirect_dma semaphore(%arg11 : memref<!tpu.dma_semaphore, #tpu.memory_space<semaphore_mem>>) src(%dma_wait3A_216 : memref<64x128xf32, #tpu.memory_space<vmem>>) dst(%dma_wait3A_222 : memref<10240x128xf32, #tpu.memory_space<vmem_shared>>)
    %dma_wait3A_223 = arith.constant 0 : i32
    %dma_wait3A_224 = arith.constant 0 : i32
    %dma_wait3A_225 = arith.constant 0 : i32
    %dma_wait3A_226 = tpu.memref_slice %arg8[%dma_wait3A_224, %dma_wait3A_225] : memref<256x128xf32, #tpu.memory_space<vmem>> -> memref<64x128xf32, #tpu.memory_space<vmem>>
    %dma_wait3A_227 = arith.constant 0 : i32
    %dma_wait3A_228 = tpu.memref_slice %arg7[%dma_wait3A_223, %dma_wait3A_227] : memref<4x64xi32, #tpu.memory_space<vmem>> -> memref<1x64xi32, #tpu.memory_space<vmem>>
    %dma_wait3A_229 = tpu.memref_squeeze %dma_wait3A_228 : memref<1x64xi32, #tpu.memory_space<vmem>> -> memref<64xi32, #tpu.memory_space<vmem>>
    %dma_wait3A_230 = arith.constant 0 : i32
    %dma_wait3A_231 = arith.constant 0 : i32
    %dma_wait3A_232 = tpu.memref_slice %arg9[%dma_wait3A_230, %dma_wait3A_231] : memref<10240x128xf32, #tpu.memory_space<vmem_shared>> -> memref<10240x128xf32, #tpu.memory_space<vmem_shared>>
    tpu.wait_indirect_dma semaphore(%arg11 : memref<!tpu.dma_semaphore, #tpu.memory_space<semaphore_mem>>) src(%dma_wait3A_226 : memref<64x128xf32, #tpu.memory_space<vmem>>) dst(%dma_wait3A_232 : memref<10240x128xf32, #tpu.memory_space<vmem_shared>>)
    %dma_wait3A_233 = arith.constant 0 : i32
    %dma_wait3A_234 = arith.constant 0 : i32
    %dma_wait3A_235 = arith.constant 0 : i32
    %dma_wait3A_236 = tpu.memref_slice %arg8[%dma_wait3A_234, %dma_wait3A_235] : memref<256x128xf32, #tpu.memory_space<vmem>> -> memref<64x128xf32, #tpu.memory_space<vmem>>
    %dma_wait3A_237 = arith.constant 0 : i32
    %dma_wait3A_238 = tpu.memref_slice %arg7[%dma_wait3A_233, %dma_wait3A_237] : memref<4x64xi32, #tpu.memory_space<vmem>> -> memref<1x64xi32, #tpu.memory_space<vmem>>
    %dma_wait3A_239 = tpu.memref_squeeze %dma_wait3A_238 : memref<1x64xi32, #tpu.memory_space<vmem>> -> memref<64xi32, #tpu.memory_space<vmem>>
    %dma_wait3A_240 = arith.constant 0 : i32
    %dma_wait3A_241 = arith.constant 0 : i32
    %dma_wait3A_242 = tpu.memref_slice %arg9[%dma_wait3A_240, %dma_wait3A_241] : memref<10240x128xf32, #tpu.memory_space<vmem_shared>> -> memref<10240x128xf32, #tpu.memory_space<vmem_shared>>
    tpu.wait_indirect_dma semaphore(%arg11 : memref<!tpu.dma_semaphore, #tpu.memory_space<semaphore_mem>>) src(%dma_wait3A_236 : memref<64x128xf32, #tpu.memory_space<vmem>>) dst(%dma_wait3A_242 : memref<10240x128xf32, #tpu.memory_space<vmem_shared>>)
    %dma_wait3A_243 = arith.constant 0 : i32
    %dma_wait3A_244 = arith.constant 0 : i32
    %dma_wait3A_245 = arith.constant 0 : i32
    %dma_wait3A_246 = tpu.memref_slice %arg8[%dma_wait3A_244, %dma_wait3A_245] : memref<256x128xf32, #tpu.memory_space<vmem>> -> memref<64x128xf32, #tpu.memory_space<vmem>>
    %dma_wait3A_247 = arith.constant 0 : i32
    %dma_wait3A_248 = tpu.memref_slice %arg7[%dma_wait3A_243, %dma_wait3A_247] : memref<4x64xi32, #tpu.memory_space<vmem>> -> memref<1x64xi32, #tpu.memory_space<vmem>>
    %dma_wait3A_249 = tpu.memref_squeeze %dma_wait3A_248 : memref<1x64xi32, #tpu.memory_space<vmem>> -> memref<64xi32, #tpu.memory_space<vmem>>
    %dma_wait3A_250 = arith.constant 0 : i32
    %dma_wait3A_251 = arith.constant 0 : i32
    %dma_wait3A_252 = tpu.memref_slice %arg9[%dma_wait3A_250, %dma_wait3A_251] : memref<10240x128xf32, #tpu.memory_space<vmem_shared>> -> memref<10240x128xf32, #tpu.memory_space<vmem_shared>>
    tpu.wait_indirect_dma semaphore(%arg11 : memref<!tpu.dma_semaphore, #tpu.memory_space<semaphore_mem>>) src(%dma_wait3A_246 : memref<64x128xf32, #tpu.memory_space<vmem>>) dst(%dma_wait3A_252 : memref<10240x128xf32, #tpu.memory_space<vmem_shared>>)
    %barrier3A_253 = arith.constant 0 : index
    tpu.barrier barrier_id(%barrier3A_253)
    "tpu.region"() ({
      %run_scoped3A = tpu.sem_alloc : memref<!tpu.dma_semaphore, #tpu.memory_space<semaphore_mem>>
      %dma_start3A_254 = arith.constant 0 : i32
      %dma_start3A_255 = tpu.memref_slice %arg4[%arg0, %mul3A_2, %dma_start3A_254] : memref<2x10240x128xf32, #tpu.memory_space<hbm>> -> memref<1x640x128xf32, #tpu.memory_space<hbm>>
      %dma_start3A_256 = tpu.memref_squeeze %dma_start3A_255 : memref<1x640x128xf32, #tpu.memory_space<hbm>> -> memref<640x128xf32, #tpu.memory_space<hbm>>
      %dma_start3A_257 = arith.constant 0 : i32
      %dma_start3A_258 = tpu.memref_slice %arg9[%mul3A_2, %dma_start3A_257] : memref<10240x128xf32, #tpu.memory_space<vmem_shared>> -> memref<640x128xf32, #tpu.memory_space<vmem_shared>>
      tpu.enqueue_dma source(%dma_start3A_258 : memref<640x128xf32, #tpu.memory_space<vmem_shared>>) target(%dma_start3A_256 : memref<640x128xf32, #tpu.memory_space<hbm>>) target_semaphore(%run_scoped3A : memref<!tpu.dma_semaphore, #tpu.memory_space<semaphore_mem>>)
      %dma_wait3A_259 = arith.constant 0 : i32
      %dma_wait3A_260 = tpu.memref_slice %arg4[%arg0, %mul3A_2, %dma_wait3A_259] : memref<2x10240x128xf32, #tpu.memory_space<hbm>> -> memref<1x640x128xf32, #tpu.memory_space<hbm>>
      %dma_wait3A_261 = tpu.memref_squeeze %dma_wait3A_260 : memref<1x640x128xf32, #tpu.memory_space<hbm>> -> memref<640x128xf32, #tpu.memory_space<hbm>>
      %dma_wait3A_262 = arith.constant 0 : i32
      %dma_wait3A_263 = tpu.memref_slice %arg9[%mul3A_2, %dma_wait3A_262] : memref<10240x128xf32, #tpu.memory_space<vmem_shared>> -> memref<640x128xf32, #tpu.memory_space<vmem_shared>>
      tpu.wait_dma2 semaphore(%run_scoped3A : memref<!tpu.dma_semaphore, #tpu.memory_space<semaphore_mem>>) src(%dma_wait3A_263 : memref<640x128xf32, #tpu.memory_space<vmem_shared>>) dst(%dma_wait3A_261 : memref<640x128xf32, #tpu.memory_space<hbm>>)
      tpu.yield
    }) : () -> ()
    return
  }
}

module attributes {stable_mosaic.version = 14 : i64} {
  func.func @_mm_body(%arg0: i32, %arg1: memref<2048x128xf32, #tpu.memory_space<vmem>>, %arg2: memref<128x128xf32, #tpu.memory_space<vmem>>, %arg3: memref<2048x128xf32, #tpu.memory_space<vmem>>) attributes {dimension_semantics = [#tpu.dimension_semantics<arbitrary>], iteration_bounds = array<i64: 5>, scalar_prefetch = 0 : i64, scratch_operands = 0 : i64, tpu.core_type = #tpu.core_type<tc>, window_params = [{transform_indices = @transform_0, window_bounds = array<i64: 2048, 128>}, {pipeline_mode = #tpu.pipeline_mode<synchronous>, transform_indices = @transform_1, window_bounds = array<i64: 128, 128>}, {transform_indices = @transform_2, window_bounds = array<i64: 2048, 128>}]} {
    %get3A = arith.constant 0 : index
    %get3A_0 = arith.constant 0 : index
    %get3A_1 = vector.load %arg1[%get3A, %get3A_0] : memref<2048x128xf32, #tpu.memory_space<vmem>>, vector<2048x128xf32>
    %get3A_2 = arith.constant 0 : index
    %get3A_3 = arith.constant 0 : index
    %get3A_4 = vector.load %arg2[%get3A_2, %get3A_3] : memref<128x128xf32, #tpu.memory_space<vmem>>, vector<128x128xf32>
    %dot_general3A = arith.constant dense<0.000000e+00> : vector<2048x128xf32>
    %dot_general3A_5 = tpu.matmul %get3A_1, %get3A_4, %dot_general3A {dimension_numbers = #tpu.dot_dimension_numbers<[1], [0], [0], [1], [0, 0, 1, 1], [], []>, transpose_lhs_hint = false} : vector<2048x128xf32>, vector<128x128xf32>, vector<2048x128xf32> -> vector<2048x128xf32>
    %swap3A = arith.constant 0 : index
    %swap3A_6 = arith.constant 0 : index
    %swap3A_7 = vector.load %arg3[%swap3A, %swap3A_6] : memref<2048x128xf32, #tpu.memory_space<vmem>>, vector<2048x128xf32>
    tpu.vector_store %arg3[%swap3A, %swap3A_6], %dot_general3A_5 {strides = array<i32>} : memref<2048x128xf32, #tpu.memory_space<vmem>>, vector<2048x128xf32>,
    return
  }
  func.func @transform_0(%arg0: i32) -> (i32, i32) {
    %c0_i32 = arith.constant 0 : i32
    %c0_i32_0 = arith.constant 0 : i32
    return %arg0, %c0_i32 : i32, i32
  }
  func.func @transform_1(%arg0: i32) -> (i32, i32) {
    %c0_i32 = arith.constant 0 : i32
    %c0_i32_0 = arith.constant 0 : i32
    %c0_i32_1 = arith.constant 0 : i32
    return %c0_i32, %c0_i32_0 : i32, i32
  }
  func.func @transform_2(%arg0: i32) -> (i32, i32) {
    %c0_i32 = arith.constant 0 : i32
    %c0_i32_0 = arith.constant 0 : i32
    return %arg0, %c0_i32 : i32, i32
  }
}

module attributes {stable_mosaic.version = 14 : i64} {
  func.func @_scale_body(%arg0: i32, %arg1: memref<2048x128xf32, #tpu.memory_space<vmem>>, %arg2: memref<2x2048x16xf32, #tpu.memory_space<vmem>>, %arg3: memref<2048x128xf32, #tpu.memory_space<vmem>>) attributes {dimension_semantics = [#tpu.dimension_semantics<arbitrary>], iteration_bounds = array<i64: 5>, scalar_prefetch = 0 : i64, scratch_operands = 0 : i64, tpu.core_type = #tpu.core_type<tc>, window_params = [{transform_indices = @transform_0, window_bounds = array<i64: 2048, 128>}, {transform_indices = @transform_1, window_bounds = array<i64: 2, 2048, 16>}, {transform_indices = @transform_2, window_bounds = array<i64: 2048, 128>}]} {
    %get3A = arith.constant 0 : index
    %get3A_0 = arith.constant 0 : index
    %get3A_1 = arith.constant 0 : index
    %get3A_2 = vector.load %arg2[%get3A, %get3A_0, %get3A_1] : memref<2x2048x16xf32, #tpu.memory_space<vmem>>, vector<1x2048x1xf32>
    %get3A_3 = vector.shape_cast %get3A_2 : vector<1x2048x1xf32> to vector<2048x1xf32>
    %get3A_4 = arith.constant 1 : index
    %get3A_5 = arith.constant 0 : index
    %get3A_6 = arith.constant 0 : index
    %get3A_7 = vector.load %arg2[%get3A_4, %get3A_5, %get3A_6] : memref<2x2048x16xf32, #tpu.memory_space<vmem>>, vector<1x2048x1xf32>
    %get3A_8 = vector.shape_cast %get3A_7 : vector<1x2048x1xf32> to vector<2048x1xf32>
    %add3A = arith.addf %get3A_3, %get3A_8 : vector<2048x1xf32>
    %add3A_9 = arith.constant 1.000000e+00 : f32
    %add3A_10 = vector.broadcast %add3A_9 : f32 to vector<2048x1xf32>
    %add3A_11 = arith.addf %add3A_10, %add3A : vector<2048x1xf32>
    %rsqrt3A = math.rsqrt %add3A_11 : vector<2048x1xf32>
    %get3A_12 = arith.constant 0 : index
    %get3A_13 = arith.constant 0 : index
    %get3A_14 = vector.load %arg1[%get3A_12, %get3A_13] : memref<2048x128xf32, #tpu.memory_space<vmem>>, vector<2048x128xf32>
    %mul3A = vector.broadcast %rsqrt3A : vector<2048x1xf32> to vector<2048x128xf32>
    %mul3A_15 = arith.mulf %get3A_14, %mul3A : vector<2048x128xf32>
    %swap3A = arith.constant 0 : index
    %swap3A_16 = arith.constant 0 : index
    %swap3A_17 = vector.load %arg3[%swap3A, %swap3A_16] : memref<2048x128xf32, #tpu.memory_space<vmem>>, vector<2048x128xf32>
    tpu.vector_store %arg3[%swap3A, %swap3A_16], %mul3A_15 {strides = array<i32>} : memref<2048x128xf32, #tpu.memory_space<vmem>>, vector<2048x128xf32>,
    return
  }
  func.func @transform_0(%arg0: i32) -> (i32, i32) {
    %c0_i32 = arith.constant 0 : i32
    %c0_i32_0 = arith.constant 0 : i32
    return %arg0, %c0_i32 : i32, i32
  }
  func.func @transform_1(%arg0: i32) -> (i32, i32, i32) {
    %c0_i32 = arith.constant 0 : i32
    %c0_i32_0 = arith.constant 0 : i32
    %c0_i32_1 = arith.constant 0 : i32
    return %arg0, %c0_i32, %c0_i32_0 : i32, i32, i32
  }
  func.func @transform_2(%arg0: i32) -> (i32, i32) {
    %c0_i32 = arith.constant 0 : i32
    %c0_i32_0 = arith.constant 0 : i32
    return %arg0, %c0_i32 : i32, i32
  }
}

module attributes {stable_mosaic.version = 14 : i64} {
  func.func @_layer_body(%arg0: i32, %arg1: memref<2x2048x128xf32, #tpu.memory_space<vmem>>, %arg2: memref<2048x128xf32, #tpu.memory_space<vmem>>, %arg3: memref<2x2048x16xf32, #tpu.memory_space<vmem>>, %arg4: memref<128x128xf32, #tpu.memory_space<vmem>>, %arg5: memref<1x128xf32, #tpu.memory_space<vmem>>, %arg6: memref<1x128xf32, #tpu.memory_space<vmem>>, %arg7: memref<2048x128xf32, #tpu.memory_space<vmem>>, %arg8: memref<2048x128xf32, #tpu.memory_space<vmem>>) attributes {dimension_semantics = [#tpu.dimension_semantics<arbitrary>], iteration_bounds = array<i64: 5>, scalar_prefetch = 0 : i64, scratch_operands = 0 : i64, tpu.core_type = #tpu.core_type<tc>, window_params = [{transform_indices = @transform_0, window_bounds = array<i64: 2, 2048, 128>}, {transform_indices = @transform_1, window_bounds = array<i64: 2048, 128>}, {transform_indices = @transform_2, window_bounds = array<i64: 2, 2048, 16>}, {pipeline_mode = #tpu.pipeline_mode<synchronous>, transform_indices = @transform_3, window_bounds = array<i64: 128, 128>}, {pipeline_mode = #tpu.pipeline_mode<synchronous>, transform_indices = @transform_4, window_bounds = array<i64: 1, 128>}, {pipeline_mode = #tpu.pipeline_mode<synchronous>, transform_indices = @transform_5, window_bounds = array<i64: 1, 128>}, {transform_indices = @transform_6, window_bounds = array<i64: 2048, 128>}, {transform_indices = @transform_7, window_bounds = array<i64: 2048, 128>}]} {
    %get3A = arith.constant 0 : index
    %get3A_0 = arith.constant 0 : index
    %get3A_1 = arith.constant 0 : index
    %get3A_2 = vector.load %arg3[%get3A, %get3A_0, %get3A_1] : memref<2x2048x16xf32, #tpu.memory_space<vmem>>, vector<1x2048x1xf32>
    %get3A_3 = vector.shape_cast %get3A_2 : vector<1x2048x1xf32> to vector<2048x1xf32>
    %get3A_4 = arith.constant 1 : index
    %get3A_5 = arith.constant 0 : index
    %get3A_6 = arith.constant 0 : index
    %get3A_7 = vector.load %arg3[%get3A_4, %get3A_5, %get3A_6] : memref<2x2048x16xf32, #tpu.memory_space<vmem>>, vector<1x2048x1xf32>
    %get3A_8 = vector.shape_cast %get3A_7 : vector<1x2048x1xf32> to vector<2048x1xf32>
    %add3A = arith.addf %get3A_3, %get3A_8 : vector<2048x1xf32>
    %add3A_9 = arith.constant 1.000000e+00 : f32
    %add3A_10 = vector.broadcast %add3A_9 : f32 to vector<2048x1xf32>
    %add3A_11 = arith.addf %add3A_10, %add3A : vector<2048x1xf32>
    %rsqrt3A = math.rsqrt %add3A_11 : vector<2048x1xf32>
    %get3A_12 = arith.constant 0 : index
    %get3A_13 = arith.constant 0 : index
    %get3A_14 = arith.constant 0 : index
    %get3A_15 = vector.load %arg1[%get3A_12, %get3A_13, %get3A_14] : memref<2x2048x128xf32, #tpu.memory_space<vmem>>, vector<1x2048x128xf32>
    %get3A_16 = vector.shape_cast %get3A_15 : vector<1x2048x128xf32> to vector<2048x128xf32>
    %get3A_17 = arith.constant 1 : index
    %get3A_18 = arith.constant 0 : index
    %get3A_19 = arith.constant 0 : index
    %get3A_20 = vector.load %arg1[%get3A_17, %get3A_18, %get3A_19] : memref<2x2048x128xf32, #tpu.memory_space<vmem>>, vector<1x2048x128xf32>
    %get3A_21 = vector.shape_cast %get3A_20 : vector<1x2048x128xf32> to vector<2048x128xf32>
    %add3A_22 = arith.addf %get3A_16, %get3A_21 : vector<2048x128xf32>
    %mul3A = vector.broadcast %rsqrt3A : vector<2048x1xf32> to vector<2048x128xf32>
    %mul3A_23 = arith.mulf %add3A_22, %mul3A : vector<2048x128xf32>
    %get3A_24 = arith.constant 0 : index
    %get3A_25 = arith.constant 0 : index
    %get3A_26 = vector.load %arg4[%get3A_24, %get3A_25] : memref<128x128xf32, #tpu.memory_space<vmem>>, vector<128x128xf32>
    %dot_general3A = arith.constant dense<0.000000e+00> : vector<2048x128xf32>
    %dot_general3A_27 = tpu.matmul %mul3A_23, %get3A_26, %dot_general3A {dimension_numbers = #tpu.dot_dimension_numbers<[1], [0], [0], [1], [0, 0, 1, 1], [], []>, transpose_lhs_hint = false} : vector<2048x128xf32>, vector<128x128xf32>, vector<2048x128xf32> -> vector<2048x128xf32>
    %max3A = arith.constant 0.000000e+00 : f32
    %max3A_28 = vector.broadcast %max3A : f32 to vector<2048x128xf32>
    %max3A_29 = arith.maximumf %dot_general3A_27, %max3A_28 : vector<2048x128xf32>
    %get3A_30 = arith.constant 0 : index
    %get3A_31 = arith.constant 0 : index
    %get3A_32 = vector.load %arg5[%get3A_30, %get3A_31] : memref<1x128xf32, #tpu.memory_space<vmem>>, vector<1x128xf32>
    %mul3A_33 = arith.constant 0.999994993 : f32
    %mul3A_34 = vector.broadcast %mul3A_33 : f32 to vector<1x128xf32>
    %mul3A_35 = arith.mulf %get3A_32, %mul3A_34 : vector<1x128xf32>
    %mul3A_36 = vector.broadcast %mul3A_35 : vector<1x128xf32> to vector<2048x128xf32>
    %mul3A_37 = arith.mulf %max3A_29, %mul3A_36 : vector<2048x128xf32>
    %get3A_38 = arith.constant 0 : index
    %get3A_39 = arith.constant 0 : index
    %get3A_40 = vector.load %arg6[%get3A_38, %get3A_39] : memref<1x128xf32, #tpu.memory_space<vmem>>, vector<1x128xf32>
    %add3A_41 = vector.broadcast %get3A_40 : vector<1x128xf32> to vector<2048x128xf32>
    %add3A_42 = arith.addf %mul3A_37, %add3A_41 : vector<2048x128xf32>
    %tanh3A = math.tanh %add3A_42 : vector<2048x128xf32>
    %get3A_43 = arith.constant 0 : index
    %get3A_44 = arith.constant 0 : index
    %get3A_45 = vector.load %arg2[%get3A_43, %get3A_44] : memref<2048x128xf32, #tpu.memory_space<vmem>>, vector<2048x128xf32>
    %add3A_46 = arith.addf %tanh3A, %get3A_45 : vector<2048x128xf32>
    %swap3A = arith.constant 0 : index
    %swap3A_47 = arith.constant 0 : index
    %swap3A_48 = vector.load %arg7[%swap3A, %swap3A_47] : memref<2048x128xf32, #tpu.memory_space<vmem>>, vector<2048x128xf32>
    tpu.vector_store %arg7[%swap3A, %swap3A_47], %add3A_46 {strides = array<i32>} : memref<2048x128xf32, #tpu.memory_space<vmem>>, vector<2048x128xf32>,
    %mul3A_49 = vector.broadcast %rsqrt3A : vector<2048x1xf32> to vector<2048x128xf32>
    %mul3A_50 = arith.mulf %add3A_46, %mul3A_49 : vector<2048x128xf32>
    %swap3A_51 = arith.constant 0 : index
    %swap3A_52 = arith.constant 0 : index
    %swap3A_53 = vector.load %arg8[%swap3A_51, %swap3A_52] : memref<2048x128xf32, #tpu.memory_space<vmem>>, vector<2048x128xf32>
    tpu.vector_store %arg8[%swap3A_51, %swap3A_52], %mul3A_50 {strides = array<i32>} : memref<2048x128xf32, #tpu.memory_space<vmem>>, vector<2048x128xf32>,
    return
  }
  func.func @transform_0(%arg0: i32) -> (i32, i32, i32) {
    %c0_i32 = arith.constant 0 : i32
    %c0_i32_0 = arith.constant 0 : i32
    %c0_i32_1 = arith.constant 0 : i32
    return %arg0, %c0_i32, %c0_i32_0 : i32, i32, i32
  }
  func.func @transform_1(%arg0: i32) -> (i32, i32) {
    %c0_i32 = arith.constant 0 : i32
    %c0_i32_0 = arith.constant 0 : i32
    return %arg0, %c0_i32 : i32, i32
  }
  func.func @transform_2(%arg0: i32) -> (i32, i32, i32) {
    %c0_i32 = arith.constant 0 : i32
    %c0_i32_0 = arith.constant 0 : i32
    %c0_i32_1 = arith.constant 0 : i32
    return %arg0, %c0_i32, %c0_i32_0 : i32, i32, i32
  }
  func.func @transform_3(%arg0: i32) -> (i32, i32) {
    %c0_i32 = arith.constant 0 : i32
    %c0_i32_0 = arith.constant 0 : i32
    %c0_i32_1 = arith.constant 0 : i32
    return %c0_i32, %c0_i32_0 : i32, i32
  }
  func.func @transform_4(%arg0: i32) -> (i32, i32) {
    %c0_i32 = arith.constant 0 : i32
    %c0_i32_0 = arith.constant 0 : i32
    %c0_i32_1 = arith.constant 0 : i32
    return %c0_i32, %c0_i32_0 : i32, i32
  }
  func.func @transform_5(%arg0: i32) -> (i32, i32) {
    %c0_i32 = arith.constant 0 : i32
    %c0_i32_0 = arith.constant 0 : i32
    %c0_i32_1 = arith.constant 0 : i32
    return %c0_i32, %c0_i32_0 : i32, i32
  }
  func.func @transform_6(%arg0: i32) -> (i32, i32) {
    %c0_i32 = arith.constant 0 : i32
    %c0_i32_0 = arith.constant 0 : i32
    return %arg0, %c0_i32 : i32, i32
  }
  func.func @transform_7(%arg0: i32) -> (i32, i32) {
    %c0_i32 = arith.constant 0 : i32
    %c0_i32_0 = arith.constant 0 : i32
    return %arg0, %c0_i32 : i32, i32
  }
}

module attributes {stable_mosaic.version = 14 : i64} {
  func.func @_final_body(%arg0: i32, %arg1: memref<2x2048x128xf32, #tpu.memory_space<vmem>>, %arg2: memref<2048x128xf32, #tpu.memory_space<vmem>>, %arg3: memref<2x2048x16xf32, #tpu.memory_space<vmem>>, %arg4: memref<128x128xf32, #tpu.memory_space<vmem>>, %arg5: memref<1x128xf32, #tpu.memory_space<vmem>>, %arg6: memref<1x128xf32, #tpu.memory_space<vmem>>, %arg7: memref<128x128xf32, #tpu.memory_space<vmem>>, %arg8: memref<1x128xf32, #tpu.memory_space<vmem>>, %arg9: memref<128x128xf32, #tpu.memory_space<vmem>>, %arg10: memref<1x128xf32, #tpu.memory_space<vmem>>, %arg11: memref<128x128xf32, #tpu.memory_space<vmem>>, %arg12: memref<1x128xf32, #tpu.memory_space<vmem>>, %arg13: memref<128x40xf32, #tpu.memory_space<vmem>>, %arg14: memref<1x40xf32, #tpu.memory_space<vmem>>, %arg15: memref<2048x40xf32, #tpu.memory_space<vmem>>) attributes {dimension_semantics = [#tpu.dimension_semantics<arbitrary>], iteration_bounds = array<i64: 5>, scalar_prefetch = 0 : i64, scratch_operands = 0 : i64, tpu.core_type = #tpu.core_type<tc>, window_params = [{transform_indices = @transform_0, window_bounds = array<i64: 2, 2048, 128>}, {transform_indices = @transform_1, window_bounds = array<i64: 2048, 128>}, {transform_indices = @transform_2, window_bounds = array<i64: 2, 2048, 16>}, {pipeline_mode = #tpu.pipeline_mode<synchronous>, transform_indices = @transform_3, window_bounds = array<i64: 128, 128>}, {pipeline_mode = #tpu.pipeline_mode<synchronous>, transform_indices = @transform_4, window_bounds = array<i64: 1, 128>}, {pipeline_mode = #tpu.pipeline_mode<synchronous>, transform_indices = @transform_5, window_bounds = array<i64: 1, 128>}, {pipeline_mode = #tpu.pipeline_mode<synchronous>, transform_indices = @transform_6, window_bounds = array<i64: 128, 128>}, {pipeline_mode = #tpu.pipeline_mode<synchronous>, transform_indices = @transform_7, window_bounds = array<i64: 1, 128>}, {pipeline_mode = #tpu.pipeline_mode<synchronous>, transform_indices = @transform_8, window_bounds = array<i64: 128, 128>}, {pipeline_mode = #tpu.pipeline_mode<synchronous>, transform_indices = @transform_9, window_bounds = array<i64: 1, 128>}, {pipeline_mode = #tpu.pipeline_mode<synchronous>, transform_indices = @transform_10, window_bounds = array<i64: 128, 128>}, {pipeline_mode = #tpu.pipeline_mode<synchronous>, transform_indices = @transform_11, window_bounds = array<i64: 1, 128>}, {pipeline_mode = #tpu.pipeline_mode<synchronous>, transform_indices = @transform_12, window_bounds = array<i64: 128, 40>}, {pipeline_mode = #tpu.pipeline_mode<synchronous>, transform_indices = @transform_13, window_bounds = array<i64: 1, 40>}, {transform_indices = @transform_14, window_bounds = array<i64: 2048, 40>}]} {
    %get3A = arith.constant 0 : index
    %get3A_0 = arith.constant 0 : index
    %get3A_1 = arith.constant 0 : index
    %get3A_2 = vector.load %arg3[%get3A, %get3A_0, %get3A_1] : memref<2x2048x16xf32, #tpu.memory_space<vmem>>, vector<1x2048x1xf32>
    %get3A_3 = vector.shape_cast %get3A_2 : vector<1x2048x1xf32> to vector<2048x1xf32>
    %get3A_4 = arith.constant 1 : index
    %get3A_5 = arith.constant 0 : index
    %get3A_6 = arith.constant 0 : index
    %get3A_7 = vector.load %arg3[%get3A_4, %get3A_5, %get3A_6] : memref<2x2048x16xf32, #tpu.memory_space<vmem>>, vector<1x2048x1xf32>
    %get3A_8 = vector.shape_cast %get3A_7 : vector<1x2048x1xf32> to vector<2048x1xf32>
    %add3A = arith.addf %get3A_3, %get3A_8 : vector<2048x1xf32>
    %add3A_9 = arith.constant 1.000000e+00 : f32
    %add3A_10 = vector.broadcast %add3A_9 : f32 to vector<2048x1xf32>
    %add3A_11 = arith.addf %add3A_10, %add3A : vector<2048x1xf32>
    %rsqrt3A = math.rsqrt %add3A_11 : vector<2048x1xf32>
    %get3A_12 = arith.constant 0 : index
    %get3A_13 = arith.constant 0 : index
    %get3A_14 = arith.constant 0 : index
    %get3A_15 = vector.load %arg1[%get3A_12, %get3A_13, %get3A_14] : memref<2x2048x128xf32, #tpu.memory_space<vmem>>, vector<1x2048x128xf32>
    %get3A_16 = vector.shape_cast %get3A_15 : vector<1x2048x128xf32> to vector<2048x128xf32>
    %get3A_17 = arith.constant 1 : index
    %get3A_18 = arith.constant 0 : index
    %get3A_19 = arith.constant 0 : index
    %get3A_20 = vector.load %arg1[%get3A_17, %get3A_18, %get3A_19] : memref<2x2048x128xf32, #tpu.memory_space<vmem>>, vector<1x2048x128xf32>
    %get3A_21 = vector.shape_cast %get3A_20 : vector<1x2048x128xf32> to vector<2048x128xf32>
    %add3A_22 = arith.addf %get3A_16, %get3A_21 : vector<2048x128xf32>
    %mul3A = vector.broadcast %rsqrt3A : vector<2048x1xf32> to vector<2048x128xf32>
    %mul3A_23 = arith.mulf %add3A_22, %mul3A : vector<2048x128xf32>
    %get3A_24 = arith.constant 0 : index
    %get3A_25 = arith.constant 0 : index
    %get3A_26 = vector.load %arg4[%get3A_24, %get3A_25] : memref<128x128xf32, #tpu.memory_space<vmem>>, vector<128x128xf32>
    %dot_general3A = arith.constant dense<0.000000e+00> : vector<2048x128xf32>
    %dot_general3A_27 = tpu.matmul %mul3A_23, %get3A_26, %dot_general3A {dimension_numbers = #tpu.dot_dimension_numbers<[1], [0], [0], [1], [0, 0, 1, 1], [], []>, transpose_lhs_hint = false} : vector<2048x128xf32>, vector<128x128xf32>, vector<2048x128xf32> -> vector<2048x128xf32>
    %max3A = arith.constant 0.000000e+00 : f32
    %max3A_28 = vector.broadcast %max3A : f32 to vector<2048x128xf32>
    %max3A_29 = arith.maximumf %dot_general3A_27, %max3A_28 : vector<2048x128xf32>
    %get3A_30 = arith.constant 0 : index
    %get3A_31 = arith.constant 0 : index
    %get3A_32 = vector.load %arg5[%get3A_30, %get3A_31] : memref<1x128xf32, #tpu.memory_space<vmem>>, vector<1x128xf32>
    %mul3A_33 = arith.constant 0.999994993 : f32
    %mul3A_34 = vector.broadcast %mul3A_33 : f32 to vector<1x128xf32>
    %mul3A_35 = arith.mulf %get3A_32, %mul3A_34 : vector<1x128xf32>
    %mul3A_36 = vector.broadcast %mul3A_35 : vector<1x128xf32> to vector<2048x128xf32>
    %mul3A_37 = arith.mulf %max3A_29, %mul3A_36 : vector<2048x128xf32>
    %get3A_38 = arith.constant 0 : index
    %get3A_39 = arith.constant 0 : index
    %get3A_40 = vector.load %arg6[%get3A_38, %get3A_39] : memref<1x128xf32, #tpu.memory_space<vmem>>, vector<1x128xf32>
    %add3A_41 = vector.broadcast %get3A_40 : vector<1x128xf32> to vector<2048x128xf32>
    %add3A_42 = arith.addf %mul3A_37, %add3A_41 : vector<2048x128xf32>
    %tanh3A = math.tanh %add3A_42 : vector<2048x128xf32>
    %get3A_43 = arith.constant 0 : index
    %get3A_44 = arith.constant 0 : index
    %get3A_45 = vector.load %arg2[%get3A_43, %get3A_44] : memref<2048x128xf32, #tpu.memory_space<vmem>>, vector<2048x128xf32>
    %add3A_46 = arith.addf %tanh3A, %get3A_45 : vector<2048x128xf32>
    %get3A_47 = arith.constant 0 : index
    %get3A_48 = arith.constant 0 : index
    %get3A_49 = vector.load %arg7[%get3A_47, %get3A_48] : memref<128x128xf32, #tpu.memory_space<vmem>>, vector<128x128xf32>
    %dot_general3A_50 = arith.constant dense<0.000000e+00> : vector<2048x128xf32>
    %dot_general3A_51 = tpu.matmul %add3A_46, %get3A_49, %dot_general3A_50 {dimension_numbers = #tpu.dot_dimension_numbers<[1], [0], [0], [1], [0, 0, 1, 1], [], []>, transpose_lhs_hint = false} : vector<2048x128xf32>, vector<128x128xf32>, vector<2048x128xf32> -> vector<2048x128xf32>
    %get3A_52 = arith.constant 0 : index
    %get3A_53 = arith.constant 0 : index
    %get3A_54 = vector.load %arg8[%get3A_52, %get3A_53] : memref<1x128xf32, #tpu.memory_space<vmem>>, vector<1x128xf32>
    %add3A_55 = vector.broadcast %get3A_54 : vector<1x128xf32> to vector<2048x128xf32>
    %add3A_56 = arith.addf %dot_general3A_51, %add3A_55 : vector<2048x128xf32>
    %max3A_57 = arith.constant 0.000000e+00 : f32
    %max3A_58 = vector.broadcast %max3A_57 : f32 to vector<2048x128xf32>
    %max3A_59 = arith.maximumf %add3A_56, %max3A_58 : vector<2048x128xf32>
    %get3A_60 = arith.constant 0 : index
    %get3A_61 = arith.constant 0 : index
    %get3A_62 = vector.load %arg9[%get3A_60, %get3A_61] : memref<128x128xf32, #tpu.memory_space<vmem>>, vector<128x128xf32>
    %dot_general3A_63 = arith.constant dense<0.000000e+00> : vector<2048x128xf32>
    %dot_general3A_64 = tpu.matmul %max3A_59, %get3A_62, %dot_general3A_63 {dimension_numbers = #tpu.dot_dimension_numbers<[1], [0], [0], [1], [0, 0, 1, 1], [], []>, transpose_lhs_hint = false} : vector<2048x128xf32>, vector<128x128xf32>, vector<2048x128xf32> -> vector<2048x128xf32>
    %get3A_65 = arith.constant 0 : index
    %get3A_66 = arith.constant 0 : index
    %get3A_67 = vector.load %arg10[%get3A_65, %get3A_66] : memref<1x128xf32, #tpu.memory_space<vmem>>, vector<1x128xf32>
    %add3A_68 = vector.broadcast %get3A_67 : vector<1x128xf32> to vector<2048x128xf32>
    %add3A_69 = arith.addf %dot_general3A_64, %add3A_68 : vector<2048x128xf32>
    %max3A_70 = arith.constant 0.000000e+00 : f32
    %max3A_71 = vector.broadcast %max3A_70 : f32 to vector<2048x128xf32>
    %max3A_72 = arith.maximumf %add3A_69, %max3A_71 : vector<2048x128xf32>
    %get3A_73 = arith.constant 0 : index
    %get3A_74 = arith.constant 0 : index
    %get3A_75 = vector.load %arg11[%get3A_73, %get3A_74] : memref<128x128xf32, #tpu.memory_space<vmem>>, vector<128x128xf32>
    %dot_general3A_76 = arith.constant dense<0.000000e+00> : vector<2048x128xf32>
    %dot_general3A_77 = tpu.matmul %max3A_72, %get3A_75, %dot_general3A_76 {dimension_numbers = #tpu.dot_dimension_numbers<[1], [0], [0], [1], [0, 0, 1, 1], [], []>, transpose_lhs_hint = false} : vector<2048x128xf32>, vector<128x128xf32>, vector<2048x128xf32> -> vector<2048x128xf32>
    %get3A_78 = arith.constant 0 : index
    %get3A_79 = arith.constant 0 : index
    %get3A_80 = vector.load %arg12[%get3A_78, %get3A_79] : memref<1x128xf32, #tpu.memory_space<vmem>>, vector<1x128xf32>
    %add3A_81 = vector.broadcast %get3A_80 : vector<1x128xf32> to vector<2048x128xf32>
    %add3A_82 = arith.addf %dot_general3A_77, %add3A_81 : vector<2048x128xf32>
    %max3A_83 = arith.constant 0.000000e+00 : f32
    %max3A_84 = vector.broadcast %max3A_83 : f32 to vector<2048x128xf32>
    %max3A_85 = arith.maximumf %add3A_82, %max3A_84 : vector<2048x128xf32>
    %get3A_86 = arith.constant 0 : index
    %get3A_87 = arith.constant 0 : index
    %get3A_88 = vector.load %arg13[%get3A_86, %get3A_87] : memref<128x40xf32, #tpu.memory_space<vmem>>, vector<128x40xf32>
    %dot_general3A_89 = arith.constant dense<0.000000e+00> : vector<2048x40xf32>
    %dot_general3A_90 = tpu.matmul %max3A_85, %get3A_88, %dot_general3A_89 {dimension_numbers = #tpu.dot_dimension_numbers<[1], [0], [0], [1], [0, 0, 1, 1], [], []>, transpose_lhs_hint = false} : vector<2048x128xf32>, vector<128x40xf32>, vector<2048x40xf32> -> vector<2048x40xf32>
    %get3A_91 = arith.constant 0 : index
    %get3A_92 = arith.constant 0 : index
    %get3A_93 = vector.load %arg14[%get3A_91, %get3A_92] : memref<1x40xf32, #tpu.memory_space<vmem>>, vector<1x40xf32>
    %add3A_94 = vector.broadcast %get3A_93 : vector<1x40xf32> to vector<2048x40xf32>
    %add3A_95 = arith.addf %dot_general3A_90, %add3A_94 : vector<2048x40xf32>
    %swap3A = arith.constant 0 : index
    %swap3A_96 = arith.constant 0 : index
    %swap3A_97 = vector.load %arg15[%swap3A, %swap3A_96] : memref<2048x40xf32, #tpu.memory_space<vmem>>, vector<2048x40xf32>
    tpu.vector_store %arg15[%swap3A, %swap3A_96], %add3A_95 {strides = array<i32>} : memref<2048x40xf32, #tpu.memory_space<vmem>>, vector<2048x40xf32>,
    return
  }
  func.func @transform_0(%arg0: i32) -> (i32, i32, i32) {
    %c0_i32 = arith.constant 0 : i32
    %c0_i32_0 = arith.constant 0 : i32
    %c0_i32_1 = arith.constant 0 : i32
    return %arg0, %c0_i32, %c0_i32_0 : i32, i32, i32
  }
  func.func @transform_1(%arg0: i32) -> (i32, i32) {
    %c0_i32 = arith.constant 0 : i32
    %c0_i32_0 = arith.constant 0 : i32
    return %arg0, %c0_i32 : i32, i32
  }
  func.func @transform_2(%arg0: i32) -> (i32, i32, i32) {
    %c0_i32 = arith.constant 0 : i32
    %c0_i32_0 = arith.constant 0 : i32
    %c0_i32_1 = arith.constant 0 : i32
    return %arg0, %c0_i32, %c0_i32_0 : i32, i32, i32
  }
  func.func @transform_3(%arg0: i32) -> (i32, i32) {
    %c0_i32 = arith.constant 0 : i32
    %c0_i32_0 = arith.constant 0 : i32
    %c0_i32_1 = arith.constant 0 : i32
    return %c0_i32, %c0_i32_0 : i32, i32
  }
  func.func @transform_4(%arg0: i32) -> (i32, i32) {
    %c0_i32 = arith.constant 0 : i32
    %c0_i32_0 = arith.constant 0 : i32
    %c0_i32_1 = arith.constant 0 : i32
    return %c0_i32, %c0_i32_0 : i32, i32
  }
  func.func @transform_5(%arg0: i32) -> (i32, i32) {
    %c0_i32 = arith.constant 0 : i32
    %c0_i32_0 = arith.constant 0 : i32
    %c0_i32_1 = arith.constant 0 : i32
    return %c0_i32, %c0_i32_0 : i32, i32
  }
  func.func @transform_6(%arg0: i32) -> (i32, i32) {
    %c0_i32 = arith.constant 0 : i32
    %c0_i32_0 = arith.constant 0 : i32
    %c0_i32_1 = arith.constant 0 : i32
    return %c0_i32, %c0_i32_0 : i32, i32
  }
  func.func @transform_7(%arg0: i32) -> (i32, i32) {
    %c0_i32 = arith.constant 0 : i32
    %c0_i32_0 = arith.constant 0 : i32
    %c0_i32_1 = arith.constant 0 : i32
    return %c0_i32, %c0_i32_0 : i32, i32
  }
  func.func @transform_8(%arg0: i32) -> (i32, i32) {
    %c0_i32 = arith.constant 0 : i32
    %c0_i32_0 = arith.constant 0 : i32
    %c0_i32_1 = arith.constant 0 : i32
    return %c0_i32, %c0_i32_0 : i32, i32
  }
  func.func @transform_9(%arg0: i32) -> (i32, i32) {
    %c0_i32 = arith.constant 0 : i32
    %c0_i32_0 = arith.constant 0 : i32
    %c0_i32_1 = arith.constant 0 : i32
    return %c0_i32, %c0_i32_0 : i32, i32
  }
  func.func @transform_10(%arg0: i32) -> (i32, i32) {
    %c0_i32 = arith.constant 0 : i32
    %c0_i32_0 = arith.constant 0 : i32
    %c0_i32_1 = arith.constant 0 : i32
    return %c0_i32, %c0_i32_0 : i32, i32
  }
  func.func @transform_11(%arg0: i32) -> (i32, i32) {
    %c0_i32 = arith.constant 0 : i32
    %c0_i32_0 = arith.constant 0 : i32
    %c0_i32_1 = arith.constant 0 : i32
    return %c0_i32, %c0_i32_0 : i32, i32
  }
  func.func @transform_12(%arg0: i32) -> (i32, i32) {
    %c0_i32 = arith.constant 0 : i32
    %c0_i32_0 = arith.constant 0 : i32
    %c0_i32_1 = arith.constant 0 : i32
    return %c0_i32, %c0_i32_0 : i32, i32
  }
  func.func @transform_13(%arg0: i32) -> (i32, i32) {
    %c0_i32 = arith.constant 0 : i32
    %c0_i32_0 = arith.constant 0 : i32
    %c0_i32_1 = arith.constant 0 : i32
    return %c0_i32, %c0_i32_0 : i32, i32
  }
  func.func @transform_14(%arg0: i32) -> (i32, i32) {
    %c0_i32 = arith.constant 0 : i32
    %c0_i32_0 = arith.constant 0 : i32
    return %arg0, %c0_i32 : i32, i32
  }
}

</mosaic_0001>

<sc_bundles>
// kernel: kernel.11.cloned.1.call-start
scs
__scs_entry_jumppad:
0x0: {  	(pc) =	sbr.rel $0x88, $3  }
0x1: {  	(tag) =	ssettag $0x0;
	lr =	simm.s32 $0x1  }
0x2: {  	[smem:$0x3F8D] =	sst lr;
	_ =	strace $0xD0000000  }
0x3: {  	_ = 	snop  }
0x4: {  	_ = 	snop  }
0x5: {  	_ = 	snop  }
0x6: {  	_ = 	snop  }
0x7: {  	_ = 	snop  }
__scs_overlays_trampoline_lowered:
0x8: {  	[smem:$0x3F9C] =	sst s0  }
0x9: {  	[smem:$0x3F9D] =	sst s1  }
0xa: {  	[smem:$0x3F9E] =	sst s2  }
0xb: {  	[smem:$0x3F9F] =	sst s3  }
0xc: {  	[smem:$0x3FA0] =	sst s4  }
0xd: {  	[smem:$0x3FA1] =	sst s5  }
0xe: {  	[smem:$0x3FA2] =	sst s6  }
0xf: {  	[smem:$0x3FA3] =	sst s7  }
0x10: {  	[smem:$0x3FA4] =	sst s8  }
0x11: {  	[smem:$0x3FA5] =	sst s9;
	s0 =	simm.s32 @!p0 $0x0  }
0x12: {  	s1 =	sld [smem:$0x3F8B];
	s0 =	simm.s32 @p0 $0x1  }
0x13: {  	[smem:$0x3FA6] =	sst s0;
	s0 =	simm.s32 @!p1 $0x0  }
0x14: {  	s2 =	sld [smem:$0x3F8A];
	s0 =	simm.s32 @p1 $0x1  }
0x15: {  	[smem:$0x3FA7] =	sst s0;
	s0 =	simm.s32 @!p2 $0x0  }
0x16: {  	s3 =	sld [smem:$0x3FDB];
	s0 =	simm.s32 @p2 $0x1  }
0x17: {  	s4 =	simm.s32 $0x1BF5;
	[smem:$0x3FA9] =	sst s0  }
0x18: {  	s0 =	sld [smem:$0x3F8C];
	_ =	swait.ge [sflag:s4], $0x0  }
0x19: {  	s7 =	sld [smem:$0x3F8D]  }
0x1a: {  	s8 =	sadd.s32 $0xFFFFE003, lr  }
0x1b: {  	s9 =	sadd.s32 $0xFFFFFEF7, lr;
	s5 =	simm.s32 $0xFFFFFFFF;
	p2 =	slt.u32 s8, $0xFFFFF086  }
0x1c: {  	p1 =	slt.u32 s9, $0xF7A;
	s5 =	simm.s32 @!p2 $0x0  }
0x1d: {  	s5 =	simm.s32 @p1 $0x1;
	p0 =	seq.s32 s7, s2  }
0x1e: {  	s7 =	smul.u32 @!p0 $0xF7A, s2;
	p2 =	seq.s32 @!p0 s5, $0x0  }
0x1f: {  	s9 =	smul.u32 $0xF7A, s1;
	s8 =	simm.s32 @!p0 $0x1BF5;
	p2 =	por !p2, p0  }
0x20: {  	[sflag:s8] =	ssyncset.s32 @!p0 $0xFFFFF086;
	s6 =	sadd.s32 @!p0 s3, s7;
	s7 =	simm.s32 @!p0 $0x108  }
0x21: {  	s3 =	sadd.s32 s3, s9;
	s6 =	sadd.s32 @!p0 $0x88, s6;
	s7 =	simm.s32 @p2 $0x1082  }
0x22: {  	[simem:s7], [sflag:s8] =	dma.local @!p0 [hbm:s6], $0xF7A  }
0x23: {  	s9 =	sor.u32 $0xD0000000, s2;
	s6 =	simm.s32 $0x108;
	_ =	swait.ge @!p0 [sflag:s8], $0x0  }
0x24: {  	s3 =	sadd.s32 $0x88, s3;
	s6 =	simm.s32 @!p1 $0x1082;
	[sflag:s4] =	ssyncset.s32 $0xFFFFF086  }
0x25: {  	[simem:s6], [sflag:s4] =	dma.local [hbm:s3], $0xF7A  }
0x26: {  	[smem:$0x3F8D] =	sst s1;
	(tag) =	ssettag s2;
	_ =	strace s9  }
0x27: {  	s1 =	sld [smem:$0x3F9D]  }
0x28: {  	s2 =	sld [smem:$0x3F9E]  }
0x29: {  	s4 =	sld [smem:$0x3FA0]  }
0x2a: {  	p0 =	seq.s32 s5, $0x0;
	s5 =	sld [smem:$0x3FA1]  }
0x2b: {  	s6 =	sld [smem:$0x3FA2]  }
0x2c: {  	s7 =	sld [smem:$0x3FA3]  }
0x2d: {  	s3 =	simm.s32 $0x108;
	s8 =	sld [smem:$0x3FA4]  }
0x2e: {  	s3 =	simm.s32 @!p0 $0x1082;
	s9 =	sld [smem:$0x3FA5]  }
0x2f: {  	lr =	sadd.s32 s0, s3;
	s0 =	sld [smem:$0x3F9C]  }
0x30: {  	s3 =	sld [smem:$0x3F9F]  }
0x31: {  	[smem:$0x3FA8] =	sst s10  }
0x32: {  	s10 =	sld [smem:$0x3FA6];
	_ =	sdelay $0x3  }
0x33: {  	p0 =	seq.s32 s10, $0x1;
	s10 =	sld [smem:$0x3FA8];
	_ =	sdelay $0x3  }
0x34: {  	[smem:$0x3FA8] =	sst s10  }
0x35: {  	s10 =	sld [smem:$0x3FA7];
	_ =	sdelay $0x3  }
0x36: {  	p1 =	seq.s32 s10, $0x1;
	s10 =	sld [smem:$0x3FA8];
	_ =	sdelay $0x3  }
0x37: {  	[smem:$0x3FA8] =	sst s10  }
0x38: {  	s10 =	sld [smem:$0x3FA9]  }
0x39: {  	_ = 	snop;
	(pc) =	sbr.ind lr, $3  }
0x3a: {  	_ = 	snop  }
0x3b: {  	_ = 	snop  }
0x3c: {  	p2 =	seq.s32 s10, $0x1;
	s10 =	sld [smem:$0x3FA8]  }
0x3d: {  	_ =	shalt  }
0x3e: {  	_ =	shalt  }
0x3f: {  	_ =	shalt  }
0x40: {  	_ =	shalt  }
0x41: {  	_ =	shalt  }
0x42: {  	_ =	shalt  }
0x43: {  	_ =	shalt  }
0x44: {  	_ =	shalt  }
0x45: {  	_ =	shalt  }
0x46: {  	_ =	shalt  }
0x47: {  	_ =	shalt  }
0x48: {  	_ =	shalt  }
0x49: {  	_ =	shalt  }
0x4a: {  	_ =	shalt  }
0x4b: {  	_ =	shalt  }
0x4c: {  	_ =	shalt  }
0x4d: {  	_ =	shalt  }
0x4e: {  	_ =	shalt  }
0x4f: {  	_ =	shalt  }
0x50: {  	_ =	shalt  }
0x51: {  	_ =	shalt  }
0x52: {  	_ =	shalt  }
0x53: {  	_ =	shalt  }
0x54: {  	_ =	shalt  }
0x55: {  	_ =	shalt  }
0x56: {  	_ =	shalt  }
0x57: {  	_ =	shalt  }
0x58: {  	_ =	shalt  }
0x59: {  	_ =	shalt  }
0x5a: {  	_ =	shalt  }
0x5b: {  	_ =	shalt  }
0x5c: {  	_ =	shalt  }
0x5d: {  	_ =	shalt  }
0x5e: {  	_ =	shalt  }
0x5f: {  	_ =	shalt  }
0x60: {  	_ =	shalt  }
0x61: {  	_ =	shalt  }
0x62: {  	_ =	shalt  }
0x63: {  	_ =	shalt  }
0x64: {  	_ =	shalt  }
0x65: {  	_ =	shalt  }
0x66: {  	_ =	shalt  }
0x67: {  	_ =	shalt  }
0x68: {  	_ =	shalt  }
0x69: {  	_ =	shalt  }
0x6a: {  	_ =	shalt  }
0x6b: {  	_ =	shalt  }
0x6c: {  	_ =	shalt  }
0x6d: {  	_ =	shalt  }
0x6e: {  	_ =	shalt  }
0x6f: {  	_ =	shalt  }
0x70: {  	_ =	shalt  }
0x71: {  	_ =	shalt  }
0x72: {  	_ =	shalt  }
0x73: {  	_ =	shalt  }
0x74: {  	_ =	shalt  }
0x75: {  	_ =	shalt  }
0x76: {  	_ =	shalt  }
0x77: {  	_ =	shalt  }
0x78: {  	_ =	shalt  }
0x79: {  	_ =	shalt  }
0x7a: {  	_ =	shalt  }
0x7b: {  	_ =	shalt  }
0x7c: {  	_ =	shalt  }
0x7d: {  	_ =	shalt  }
0x7e: {  	_ =	shalt  }
0x7f: {  	_ =	shalt  }
0x80: {  	_ =	shalt  }
0x81: {  	_ =	shalt  }
0x82: {  	_ =	shalt  }
0x83: {  	_ =	shalt  }
0x84: {  	_ =	shalt  }
0x85: {  	_ =	shalt  }
0x86: {  	_ =	shalt  }
0x87: {  	_ =	shalt  }
.Lfunc_end0:
.L_simem_size_0:
called_computation_lowered:
.L_overlay_start_0:
0x88: {  	s2 =	sld [smem:$0x3FD9]  }
0x89: {  	s3 =	sld [smem:$0x3FFE];
	_ =	sdelay $0x1  }
0x8a: {  	s1 =	srdreg.scid  }
0x8b: {  	s0 =	sand.u32 $0x1, s1  }
0x8c: {  	s17 =	sshll.u32 s0, $0xA;
	s2 =	sadd.s32 s3, s2  }
0x8d: {  	s2 =	sadd.s32 s2, s17  }
0x8e: {  	[smem:$0x3FB4] =	sst s2  }
0x8f: {  	_ = 	snop  }
0x90: {  	s2 =	sld [smem:$0x3FD0];
	(tm) =	ssettm $0x1  }
0x91: {  	s18 =	sld [smem:$0x3FFB];
	_ =	sdelay $0x3  }
0x92: {  	_ =	strace s18  }
0x93: {  	s3 =	sld [smem:$0x3FFC];
	_ =	sdelay $0x3  }
0x94: {  	_ =	strace s3  }
0x95: {  	s3 =	sld [smem:$0x3FFD];
	_ =	sdelay $0x3  }
0x96: {  	_ =	strace s3  }
0x97: {  	_ =	strace $0x8FFFFFFF  }
0x98: {  	s19 =	sld [smem:$0x3FDB];
	_ =	sdelay $0x1  }
0x99: {  	s4 =	simm.s32 $_scs_section_size  }
0x9a: {  	s5 =	simm.s32 $_size__tile_overlayer_lowered;
	s6 =	simm.s32 $_tile_overlayer_lowered  }
0x9b: {  	s22 =	simm.s32 $0x1BFF;
	s21 =	sshll.u32 s6, $0x1;
	s3 =	sadd.s32 s4, s19  }
0x9c: {  	s7 =	simm.s32 $0x0;
	s20 =	sshll.u32 s5, $0x1;
	s5 =	sadd.s32 s21, s3  }
0x9d: {  	[timem:s7], [sflag:s22] =	dma.local [hbm:s5], s20  }
0x9e: {  	_ =	swait.ge [sflag:s22], s20  }
0x9f: {  	s4 =	ssub.s32 $0x0, s20;
	[sflag:s22] =	ssyncset.done $0x0  }
0xa0: {  	[sflag:s22] =	ssyncadd.s32 s4;
	_ =	sdelay $0x1  }
0xa1: {  	s23 =	simm.s32 $0x1B8B  }
0xa2: {  	_ =	swait.ge [sflag:s23], $0x1  }
0xa3: {  	[sflag:s23] =	ssyncset.done $0x0  }
0xa4: {  	s25 =	simm.s32 $0x1B8E;
	s24 =	sld [smem:$0x3FFE];
	[sflag:s23] =	ssyncadd.s32 $0xFFFFFFFF  }
0xa5: {  	s26 =	simm.s32 $execute0_lowered;
	[smem:$0x3FD2] =	sst s25  }
0xa6: {  	s5 =	sshll.u32 s26, $0x1;
	_ =	strace $0x80000046;
	[dreg:$0x1] =	wrdreg $0xFFFFFFFF  }
0xa7: {  	s28 =	simm.s32 $_size_execute0_lowered;
	s3 =	sadd.s32 s3, s5;
	[dreg:$0x0] =	wrdreg $0x0  }
0xa8: {  	s5 =	sshll.u32 s28, $0x1;
	[dreg:$0x2] =	wrdreg s3  }
0xa9: {  	[dreg:$0x3] =	wrdreg s5  }
0xaa: {  	[dreg:$0x4] =	wrdreg $0xC0  }
0xab: {  	_ =	task [dreg:s7], $0x5FFFF  }
0xac: {  	[dreg:$0x1] =	wrdreg $0xFFFFFFFF  }
0xad: {  	[dreg:$0x0] =	wrdreg $0x60  }
0xae: {  	[dreg:$0x2] =	wrdreg s2  }
0xaf: {  	[dreg:$0x3] =	wrdreg s24  }
0xb0: {  	[dreg:$0x4] =	wrdreg $0x68000  }
0xb1: {  	[dreg:$0x5] =	wrdreg $0x9  }
0xb2: {  	_ =	task.clear_ibuf [dreg:s7], $0x6FFFF;
	_ =	strace $0x90000046  }
0xb3: {  	s29 =	simm.s32 $0x9;
	_ =	strace $0x80000048  }
0xb4: {  	_ =	swait.ge [sflag:s29], $0x1  }
0xb5: {  	[sflag:s29] =	ssyncadd.s32 $0xFFFFFFFF  }
0xb6: {  	_ =	strace $0x90000048  }
0xb7: {  	_ =	sfence  }
0xb8: {  	s30 =	sld [smem:$0x0];
	_ =	sdelay $0x2  }
0xb9: {  	s31 =	sshll.u32 s1, $0xD;
	s1 =	sshrl.u32 s1, $0x2  }
0xba: {  	s3 =	sand.u32 $0x4000, s31;
	s1 =	sadd.s32 s1, s30  }
0xbb: {  	s0 =	sor.u32 s3, s0;
	s1 =	sshll.u32 s1, $0x11  }
0xbc: {  	s0 =	sor.u32 s1, s0  }
0xbd: {  	s0 =	sadd.s32 $0x8F2B, s0  }
0xbe: {  	[sflag:s0] =	ssyncadd.remote.s32 $0x1  }
0xbf: {  	_ =	sfence.sel $0xFFFF  }
0xc0: {  	[dreg:$0x0] =	wrdreg $0xFFFFFFFF;
	(pc) =	sbr.abs _section_cstart, $3  }
0xc1: {  	[dreg:$0x1] =	wrdreg $0xFFFFFFFF  }
0xc2: {  	_ =	task.clear_ibuf [dreg:s7], $0x2FFFF;
	_ =	strace $0x9FFFFFFF  }
0xc3: {  	(tm) =	ssettm $0x7FFFFFFF  }
tec
execute0_lowered:
.L_overlay_start_1:
0x0: {  	(tag) =	ssettag $0x1  }
0x1: {  	s5 =	rddreg [dreg:$0x0]  }
0x2: {  	s4 =	rddreg [dreg:$0x1]  }
0x3: {  	s1 =	rddreg [dreg:$0x2]  }
0x4: {  	s2 =	srdreg.scid;
	s0 =	rddreg [dreg:$0x3];
	s3 =	simm.s32 $0x0  }
0x5: {  	s13 =	simm.s32 $0x2800;
	s14 =	simm.s32 $0x80;
	s15 =	simm.s32 $0x100  }
0x6: {  	s16 =	simm.s32 $0x180;
	s17 =	simm.s32 $0x200;
	s18 =	simm.s32 $0x280  }
0x7: {  	s19 =	simm.s32 $0x300;
	s20 =	simm.s32 $0x380;
	s6 =	sand.u32 $0x1, s2  }
0x8: {  	s21 =	simm.s32 $0x1;
	s2 =	stileid.u32;
	s7 =	smul.u32 $0x140000, s6  }
0x9: {  	s24 =	simm.s32 $0x0;
	[smem:$0x7FF] =	sst s3;
	s8 =	smul.u32 $0x14000, s2  }
0xa: {  	_ =	strace $0x80000047;
	s31 =	sshll.u32 s6, $0x4;
	s6 =	ssub.s32 $0x2, s6  }
0xb: {  	s9 =	smul.u32 $0x50000, s2;
	s22 =	sshll.u32 s2, $0x6;
	s10 =	sshrl.u32 s6, $0x1  }
0xc: {  	s22 =	sor.u32 $0x1C02, s22;
	s7 =	sadd.s32 s8, s7;
	s8 =	sor.u32 s2, s31  }
0xd: {  	s9 =	sshrl.u32 s9, $0x2;
	s7 =	sshrl.u32 s7, $0x3;
	s8 =	smul.u32 $0x500, s8  }
0xe: {  	s12 =	ssub.s32 s6, s10;
	s11 =	sadd.s32 s7, s4;
	s4 =	sadd.s32 s9, s1  }
0xf: {  	s5 =	sadd.s32 s5, s8;
	s6 =	sadd.s32 $0x4000, s4;
	s7 =	sadd.s32 $0x8000, s4  }
0x10: {  	s8 =	sadd.s32 $0xC000, s4;
	s9 =	sadd.s32 $0x10000, s4;
	s10 =	sadd.s32 $0x4600, s11  }
0x11: {  	v0 =	vimm.f32 $0.0e+00;
	v1 =	vimm.f32 $1.000000000e+00;
	s11 =	smax.u32 s12, $0x1;
	s12 =	simm.s32 $0x2;
	s23 =	sshrl.u32 s4, $0x3  }
.LBB2_1:
0x12: {  	[tilespmem:s3], [sflag:$0x2] =	stream.linear.gather [hbm4b:s5+s3], $0x2800, $0x38;
	[tilespmem:$0x9000] =	vst v63  }
0x13: {  	_ =	swait.ge [sflag:s12], $0x2800  }
0x14: {  	[sflag:s12] =	ssyncset.done $0x0  }
0x15: {  	s25 =	simm.s32 $0x200;
	s26 =	simm.s32 $0x0;
	[sflag:s12] =	ssyncadd.s32 $0xFFFFD800  }
.LBB2_2:
0x16: {  	p0 =	sne.s32 s25, $0xFE00;
	[tilespmem:s26+$0x2800] =	vst v0;
	s26 =	smov.u32 s25;
	s25 =	sadd.s32 $0x200, s25  }
.Ltmp0:
0x17: {  	(pc) =	sbr.rel @p0 .LBB2_2-.Ltmp0, $2  }
0x18: {  	_ =	sdelay $0x2  }
0x19: {  	s26 =	sshra.s32 s26, $0x2  }
0x1a: {  	[tilespmem:s26+$0x2800] =	vst v0  }
0x1b: {  	[spmem:s4] =	stream.linear.scatter [tilespmem:s13], [sflag:$0x2], $0x4000, $0x38;
	[tilespmem:$0x9000] =	vst v63  }
0x1c: {  	_ =	swait.ge [sflag:s12], $0x4000  }
0x1d: {  	[sflag:s12] =	ssyncset.done $0x0  }
0x1e: {  	[sflag:s12] =	ssyncadd.s32 $0xFFFFC000  }
0x1f: {  	[spmem:s6] =	stream.linear.scatter [tilespmem:s13], [sflag:$0x2], $0x4000, $0x38;
	[tilespmem:$0x9000] =	vst v63  }
0x20: {  	_ =	swait.ge [sflag:s12], $0x4000  }
0x21: {  	[sflag:s12] =	ssyncset.done $0x0  }
0x22: {  	[sflag:s12] =	ssyncadd.s32 $0xFFFFC000  }
0x23: {  	[spmem:s7] =	stream.linear.scatter [tilespmem:s13], [sflag:$0x2], $0x4000, $0x38;
	[tilespmem:$0x9000] =	vst v63  }
0x24: {  	_ =	swait.ge [sflag:s12], $0x4000  }
0x25: {  	[sflag:s12] =	ssyncset.done $0x0  }
0x26: {  	[sflag:s12] =	ssyncadd.s32 $0xFFFFC000  }
0x27: {  	[spmem:s8] =	stream.linear.scatter [tilespmem:s13], [sflag:$0x2], $0x4000, $0x38;
	[tilespmem:$0x9000] =	vst v63  }
0x28: {  	_ =	swait.ge [sflag:s12], $0x4000  }
0x29: {  	[sflag:s12] =	ssyncset.done $0x0  }
0x2a: {  	[sflag:s12] =	ssyncadd.s32 $0xFFFFC000  }
0x2b: {  	[spmem:s9] =	stream.linear.scatter [tilespmem:s13], [sflag:$0x2], $0x4000, $0x38;
	[tilespmem:$0x9000] =	vst v63  }
0x2c: {  	_ =	swait.ge [sflag:s12], $0x4000  }
0x2d: {  	[sflag:s12] =	ssyncset.done $0x0  }
0x2e: {  	s25 =	simm.s32 $0x200;
	s26 =	simm.s32 $0x0;
	[sflag:s12] =	ssyncadd.s32 $0xFFFFC000  }
.LBB2_4:
0x2f: {  	p0 =	sne.s32 s25, $0xFE00;
	[tilespmem:s26+$0x2800] =	vst v1;
	s26 =	smov.u32 s25;
	s25 =	sadd.s32 $0x200, s25  }
.Ltmp1:
0x30: {  	(pc) =	sbr.rel @p0 .LBB2_4-.Ltmp1, $2  }
0x31: {  	_ =	sdelay $0x2  }
0x32: {  	s26 =	sshra.s32 s26, $0x2  }
0x33: {  	[tilespmem:s26+$0x2800] =	vst v1  }
0x34: {  	s25 =	simm.s32 $0x0;
	[bflag:$0x0] =	sbarrier.arrive $0xFFFF  }
0x35: {  	[spmem:s1] =	stream.indirect.scatter.add.f32 [tilespmem:s13], [sflag:$0x1], $0x10, s25, s14, $0xb8;
	[tilespmem:$0x9000] =	vst v63  }
0x36: {  	_ = 	snop  }
0x37: {  	[spmem:s1] =	stream.indirect.scatter.add.f32 [tilespmem:s13], [sflag:$0x1], $0x10, s14, s14, $0xb8;
	[tilespmem:$0x9000] =	vst v63  }
0x38: {  	_ = 	snop  }
0x39: {  	[spmem:s1] =	stream.indirect.scatter.add.f32 [tilespmem:s13], [sflag:$0x1], $0x10, s15, s14, $0xb8;
	[tilespmem:$0x9000] =	vst v63  }
0x3a: {  	_ = 	snop  }
0x3b: {  	[spmem:s1] =	stream.indirect.scatter.add.f32 [tilespmem:s13], [sflag:$0x1], $0x10, s16, s14, $0xb8;
	[tilespmem:$0x9000] =	vst v63  }
0x3c: {  	_ = 	snop  }
0x3d: {  	[spmem:s1] =	stream.indirect.scatter.add.f32 [tilespmem:s13], [sflag:$0x1], $0x10, s17, s14, $0xb8;
	[tilespmem:$0x9000] =	vst v63  }
0x3e: {  	_ = 	snop  }
0x3f: {  	[spmem:s1] =	stream.indirect.scatter.add.f32 [tilespmem:s13], [sflag:$0x1], $0x10, s18, s14, $0xb8;
	[tilespmem:$0x9000] =	vst v63  }
0x40: {  	_ = 	snop  }
0x41: {  	[spmem:s1] =	stream.indirect.scatter.add.f32 [tilespmem:s13], [sflag:$0x1], $0x10, s19, s14, $0xb8;
	[tilespmem:$0x9000] =	vst v63  }
0x42: {  	p0 =	por $0x0, $0x0  }
0x43: {  	[spmem:s1] =	stream.indirect.scatter.add.f32 [tilespmem:s13], [sflag:$0x1], $0x10, s20, s14, $0xb8;
	[tilespmem:$0x9000] =	vst v63  }
0x44: {  	s26 =	simm.s32 @!p0 $0x80;
	s28 =	simm.s32 @!p0 $0x2800;
	s25 =	simm.s32 $0x400  }
0x45: {  	[spmem:s1] =	stream.indirect.scatter.add.f32 @!p0 [tilespmem:s28], [sflag:$0x1], $0x10, s25, s26, $0xb8;
	[tilespmem:$0x9000] =	vst v63  }
0x46: {  	_ =	swait.ge [sflag:s21], $0x800  }
0x47: {  	s26 =	simm.s32 $0x1;
	[sflag:s21] =	ssyncset.done $0x0  }
.LBB2_6:
0x48: {  	s28 =	smov.u32 s26;
	s26 =	sadd.s32 $0x1, s26  }
0x49: {  	[sflag:s21] =	ssyncadd.s32 $0xFFFFF800;
	s25 =	sadd.s32 $0x80, s25;
	p1 =	sne.s32 s26, $0x50  }
.Ltmp2:
0x4a: {  	p0 =	sgt.u32 s28, $0x47;
	(pc) =	sbr.rel @p1 .LBB2_6-.Ltmp2, $4  }
0x4b: {  	s28 =	simm.s32 @!p0 $0x80;
	s29 =	simm.s32 @!p0 $0x2800  }
0x4c: {  	[spmem:s1] =	stream.indirect.scatter.add.f32 @!p0 [tilespmem:s29], [sflag:$0x1], $0x10, s25, s28, $0xb8;
	[tilespmem:$0x9000] =	vst v63  }
0x4d: {  	_ =	swait.ge [sflag:s21], $0x800  }
0x4e: {  	[sflag:s21] =	ssyncset.done $0x0  }
0x4f: {  	s24 =	sadd.s32 $0x1, s24  }
0x50: {  	[sflag:s21] =	ssyncadd.s32 $0xFFFFF800;
	p0 =	sne.s32 s24, s11  }
.Ltmp3:
0x51: {  	[bflag:$0x0] =	sbarrier.arrive $0xFFFF;
	(pc) =	sbr.rel @p0 .LBB2_1-.Ltmp3, $4  }
0x52: {  	[hbm:s10], [sflag:s22] =	dma.local [spmem:s23], $0x2800  }
0x53: {  	_ =	swait.ge [sflag:s12], $0x2800  }
0x54: {  	[sflag:s12] =	ssyncset.done $0x0  }
0x55: {  	[sflag:s12] =	ssyncadd.s32 $0xFFFFD800  }
0x56: {  	_ =	sfence.sel $0x180000  }
0x57: {  	[bflag:$0x0] =	sbarrier.arrive $0xFFFF  }
0x58: {  	p0 =	sne.s32 s2, $0x0;
	_ =	strace $0x90000047  }
0x59: {  	s0 =	sadd.s32 @!p0 $0x100000, s0;
	[bflag:$0x2] =	sbarrier.arrive $0xFFFF  }
0x5a: {  	[sflag:s0] =	ssyncadd.tile.s32 @!p0 $0x1;
	_ =	shalt  }
.Lfunc_end2:
_tile_overlayer_lowered:
.L_overlay_start_2:
0x5b: {  	(tag) =	ssettag $0x2  }
0x5c: {  	s0 =	rddreg [dreg:$0x0];
	s2 =	stileid.u32  }
0x5d: {  	s1 =	rddreg [dreg:$0x1];
	p0 =	sne.s32 s2, $0x0  }
0x5e: {  	s3 =	rddreg [dreg:$0x2];
	[bflag:$0x3] =	sbarrier.arrive $0xFFFF;
	s2 =	simm.s32 @!p0 $0x1C02  }
0x5f: {  	[timem:s3], [sflag:s2] =	dma.local @!p0 [hbm:s0], s1  }
0x60: {  	s0 =	simm.s32 @!p0 $0x2  }
0x61: {  	_ =	swait.ge @!p0 [sflag:s0], s1  }
0x62: {  	s1 =	ssub.s32 @!p0 $0x0, s1;
	[sflag:s0] =	ssyncset.done @!p0 $0x0  }
0x63: {  	[sflag:s0] =	ssyncadd.s32 @!p0 s1  }
0x64: {  	[bflag:$0x3] =	sbarrier.arrive $0xFFFF  }
0x65: {  	_ =	shalt  }

// kernel: kernel.14.cloned.1.call-start
scs
__scs_entry_jumppad:
0x0: {  	(pc) =	sbr.rel $0x88, $3  }
0x1: {  	(tag) =	ssettag $0x0;
	lr =	simm.s32 $0x1  }
0x2: {  	[smem:$0x3F8D] =	sst lr;
	_ =	strace $0xD0000000  }
0x3: {  	_ = 	snop  }
0x4: {  	_ = 	snop  }
0x5: {  	_ = 	snop  }
0x6: {  	_ = 	snop  }
0x7: {  	_ = 	snop  }
__scs_overlays_trampoline_lowered:
0x8: {  	[smem:$0x3F9C] =	sst s0  }
0x9: {  	[smem:$0x3F9D] =	sst s1  }
0xa: {  	[smem:$0x3F9E] =	sst s2  }
0xb: {  	[smem:$0x3F9F] =	sst s3  }
0xc: {  	[smem:$0x3FA0] =	sst s4  }
0xd: {  	[smem:$0x3FA1] =	sst s5  }
0xe: {  	[smem:$0x3FA2] =	sst s6  }
0xf: {  	[smem:$0x3FA3] =	sst s7  }
0x10: {  	[smem:$0x3FA4] =	sst s8  }
0x11: {  	[smem:$0x3FA5] =	sst s9;
	s0 =	simm.s32 @!p0 $0x0  }
0x12: {  	s1 =	sld [smem:$0x3F8B];
	s0 =	simm.s32 @p0 $0x1  }
0x13: {  	[smem:$0x3FA6] =	sst s0;
	s0 =	simm.s32 @!p1 $0x0  }
0x14: {  	s2 =	sld [smem:$0x3F8A];
	s0 =	simm.s32 @p1 $0x1  }
0x15: {  	[smem:$0x3FA7] =	sst s0;
	s0 =	simm.s32 @!p2 $0x0  }
0x16: {  	s3 =	sld [smem:$0x3FDB];
	s0 =	simm.s32 @p2 $0x1  }
0x17: {  	s4 =	simm.s32 $0x1BF5;
	[smem:$0x3FA9] =	sst s0  }
0x18: {  	s0 =	sld [smem:$0x3F8C];
	_ =	swait.ge [sflag:s4], $0x0  }
0x19: {  	s7 =	sld [smem:$0x3F8D]  }
0x1a: {  	s8 =	sadd.s32 $0xFFFFE003, lr  }
0x1b: {  	s9 =	sadd.s32 $0xFFFFFEF7, lr;
	s5 =	simm.s32 $0xFFFFFFFF;
	p2 =	slt.u32 s8, $0xFFFFF086  }
0x1c: {  	p1 =	slt.u32 s9, $0xF7A;
	s5 =	simm.s32 @!p2 $0x0  }
0x1d: {  	s5 =	simm.s32 @p1 $0x1;
	p0 =	seq.s32 s7, s2  }
0x1e: {  	s7 =	smul.u32 @!p0 $0xF7A, s2;
	p2 =	seq.s32 @!p0 s5, $0x0  }
0x1f: {  	s9 =	smul.u32 $0xF7A, s1;
	s8 =	simm.s32 @!p0 $0x1BF5;
	p2 =	por !p2, p0  }
0x20: {  	[sflag:s8] =	ssyncset.s32 @!p0 $0xFFFFF086;
	s6 =	sadd.s32 @!p0 s3, s7;
	s7 =	simm.s32 @!p0 $0x108  }
0x21: {  	s3 =	sadd.s32 s3, s9;
	s6 =	sadd.s32 @!p0 $0x88, s6;
	s7 =	simm.s32 @p2 $0x1082  }
0x22: {  	[simem:s7], [sflag:s8] =	dma.local @!p0 [hbm:s6], $0xF7A  }
0x23: {  	s9 =	sor.u32 $0xD0000000, s2;
	s6 =	simm.s32 $0x108;
	_ =	swait.ge @!p0 [sflag:s8], $0x0  }
0x24: {  	s3 =	sadd.s32 $0x88, s3;
	s6 =	simm.s32 @!p1 $0x1082;
	[sflag:s4] =	ssyncset.s32 $0xFFFFF086  }
0x25: {  	[simem:s6], [sflag:s4] =	dma.local [hbm:s3], $0xF7A  }
0x26: {  	[smem:$0x3F8D] =	sst s1;
	(tag) =	ssettag s2;
	_ =	strace s9  }
0x27: {  	s1 =	sld [smem:$0x3F9D]  }
0x28: {  	s2 =	sld [smem:$0x3F9E]  }
0x29: {  	s4 =	sld [smem:$0x3FA0]  }
0x2a: {  	p0 =	seq.s32 s5, $0x0;
	s5 =	sld [smem:$0x3FA1]  }
0x2b: {  	s6 =	sld [smem:$0x3FA2]  }
0x2c: {  	s7 =	sld [smem:$0x3FA3]  }
0x2d: {  	s3 =	simm.s32 $0x108;
	s8 =	sld [smem:$0x3FA4]  }
0x2e: {  	s3 =	simm.s32 @!p0 $0x1082;
	s9 =	sld [smem:$0x3FA5]  }
0x2f: {  	lr =	sadd.s32 s0, s3;
	s0 =	sld [smem:$0x3F9C]  }
0x30: {  	s3 =	sld [smem:$0x3F9F]  }
0x31: {  	[smem:$0x3FA8] =	sst s10  }
0x32: {  	s10 =	sld [smem:$0x3FA6];
	_ =	sdelay $0x3  }
0x33: {  	p0 =	seq.s32 s10, $0x1;
	s10 =	sld [smem:$0x3FA8];
	_ =	sdelay $0x3  }
0x34: {  	[smem:$0x3FA8] =	sst s10  }
0x35: {  	s10 =	sld [smem:$0x3FA7];
	_ =	sdelay $0x3  }
0x36: {  	p1 =	seq.s32 s10, $0x1;
	s10 =	sld [smem:$0x3FA8];
	_ =	sdelay $0x3  }
0x37: {  	[smem:$0x3FA8] =	sst s10  }
0x38: {  	s10 =	sld [smem:$0x3FA9]  }
0x39: {  	_ = 	snop;
	(pc) =	sbr.ind lr, $3  }
0x3a: {  	_ = 	snop  }
0x3b: {  	_ = 	snop  }
0x3c: {  	p2 =	seq.s32 s10, $0x1;
	s10 =	sld [smem:$0x3FA8]  }
0x3d: {  	_ =	shalt  }
0x3e: {  	_ =	shalt  }
0x3f: {  	_ =	shalt  }
0x40: {  	_ =	shalt  }
0x41: {  	_ =	shalt  }
0x42: {  	_ =	shalt  }
0x43: {  	_ =	shalt  }
0x44: {  	_ =	shalt  }
0x45: {  	_ =	shalt  }
0x46: {  	_ =	shalt  }
0x47: {  	_ =	shalt  }
0x48: {  	_ =	shalt  }
0x49: {  	_ =	shalt  }
0x4a: {  	_ =	shalt  }
0x4b: {  	_ =	shalt  }
0x4c: {  	_ =	shalt  }
0x4d: {  	_ =	shalt  }
0x4e: {  	_ =	shalt  }
0x4f: {  	_ =	shalt  }
0x50: {  	_ =	shalt  }
0x51: {  	_ =	shalt  }
0x52: {  	_ =	shalt  }
0x53: {  	_ =	shalt  }
0x54: {  	_ =	shalt  }
0x55: {  	_ =	shalt  }
0x56: {  	_ =	shalt  }
0x57: {  	_ =	shalt  }
0x58: {  	_ =	shalt  }
0x59: {  	_ =	shalt  }
0x5a: {  	_ =	shalt  }
0x5b: {  	_ =	shalt  }
0x5c: {  	_ =	shalt  }
0x5d: {  	_ =	shalt  }
0x5e: {  	_ =	shalt  }
0x5f: {  	_ =	shalt  }
0x60: {  	_ =	shalt  }
0x61: {  	_ =	shalt  }
0x62: {  	_ =	shalt  }
0x63: {  	_ =	shalt  }
0x64: {  	_ =	shalt  }
0x65: {  	_ =	shalt  }
0x66: {  	_ =	shalt  }
0x67: {  	_ =	shalt  }
0x68: {  	_ =	shalt  }
0x69: {  	_ =	shalt  }
0x6a: {  	_ =	shalt  }
0x6b: {  	_ =	shalt  }
0x6c: {  	_ =	shalt  }
0x6d: {  	_ =	shalt  }
0x6e: {  	_ =	shalt  }
0x6f: {  	_ =	shalt  }
0x70: {  	_ =	shalt  }
0x71: {  	_ =	shalt  }
0x72: {  	_ =	shalt  }
0x73: {  	_ =	shalt  }
0x74: {  	_ =	shalt  }
0x75: {  	_ =	shalt  }
0x76: {  	_ =	shalt  }
0x77: {  	_ =	shalt  }
0x78: {  	_ =	shalt  }
0x79: {  	_ =	shalt  }
0x7a: {  	_ =	shalt  }
0x7b: {  	_ =	shalt  }
0x7c: {  	_ =	shalt  }
0x7d: {  	_ =	shalt  }
0x7e: {  	_ =	shalt  }
0x7f: {  	_ =	shalt  }
0x80: {  	_ =	shalt  }
0x81: {  	_ =	shalt  }
0x82: {  	_ =	shalt  }
0x83: {  	_ =	shalt  }
0x84: {  	_ =	shalt  }
0x85: {  	_ =	shalt  }
0x86: {  	_ =	shalt  }
0x87: {  	_ =	shalt  }
.Lfunc_end0:
.L_simem_size_0:
called_computation.1_lowered:
.L_overlay_start_0:
0x88: {  	s2 =	sld [smem:$0x3FD9]  }
0x89: {  	s3 =	sld [smem:$0x3FFE];
	_ =	sdelay $0x1  }
0x8a: {  	s1 =	srdreg.scid  }
0x8b: {  	s0 =	sand.u32 $0x1, s1  }
0x8c: {  	s16 =	sshll.u32 s0, $0xA;
	s2 =	sadd.s32 s3, s2  }
0x8d: {  	s2 =	sadd.s32 s2, s16  }
0x8e: {  	[smem:$0x3FB4] =	sst s2  }
0x8f: {  	_ = 	snop  }
0x90: {  	(tm) =	ssettm $0x1  }
0x91: {  	s17 =	sld [smem:$0x3FFB];
	_ =	sdelay $0x3  }
0x92: {  	_ =	strace s17  }
0x93: {  	s2 =	sld [smem:$0x3FFC];
	_ =	sdelay $0x3  }
0x94: {  	_ =	strace s2  }
0x95: {  	s2 =	sld [smem:$0x3FFD];
	_ =	sdelay $0x3  }
0x96: {  	_ =	strace s2  }
0x97: {  	_ =	strace $0x8FFFFFFF  }
0x98: {  	s18 =	sld [smem:$0x3FDB];
	_ =	sdelay $0x1  }
0x99: {  	s19 =	simm.s32 $_scs_section_size  }
0x9a: {  	s4 =	simm.s32 $_size__tile_overlayer_lowered;
	s5 =	simm.s32 $_tile_overlayer_lowered  }
0x9b: {  	s22 =	simm.s32 $0x1BFF;
	s21 =	sshll.u32 s5, $0x1;
	s2 =	sadd.s32 s19, s18  }
0x9c: {  	s6 =	simm.s32 $0x0;
	s20 =	sshll.u32 s4, $0x1;
	s4 =	sadd.s32 s21, s2  }
0x9d: {  	[timem:s6], [sflag:s22] =	dma.local [hbm:s4], s20  }
0x9e: {  	_ =	swait.ge [sflag:s22], s20  }
0x9f: {  	s3 =	ssub.s32 $0x0, s20;
	[sflag:s22] =	ssyncset.done $0x0  }
0xa0: {  	[sflag:s22] =	ssyncadd.s32 s3;
	_ =	sdelay $0x1  }
0xa1: {  	s23 =	simm.s32 $0x1B8B  }
0xa2: {  	_ =	swait.ge [sflag:s23], $0x1  }
0xa3: {  	[sflag:s23] =	ssyncset.done $0x0  }
0xa4: {  	s25 =	simm.s32 $0x1B8E;
	s24 =	sld [smem:$0x3FFE];
	[sflag:s23] =	ssyncadd.s32 $0xFFFFFFFF  }
0xa5: {  	s26 =	simm.s32 $execute0_lowered;
	[smem:$0x3FD2] =	sst s25  }
0xa6: {  	s4 =	sshll.u32 s26, $0x1;
	_ =	strace $0x80000049;
	[dreg:$0x1] =	wrdreg $0xFFFFFFFF  }
0xa7: {  	s28 =	simm.s32 $_size_execute0_lowered;
	s2 =	sadd.s32 s2, s4;
	[dreg:$0x0] =	wrdreg $0x0  }
0xa8: {  	s4 =	sshll.u32 s28, $0x1;
	[dreg:$0x2] =	wrdreg s2  }
0xa9: {  	[dreg:$0x3] =	wrdreg s4  }
0xaa: {  	[dreg:$0x4] =	wrdreg $0xC0  }
0xab: {  	_ =	task [dreg:s6], $0x5FFFF  }
0xac: {  	[dreg:$0x1] =	wrdreg $0xFFFFFFFF  }
0xad: {  	[dreg:$0x0] =	wrdreg $0x60  }
0xae: {  	[dreg:$0x2] =	wrdreg s24  }
0xaf: {  	[dreg:$0x3] =	wrdreg $0xAC000  }
0xb0: {  	[dreg:$0x4] =	wrdreg $0x9  }
0xb1: {  	_ =	task.clear_ibuf [dreg:s6], $0x5FFFF;
	_ =	strace $0x90000049  }
0xb2: {  	s29 =	simm.s32 $0x9;
	_ =	strace $0x8000004B  }
0xb3: {  	_ =	swait.ge [sflag:s29], $0x1  }
0xb4: {  	[sflag:s29] =	ssyncadd.s32 $0xFFFFFFFF  }
0xb5: {  	_ =	strace $0x9000004B  }
0xb6: {  	_ =	sfence  }
0xb7: {  	s30 =	sld [smem:$0x0];
	_ =	sdelay $0x2  }
0xb8: {  	s31 =	sshll.u32 s1, $0xD;
	s1 =	sshrl.u32 s1, $0x2  }
0xb9: {  	s3 =	sand.u32 $0x4000, s31;
	s1 =	sadd.s32 s1, s30  }
0xba: {  	s0 =	sor.u32 s3, s0;
	s1 =	sshll.u32 s1, $0x11  }
0xbb: {  	s0 =	sor.u32 s1, s0  }
0xbc: {  	s0 =	sadd.s32 $0x8F2B, s0  }
0xbd: {  	[sflag:s0] =	ssyncadd.remote.s32 $0x1  }
0xbe: {  	_ =	sfence.sel $0xFFFF  }
0xbf: {  	[dreg:$0x0] =	wrdreg $0xFFFFFFFF;
	(pc) =	sbr.abs _section_cstart, $3  }
0xc0: {  	[dreg:$0x1] =	wrdreg $0xFFFFFFFF  }
0xc1: {  	_ =	task.clear_ibuf [dreg:s6], $0x2FFFF;
	_ =	strace $0x9FFFFFFF  }
0xc2: {  	(tm) =	ssettm $0x7FFFFFFF  }
0xc3: {  	_ =	shalt  }
tec
execute0_lowered:
.L_overlay_start_1:
0x0: {  	(tag) =	ssettag $0x1  }
0x1: {  	s0 =	srdreg.scid;
	s5 =	rddreg [dreg:$0x0];
	s12 =	simm.s32 $0x3  }
0x2: {  	s13 =	simm.s32 $0x2C00;
	s14 =	simm.s32 $0x40;
	s16 =	simm.s32 $0x2880  }
0x3: {  	s17 =	simm.s32 $0x4C00;
	s18 =	simm.s32 $0x1;
	s19 =	simm.s32 $0x2A00  }
0x4: {  	s20 =	simm.s32 $0x2A80;
	s21 =	simm.s32 $0x2900;
	s22 =	simm.s32 $0x6C00  }
0x5: {  	s23 =	simm.s32 $0x2980;
	s24 =	simm.s32 $0x8C00;
	s1 =	sand.u32 $0x1, s0  }
0x6: {  	s28 =	simm.s32 $0x2;
	s0 =	stileid.u32;
	s7 =	smul.u32 $0x140000, s1  }
0x7: {  	s29 =	simm.s32 $0x0;
	s4 =	sadd.s32 $0x5E600, s5;
	s8 =	smul.u32 $0x14000, s0  }
0x8: {  	s2 =	sshll.u32 s1, $0x4;
	s25 =	ssub.s32 $0x2, s1;
	s9 =	smul.u32 $0x50000, s0  }
0x9: {  	s30 =	smul.u32 $0x2800, s0;
	p0 =	seq.s32 s1, $0x1;
	s3 =	sor.u32 s0, s2  }
0xa: {  	s2 =	rddreg [dreg:$0x1];
	s26 =	sshrl.u32 s25, $0x1;
	s6 =	smul.u32 $0x500, s3  }
0xb: {  	s3 =	simm.s32 $0x0;
	s7 =	sadd.s32 s8, s7;
	s11 =	ssub.s32 s25, s26  }
0xc: {  	s31 =	sshrl.u32 s9, $0x2;
	s25 =	simm.s32 $0x2B00;
	s26 =	simm.s32 $0x2B80  }
0xd: {  	[smem:$0x7FF] =	sst s3;
	s7 =	sshrl.u32 s7, $0x3;
	s11 =	smax.u32 s11, $0x1  }
0xe: {  	_ =	strace $0x8000004A;
	s6 =	sadd.s32 s6, s5;
	s10 =	sadd.s32 s7, s5  }
0xf: {  	s7 =	sadd.s32 s4, s30;
	s5 =	sadd.s32 $0x54600, s6;
	s6 =	sadd.s32 s31, s2  }
0x10: {  	v0 =	vimm.f32 $0.0e+00;
	s10 =	sadd.s32 $0x86600, s10;
	s8 =	sadd.s32 $0x8000, s6;
	s9 =	sadd.s32 $0x10000, s6  }
.LBB2_1:
.Ltmp0:
0x11: {  	(pc) =	sbr.rel @!p0 .LBB2_2-.Ltmp0, $4  }
0x12: {  	[tilespmem:s3], [sflag:$0x3] =	stream.linear.gather [hbm4b:s5+s3], $0x2800, $0x38;
	[tilespmem:$0x1EC00] =	vst v63  }
0x13: {  	_ =	swait.ge [sflag:s12], $0x2800  }
0x14: {  	[sflag:s12] =	ssyncset.done $0x0  }
0x15: {  	[sflag:s12] =	ssyncadd.s32 $0xFFFFD800  }
0x16: {  	s1 =	sand.u32 $0x1FE00, s3  }
0x17: {  	s31 =	sand.u32 $0x70, s3;
	s1 =	sshrl.u32 s1, $0x2  }
0x18: {  	s30 =	simm.s32 $0x40;
	s1 =	sor.u32 s31, s1;
	s31 =	simm.s32 $0x0  }
.LBB2_4:
0x19: {  	p1 =	sne.s32 s30, $0x1FFC0  }
0x1a: {  	[tilespmem:s1+$0x2C00] =	vst v0;
	s31 =	sadd.s32 $0x10, s31;
	s1 =	smov.u32 s30;
	s30 =	sadd.s32 $0x40, s30  }
.Ltmp1:
0x1b: {  	(pc) =	sbr.rel @p1 .LBB2_4-.Ltmp1, $4  }
0x1c: {  	_ = 	snop  }
0x1d: {  	s1 =	sand.u32 $0x1FE00, s1  }
0x1e: {  	s15 =	sand.u32 $0x70, s31;
	s1 =	sshrl.u32 s1, $0x2  }
0x1f: {  	s1 =	sor.u32 s15, s1  }
0x20: {  	[tilespmem:s1+$0x2C00] =	vst v0  }
0x21: {  	[spmem:s6] =	stream.linear.scatter [tilespmem:s13], [sflag:$0x3], $0x8000, $0x38;
	[tilespmem:$0x1EC00] =	vst v63  }
0x22: {  	_ =	swait.ge [sflag:s12], $0x8000  }
0x23: {  	[sflag:s12] =	ssyncset.done $0x0  }
0x24: {  	[sflag:s12] =	ssyncadd.s32 $0xFFFF8000  }
0x25: {  	[spmem:s8] =	stream.linear.scatter [tilespmem:s13], [sflag:$0x3], $0x8000, $0x38;
	[tilespmem:$0x1EC00] =	vst v63  }
0x26: {  	_ =	swait.ge [sflag:s12], $0x8000  }
0x27: {  	[sflag:s12] =	ssyncset.done $0x0  }
.Ltmp2:
0x28: {  	[sflag:s12] =	ssyncadd.s32 $0xFFFF8000;
	(pc) =	sbr.rel .LBB2_6-.Ltmp2, $4  }
0x29: {  	[spmem:s9] =	stream.linear.scatter [tilespmem:s13], [sflag:$0x3], $0x4000, $0x38;
	[tilespmem:$0x1EC00] =	vst v63  }
0x2a: {  	_ =	swait.ge [sflag:s12], $0x4000  }
0x2b: {  	[sflag:s12] =	ssyncset.done $0x0  }
0x2c: {  	[sflag:s12] =	ssyncadd.s32 $0xFFFFC000  }
.LBB2_2:
0x2d: {  	s1 =	sshll.u32 s0, $0x6  }
0x2e: {  	s30 =	sshrl.u32 s6, $0x3;
	s1 =	sor.u32 $0x1C03, s1  }
0x2f: {  	[spmem:s30], [sflag:s1] =	dma.local [hbm:s7], $0x2800  }
0x30: {  	_ =	swait.ge [sflag:s12], $0x2800  }
0x31: {  	[sflag:s12] =	ssyncset.done $0x0  }
0x32: {  	[sflag:s12] =	ssyncadd.s32 $0xFFFFD800  }
.LBB2_6:
0x33: {  	v1 =	vld [tilespmem:$0x0];
	_ =	sdelay $0x1  }
0x34: {  	v2 =	vld [tilespmem:$0x10];
	_ =	sdelay $0x1  }
0x35: {  	v3 =	vld [tilespmem:$0x20]  }
0x36: {  	v4 =	vand.u32 $0x3FFF, v1  }
0x37: {  	v62 =	vld [tilespmem:$0x30];
	v1 =	vshrl.u32 v1, $0xE;
	[tilespmem:$0x2800] =	vst v4  }
0x38: {  	[tilespmem:$0x2A00] =	vst v1;
	v1 =	vand.u32 $0x3FFF, v2  }
0x39: {  	[tilespmem:$0x2810] =	vst v1;
	v1 =	vshrl.u32 v2, $0xE;
	v2 =	vld [tilespmem:$0x40]  }
0x3a: {  	[tilespmem:$0x2A10] =	vst v1;
	v1 =	vand.u32 $0x3FFF, v3  }
0x3b: {  	[tilespmem:$0x2820] =	vst v1;
	v1 =	vshrl.u32 v3, $0xE;
	v3 =	vld [tilespmem:$0x50]  }
0x3c: {  	[tilespmem:$0x2A20] =	vst v1;
	v1 =	vand.u32 $0x3FFF, v62  }
0x3d: {  	v63 =	vld [tilespmem:$0x60];
	[tilespmem:$0x2830] =	vst v1;
	v1 =	vshrl.u32 v62, $0xE  }
0x3e: {  	[tilespmem:$0x2A30] =	vst v1;
	v1 =	vand.u32 $0x3FFF, v2  }
0x3f: {  	[tilespmem:$0x2880] =	vst v1;
	v1 =	vshrl.u32 v2, $0xE;
	v2 =	vld [tilespmem:$0x70]  }
0x40: {  	[tilespmem:$0x2A80] =	vst v1;
	v1 =	vand.u32 $0x3FFF, v3  }
0x41: {  	[tilespmem:$0x2890] =	vst v1;
	v1 =	vshrl.u32 v3, $0xE  }
0x42: {  	[tilespmem:$0x2A90] =	vst v1;
	v1 =	vand.u32 $0x3FFF, v63  }
0x43: {  	[tilespmem:$0x28A0] =	vst v1;
	v1 =	vshrl.u32 v63, $0xE  }
0x44: {  	[tilespmem:$0x2AA0] =	vst v1;
	v1 =	vand.u32 $0x3FFF, v2  }
0x45: {  	[tilespmem:$0x28B0] =	vst v1;
	v1 =	vshrl.u32 v2, $0xE  }
0x46: {  	[tilespmem:$0x2AB0] =	vst v1  }
0x47: {  	s1 =	simm.s32 $0x2800;
	[bflag:$0x0] =	sbarrier.arrive $0xFFFF  }
0x48: {  	[tilespmem:s13], [sflag:$0x1] =	stream.indirect.gather [hbm4b:s4+s14], $0x80, s1, s14, $0xb8;
	[tilespmem:$0x1EC00] =	vst v63  }
0x49: {  	s30 =	simm.s32 $0x0  }
0x4a: {  	[tilespmem:s17], [sflag:$0x1] =	stream.indirect.gather [hbm4b:s4+s14], $0x80, s16, s14, $0xb8;
	[tilespmem:$0x1EC00] =	vst v63  }
.LBB2_7:
0x4b: {  	_ =	swait.ge [sflag:s18], $0x2000  }
0x4c: {  	[sflag:s18] =	ssyncset.done $0x0  }
0x4d: {  	[sflag:s18] =	ssyncadd.s32 $0xFFFFE000  }
0x4e: {  	[spmem:s2] =	stream.indirect.scatter.add.f32 [tilespmem:s13], [sflag:$0x2], $0x80, s19, s14, $0xb8;
	[tilespmem:$0x1EC00] =	vst v63  }
0x4f: {  	_ =	swait.ge [sflag:s18], $0x2000  }
0x50: {  	p1 =	seq.s32 s30, $0x0;
	[sflag:s18] =	ssyncset.done $0x0  }
0x51: {  	s1 =	simm.s32 @!p1 $0x2;
	[sflag:s18] =	ssyncadd.s32 $0xFFFFE000  }
0x52: {  	[spmem:s2] =	stream.indirect.scatter.add.f32 [tilespmem:s17], [sflag:$0x2], $0x80, s20, s14, $0xb8;
	[tilespmem:$0x1EC00] =	vst v63  }
0x53: {  	_ =	swait.ge @!p1 [sflag:s1], $0x2000  }
0x54: {  	[sflag:s1] =	ssyncset.done @!p1 $0x0  }
0x55: {  	[sflag:s1] =	ssyncadd.s32 @!p1 $0xFFFFE000  }
0x56: {  	_ =	swait.ge @!p1 [sflag:s1], $0x2000  }
0x57: {  	[sflag:s1] =	ssyncset.done @!p1 $0x0  }
0x58: {  	s31 =	sshra.s32 s30, $0x2;
	[sflag:s1] =	ssyncadd.s32 @!p1 $0xFFFFE000  }
0x59: {  	v1 =	vld [tilespmem:s31+$0x80];
	_ =	sdelay $0x4  }
0x5a: {  	v2 =	vand.u32 $0x3FFF, v1  }
0x5b: {  	v1 =	vshrl.u32 v1, $0xE;
	[tilespmem:$0x2900] =	vst v2  }
0x5c: {  	[tilespmem:$0x2B00] =	vst v1  }
0x5d: {  	v1 =	vld [tilespmem:s31+$0x90];
	_ =	sdelay $0x4  }
0x5e: {  	v2 =	vand.u32 $0x3FFF, v1  }
0x5f: {  	v1 =	vshrl.u32 v1, $0xE;
	[tilespmem:$0x2910] =	vst v2  }
0x60: {  	[tilespmem:$0x2B10] =	vst v1  }
0x61: {  	v1 =	vld [tilespmem:s31+$0xA0];
	_ =	sdelay $0x4  }
0x62: {  	v2 =	vand.u32 $0x3FFF, v1  }
0x63: {  	v1 =	vshrl.u32 v1, $0xE;
	[tilespmem:$0x2920] =	vst v2  }
0x64: {  	[tilespmem:$0x2B20] =	vst v1  }
0x65: {  	v1 =	vld [tilespmem:s31+$0xB0];
	_ =	sdelay $0x4  }
0x66: {  	v2 =	vand.u32 $0x3FFF, v1  }
0x67: {  	v1 =	vshrl.u32 v1, $0xE;
	[tilespmem:$0x2930] =	vst v2  }
0x68: {  	[tilespmem:$0x2B30] =	vst v1  }
0x69: {  	v1 =	vld [tilespmem:s31+$0xC0];
	_ =	sdelay $0x4  }
0x6a: {  	v2 =	vand.u32 $0x3FFF, v1  }
0x6b: {  	v1 =	vshrl.u32 v1, $0xE;
	[tilespmem:$0x2980] =	vst v2  }
0x6c: {  	[tilespmem:$0x2B80] =	vst v1  }
0x6d: {  	v1 =	vld [tilespmem:s31+$0xD0];
	_ =	sdelay $0x4  }
0x6e: {  	v2 =	vand.u32 $0x3FFF, v1  }
0x6f: {  	v1 =	vshrl.u32 v1, $0xE;
	[tilespmem:$0x2990] =	vst v2  }
0x70: {  	[tilespmem:$0x2B90] =	vst v1  }
0x71: {  	v1 =	vld [tilespmem:s31+$0xE0];
	_ =	sdelay $0x4  }
0x72: {  	v2 =	vand.u32 $0x3FFF, v1  }
0x73: {  	v1 =	vshrl.u32 v1, $0xE;
	[tilespmem:$0x29A0] =	vst v2  }
0x74: {  	[tilespmem:$0x2BA0] =	vst v1  }
0x75: {  	v1 =	vld [tilespmem:s31+$0xF0];
	_ =	sdelay $0x4  }
0x76: {  	v2 =	vand.u32 $0x3FFF, v1  }
0x77: {  	v1 =	vshrl.u32 v1, $0xE;
	[tilespmem:$0x29B0] =	vst v2  }
0x78: {  	[tilespmem:$0x2BB0] =	vst v1  }
0x79: {  	[tilespmem:s22], [sflag:$0x1] =	stream.indirect.gather [hbm4b:s4+s14], $0x80, s21, s14, $0xb8;
	[tilespmem:$0x1EC00] =	vst v63  }
0x7a: {  	_ = 	snop  }
0x7b: {  	[tilespmem:s24], [sflag:$0x1] =	stream.indirect.gather [hbm4b:s4+s14], $0x80, s23, s14, $0xb8;
	[tilespmem:$0x1EC00] =	vst v63  }
0x7c: {  	_ =	swait.ge [sflag:s18], $0x2000  }
0x7d: {  	[sflag:s18] =	ssyncset.done $0x0  }
0x7e: {  	[sflag:s18] =	ssyncadd.s32 $0xFFFFE000  }
0x7f: {  	[spmem:s2] =	stream.indirect.scatter.add.f32 [tilespmem:s22], [sflag:$0x2], $0x80, s25, s14, $0xb8;
	[tilespmem:$0x1EC00] =	vst v63  }
0x80: {  	_ =	swait.ge [sflag:s18], $0x2000  }
0x81: {  	p1 =	seq.s32 s30, $0x9C00;
	[sflag:s18] =	ssyncset.done $0x0  }
0x82: {  	s1 =	simm.s32 @!p1 $0x2;
	[sflag:s18] =	ssyncadd.s32 $0xFFFFE000  }
0x83: {  	[spmem:s2] =	stream.indirect.scatter.add.f32 [tilespmem:s24], [sflag:$0x2], $0x80, s26, s14, $0xb8;
	[tilespmem:$0x1EC00] =	vst v63  }
0x84: {  	_ =	swait.ge @!p1 [sflag:s1], $0x2000  }
0x85: {  	[sflag:s1] =	ssyncset.done @!p1 $0x0  }
0x86: {  	[sflag:s1] =	ssyncadd.s32 @!p1 $0xFFFFE000  }
0x87: {  	_ =	swait.ge @!p1 [sflag:s1], $0x2000  }
0x88: {  	[sflag:s1] =	ssyncset.done @!p1 $0x0  }
0x89: {  	[sflag:s1] =	ssyncadd.s32 @!p1 $0xFFFFE000;
	s1 =	sshra.s32 @!p1 s30, $0x2  }
0x8a: {  	v1 =	vld @!p1 [tilespmem:s1+$0x100];
	_ =	sdelay $0x4  }
0x8b: {  	v2 =	vand.u32 @!p1 $0x3FFF, v1  }
0x8c: {  	v1 =	vshrl.u32 @!p1 v1, $0xE;
	[tilespmem:$0x2800] =	vst @!p1 v2  }
0x8d: {  	[tilespmem:$0x2A00] =	vst @!p1 v1  }
0x8e: {  	v1 =	vld @!p1 [tilespmem:s1+$0x110];
	_ =	sdelay $0x4  }
0x8f: {  	v2 =	vand.u32 @!p1 $0x3FFF, v1  }
0x90: {  	v1 =	vshrl.u32 @!p1 v1, $0xE;
	[tilespmem:$0x2810] =	vst @!p1 v2  }
0x91: {  	[tilespmem:$0x2A10] =	vst @!p1 v1  }
0x92: {  	v1 =	vld @!p1 [tilespmem:s1+$0x120];
	_ =	sdelay $0x4  }
0x93: {  	v2 =	vand.u32 @!p1 $0x3FFF, v1  }
0x94: {  	v1 =	vshrl.u32 @!p1 v1, $0xE;
	[tilespmem:$0x2820] =	vst @!p1 v2  }
0x95: {  	[tilespmem:$0x2A20] =	vst @!p1 v1  }
0x96: {  	v1 =	vld @!p1 [tilespmem:s1+$0x130];
	_ =	sdelay $0x4  }
0x97: {  	v2 =	vand.u32 @!p1 $0x3FFF, v1  }
0x98: {  	v1 =	vshrl.u32 @!p1 v1, $0xE;
	[tilespmem:$0x2830] =	vst @!p1 v2  }
0x99: {  	[tilespmem:$0x2A30] =	vst @!p1 v1  }
0x9a: {  	v1 =	vld @!p1 [tilespmem:s1+$0x140];
	_ =	sdelay $0x4  }
0x9b: {  	v2 =	vand.u32 @!p1 $0x3FFF, v1  }
0x9c: {  	v1 =	vshrl.u32 @!p1 v1, $0xE;
	[tilespmem:$0x2880] =	vst @!p1 v2  }
0x9d: {  	[tilespmem:$0x2A80] =	vst @!p1 v1  }
0x9e: {  	v1 =	vld @!p1 [tilespmem:s1+$0x150];
	_ =	sdelay $0x4  }
0x9f: {  	v2 =	vand.u32 @!p1 $0x3FFF, v1  }
0xa0: {  	v1 =	vshrl.u32 @!p1 v1, $0xE;
	[tilespmem:$0x2890] =	vst @!p1 v2  }
0xa1: {  	[tilespmem:$0x2A90] =	vst @!p1 v1  }
0xa2: {  	v1 =	vld @!p1 [tilespmem:s1+$0x160];
	_ =	sdelay $0x4  }
0xa3: {  	v2 =	vand.u32 @!p1 $0x3FFF, v1  }
0xa4: {  	v1 =	vshrl.u32 @!p1 v1, $0xE;
	[tilespmem:$0x28A0] =	vst @!p1 v2  }
0xa5: {  	[tilespmem:$0x2AA0] =	vst @!p1 v1  }
0xa6: {  	v1 =	vld @!p1 [tilespmem:s1+$0x170];
	_ =	sdelay $0x4  }
0xa7: {  	v2 =	vand.u32 @!p1 $0x3FFF, v1  }
0xa8: {  	s15 =	simm.s32 @!p1 $0x2800;
	v1 =	vshrl.u32 @!p1 v1, $0xE;
	[tilespmem:$0x28B0] =	vst @!p1 v2  }
0xa9: {  	s31 =	simm.s32 @!p1 $0x2C00;
	s30 =	sadd.s32 @!p1 $0x400, s30;
	s1 =	simm.s32 @!p1 $0x40;
	[tilespmem:$0x2AB0] =	vst @!p1 v1  }
0xaa: {  	[tilespmem:s31], [sflag:$0x1] =	stream.indirect.gather @!p1 [hbm4b:s4+s1], $0x80, s15, s1, $0xb8;
	[tilespmem:$0x1EC00] =	vst v63  }
0xab: {  	p2 =	sne.s32 @!p1 s30, $0xA000;
	s15 =	simm.s32 @!p1 $0x2880;
	s31 =	simm.s32 @!p1 $0x4C00  }
0xac: {  	[tilespmem:s31], [sflag:$0x1] =	stream.indirect.gather @!p1 [hbm4b:s4+s1], $0x80, s15, s1, $0xb8;
	[tilespmem:$0x1EC00] =	vst v63  }
0xad: {  	p1 =	por p1, !p2  }
.Ltmp3:
0xae: {  	_ = 	snop;
	(pc) =	sbr.rel @!p1 .LBB2_7-.Ltmp3, $1  }
0xaf: {  	_ =	sdelay $0x3  }
0xb0: {  	_ =	swait.ge [sflag:s28], $0x2000  }
0xb1: {  	[sflag:s28] =	ssyncset.done $0x0  }
0xb2: {  	[sflag:s28] =	ssyncadd.s32 $0xFFFFE000  }
0xb3: {  	_ =	swait.ge [sflag:s28], $0x2000  }
0xb4: {  	[sflag:s28] =	ssyncset.done $0x0  }
0xb5: {  	[sflag:s28] =	ssyncadd.s32 $0xFFFFE000  }
0xb6: {  	_ =	swait.ge [sflag:s28], $0x2000  }
0xb7: {  	[sflag:s28] =	ssyncset.done $0x0  }
0xb8: {  	[sflag:s28] =	ssyncadd.s32 $0xFFFFE000  }
0xb9: {  	_ =	swait.ge [sflag:s28], $0x2000  }
0xba: {  	s1 =	sshll.u32 s0, $0x6;
	s29 =	sadd.s32 $0x1, s29;
	[sflag:s28] =	ssyncset.done $0x0  }
0xbb: {  	s15 =	sshrl.u32 s6, $0x3;
	p1 =	sne.s32 s29, s11;
	[sflag:s28] =	ssyncadd.s32 $0xFFFFE000  }
.Ltmp4:
0xbc: {  	s1 =	sor.u32 $0x1C03, s1;
	[bflag:$0x0] =	sbarrier.arrive $0xFFFF;
	(pc) =	sbr.rel @p1 .LBB2_1-.Ltmp4, $4  }
0xbd: {  	[hbm:s10], [sflag:s1] =	dma.local [spmem:s15], $0x2800  }
0xbe: {  	_ =	swait.ge [sflag:s12], $0x2800  }
0xbf: {  	[sflag:s12] =	ssyncset.done $0x0  }
0xc0: {  	[sflag:s12] =	ssyncadd.s32 $0xFFFFD800  }
0xc1: {  	_ =	sfence.sel $0x180000  }
0xc2: {  	[bflag:$0x0] =	sbarrier.arrive $0xFFFF  }
0xc3: {  	_ =	strace $0x9000004A  }
0xc4: {  	[bflag:$0x2] =	sbarrier.arrive $0xFFFF  }
0xc5: {  	p0 =	sne.s32 s0, $0x0;
	s0 =	rddreg [dreg:$0x2]  }
0xc6: {  	s0 =	sadd.s32 @!p0 $0x100000, s0  }
0xc7: {  	[sflag:s0] =	ssyncadd.tile.s32 @!p0 $0x1;
	_ =	shalt  }
.Lfunc_end2:
_tile_overlayer_lowered:
.L_overlay_start_2:
0xc8: {  	(tag) =	ssettag $0x2  }
0xc9: {  	s0 =	rddreg [dreg:$0x0];
	s2 =	stileid.u32  }
0xca: {  	s1 =	rddreg [dreg:$0x1];
	p0 =	sne.s32 s2, $0x0  }
0xcb: {  	s3 =	rddreg [dreg:$0x2];
	[bflag:$0x3] =	sbarrier.arrive $0xFFFF;
	s2 =	simm.s32 @!p0 $0x1C03  }
0xcc: {  	[timem:s3], [sflag:s2] =	dma.local @!p0 [hbm:s0], s1  }
0xcd: {  	s0 =	simm.s32 @!p0 $0x3  }
0xce: {  	_ =	swait.ge @!p0 [sflag:s0], s1  }
0xcf: {  	s1 =	ssub.s32 @!p0 $0x0, s1;
	[sflag:s0] =	ssyncset.done @!p0 $0x0  }
0xd0: {  	[sflag:s0] =	ssyncadd.s32 @!p0 s1  }
0xd1: {  	[bflag:$0x3] =	sbarrier.arrive $0xFFFF  }
0xd2: {  	_ =	shalt  }

// kernel: kernel.17.cloned.1.call-start
scs
__scs_entry_jumppad:
0x0: {  	(pc) =	sbr.rel $0x88, $3  }
0x1: {  	(tag) =	ssettag $0x0;
	lr =	simm.s32 $0x1  }
0x2: {  	[smem:$0x3F8D] =	sst lr;
	_ =	strace $0xD0000000  }
0x3: {  	_ = 	snop  }
0x4: {  	_ = 	snop  }
0x5: {  	_ = 	snop  }
0x6: {  	_ = 	snop  }
0x7: {  	_ = 	snop  }
__scs_overlays_trampoline_lowered:
0x8: {  	[smem:$0x3F9C] =	sst s0  }
0x9: {  	[smem:$0x3F9D] =	sst s1  }
0xa: {  	[smem:$0x3F9E] =	sst s2  }
0xb: {  	[smem:$0x3F9F] =	sst s3  }
0xc: {  	[smem:$0x3FA0] =	sst s4  }
0xd: {  	[smem:$0x3FA1] =	sst s5  }
0xe: {  	[smem:$0x3FA2] =	sst s6  }
0xf: {  	[smem:$0x3FA3] =	sst s7  }
0x10: {  	[smem:$0x3FA4] =	sst s8  }
0x11: {  	[smem:$0x3FA5] =	sst s9;
	s0 =	simm.s32 @!p0 $0x0  }
0x12: {  	s1 =	sld [smem:$0x3F8B];
	s0 =	simm.s32 @p0 $0x1  }
0x13: {  	[smem:$0x3FA6] =	sst s0;
	s0 =	simm.s32 @!p1 $0x0  }
0x14: {  	s2 =	sld [smem:$0x3F8A];
	s0 =	simm.s32 @p1 $0x1  }
0x15: {  	[smem:$0x3FA7] =	sst s0;
	s0 =	simm.s32 @!p2 $0x0  }
0x16: {  	s3 =	sld [smem:$0x3FDB];
	s0 =	simm.s32 @p2 $0x1  }
0x17: {  	s4 =	simm.s32 $0x1BF5;
	[smem:$0x3FA9] =	sst s0  }
0x18: {  	s0 =	sld [smem:$0x3F8C];
	_ =	swait.ge [sflag:s4], $0x0  }
0x19: {  	s7 =	sld [smem:$0x3F8D]  }
0x1a: {  	s8 =	sadd.s32 $0xFFFFE003, lr  }
0x1b: {  	s9 =	sadd.s32 $0xFFFFFEF7, lr;
	s5 =	simm.s32 $0xFFFFFFFF;
	p2 =	slt.u32 s8, $0xFFFFF086  }
0x1c: {  	p1 =	slt.u32 s9, $0xF7A;
	s5 =	simm.s32 @!p2 $0x0  }
0x1d: {  	s5 =	simm.s32 @p1 $0x1;
	p0 =	seq.s32 s7, s2  }
0x1e: {  	s7 =	smul.u32 @!p0 $0xF7A, s2;
	p2 =	seq.s32 @!p0 s5, $0x0  }
0x1f: {  	s9 =	smul.u32 $0xF7A, s1;
	s8 =	simm.s32 @!p0 $0x1BF5;
	p2 =	por !p2, p0  }
0x20: {  	[sflag:s8] =	ssyncset.s32 @!p0 $0xFFFFF086;
	s6 =	sadd.s32 @!p0 s3, s7;
	s7 =	simm.s32 @!p0 $0x108  }
0x21: {  	s3 =	sadd.s32 s3, s9;
	s6 =	sadd.s32 @!p0 $0x88, s6;
	s7 =	simm.s32 @p2 $0x1082  }
0x22: {  	[simem:s7], [sflag:s8] =	dma.local @!p0 [hbm:s6], $0xF7A  }
0x23: {  	s9 =	sor.u32 $0xD0000000, s2;
	s6 =	simm.s32 $0x108;
	_ =	swait.ge @!p0 [sflag:s8], $0x0  }
0x24: {  	s3 =	sadd.s32 $0x88, s3;
	s6 =	simm.s32 @!p1 $0x1082;
	[sflag:s4] =	ssyncset.s32 $0xFFFFF086  }
0x25: {  	[simem:s6], [sflag:s4] =	dma.local [hbm:s3], $0xF7A  }
0x26: {  	[smem:$0x3F8D] =	sst s1;
	(tag) =	ssettag s2;
	_ =	strace s9  }
0x27: {  	s1 =	sld [smem:$0x3F9D]  }
0x28: {  	s2 =	sld [smem:$0x3F9E]  }
0x29: {  	s4 =	sld [smem:$0x3FA0]  }
0x2a: {  	p0 =	seq.s32 s5, $0x0;
	s5 =	sld [smem:$0x3FA1]  }
0x2b: {  	s6 =	sld [smem:$0x3FA2]  }
0x2c: {  	s7 =	sld [smem:$0x3FA3]  }
0x2d: {  	s3 =	simm.s32 $0x108;
	s8 =	sld [smem:$0x3FA4]  }
0x2e: {  	s3 =	simm.s32 @!p0 $0x1082;
	s9 =	sld [smem:$0x3FA5]  }
0x2f: {  	lr =	sadd.s32 s0, s3;
	s0 =	sld [smem:$0x3F9C]  }
0x30: {  	s3 =	sld [smem:$0x3F9F]  }
0x31: {  	[smem:$0x3FA8] =	sst s10  }
0x32: {  	s10 =	sld [smem:$0x3FA6];
	_ =	sdelay $0x3  }
0x33: {  	p0 =	seq.s32 s10, $0x1;
	s10 =	sld [smem:$0x3FA8];
	_ =	sdelay $0x3  }
0x34: {  	[smem:$0x3FA8] =	sst s10  }
0x35: {  	s10 =	sld [smem:$0x3FA7];
	_ =	sdelay $0x3  }
0x36: {  	p1 =	seq.s32 s10, $0x1;
	s10 =	sld [smem:$0x3FA8];
	_ =	sdelay $0x3  }
0x37: {  	[smem:$0x3FA8] =	sst s10  }
0x38: {  	s10 =	sld [smem:$0x3FA9]  }
0x39: {  	_ = 	snop;
	(pc) =	sbr.ind lr, $3  }
0x3a: {  	_ = 	snop  }
0x3b: {  	_ = 	snop  }
0x3c: {  	p2 =	seq.s32 s10, $0x1;
	s10 =	sld [smem:$0x3FA8]  }
0x3d: {  	_ =	shalt  }
0x3e: {  	_ =	shalt  }
0x3f: {  	_ =	shalt  }
0x40: {  	_ =	shalt  }
0x41: {  	_ =	shalt  }
0x42: {  	_ =	shalt  }
0x43: {  	_ =	shalt  }
0x44: {  	_ =	shalt  }
0x45: {  	_ =	shalt  }
0x46: {  	_ =	shalt  }
0x47: {  	_ =	shalt  }
0x48: {  	_ =	shalt  }
0x49: {  	_ =	shalt  }
0x4a: {  	_ =	shalt  }
0x4b: {  	_ =	shalt  }
0x4c: {  	_ =	shalt  }
0x4d: {  	_ =	shalt  }
0x4e: {  	_ =	shalt  }
0x4f: {  	_ =	shalt  }
0x50: {  	_ =	shalt  }
0x51: {  	_ =	shalt  }
0x52: {  	_ =	shalt  }
0x53: {  	_ =	shalt  }
0x54: {  	_ =	shalt  }
0x55: {  	_ =	shalt  }
0x56: {  	_ =	shalt  }
0x57: {  	_ =	shalt  }
0x58: {  	_ =	shalt  }
0x59: {  	_ =	shalt  }
0x5a: {  	_ =	shalt  }
0x5b: {  	_ =	shalt  }
0x5c: {  	_ =	shalt  }
0x5d: {  	_ =	shalt  }
0x5e: {  	_ =	shalt  }
0x5f: {  	_ =	shalt  }
0x60: {  	_ =	shalt  }
0x61: {  	_ =	shalt  }
0x62: {  	_ =	shalt  }
0x63: {  	_ =	shalt  }
0x64: {  	_ =	shalt  }
0x65: {  	_ =	shalt  }
0x66: {  	_ =	shalt  }
0x67: {  	_ =	shalt  }
0x68: {  	_ =	shalt  }
0x69: {  	_ =	shalt  }
0x6a: {  	_ =	shalt  }
0x6b: {  	_ =	shalt  }
0x6c: {  	_ =	shalt  }
0x6d: {  	_ =	shalt  }
0x6e: {  	_ =	shalt  }
0x6f: {  	_ =	shalt  }
0x70: {  	_ =	shalt  }
0x71: {  	_ =	shalt  }
0x72: {  	_ =	shalt  }
0x73: {  	_ =	shalt  }
0x74: {  	_ =	shalt  }
0x75: {  	_ =	shalt  }
0x76: {  	_ =	shalt  }
0x77: {  	_ =	shalt  }
0x78: {  	_ =	shalt  }
0x79: {  	_ =	shalt  }
0x7a: {  	_ =	shalt  }
0x7b: {  	_ =	shalt  }
0x7c: {  	_ =	shalt  }
0x7d: {  	_ =	shalt  }
0x7e: {  	_ =	shalt  }
0x7f: {  	_ =	shalt  }
0x80: {  	_ =	shalt  }
0x81: {  	_ =	shalt  }
0x82: {  	_ =	shalt  }
0x83: {  	_ =	shalt  }
0x84: {  	_ =	shalt  }
0x85: {  	_ =	shalt  }
0x86: {  	_ =	shalt  }
0x87: {  	_ =	shalt  }
.Lfunc_end0:
.L_simem_size_0:
called_computation.2_lowered:
.L_overlay_start_0:
0x88: {  	s2 =	sld [smem:$0x3FD9]  }
0x89: {  	s3 =	sld [smem:$0x3FFE];
	_ =	sdelay $0x1  }
0x8a: {  	s1 =	srdreg.scid  }
0x8b: {  	s0 =	sand.u32 $0x1, s1  }
0x8c: {  	s16 =	sshll.u32 s0, $0xA;
	s2 =	sadd.s32 s3, s2  }
0x8d: {  	s2 =	sadd.s32 s2, s16  }
0x8e: {  	[smem:$0x3FB4] =	sst s2  }
0x8f: {  	_ = 	snop  }
0x90: {  	(tm) =	ssettm $0x1  }
0x91: {  	s17 =	sld [smem:$0x3FFB];
	_ =	sdelay $0x3  }
0x92: {  	_ =	strace s17  }
0x93: {  	s2 =	sld [smem:$0x3FFC];
	_ =	sdelay $0x3  }
0x94: {  	_ =	strace s2  }
0x95: {  	s2 =	sld [smem:$0x3FFD];
	_ =	sdelay $0x3  }
0x96: {  	_ =	strace s2  }
0x97: {  	_ =	strace $0x8FFFFFFF  }
0x98: {  	s18 =	sld [smem:$0x3FDB];
	_ =	sdelay $0x1  }
0x99: {  	s19 =	simm.s32 $_scs_section_size  }
0x9a: {  	s4 =	simm.s32 $_size__tile_overlayer_lowered;
	s5 =	simm.s32 $_tile_overlayer_lowered  }
0x9b: {  	s22 =	simm.s32 $0x1BFF;
	s21 =	sshll.u32 s5, $0x1;
	s2 =	sadd.s32 s19, s18  }
0x9c: {  	s6 =	simm.s32 $0x0;
	s20 =	sshll.u32 s4, $0x1;
	s4 =	sadd.s32 s21, s2  }
0x9d: {  	[timem:s6], [sflag:s22] =	dma.local [hbm:s4], s20  }
0x9e: {  	_ =	swait.ge [sflag:s22], s20  }
0x9f: {  	s3 =	ssub.s32 $0x0, s20;
	[sflag:s22] =	ssyncset.done $0x0  }
0xa0: {  	[sflag:s22] =	ssyncadd.s32 s3;
	_ =	sdelay $0x1  }
0xa1: {  	s23 =	simm.s32 $0x1B8B  }
0xa2: {  	_ =	swait.ge [sflag:s23], $0x1  }
0xa3: {  	[sflag:s23] =	ssyncset.done $0x0  }
0xa4: {  	s25 =	simm.s32 $0x1B8E;
	s24 =	sld [smem:$0x3FFE];
	[sflag:s23] =	ssyncadd.s32 $0xFFFFFFFF  }
0xa5: {  	s26 =	simm.s32 $execute0_lowered;
	[smem:$0x3FD2] =	sst s25  }
0xa6: {  	s4 =	sshll.u32 s26, $0x1;
	_ =	strace $0x8000004C;
	[dreg:$0x1] =	wrdreg $0xFFFFFFFF  }
0xa7: {  	s28 =	simm.s32 $_size_execute0_lowered;
	s2 =	sadd.s32 s2, s4;
	[dreg:$0x0] =	wrdreg $0x0  }
0xa8: {  	s4 =	sshll.u32 s28, $0x1;
	[dreg:$0x2] =	wrdreg s2  }
0xa9: {  	[dreg:$0x3] =	wrdreg s4  }
0xaa: {  	[dreg:$0x4] =	wrdreg $0xC0  }
0xab: {  	_ =	task [dreg:s6], $0x5FFFF  }
0xac: {  	[dreg:$0x1] =	wrdreg $0xFFFFFFFF  }
0xad: {  	[dreg:$0x0] =	wrdreg $0x60  }
0xae: {  	[dreg:$0x2] =	wrdreg s24  }
0xaf: {  	[dreg:$0x3] =	wrdreg $0xAC000  }
0xb0: {  	[dreg:$0x4] =	wrdreg $0x9  }
0xb1: {  	_ =	task.clear_ibuf [dreg:s6], $0x5FFFF;
	_ =	strace $0x9000004C  }
0xb2: {  	s29 =	simm.s32 $0x9;
	_ =	strace $0x8000004E  }
0xb3: {  	_ =	swait.ge [sflag:s29], $0x1  }
0xb4: {  	[sflag:s29] =	ssyncadd.s32 $0xFFFFFFFF  }
0xb5: {  	_ =	strace $0x9000004E  }
0xb6: {  	_ =	sfence  }
0xb7: {  	s30 =	sld [smem:$0x0];
	_ =	sdelay $0x2  }
0xb8: {  	s31 =	sshll.u32 s1, $0xD;
	s1 =	sshrl.u32 s1, $0x2  }
0xb9: {  	s3 =	sand.u32 $0x4000, s31;
	s1 =	sadd.s32 s1, s30  }
0xba: {  	s0 =	sor.u32 s3, s0;
	s1 =	sshll.u32 s1, $0x11  }
0xbb: {  	s0 =	sor.u32 s1, s0  }
0xbc: {  	s0 =	sadd.s32 $0x8F2B, s0  }
0xbd: {  	[sflag:s0] =	ssyncadd.remote.s32 $0x1  }
0xbe: {  	_ =	sfence.sel $0xFFFF  }
0xbf: {  	[dreg:$0x0] =	wrdreg $0xFFFFFFFF;
	(pc) =	sbr.abs _section_cstart, $3  }
0xc0: {  	[dreg:$0x1] =	wrdreg $0xFFFFFFFF  }
0xc1: {  	_ =	task.clear_ibuf [dreg:s6], $0x2FFFF;
	_ =	strace $0x9FFFFFFF  }
0xc2: {  	(tm) =	ssettm $0x7FFFFFFF  }
0xc3: {  	_ =	shalt  }
tec
execute0_lowered:
.L_overlay_start_1:
0x0: {  	(tag) =	ssettag $0x1  }
0x1: {  	s0 =	srdreg.scid;
	s5 =	rddreg [dreg:$0x0];
	s12 =	simm.s32 $0x3  }
0x2: {  	s13 =	simm.s32 $0x2C00;
	s14 =	simm.s32 $0x40;
	s16 =	simm.s32 $0x2880  }
0x3: {  	s17 =	simm.s32 $0x4C00;
	s18 =	simm.s32 $0x1;
	s19 =	simm.s32 $0x2A00  }
0x4: {  	s20 =	simm.s32 $0x2A80;
	s21 =	simm.s32 $0x2900;
	s22 =	simm.s32 $0x6C00  }
0x5: {  	s23 =	simm.s32 $0x2980;
	s24 =	simm.s32 $0x8C00;
	s1 =	sand.u32 $0x1, s0  }
0x6: {  	s28 =	simm.s32 $0x2;
	s0 =	stileid.u32;
	s7 =	smul.u32 $0x140000, s1  }
0x7: {  	s29 =	simm.s32 $0x0;
	s4 =	sadd.s32 $0x5E600, s5;
	s8 =	smul.u32 $0x14000, s0  }
0x8: {  	s2 =	sshll.u32 s1, $0x4;
	s25 =	ssub.s32 $0x2, s1;
	s9 =	smul.u32 $0x50000, s0  }
0x9: {  	s30 =	smul.u32 $0x2800, s0;
	p0 =	seq.s32 s1, $0x1;
	s3 =	sor.u32 s0, s2  }
0xa: {  	s2 =	rddreg [dreg:$0x1];
	s26 =	sshrl.u32 s25, $0x1;
	s6 =	smul.u32 $0x500, s3  }
0xb: {  	s3 =	simm.s32 $0x0;
	s7 =	sadd.s32 s8, s7;
	s11 =	ssub.s32 s25, s26  }
0xc: {  	s31 =	sshrl.u32 s9, $0x2;
	s25 =	simm.s32 $0x2B00;
	s26 =	simm.s32 $0x2B80  }
0xd: {  	[smem:$0x7FF] =	sst s3;
	s7 =	sshrl.u32 s7, $0x3;
	s11 =	smax.u32 s11, $0x1  }
0xe: {  	_ =	strace $0x8000004D;
	s6 =	sadd.s32 s6, s5;
	s10 =	sadd.s32 s7, s5  }
0xf: {  	s7 =	sadd.s32 s4, s30;
	s5 =	sadd.s32 $0x54600, s6;
	s6 =	sadd.s32 s31, s2  }
0x10: {  	v0 =	vimm.f32 $0.0e+00;
	s10 =	sadd.s32 $0x86600, s10;
	s8 =	sadd.s32 $0x8000, s6;
	s9 =	sadd.s32 $0x10000, s6  }
.LBB2_1:
.Ltmp0:
0x11: {  	(pc) =	sbr.rel @!p0 .LBB2_2-.Ltmp0, $4  }
0x12: {  	[tilespmem:s3], [sflag:$0x3] =	stream.linear.gather [hbm4b:s5+s3], $0x2800, $0x38;
	[tilespmem:$0x1EC00] =	vst v63  }
0x13: {  	_ =	swait.ge [sflag:s12], $0x2800  }
0x14: {  	[sflag:s12] =	ssyncset.done $0x0  }
0x15: {  	[sflag:s12] =	ssyncadd.s32 $0xFFFFD800  }
0x16: {  	s1 =	sand.u32 $0x1FE00, s3  }
0x17: {  	s31 =	sand.u32 $0x70, s3;
	s1 =	sshrl.u32 s1, $0x2  }
0x18: {  	s30 =	simm.s32 $0x40;
	s1 =	sor.u32 s31, s1;
	s31 =	simm.s32 $0x0  }
.LBB2_4:
0x19: {  	p1 =	sne.s32 s30, $0x1FFC0  }
0x1a: {  	[tilespmem:s1+$0x2C00] =	vst v0;
	s31 =	sadd.s32 $0x10, s31;
	s1 =	smov.u32 s30;
	s30 =	sadd.s32 $0x40, s30  }
.Ltmp1:
0x1b: {  	(pc) =	sbr.rel @p1 .LBB2_4-.Ltmp1, $4  }
0x1c: {  	_ = 	snop  }
0x1d: {  	s1 =	sand.u32 $0x1FE00, s1  }
0x1e: {  	s15 =	sand.u32 $0x70, s31;
	s1 =	sshrl.u32 s1, $0x2  }
0x1f: {  	s1 =	sor.u32 s15, s1  }
0x20: {  	[tilespmem:s1+$0x2C00] =	vst v0  }
0x21: {  	[spmem:s6] =	stream.linear.scatter [tilespmem:s13], [sflag:$0x3], $0x8000, $0x38;
	[tilespmem:$0x1EC00] =	vst v63  }
0x22: {  	_ =	swait.ge [sflag:s12], $0x8000  }
0x23: {  	[sflag:s12] =	ssyncset.done $0x0  }
0x24: {  	[sflag:s12] =	ssyncadd.s32 $0xFFFF8000  }
0x25: {  	[spmem:s8] =	stream.linear.scatter [tilespmem:s13], [sflag:$0x3], $0x8000, $0x38;
	[tilespmem:$0x1EC00] =	vst v63  }
0x26: {  	_ =	swait.ge [sflag:s12], $0x8000  }
0x27: {  	[sflag:s12] =	ssyncset.done $0x0  }
.Ltmp2:
0x28: {  	[sflag:s12] =	ssyncadd.s32 $0xFFFF8000;
	(pc) =	sbr.rel .LBB2_6-.Ltmp2, $4  }
0x29: {  	[spmem:s9] =	stream.linear.scatter [tilespmem:s13], [sflag:$0x3], $0x4000, $0x38;
	[tilespmem:$0x1EC00] =	vst v63  }
0x2a: {  	_ =	swait.ge [sflag:s12], $0x4000  }
0x2b: {  	[sflag:s12] =	ssyncset.done $0x0  }
0x2c: {  	[sflag:s12] =	ssyncadd.s32 $0xFFFFC000  }
.LBB2_2:
0x2d: {  	s1 =	sshll.u32 s0, $0x6  }
0x2e: {  	s30 =	sshrl.u32 s6, $0x3;
	s1 =	sor.u32 $0x1C03, s1  }
0x2f: {  	[spmem:s30], [sflag:s1] =	dma.local [hbm:s7], $0x2800  }
0x30: {  	_ =	swait.ge [sflag:s12], $0x2800  }
0x31: {  	[sflag:s12] =	ssyncset.done $0x0  }
0x32: {  	[sflag:s12] =	ssyncadd.s32 $0xFFFFD800  }
.LBB2_6:
0x33: {  	v1 =	vld [tilespmem:$0x0];
	_ =	sdelay $0x1  }
0x34: {  	v2 =	vld [tilespmem:$0x10];
	_ =	sdelay $0x1  }
0x35: {  	v3 =	vld [tilespmem:$0x20]  }
0x36: {  	v4 =	vand.u32 $0x3FFF, v1  }
0x37: {  	v62 =	vld [tilespmem:$0x30];
	v1 =	vshrl.u32 v1, $0xE;
	[tilespmem:$0x2800] =	vst v4  }
0x38: {  	[tilespmem:$0x2A00] =	vst v1;
	v1 =	vand.u32 $0x3FFF, v2  }
0x39: {  	[tilespmem:$0x2810] =	vst v1;
	v1 =	vshrl.u32 v2, $0xE;
	v2 =	vld [tilespmem:$0x40]  }
0x3a: {  	[tilespmem:$0x2A10] =	vst v1;
	v1 =	vand.u32 $0x3FFF, v3  }
0x3b: {  	[tilespmem:$0x2820] =	vst v1;
	v1 =	vshrl.u32 v3, $0xE;
	v3 =	vld [tilespmem:$0x50]  }
0x3c: {  	[tilespmem:$0x2A20] =	vst v1;
	v1 =	vand.u32 $0x3FFF, v62  }
0x3d: {  	v63 =	vld [tilespmem:$0x60];
	[tilespmem:$0x2830] =	vst v1;
	v1 =	vshrl.u32 v62, $0xE  }
0x3e: {  	[tilespmem:$0x2A30] =	vst v1;
	v1 =	vand.u32 $0x3FFF, v2  }
0x3f: {  	[tilespmem:$0x2880] =	vst v1;
	v1 =	vshrl.u32 v2, $0xE;
	v2 =	vld [tilespmem:$0x70]  }
0x40: {  	[tilespmem:$0x2A80] =	vst v1;
	v1 =	vand.u32 $0x3FFF, v3  }
0x41: {  	[tilespmem:$0x2890] =	vst v1;
	v1 =	vshrl.u32 v3, $0xE  }
0x42: {  	[tilespmem:$0x2A90] =	vst v1;
	v1 =	vand.u32 $0x3FFF, v63  }
0x43: {  	[tilespmem:$0x28A0] =	vst v1;
	v1 =	vshrl.u32 v63, $0xE  }
0x44: {  	[tilespmem:$0x2AA0] =	vst v1;
	v1 =	vand.u32 $0x3FFF, v2  }
0x45: {  	[tilespmem:$0x28B0] =	vst v1;
	v1 =	vshrl.u32 v2, $0xE  }
0x46: {  	[tilespmem:$0x2AB0] =	vst v1  }
0x47: {  	s1 =	simm.s32 $0x2800;
	[bflag:$0x0] =	sbarrier.arrive $0xFFFF  }
0x48: {  	[tilespmem:s13], [sflag:$0x1] =	stream.indirect.gather [hbm4b:s4+s14], $0x80, s1, s14, $0xb8;
	[tilespmem:$0x1EC00] =	vst v63  }
0x49: {  	s30 =	simm.s32 $0x0  }
0x4a: {  	[tilespmem:s17], [sflag:$0x1] =	stream.indirect.gather [hbm4b:s4+s14], $0x80, s16, s14, $0xb8;
	[tilespmem:$0x1EC00] =	vst v63  }
.LBB2_7:
0x4b: {  	_ =	swait.ge [sflag:s18], $0x2000  }
0x4c: {  	[sflag:s18] =	ssyncset.done $0x0  }
0x4d: {  	[sflag:s18] =	ssyncadd.s32 $0xFFFFE000  }
0x4e: {  	[spmem:s2] =	stream.indirect.scatter.add.f32 [tilespmem:s13], [sflag:$0x2], $0x80, s19, s14, $0xb8;
	[tilespmem:$0x1EC00] =	vst v63  }
0x4f: {  	_ =	swait.ge [sflag:s18], $0x2000  }
0x50: {  	p1 =	seq.s32 s30, $0x0;
	[sflag:s18] =	ssyncset.done $0x0  }
0x51: {  	s1 =	simm.s32 @!p1 $0x2;
	[sflag:s18] =	ssyncadd.s32 $0xFFFFE000  }
0x52: {  	[spmem:s2] =	stream.indirect.scatter.add.f32 [tilespmem:s17], [sflag:$0x2], $0x80, s20, s14, $0xb8;
	[tilespmem:$0x1EC00] =	vst v63  }
0x53: {  	_ =	swait.ge @!p1 [sflag:s1], $0x2000  }
0x54: {  	[sflag:s1] =	ssyncset.done @!p1 $0x0  }
0x55: {  	[sflag:s1] =	ssyncadd.s32 @!p1 $0xFFFFE000  }
0x56: {  	_ =	swait.ge @!p1 [sflag:s1], $0x2000  }
0x57: {  	[sflag:s1] =	ssyncset.done @!p1 $0x0  }
0x58: {  	s31 =	sshra.s32 s30, $0x2;
	[sflag:s1] =	ssyncadd.s32 @!p1 $0xFFFFE000  }
0x59: {  	v1 =	vld [tilespmem:s31+$0x80];
	_ =	sdelay $0x4  }
0x5a: {  	v2 =	vand.u32 $0x3FFF, v1  }
0x5b: {  	v1 =	vshrl.u32 v1, $0xE;
	[tilespmem:$0x2900] =	vst v2  }
0x5c: {  	[tilespmem:$0x2B00] =	vst v1  }
0x5d: {  	v1 =	vld [tilespmem:s31+$0x90];
	_ =	sdelay $0x4  }
0x5e: {  	v2 =	vand.u32 $0x3FFF, v1  }
0x5f: {  	v1 =	vshrl.u32 v1, $0xE;
	[tilespmem:$0x2910] =	vst v2  }
0x60: {  	[tilespmem:$0x2B10] =	vst v1  }
0x61: {  	v1 =	vld [tilespmem:s31+$0xA0];
	_ =	sdelay $0x4  }
0x62: {  	v2 =	vand.u32 $0x3FFF, v1  }
0x63: {  	v1 =	vshrl.u32 v1, $0xE;
	[tilespmem:$0x2920] =	vst v2  }
0x64: {  	[tilespmem:$0x2B20] =	vst v1  }
0x65: {  	v1 =	vld [tilespmem:s31+$0xB0];
	_ =	sdelay $0x4  }
0x66: {  	v2 =	vand.u32 $0x3FFF, v1  }
0x67: {  	v1 =	vshrl.u32 v1, $0xE;
	[tilespmem:$0x2930] =	vst v2  }
0x68: {  	[tilespmem:$0x2B30] =	vst v1  }
0x69: {  	v1 =	vld [tilespmem:s31+$0xC0];
	_ =	sdelay $0x4  }
0x6a: {  	v2 =	vand.u32 $0x3FFF, v1  }
0x6b: {  	v1 =	vshrl.u32 v1, $0xE;
	[tilespmem:$0x2980] =	vst v2  }
0x6c: {  	[tilespmem:$0x2B80] =	vst v1  }
0x6d: {  	v1 =	vld [tilespmem:s31+$0xD0];
	_ =	sdelay $0x4  }
0x6e: {  	v2 =	vand.u32 $0x3FFF, v1  }
0x6f: {  	v1 =	vshrl.u32 v1, $0xE;
	[tilespmem:$0x2990] =	vst v2  }
0x70: {  	[tilespmem:$0x2B90] =	vst v1  }
0x71: {  	v1 =	vld [tilespmem:s31+$0xE0];
	_ =	sdelay $0x4  }
0x72: {  	v2 =	vand.u32 $0x3FFF, v1  }
0x73: {  	v1 =	vshrl.u32 v1, $0xE;
	[tilespmem:$0x29A0] =	vst v2  }
0x74: {  	[tilespmem:$0x2BA0] =	vst v1  }
0x75: {  	v1 =	vld [tilespmem:s31+$0xF0];
	_ =	sdelay $0x4  }
0x76: {  	v2 =	vand.u32 $0x3FFF, v1  }
0x77: {  	v1 =	vshrl.u32 v1, $0xE;
	[tilespmem:$0x29B0] =	vst v2  }
0x78: {  	[tilespmem:$0x2BB0] =	vst v1  }
0x79: {  	[tilespmem:s22], [sflag:$0x1] =	stream.indirect.gather [hbm4b:s4+s14], $0x80, s21, s14, $0xb8;
	[tilespmem:$0x1EC00] =	vst v63  }
0x7a: {  	_ = 	snop  }
0x7b: {  	[tilespmem:s24], [sflag:$0x1] =	stream.indirect.gather [hbm4b:s4+s14], $0x80, s23, s14, $0xb8;
	[tilespmem:$0x1EC00] =	vst v63  }
0x7c: {  	_ =	swait.ge [sflag:s18], $0x2000  }
0x7d: {  	[sflag:s18] =	ssyncset.done $0x0  }
0x7e: {  	[sflag:s18] =	ssyncadd.s32 $0xFFFFE000  }
0x7f: {  	[spmem:s2] =	stream.indirect.scatter.add.f32 [tilespmem:s22], [sflag:$0x2], $0x80, s25, s14, $0xb8;
	[tilespmem:$0x1EC00] =	vst v63  }
0x80: {  	_ =	swait.ge [sflag:s18], $0x2000  }
0x81: {  	p1 =	seq.s32 s30, $0x9C00;
	[sflag:s18] =	ssyncset.done $0x0  }
0x82: {  	s1 =	simm.s32 @!p1 $0x2;
	[sflag:s18] =	ssyncadd.s32 $0xFFFFE000  }
0x83: {  	[spmem:s2] =	stream.indirect.scatter.add.f32 [tilespmem:s24], [sflag:$0x2], $0x80, s26, s14, $0xb8;
	[tilespmem:$0x1EC00] =	vst v63  }
0x84: {  	_ =	swait.ge @!p1 [sflag:s1], $0x2000  }
0x85: {  	[sflag:s1] =	ssyncset.done @!p1 $0x0  }
0x86: {  	[sflag:s1] =	ssyncadd.s32 @!p1 $0xFFFFE000  }
0x87: {  	_ =	swait.ge @!p1 [sflag:s1], $0x2000  }
0x88: {  	[sflag:s1] =	ssyncset.done @!p1 $0x0  }
0x89: {  	[sflag:s1] =	ssyncadd.s32 @!p1 $0xFFFFE000;
	s1 =	sshra.s32 @!p1 s30, $0x2  }
0x8a: {  	v1 =	vld @!p1 [tilespmem:s1+$0x100];
	_ =	sdelay $0x4  }
0x8b: {  	v2 =	vand.u32 @!p1 $0x3FFF, v1  }
0x8c: {  	v1 =	vshrl.u32 @!p1 v1, $0xE;
	[tilespmem:$0x2800] =	vst @!p1 v2  }
0x8d: {  	[tilespmem:$0x2A00] =	vst @!p1 v1  }
0x8e: {  	v1 =	vld @!p1 [tilespmem:s1+$0x110];
	_ =	sdelay $0x4  }
0x8f: {  	v2 =	vand.u32 @!p1 $0x3FFF, v1  }
0x90: {  	v1 =	vshrl.u32 @!p1 v1, $0xE;
	[tilespmem:$0x2810] =	vst @!p1 v2  }
0x91: {  	[tilespmem:$0x2A10] =	vst @!p1 v1  }
0x92: {  	v1 =	vld @!p1 [tilespmem:s1+$0x120];
	_ =	sdelay $0x4  }
0x93: {  	v2 =	vand.u32 @!p1 $0x3FFF, v1  }
0x94: {  	v1 =	vshrl.u32 @!p1 v1, $0xE;
	[tilespmem:$0x2820] =	vst @!p1 v2  }
0x95: {  	[tilespmem:$0x2A20] =	vst @!p1 v1  }
0x96: {  	v1 =	vld @!p1 [tilespmem:s1+$0x130];
	_ =	sdelay $0x4  }
0x97: {  	v2 =	vand.u32 @!p1 $0x3FFF, v1  }
0x98: {  	v1 =	vshrl.u32 @!p1 v1, $0xE;
	[tilespmem:$0x2830] =	vst @!p1 v2  }
0x99: {  	[tilespmem:$0x2A30] =	vst @!p1 v1  }
0x9a: {  	v1 =	vld @!p1 [tilespmem:s1+$0x140];
	_ =	sdelay $0x4  }
0x9b: {  	v2 =	vand.u32 @!p1 $0x3FFF, v1  }
0x9c: {  	v1 =	vshrl.u32 @!p1 v1, $0xE;
	[tilespmem:$0x2880] =	vst @!p1 v2  }
0x9d: {  	[tilespmem:$0x2A80] =	vst @!p1 v1  }
0x9e: {  	v1 =	vld @!p1 [tilespmem:s1+$0x150];
	_ =	sdelay $0x4  }
0x9f: {  	v2 =	vand.u32 @!p1 $0x3FFF, v1  }
0xa0: {  	v1 =	vshrl.u32 @!p1 v1, $0xE;
	[tilespmem:$0x2890] =	vst @!p1 v2  }
0xa1: {  	[tilespmem:$0x2A90] =	vst @!p1 v1  }
0xa2: {  	v1 =	vld @!p1 [tilespmem:s1+$0x160];
	_ =	sdelay $0x4  }
0xa3: {  	v2 =	vand.u32 @!p1 $0x3FFF, v1  }
0xa4: {  	v1 =	vshrl.u32 @!p1 v1, $0xE;
	[tilespmem:$0x28A0] =	vst @!p1 v2  }
0xa5: {  	[tilespmem:$0x2AA0] =	vst @!p1 v1  }
0xa6: {  	v1 =	vld @!p1 [tilespmem:s1+$0x170];
	_ =	sdelay $0x4  }
0xa7: {  	v2 =	vand.u32 @!p1 $0x3FFF, v1  }
0xa8: {  	s15 =	simm.s32 @!p1 $0x2800;
	v1 =	vshrl.u32 @!p1 v1, $0xE;
	[tilespmem:$0x28B0] =	vst @!p1 v2  }
0xa9: {  	s31 =	simm.s32 @!p1 $0x2C00;
	s30 =	sadd.s32 @!p1 $0x400, s30;
	s1 =	simm.s32 @!p1 $0x40;
	[tilespmem:$0x2AB0] =	vst @!p1 v1  }
0xaa: {  	[tilespmem:s31], [sflag:$0x1] =	stream.indirect.gather @!p1 [hbm4b:s4+s1], $0x80, s15, s1, $0xb8;
	[tilespmem:$0x1EC00] =	vst v63  }
0xab: {  	p2 =	sne.s32 @!p1 s30, $0xA000;
	s15 =	simm.s32 @!p1 $0x2880;
	s31 =	simm.s32 @!p1 $0x4C00  }
0xac: {  	[tilespmem:s31], [sflag:$0x1] =	stream.indirect.gather @!p1 [hbm4b:s4+s1], $0x80, s15, s1, $0xb8;
	[tilespmem:$0x1EC00] =	vst v63  }
0xad: {  	p1 =	por p1, !p2  }
.Ltmp3:
0xae: {  	_ = 	snop;
	(pc) =	sbr.rel @!p1 .LBB2_7-.Ltmp3, $1  }
0xaf: {  	_ =	sdelay $0x3  }
0xb0: {  	_ =	swait.ge [sflag:s28], $0x2000  }
0xb1: {  	[sflag:s28] =	ssyncset.done $0x0  }
0xb2: {  	[sflag:s28] =	ssyncadd.s32 $0xFFFFE000  }
0xb3: {  	_ =	swait.ge [sflag:s28], $0x2000  }
0xb4: {  	[sflag:s28] =	ssyncset.done $0x0  }
0xb5: {  	[sflag:s28] =	ssyncadd.s32 $0xFFFFE000  }
0xb6: {  	_ =	swait.ge [sflag:s28], $0x2000  }
0xb7: {  	[sflag:s28] =	ssyncset.done $0x0  }
0xb8: {  	[sflag:s28] =	ssyncadd.s32 $0xFFFFE000  }
0xb9: {  	_ =	swait.ge [sflag:s28], $0x2000  }
0xba: {  	s1 =	sshll.u32 s0, $0x6;
	s29 =	sadd.s32 $0x1, s29;
	[sflag:s28] =	ssyncset.done $0x0  }
0xbb: {  	s15 =	sshrl.u32 s6, $0x3;
	p1 =	sne.s32 s29, s11;
	[sflag:s28] =	ssyncadd.s32 $0xFFFFE000  }
.Ltmp4:
0xbc: {  	s1 =	sor.u32 $0x1C03, s1;
	[bflag:$0x0] =	sbarrier.arrive $0xFFFF;
	(pc) =	sbr.rel @p1 .LBB2_1-.Ltmp4, $4  }
0xbd: {  	[hbm:s10], [sflag:s1] =	dma.local [spmem:s15], $0x2800  }
0xbe: {  	_ =	swait.ge [sflag:s12], $0x2800  }
0xbf: {  	[sflag:s12] =	ssyncset.done $0x0  }
0xc0: {  	[sflag:s12] =	ssyncadd.s32 $0xFFFFD800  }
0xc1: {  	_ =	sfence.sel $0x180000  }
0xc2: {  	[bflag:$0x0] =	sbarrier.arrive $0xFFFF  }
0xc3: {  	_ =	strace $0x9000004D  }
0xc4: {  	[bflag:$0x2] =	sbarrier.arrive $0xFFFF  }
0xc5: {  	p0 =	sne.s32 s0, $0x0;
	s0 =	rddreg [dreg:$0x2]  }
0xc6: {  	s0 =	sadd.s32 @!p0 $0x100000, s0  }
0xc7: {  	[sflag:s0] =	ssyncadd.tile.s32 @!p0 $0x1;
	_ =	shalt  }
.Lfunc_end2:
_tile_overlayer_lowered:
.L_overlay_start_2:
0xc8: {  	(tag) =	ssettag $0x2  }
0xc9: {  	s0 =	rddreg [dreg:$0x0];
	s2 =	stileid.u32  }
0xca: {  	s1 =	rddreg [dreg:$0x1];
	p0 =	sne.s32 s2, $0x0  }
0xcb: {  	s3 =	rddreg [dreg:$0x2];
	[bflag:$0x3] =	sbarrier.arrive $0xFFFF;
	s2 =	simm.s32 @!p0 $0x1C03  }
0xcc: {  	[timem:s3], [sflag:s2] =	dma.local @!p0 [hbm:s0], s1  }
0xcd: {  	s0 =	simm.s32 @!p0 $0x3  }
0xce: {  	_ =	swait.ge @!p0 [sflag:s0], s1  }
0xcf: {  	s1 =	ssub.s32 @!p0 $0x0, s1;
	[sflag:s0] =	ssyncset.done @!p0 $0x0  }
0xd0: {  	[sflag:s0] =	ssyncadd.s32 @!p0 s1  }
0xd1: {  	[bflag:$0x3] =	sbarrier.arrive $0xFFFF  }
0xd2: {  	_ =	shalt  }

// kernel: kernel.20.cloned.1.call-start
scs
__scs_entry_jumppad:
0x0: {  	(pc) =	sbr.rel $0x88, $3  }
0x1: {  	(tag) =	ssettag $0x0;
	lr =	simm.s32 $0x1  }
0x2: {  	[smem:$0x3F8D] =	sst lr;
	_ =	strace $0xD0000000  }
0x3: {  	_ = 	snop  }
0x4: {  	_ = 	snop  }
0x5: {  	_ = 	snop  }
0x6: {  	_ = 	snop  }
0x7: {  	_ = 	snop  }
__scs_overlays_trampoline_lowered:
0x8: {  	[smem:$0x3F9C] =	sst s0  }
0x9: {  	[smem:$0x3F9D] =	sst s1  }
0xa: {  	[smem:$0x3F9E] =	sst s2  }
0xb: {  	[smem:$0x3F9F] =	sst s3  }
0xc: {  	[smem:$0x3FA0] =	sst s4  }
0xd: {  	[smem:$0x3FA1] =	sst s5  }
0xe: {  	[smem:$0x3FA2] =	sst s6  }
0xf: {  	[smem:$0x3FA3] =	sst s7  }
0x10: {  	[smem:$0x3FA4] =	sst s8  }
0x11: {  	[smem:$0x3FA5] =	sst s9;
	s0 =	simm.s32 @!p0 $0x0  }
0x12: {  	s1 =	sld [smem:$0x3F8B];
	s0 =	simm.s32 @p0 $0x1  }
0x13: {  	[smem:$0x3FA6] =	sst s0;
	s0 =	simm.s32 @!p1 $0x0  }
0x14: {  	s2 =	sld [smem:$0x3F8A];
	s0 =	simm.s32 @p1 $0x1  }
0x15: {  	[smem:$0x3FA7] =	sst s0;
	s0 =	simm.s32 @!p2 $0x0  }
0x16: {  	s3 =	sld [smem:$0x3FDB];
	s0 =	simm.s32 @p2 $0x1  }
0x17: {  	s4 =	simm.s32 $0x1BF5;
	[smem:$0x3FA9] =	sst s0  }
0x18: {  	s0 =	sld [smem:$0x3F8C];
	_ =	swait.ge [sflag:s4], $0x0  }
0x19: {  	s7 =	sld [smem:$0x3F8D]  }
0x1a: {  	s8 =	sadd.s32 $0xFFFFE003, lr  }
0x1b: {  	s9 =	sadd.s32 $0xFFFFFEF7, lr;
	s5 =	simm.s32 $0xFFFFFFFF;
	p2 =	slt.u32 s8, $0xFFFFF086  }
0x1c: {  	p1 =	slt.u32 s9, $0xF7A;
	s5 =	simm.s32 @!p2 $0x0  }
0x1d: {  	s5 =	simm.s32 @p1 $0x1;
	p0 =	seq.s32 s7, s2  }
0x1e: {  	s7 =	smul.u32 @!p0 $0xF7A, s2;
	p2 =	seq.s32 @!p0 s5, $0x0  }
0x1f: {  	s9 =	smul.u32 $0xF7A, s1;
	s8 =	simm.s32 @!p0 $0x1BF5;
	p2 =	por !p2, p0  }
0x20: {  	[sflag:s8] =	ssyncset.s32 @!p0 $0xFFFFF086;
	s6 =	sadd.s32 @!p0 s3, s7;
	s7 =	simm.s32 @!p0 $0x108  }
0x21: {  	s3 =	sadd.s32 s3, s9;
	s6 =	sadd.s32 @!p0 $0x88, s6;
	s7 =	simm.s32 @p2 $0x1082  }
0x22: {  	[simem:s7], [sflag:s8] =	dma.local @!p0 [hbm:s6], $0xF7A  }
0x23: {  	s9 =	sor.u32 $0xD0000000, s2;
	s6 =	simm.s32 $0x108;
	_ =	swait.ge @!p0 [sflag:s8], $0x0  }
0x24: {  	s3 =	sadd.s32 $0x88, s3;
	s6 =	simm.s32 @!p1 $0x1082;
	[sflag:s4] =	ssyncset.s32 $0xFFFFF086  }
0x25: {  	[simem:s6], [sflag:s4] =	dma.local [hbm:s3], $0xF7A  }
0x26: {  	[smem:$0x3F8D] =	sst s1;
	(tag) =	ssettag s2;
	_ =	strace s9  }
0x27: {  	s1 =	sld [smem:$0x3F9D]  }
0x28: {  	s2 =	sld [smem:$0x3F9E]  }
0x29: {  	s4 =	sld [smem:$0x3FA0]  }
0x2a: {  	p0 =	seq.s32 s5, $0x0;
	s5 =	sld [smem:$0x3FA1]  }
0x2b: {  	s6 =	sld [smem:$0x3FA2]  }
0x2c: {  	s7 =	sld [smem:$0x3FA3]  }
0x2d: {  	s3 =	simm.s32 $0x108;
	s8 =	sld [smem:$0x3FA4]  }
0x2e: {  	s3 =	simm.s32 @!p0 $0x1082;
	s9 =	sld [smem:$0x3FA5]  }
0x2f: {  	lr =	sadd.s32 s0, s3;
	s0 =	sld [smem:$0x3F9C]  }
0x30: {  	s3 =	sld [smem:$0x3F9F]  }
0x31: {  	[smem:$0x3FA8] =	sst s10  }
0x32: {  	s10 =	sld [smem:$0x3FA6];
	_ =	sdelay $0x3  }
0x33: {  	p0 =	seq.s32 s10, $0x1;
	s10 =	sld [smem:$0x3FA8];
	_ =	sdelay $0x3  }
0x34: {  	[smem:$0x3FA8] =	sst s10  }
0x35: {  	s10 =	sld [smem:$0x3FA7];
	_ =	sdelay $0x3  }
0x36: {  	p1 =	seq.s32 s10, $0x1;
	s10 =	sld [smem:$0x3FA8];
	_ =	sdelay $0x3  }
0x37: {  	[smem:$0x3FA8] =	sst s10  }
0x38: {  	s10 =	sld [smem:$0x3FA9]  }
0x39: {  	_ = 	snop;
	(pc) =	sbr.ind lr, $3  }
0x3a: {  	_ = 	snop  }
0x3b: {  	_ = 	snop  }
0x3c: {  	p2 =	seq.s32 s10, $0x1;
	s10 =	sld [smem:$0x3FA8]  }
0x3d: {  	_ =	shalt  }
0x3e: {  	_ =	shalt  }
0x3f: {  	_ =	shalt  }
0x40: {  	_ =	shalt  }
0x41: {  	_ =	shalt  }
0x42: {  	_ =	shalt  }
0x43: {  	_ =	shalt  }
0x44: {  	_ =	shalt  }
0x45: {  	_ =	shalt  }
0x46: {  	_ =	shalt  }
0x47: {  	_ =	shalt  }
0x48: {  	_ =	shalt  }
0x49: {  	_ =	shalt  }
0x4a: {  	_ =	shalt  }
0x4b: {  	_ =	shalt  }
0x4c: {  	_ =	shalt  }
0x4d: {  	_ =	shalt  }
0x4e: {  	_ =	shalt  }
0x4f: {  	_ =	shalt  }
0x50: {  	_ =	shalt  }
0x51: {  	_ =	shalt  }
0x52: {  	_ =	shalt  }
0x53: {  	_ =	shalt  }
0x54: {  	_ =	shalt  }
0x55: {  	_ =	shalt  }
0x56: {  	_ =	shalt  }
0x57: {  	_ =	shalt  }
0x58: {  	_ =	shalt  }
0x59: {  	_ =	shalt  }
0x5a: {  	_ =	shalt  }
0x5b: {  	_ =	shalt  }
0x5c: {  	_ =	shalt  }
0x5d: {  	_ =	shalt  }
0x5e: {  	_ =	shalt  }
0x5f: {  	_ =	shalt  }
0x60: {  	_ =	shalt  }
0x61: {  	_ =	shalt  }
0x62: {  	_ =	shalt  }
0x63: {  	_ =	shalt  }
0x64: {  	_ =	shalt  }
0x65: {  	_ =	shalt  }
0x66: {  	_ =	shalt  }
0x67: {  	_ =	shalt  }
0x68: {  	_ =	shalt  }
0x69: {  	_ =	shalt  }
0x6a: {  	_ =	shalt  }
0x6b: {  	_ =	shalt  }
0x6c: {  	_ =	shalt  }
0x6d: {  	_ =	shalt  }
0x6e: {  	_ =	shalt  }
0x6f: {  	_ =	shalt  }
0x70: {  	_ =	shalt  }
0x71: {  	_ =	shalt  }
0x72: {  	_ =	shalt  }
0x73: {  	_ =	shalt  }
0x74: {  	_ =	shalt  }
0x75: {  	_ =	shalt  }
0x76: {  	_ =	shalt  }
0x77: {  	_ =	shalt  }
0x78: {  	_ =	shalt  }
0x79: {  	_ =	shalt  }
0x7a: {  	_ =	shalt  }
0x7b: {  	_ =	shalt  }
0x7c: {  	_ =	shalt  }
0x7d: {  	_ =	shalt  }
0x7e: {  	_ =	shalt  }
0x7f: {  	_ =	shalt  }
0x80: {  	_ =	shalt  }
0x81: {  	_ =	shalt  }
0x82: {  	_ =	shalt  }
0x83: {  	_ =	shalt  }
0x84: {  	_ =	shalt  }
0x85: {  	_ =	shalt  }
0x86: {  	_ =	shalt  }
0x87: {  	_ =	shalt  }
.Lfunc_end0:
.L_simem_size_0:
called_computation.3_lowered:
.L_overlay_start_0:
0x88: {  	s2 =	sld [smem:$0x3FD9]  }
0x89: {  	s3 =	sld [smem:$0x3FFE];
	_ =	sdelay $0x1  }
0x8a: {  	s1 =	srdreg.scid  }
0x8b: {  	s0 =	sand.u32 $0x1, s1  }
0x8c: {  	s16 =	sshll.u32 s0, $0xA;
	s2 =	sadd.s32 s3, s2  }
0x8d: {  	s2 =	sadd.s32 s2, s16  }
0x8e: {  	[smem:$0x3FB4] =	sst s2  }
0x8f: {  	_ = 	snop  }
0x90: {  	(tm) =	ssettm $0x1  }
0x91: {  	s17 =	sld [smem:$0x3FFB];
	_ =	sdelay $0x3  }
0x92: {  	_ =	strace s17  }
0x93: {  	s2 =	sld [smem:$0x3FFC];
	_ =	sdelay $0x3  }
0x94: {  	_ =	strace s2  }
0x95: {  	s2 =	sld [smem:$0x3FFD];
	_ =	sdelay $0x3  }
0x96: {  	_ =	strace s2  }
0x97: {  	_ =	strace $0x8FFFFFFF  }
0x98: {  	s18 =	sld [smem:$0x3FDB];
	_ =	sdelay $0x1  }
0x99: {  	s19 =	simm.s32 $_scs_section_size  }
0x9a: {  	s4 =	simm.s32 $_size__tile_overlayer_lowered;
	s5 =	simm.s32 $_tile_overlayer_lowered  }
0x9b: {  	s22 =	simm.s32 $0x1BFF;
	s21 =	sshll.u32 s5, $0x1;
	s2 =	sadd.s32 s19, s18  }
0x9c: {  	s6 =	simm.s32 $0x0;
	s20 =	sshll.u32 s4, $0x1;
	s4 =	sadd.s32 s21, s2  }
0x9d: {  	[timem:s6], [sflag:s22] =	dma.local [hbm:s4], s20  }
0x9e: {  	_ =	swait.ge [sflag:s22], s20  }
0x9f: {  	s3 =	ssub.s32 $0x0, s20;
	[sflag:s22] =	ssyncset.done $0x0  }
0xa0: {  	[sflag:s22] =	ssyncadd.s32 s3;
	_ =	sdelay $0x1  }
0xa1: {  	s23 =	simm.s32 $0x1B8B  }
0xa2: {  	_ =	swait.ge [sflag:s23], $0x1  }
0xa3: {  	[sflag:s23] =	ssyncset.done $0x0  }
0xa4: {  	s25 =	simm.s32 $0x1B8E;
	s24 =	sld [smem:$0x3FFE];
	[sflag:s23] =	ssyncadd.s32 $0xFFFFFFFF  }
0xa5: {  	s26 =	simm.s32 $execute0_lowered;
	[smem:$0x3FD2] =	sst s25  }
0xa6: {  	s4 =	sshll.u32 s26, $0x1;
	_ =	strace $0x8000004F;
	[dreg:$0x1] =	wrdreg $0xFFFFFFFF  }
0xa7: {  	s28 =	simm.s32 $_size_execute0_lowered;
	s2 =	sadd.s32 s2, s4;
	[dreg:$0x0] =	wrdreg $0x0  }
0xa8: {  	s4 =	sshll.u32 s28, $0x1;
	[dreg:$0x2] =	wrdreg s2  }
0xa9: {  	[dreg:$0x3] =	wrdreg s4  }
0xaa: {  	[dreg:$0x4] =	wrdreg $0xC0  }
0xab: {  	_ =	task [dreg:s6], $0x5FFFF  }
0xac: {  	[dreg:$0x1] =	wrdreg $0xFFFFFFFF  }
0xad: {  	[dreg:$0x0] =	wrdreg $0x60  }
0xae: {  	[dreg:$0x2] =	wrdreg s24  }
0xaf: {  	[dreg:$0x3] =	wrdreg $0xAC000  }
0xb0: {  	[dreg:$0x4] =	wrdreg $0x9  }
0xb1: {  	_ =	task.clear_ibuf [dreg:s6], $0x5FFFF;
	_ =	strace $0x9000004F  }
0xb2: {  	s29 =	simm.s32 $0x9;
	_ =	strace $0x80000051  }
0xb3: {  	_ =	swait.ge [sflag:s29], $0x1  }
0xb4: {  	[sflag:s29] =	ssyncadd.s32 $0xFFFFFFFF  }
0xb5: {  	_ =	strace $0x90000051  }
0xb6: {  	_ =	sfence  }
0xb7: {  	s30 =	sld [smem:$0x0];
	_ =	sdelay $0x2  }
0xb8: {  	s31 =	sshll.u32 s1, $0xD;
	s1 =	sshrl.u32 s1, $0x2  }
0xb9: {  	s3 =	sand.u32 $0x4000, s31;
	s1 =	sadd.s32 s1, s30  }
0xba: {  	s0 =	sor.u32 s3, s0;
	s1 =	sshll.u32 s1, $0x11  }
0xbb: {  	s0 =	sor.u32 s1, s0  }
0xbc: {  	s0 =	sadd.s32 $0x8F2B, s0  }
0xbd: {  	[sflag:s0] =	ssyncadd.remote.s32 $0x1  }
0xbe: {  	_ =	sfence.sel $0xFFFF  }
0xbf: {  	[dreg:$0x0] =	wrdreg $0xFFFFFFFF;
	(pc) =	sbr.abs _section_cstart, $3  }
0xc0: {  	[dreg:$0x1] =	wrdreg $0xFFFFFFFF  }
0xc1: {  	_ =	task.clear_ibuf [dreg:s6], $0x2FFFF;
	_ =	strace $0x9FFFFFFF  }
0xc2: {  	(tm) =	ssettm $0x7FFFFFFF  }
0xc3: {  	_ =	shalt  }
tec
execute0_lowered:
.L_overlay_start_1:
0x0: {  	(tag) =	ssettag $0x1  }
0x1: {  	s0 =	srdreg.scid;
	s5 =	rddreg [dreg:$0x0];
	s12 =	simm.s32 $0x3  }
0x2: {  	s13 =	simm.s32 $0x2C00;
	s14 =	simm.s32 $0x40;
	s16 =	simm.s32 $0x2880  }
0x3: {  	s17 =	simm.s32 $0x4C00;
	s18 =	simm.s32 $0x1;
	s19 =	simm.s32 $0x2A00  }
0x4: {  	s20 =	simm.s32 $0x2A80;
	s21 =	simm.s32 $0x2900;
	s22 =	simm.s32 $0x6C00  }
0x5: {  	s23 =	simm.s32 $0x2980;
	s24 =	simm.s32 $0x8C00;
	s1 =	sand.u32 $0x1, s0  }
0x6: {  	s28 =	simm.s32 $0x2;
	s0 =	stileid.u32;
	s7 =	smul.u32 $0x140000, s1  }
0x7: {  	s29 =	simm.s32 $0x0;
	s4 =	sadd.s32 $0x5E600, s5;
	s8 =	smul.u32 $0x14000, s0  }
0x8: {  	s2 =	sshll.u32 s1, $0x4;
	s25 =	ssub.s32 $0x2, s1;
	s9 =	smul.u32 $0x50000, s0  }
0x9: {  	s30 =	smul.u32 $0x2800, s0;
	p0 =	seq.s32 s1, $0x1;
	s3 =	sor.u32 s0, s2  }
0xa: {  	s2 =	rddreg [dreg:$0x1];
	s26 =	sshrl.u32 s25, $0x1;
	s6 =	smul.u32 $0x500, s3  }
0xb: {  	s3 =	simm.s32 $0x0;
	s7 =	sadd.s32 s8, s7;
	s11 =	ssub.s32 s25, s26  }
0xc: {  	s31 =	sshrl.u32 s9, $0x2;
	s25 =	simm.s32 $0x2B00;
	s26 =	simm.s32 $0x2B80  }
0xd: {  	[smem:$0x7FF] =	sst s3;
	s7 =	sshrl.u32 s7, $0x3;
	s11 =	smax.u32 s11, $0x1  }
0xe: {  	_ =	strace $0x80000050;
	s6 =	sadd.s32 s6, s5;
	s10 =	sadd.s32 s7, s5  }
0xf: {  	s7 =	sadd.s32 s4, s30;
	s5 =	sadd.s32 $0x54600, s6;
	s6 =	sadd.s32 s31, s2  }
0x10: {  	v0 =	vimm.f32 $0.0e+00;
	s10 =	sadd.s32 $0x86600, s10;
	s8 =	sadd.s32 $0x8000, s6;
	s9 =	sadd.s32 $0x10000, s6  }
.LBB2_1:
.Ltmp0:
0x11: {  	(pc) =	sbr.rel @!p0 .LBB2_2-.Ltmp0, $4  }
0x12: {  	[tilespmem:s3], [sflag:$0x3] =	stream.linear.gather [hbm4b:s5+s3], $0x2800, $0x38;
	[tilespmem:$0x1EC00] =	vst v63  }
0x13: {  	_ =	swait.ge [sflag:s12], $0x2800  }
0x14: {  	[sflag:s12] =	ssyncset.done $0x0  }
0x15: {  	[sflag:s12] =	ssyncadd.s32 $0xFFFFD800  }
0x16: {  	s1 =	sand.u32 $0x1FE00, s3  }
0x17: {  	s31 =	sand.u32 $0x70, s3;
	s1 =	sshrl.u32 s1, $0x2  }
0x18: {  	s30 =	simm.s32 $0x40;
	s1 =	sor.u32 s31, s1;
	s31 =	simm.s32 $0x0  }
.LBB2_4:
0x19: {  	p1 =	sne.s32 s30, $0x1FFC0  }
0x1a: {  	[tilespmem:s1+$0x2C00] =	vst v0;
	s31 =	sadd.s32 $0x10, s31;
	s1 =	smov.u32 s30;
	s30 =	sadd.s32 $0x40, s30  }
.Ltmp1:
0x1b: {  	(pc) =	sbr.rel @p1 .LBB2_4-.Ltmp1, $4  }
0x1c: {  	_ = 	snop  }
0x1d: {  	s1 =	sand.u32 $0x1FE00, s1  }
0x1e: {  	s15 =	sand.u32 $0x70, s31;
	s1 =	sshrl.u32 s1, $0x2  }
0x1f: {  	s1 =	sor.u32 s15, s1  }
0x20: {  	[tilespmem:s1+$0x2C00] =	vst v0  }
0x21: {  	[spmem:s6] =	stream.linear.scatter [tilespmem:s13], [sflag:$0x3], $0x8000, $0x38;
	[tilespmem:$0x1EC00] =	vst v63  }
0x22: {  	_ =	swait.ge [sflag:s12], $0x8000  }
0x23: {  	[sflag:s12] =	ssyncset.done $0x0  }
0x24: {  	[sflag:s12] =	ssyncadd.s32 $0xFFFF8000  }
0x25: {  	[spmem:s8] =	stream.linear.scatter [tilespmem:s13], [sflag:$0x3], $0x8000, $0x38;
	[tilespmem:$0x1EC00] =	vst v63  }
0x26: {  	_ =	swait.ge [sflag:s12], $0x8000  }
0x27: {  	[sflag:s12] =	ssyncset.done $0x0  }
.Ltmp2:
0x28: {  	[sflag:s12] =	ssyncadd.s32 $0xFFFF8000;
	(pc) =	sbr.rel .LBB2_6-.Ltmp2, $4  }
0x29: {  	[spmem:s9] =	stream.linear.scatter [tilespmem:s13], [sflag:$0x3], $0x4000, $0x38;
	[tilespmem:$0x1EC00] =	vst v63  }
0x2a: {  	_ =	swait.ge [sflag:s12], $0x4000  }
0x2b: {  	[sflag:s12] =	ssyncset.done $0x0  }
0x2c: {  	[sflag:s12] =	ssyncadd.s32 $0xFFFFC000  }
.LBB2_2:
0x2d: {  	s1 =	sshll.u32 s0, $0x6  }
0x2e: {  	s30 =	sshrl.u32 s6, $0x3;
	s1 =	sor.u32 $0x1C03, s1  }
0x2f: {  	[spmem:s30], [sflag:s1] =	dma.local [hbm:s7], $0x2800  }
0x30: {  	_ =	swait.ge [sflag:s12], $0x2800  }
0x31: {  	[sflag:s12] =	ssyncset.done $0x0  }
0x32: {  	[sflag:s12] =	ssyncadd.s32 $0xFFFFD800  }
.LBB2_6:
0x33: {  	v1 =	vld [tilespmem:$0x0];
	_ =	sdelay $0x1  }
0x34: {  	v2 =	vld [tilespmem:$0x10];
	_ =	sdelay $0x1  }
0x35: {  	v3 =	vld [tilespmem:$0x20]  }
0x36: {  	v4 =	vand.u32 $0x3FFF, v1  }
0x37: {  	v62 =	vld [tilespmem:$0x30];
	v1 =	vshrl.u32 v1, $0xE;
	[tilespmem:$0x2800] =	vst v4  }
0x38: {  	[tilespmem:$0x2A00] =	vst v1;
	v1 =	vand.u32 $0x3FFF, v2  }
0x39: {  	[tilespmem:$0x2810] =	vst v1;
	v1 =	vshrl.u32 v2, $0xE;
	v2 =	vld [tilespmem:$0x40]  }
0x3a: {  	[tilespmem:$0x2A10] =	vst v1;
	v1 =	vand.u32 $0x3FFF, v3  }
0x3b: {  	[tilespmem:$0x2820] =	vst v1;
	v1 =	vshrl.u32 v3, $0xE;
	v3 =	vld [tilespmem:$0x50]  }
0x3c: {  	[tilespmem:$0x2A20] =	vst v1;
	v1 =	vand.u32 $0x3FFF, v62  }
0x3d: {  	v63 =	vld [tilespmem:$0x60];
	[tilespmem:$0x2830] =	vst v1;
	v1 =	vshrl.u32 v62, $0xE  }
0x3e: {  	[tilespmem:$0x2A30] =	vst v1;
	v1 =	vand.u32 $0x3FFF, v2  }
0x3f: {  	[tilespmem:$0x2880] =	vst v1;
	v1 =	vshrl.u32 v2, $0xE;
	v2 =	vld [tilespmem:$0x70]  }
0x40: {  	[tilespmem:$0x2A80] =	vst v1;
	v1 =	vand.u32 $0x3FFF, v3  }
0x41: {  	[tilespmem:$0x2890] =	vst v1;
	v1 =	vshrl.u32 v3, $0xE  }
0x42: {  	[tilespmem:$0x2A90] =	vst v1;
	v1 =	vand.u32 $0x3FFF, v63  }
0x43: {  	[tilespmem:$0x28A0] =	vst v1;
	v1 =	vshrl.u32 v63, $0xE  }
0x44: {  	[tilespmem:$0x2AA0] =	vst v1;
	v1 =	vand.u32 $0x3FFF, v2  }
0x45: {  	[tilespmem:$0x28B0] =	vst v1;
	v1 =	vshrl.u32 v2, $0xE  }
0x46: {  	[tilespmem:$0x2AB0] =	vst v1  }
0x47: {  	s1 =	simm.s32 $0x2800;
	[bflag:$0x0] =	sbarrier.arrive $0xFFFF  }
0x48: {  	[tilespmem:s13], [sflag:$0x1] =	stream.indirect.gather [hbm4b:s4+s14], $0x80, s1, s14, $0xb8;
	[tilespmem:$0x1EC00] =	vst v63  }
0x49: {  	s30 =	simm.s32 $0x0  }
0x4a: {  	[tilespmem:s17], [sflag:$0x1] =	stream.indirect.gather [hbm4b:s4+s14], $0x80, s16, s14, $0xb8;
	[tilespmem:$0x1EC00] =	vst v63  }
.LBB2_7:
0x4b: {  	_ =	swait.ge [sflag:s18], $0x2000  }
0x4c: {  	[sflag:s18] =	ssyncset.done $0x0  }
0x4d: {  	[sflag:s18] =	ssyncadd.s32 $0xFFFFE000  }
0x4e: {  	[spmem:s2] =	stream.indirect.scatter.add.f32 [tilespmem:s13], [sflag:$0x2], $0x80, s19, s14, $0xb8;
	[tilespmem:$0x1EC00] =	vst v63  }
0x4f: {  	_ =	swait.ge [sflag:s18], $0x2000  }
0x50: {  	p1 =	seq.s32 s30, $0x0;
	[sflag:s18] =	ssyncset.done $0x0  }
0x51: {  	s1 =	simm.s32 @!p1 $0x2;
	[sflag:s18] =	ssyncadd.s32 $0xFFFFE000  }
0x52: {  	[spmem:s2] =	stream.indirect.scatter.add.f32 [tilespmem:s17], [sflag:$0x2], $0x80, s20, s14, $0xb8;
	[tilespmem:$0x1EC00] =	vst v63  }
0x53: {  	_ =	swait.ge @!p1 [sflag:s1], $0x2000  }
0x54: {  	[sflag:s1] =	ssyncset.done @!p1 $0x0  }
0x55: {  	[sflag:s1] =	ssyncadd.s32 @!p1 $0xFFFFE000  }
0x56: {  	_ =	swait.ge @!p1 [sflag:s1], $0x2000  }
0x57: {  	[sflag:s1] =	ssyncset.done @!p1 $0x0  }
0x58: {  	s31 =	sshra.s32 s30, $0x2;
	[sflag:s1] =	ssyncadd.s32 @!p1 $0xFFFFE000  }
0x59: {  	v1 =	vld [tilespmem:s31+$0x80];
	_ =	sdelay $0x4  }
0x5a: {  	v2 =	vand.u32 $0x3FFF, v1  }
0x5b: {  	v1 =	vshrl.u32 v1, $0xE;
	[tilespmem:$0x2900] =	vst v2  }
0x5c: {  	[tilespmem:$0x2B00] =	vst v1  }
0x5d: {  	v1 =	vld [tilespmem:s31+$0x90];
	_ =	sdelay $0x4  }
0x5e: {  	v2 =	vand.u32 $0x3FFF, v1  }
0x5f: {  	v1 =	vshrl.u32 v1, $0xE;
	[tilespmem:$0x2910] =	vst v2  }
0x60: {  	[tilespmem:$0x2B10] =	vst v1  }
0x61: {  	v1 =	vld [tilespmem:s31+$0xA0];
	_ =	sdelay $0x4  }
0x62: {  	v2 =	vand.u32 $0x3FFF, v1  }
0x63: {  	v1 =	vshrl.u32 v1, $0xE;
	[tilespmem:$0x2920] =	vst v2  }
0x64: {  	[tilespmem:$0x2B20] =	vst v1  }
0x65: {  	v1 =	vld [tilespmem:s31+$0xB0];
	_ =	sdelay $0x4  }
0x66: {  	v2 =	vand.u32 $0x3FFF, v1  }
0x67: {  	v1 =	vshrl.u32 v1, $0xE;
	[tilespmem:$0x2930] =	vst v2  }
0x68: {  	[tilespmem:$0x2B30] =	vst v1  }
0x69: {  	v1 =	vld [tilespmem:s31+$0xC0];
	_ =	sdelay $0x4  }
0x6a: {  	v2 =	vand.u32 $0x3FFF, v1  }
0x6b: {  	v1 =	vshrl.u32 v1, $0xE;
	[tilespmem:$0x2980] =	vst v2  }
0x6c: {  	[tilespmem:$0x2B80] =	vst v1  }
0x6d: {  	v1 =	vld [tilespmem:s31+$0xD0];
	_ =	sdelay $0x4  }
0x6e: {  	v2 =	vand.u32 $0x3FFF, v1  }
0x6f: {  	v1 =	vshrl.u32 v1, $0xE;
	[tilespmem:$0x2990] =	vst v2  }
0x70: {  	[tilespmem:$0x2B90] =	vst v1  }
0x71: {  	v1 =	vld [tilespmem:s31+$0xE0];
	_ =	sdelay $0x4  }
0x72: {  	v2 =	vand.u32 $0x3FFF, v1  }
0x73: {  	v1 =	vshrl.u32 v1, $0xE;
	[tilespmem:$0x29A0] =	vst v2  }
0x74: {  	[tilespmem:$0x2BA0] =	vst v1  }
0x75: {  	v1 =	vld [tilespmem:s31+$0xF0];
	_ =	sdelay $0x4  }
0x76: {  	v2 =	vand.u32 $0x3FFF, v1  }
0x77: {  	v1 =	vshrl.u32 v1, $0xE;
	[tilespmem:$0x29B0] =	vst v2  }
0x78: {  	[tilespmem:$0x2BB0] =	vst v1  }
0x79: {  	[tilespmem:s22], [sflag:$0x1] =	stream.indirect.gather [hbm4b:s4+s14], $0x80, s21, s14, $0xb8;
	[tilespmem:$0x1EC00] =	vst v63  }
0x7a: {  	_ = 	snop  }
0x7b: {  	[tilespmem:s24], [sflag:$0x1] =	stream.indirect.gather [hbm4b:s4+s14], $0x80, s23, s14, $0xb8;
	[tilespmem:$0x1EC00] =	vst v63  }
0x7c: {  	_ =	swait.ge [sflag:s18], $0x2000  }
0x7d: {  	[sflag:s18] =	ssyncset.done $0x0  }
0x7e: {  	[sflag:s18] =	ssyncadd.s32 $0xFFFFE000  }
0x7f: {  	[spmem:s2] =	stream.indirect.scatter.add.f32 [tilespmem:s22], [sflag:$0x2], $0x80, s25, s14, $0xb8;
	[tilespmem:$0x1EC00] =	vst v63  }
0x80: {  	_ =	swait.ge [sflag:s18], $0x2000  }
0x81: {  	p1 =	seq.s32 s30, $0x9C00;
	[sflag:s18] =	ssyncset.done $0x0  }
0x82: {  	s1 =	simm.s32 @!p1 $0x2;
	[sflag:s18] =	ssyncadd.s32 $0xFFFFE000  }
0x83: {  	[spmem:s2] =	stream.indirect.scatter.add.f32 [tilespmem:s24], [sflag:$0x2], $0x80, s26, s14, $0xb8;
	[tilespmem:$0x1EC00] =	vst v63  }
0x84: {  	_ =	swait.ge @!p1 [sflag:s1], $0x2000  }
0x85: {  	[sflag:s1] =	ssyncset.done @!p1 $0x0  }
0x86: {  	[sflag:s1] =	ssyncadd.s32 @!p1 $0xFFFFE000  }
0x87: {  	_ =	swait.ge @!p1 [sflag:s1], $0x2000  }
0x88: {  	[sflag:s1] =	ssyncset.done @!p1 $0x0  }
0x89: {  	[sflag:s1] =	ssyncadd.s32 @!p1 $0xFFFFE000;
	s1 =	sshra.s32 @!p1 s30, $0x2  }
0x8a: {  	v1 =	vld @!p1 [tilespmem:s1+$0x100];
	_ =	sdelay $0x4  }
0x8b: {  	v2 =	vand.u32 @!p1 $0x3FFF, v1  }
0x8c: {  	v1 =	vshrl.u32 @!p1 v1, $0xE;
	[tilespmem:$0x2800] =	vst @!p1 v2  }
0x8d: {  	[tilespmem:$0x2A00] =	vst @!p1 v1  }
0x8e: {  	v1 =	vld @!p1 [tilespmem:s1+$0x110];
	_ =	sdelay $0x4  }
0x8f: {  	v2 =	vand.u32 @!p1 $0x3FFF, v1  }
0x90: {  	v1 =	vshrl.u32 @!p1 v1, $0xE;
	[tilespmem:$0x2810] =	vst @!p1 v2  }
0x91: {  	[tilespmem:$0x2A10] =	vst @!p1 v1  }
0x92: {  	v1 =	vld @!p1 [tilespmem:s1+$0x120];
	_ =	sdelay $0x4  }
0x93: {  	v2 =	vand.u32 @!p1 $0x3FFF, v1  }
0x94: {  	v1 =	vshrl.u32 @!p1 v1, $0xE;
	[tilespmem:$0x2820] =	vst @!p1 v2  }
0x95: {  	[tilespmem:$0x2A20] =	vst @!p1 v1  }
0x96: {  	v1 =	vld @!p1 [tilespmem:s1+$0x130];
	_ =	sdelay $0x4  }
0x97: {  	v2 =	vand.u32 @!p1 $0x3FFF, v1  }
0x98: {  	v1 =	vshrl.u32 @!p1 v1, $0xE;
	[tilespmem:$0x2830] =	vst @!p1 v2  }
0x99: {  	[tilespmem:$0x2A30] =	vst @!p1 v1  }
0x9a: {  	v1 =	vld @!p1 [tilespmem:s1+$0x140];
	_ =	sdelay $0x4  }
0x9b: {  	v2 =	vand.u32 @!p1 $0x3FFF, v1  }
0x9c: {  	v1 =	vshrl.u32 @!p1 v1, $0xE;
	[tilespmem:$0x2880] =	vst @!p1 v2  }
0x9d: {  	[tilespmem:$0x2A80] =	vst @!p1 v1  }
0x9e: {  	v1 =	vld @!p1 [tilespmem:s1+$0x150];
	_ =	sdelay $0x4  }
0x9f: {  	v2 =	vand.u32 @!p1 $0x3FFF, v1  }
0xa0: {  	v1 =	vshrl.u32 @!p1 v1, $0xE;
	[tilespmem:$0x2890] =	vst @!p1 v2  }
0xa1: {  	[tilespmem:$0x2A90] =	vst @!p1 v1  }
0xa2: {  	v1 =	vld @!p1 [tilespmem:s1+$0x160];
	_ =	sdelay $0x4  }
0xa3: {  	v2 =	vand.u32 @!p1 $0x3FFF, v1  }
0xa4: {  	v1 =	vshrl.u32 @!p1 v1, $0xE;
	[tilespmem:$0x28A0] =	vst @!p1 v2  }
0xa5: {  	[tilespmem:$0x2AA0] =	vst @!p1 v1  }
0xa6: {  	v1 =	vld @!p1 [tilespmem:s1+$0x170];
	_ =	sdelay $0x4  }
0xa7: {  	v2 =	vand.u32 @!p1 $0x3FFF, v1  }
0xa8: {  	s15 =	simm.s32 @!p1 $0x2800;
	v1 =	vshrl.u32 @!p1 v1, $0xE;
	[tilespmem:$0x28B0] =	vst @!p1 v2  }
0xa9: {  	s31 =	simm.s32 @!p1 $0x2C00;
	s30 =	sadd.s32 @!p1 $0x400, s30;
	s1 =	simm.s32 @!p1 $0x40;
	[tilespmem:$0x2AB0] =	vst @!p1 v1  }
0xaa: {  	[tilespmem:s31], [sflag:$0x1] =	stream.indirect.gather @!p1 [hbm4b:s4+s1], $0x80, s15, s1, $0xb8;
	[tilespmem:$0x1EC00] =	vst v63  }
0xab: {  	p2 =	sne.s32 @!p1 s30, $0xA000;
	s15 =	simm.s32 @!p1 $0x2880;
	s31 =	simm.s32 @!p1 $0x4C00  }
0xac: {  	[tilespmem:s31], [sflag:$0x1] =	stream.indirect.gather @!p1 [hbm4b:s4+s1], $0x80, s15, s1, $0xb8;
	[tilespmem:$0x1EC00] =	vst v63  }
0xad: {  	p1 =	por p1, !p2  }
.Ltmp3:
0xae: {  	_ = 	snop;
	(pc) =	sbr.rel @!p1 .LBB2_7-.Ltmp3, $1  }
0xaf: {  	_ =	sdelay $0x3  }
0xb0: {  	_ =	swait.ge [sflag:s28], $0x2000  }
0xb1: {  	[sflag:s28] =	ssyncset.done $0x0  }
0xb2: {  	[sflag:s28] =	ssyncadd.s32 $0xFFFFE000  }
0xb3: {  	_ =	swait.ge [sflag:s28], $0x2000  }
0xb4: {  	[sflag:s28] =	ssyncset.done $0x0  }
0xb5: {  	[sflag:s28] =	ssyncadd.s32 $0xFFFFE000  }
0xb6: {  	_ =	swait.ge [sflag:s28], $0x2000  }
0xb7: {  	[sflag:s28] =	ssyncset.done $0x0  }
0xb8: {  	[sflag:s28] =	ssyncadd.s32 $0xFFFFE000  }
0xb9: {  	_ =	swait.ge [sflag:s28], $0x2000  }
0xba: {  	s1 =	sshll.u32 s0, $0x6;
	s29 =	sadd.s32 $0x1, s29;
	[sflag:s28] =	ssyncset.done $0x0  }
0xbb: {  	s15 =	sshrl.u32 s6, $0x3;
	p1 =	sne.s32 s29, s11;
	[sflag:s28] =	ssyncadd.s32 $0xFFFFE000  }
.Ltmp4:
0xbc: {  	s1 =	sor.u32 $0x1C03, s1;
	[bflag:$0x0] =	sbarrier.arrive $0xFFFF;
	(pc) =	sbr.rel @p1 .LBB2_1-.Ltmp4, $4  }
0xbd: {  	[hbm:s10], [sflag:s1] =	dma.local [spmem:s15], $0x2800  }
0xbe: {  	_ =	swait.ge [sflag:s12], $0x2800  }
0xbf: {  	[sflag:s12] =	ssyncset.done $0x0  }
0xc0: {  	[sflag:s12] =	ssyncadd.s32 $0xFFFFD800  }
0xc1: {  	_ =	sfence.sel $0x180000  }
0xc2: {  	[bflag:$0x0] =	sbarrier.arrive $0xFFFF  }
0xc3: {  	_ =	strace $0x90000050  }
0xc4: {  	[bflag:$0x2] =	sbarrier.arrive $0xFFFF  }
0xc5: {  	p0 =	sne.s32 s0, $0x0;
	s0 =	rddreg [dreg:$0x2]  }
0xc6: {  	s0 =	sadd.s32 @!p0 $0x100000, s0  }
0xc7: {  	[sflag:s0] =	ssyncadd.tile.s32 @!p0 $0x1;
	_ =	shalt  }
.Lfunc_end2:
_tile_overlayer_lowered:
.L_overlay_start_2:
0xc8: {  	(tag) =	ssettag $0x2  }
0xc9: {  	s0 =	rddreg [dreg:$0x0];
	s2 =	stileid.u32  }
0xca: {  	s1 =	rddreg [dreg:$0x1];
	p0 =	sne.s32 s2, $0x0  }
0xcb: {  	s3 =	rddreg [dreg:$0x2];
	[bflag:$0x3] =	sbarrier.arrive $0xFFFF;
	s2 =	simm.s32 @!p0 $0x1C03  }
0xcc: {  	[timem:s3], [sflag:s2] =	dma.local @!p0 [hbm:s0], s1  }
0xcd: {  	s0 =	simm.s32 @!p0 $0x3  }
0xce: {  	_ =	swait.ge @!p0 [sflag:s0], s1  }
0xcf: {  	s1 =	ssub.s32 @!p0 $0x0, s1;
	[sflag:s0] =	ssyncset.done @!p0 $0x0  }
0xd0: {  	[sflag:s0] =	ssyncadd.s32 @!p0 s1  }
0xd1: {  	[bflag:$0x3] =	sbarrier.arrive $0xFFFF  }
0xd2: {  	_ =	shalt  }

</sc_bundles>
